<compile_context>
chip_gen: v7x
topology: tpu7x:2x2x1
jax: 0.10.2.dev20260603
libtpu: 0.0.44.dev20260713+nightly
codegen_flags: <defaults>
</compile_context>

<pallas_src>
import jax
import jax.numpy as jnp
from jax import lax
from jax.experimental import pallas as pl
from jax.experimental.pallas import tpu as pltpu
from jax.experimental.pallas import tpu_sc as plsc

N = 10000
E = 320000
D = 128
NC = 2
NS = 16
NW = NC * NS
NP = 10240
EPT = E // NW
C = 80
NCHUNK = EPT // C
G = 5
K = NCHUNK // G
RPT = NP // NS


def _make_sc_agg(with_counts: bool):
    out_type = [jax.ShapeDtypeStruct((NC, NP, D), jnp.float32)]
    scratch = [
        pltpu.VMEM_SHARED((NP, D), jnp.float32),
        pltpu.VMEM((K, C), jnp.int32),
        pltpu.VMEM((K, C), jnp.int32),
        pltpu.VMEM((K, C), jnp.int32),
        pltpu.VMEM((K, C), jnp.int32),
        pltpu.VMEM((C, D), jnp.float32),
        pltpu.VMEM((C, D), jnp.float32),
        pltpu.SemaphoreType.DMA,
        pltpu.SemaphoreType.DMA,
        pltpu.SemaphoreType.DMA,
        pltpu.SemaphoreType.DMA,
        pltpu.SemaphoreType.DMA,
        pltpu.SemaphoreType.DMA,
    ]
    if with_counts:
        out_type.append(jax.ShapeDtypeStruct((NW * NP,), jnp.float32))
        scratch.append(pltpu.VMEM((NP,), jnp.float32))

    mesh = plsc.VectorSubcoreMesh(core_axis_name="c", subcore_axis_name="s")

    def body(e_hbm, x_hbm, agg_out, *rest):
        if with_counts:
            (cnt_out, shared_agg, src0, src1, dst0, dst1, rows_a, rows_b,
             sem_ga, sem_gb, sem_sa, sem_sb, sem_i, sem_z, cnt_v) = rest
        else:
            (shared_agg, src0, src1, dst0, dst1, rows_a, rows_b,
             sem_ga, sem_gb, sem_sa, sem_sb, sem_i, sem_z) = rest
        srcbuf = [src0, src1]
        dstbuf = [dst0, dst1]
        cid = lax.axis_index("c")
        sid = lax.axis_index("s")
        wid = sid * NC + cid

        g0s = pltpu.make_async_copy(e_hbm.at[0, wid, 0], src0, sem_i)
        g0d = pltpu.make_async_copy(e_hbm.at[1, wid, 0], dst0, sem_i)
        g0s.start()
        g0d.start()

        z16 = jnp.zeros((16,), jnp.float32)

        def zrow(r, carry):
            for k in range(D // 16):
                rows_a[r, pl.ds(k * 16, 16)] = z16
                rows_b[r, pl.ds(k * 16, 16)] = z16
            return carry
        lax.fori_loop(0, C, zrow, 0)

        base_r = sid * RPT
        zcps = []
        for j in range(RPT // C):
            zsrc = rows_a if j % 2 == 0 else rows_b
            cp = pltpu.make_async_copy(
                zsrc, shared_agg.at[pl.ds(base_r + j * C, C)], sem_z)
            cp.start()
            zcps.append(cp)

        if with_counts:
            def zcnt(i, carry):
                cnt_v[pl.ds(i * 16, 16)] = z16
                return carry
            lax.fori_loop(0, NP // 16, zcnt, 0)

        for cp in zcps:
            cp.wait()
        g0s.wait()
        g0d.wait()
        pltpu.async_copy(x_hbm.at[src0.at[0]], rows_a, sem_ga)
        plsc.subcore_barrier()

        ones16 = jnp.ones((16,), jnp.float32)

        def counts(dst_i, j):
            if with_counts:
                for k in range(C // 16):
                    idx16 = dst_i[j, pl.ds(k * 16, 16)]
                    plsc.addupdate_scatter(cnt_v, [idx16], ones16)

        def step(src_c, dst_c, j, rows, semg, rows_o, semg_o, sems, sems_o,
                 pre_idx, prev_j):
            pltpu.make_async_copy(x_hbm.at[src_c.at[j]], rows, semg).wait()
            counts(dst_c, j)
            if prev_j is not None:
                pltpu.make_async_copy(
                    rows_o, shared_agg.at[dst_c.at[prev_j]], sems_o).wait()
            if pre_idx is not None:
                pltpu.async_copy(x_hbm.at[pre_idx], rows_o, semg_o)
            pltpu.async_copy(rows, shared_agg.at[dst_c.at[j]], sems, add=True)

        for g in range(G):
            src_c, dst_c = srcbuf[g % 2], dstbuf[g % 2]
            src_n, dst_n = srcbuf[(g + 1) % 2], dstbuf[(g + 1) % 2]
            if g % 2 == 0:
                r0, sg0, ss0 = rows_a, sem_ga, sem_sa
                r1, sg1, ss1 = rows_b, sem_gb, sem_sb
            else:
                r0, sg0, ss0 = rows_b, sem_gb, sem_sb
                r1, sg1, ss1 = rows_a, sem_ga, sem_sa
            if g > 0:
                pltpu.make_async_copy(
                    r1, shared_agg.at[dst_n.at[K - 1]], ss1).wait()
            if g + 1 < G:
                gns = pltpu.make_async_copy(e_hbm.at[0, wid, g + 1], src_n,
                                            sem_i)
                gnd = pltpu.make_async_copy(e_hbm.at[1, wid, g + 1], dst_n,
                                            sem_i)
                gns.start()
                gnd.start()

            step(src_c, dst_c, 0, r0, sg0, r1, sg1, ss0, ss1,
                 src_c.at[1], None)
            step(src_c, dst_c, 1, r1, sg1, r0, sg0, ss1, ss0,
                 src_c.at[2], 0)

            def pair(p, carry, src_c=src_c, dst_c=dst_c, r0=r0, sg0=sg0,
                     ss0=ss0, r1=r1, sg1=sg1, ss1=ss1):
                j0 = 2 * p
                step(src_c, dst_c, j0, r0, sg0, r1, sg1, ss0, ss1,
                     src_c.at[j0 + 1], j0 - 1)
                step(src_c, dst_c, j0 + 1, r1, sg1, r0, sg0, ss1, ss0,
                     src_c.at[j0 + 2], j0)
                return carry
            lax.fori_loop(1, K // 2, pair, 0)
            if g + 1 < G:
                gns.wait()
                gnd.wait()
                step(src_c, dst_c, K - 1, r0, sg0, r1, sg1, ss0, ss1,
                     src_n.at[0], K - 2)
            else:
                step(src_c, dst_c, K - 1, r0, sg0, r1, sg1, ss0, ss1,
                     None, K - 2)
                pltpu.make_async_copy(
                    r0, shared_agg.at[dst_c.at[K - 1]], ss0).wait()

        plsc.subcore_barrier()
        pltpu.sync_copy(shared_agg.at[pl.ds(base_r, RPT)],
                        agg_out.at[cid, pl.ds(base_r, RPT)])
        if with_counts:
            pltpu.sync_copy(cnt_v, cnt_out.at[pl.ds(wid * NP, NP)])

    return pl.kernel(
        body, out_type=out_type, mesh=mesh, scratch_types=scratch,
        compiler_params=pltpu.CompilerParams(needs_layout_passes=False))


_sc_agg_counts = _make_sc_agg(True)
_sc_agg = _make_sc_agg(False)


BN = 2000


def _dotT(a, w):
    return lax.dot_general(a, w, (((1,), (1,)), ((), ())),
                           preferred_element_type=jnp.float32)


def _dense_xr_body(x_ref, wr_ref, b_ref, o_ref):
    o_ref[...] = _dotT(x_ref[...], wr_ref[...]) + b_ref[...]


_dense_xr = pl.pallas_call(
    _dense_xr_body,
    grid=(N // BN,),
    in_specs=[
        pl.BlockSpec((BN, D), lambda i: (i, 0)),
        pl.BlockSpec((D, D), lambda i: (0, 0)),
        pl.BlockSpec((1, D), lambda i: (0, 0)),
    ],
    out_specs=pl.BlockSpec((BN, D), lambda i: (i, 0)),
    out_shape=jax.ShapeDtypeStruct((N, D), jnp.float32),
)


def _dense0_body(agg_ref, cnt_ref, xr_ref, wl_ref, o_ref):
    agg = agg_ref[0] + agg_ref[1]
    cnt = jnp.sum(cnt_ref[...], axis=1)
    mean = agg / jnp.maximum(cnt, 1.0)[:, None]
    o_ref[...] = jnp.maximum(_dotT(mean, wl_ref[...]) + xr_ref[...], 0.0)


_dense0 = pl.pallas_call(
    _dense0_body,
    grid=(N // BN,),
    in_specs=[
        pl.BlockSpec((NC, BN, D), lambda i: (0, i, 0)),
        pl.BlockSpec((BN, NW), lambda i: (i, 0)),
        pl.BlockSpec((BN, D), lambda i: (i, 0)),
        pl.BlockSpec((D, D), lambda i: (0, 0)),
    ],
    out_specs=pl.BlockSpec((BN, D), lambda i: (i, 0)),
    out_shape=jax.ShapeDtypeStruct((N, D), jnp.float32),
)


def _dense1_body(agg_ref, cnt_ref, xr_ref, wl_ref,
                 wp1_ref, bp1_ref, wp2_ref, bp2_ref, o_ref):
    agg = agg_ref[0] + agg_ref[1]
    cnt = jnp.sum(cnt_ref[...], axis=1)
    mean = agg / jnp.maximum(cnt, 1.0)[:, None]
    h1 = jnp.maximum(_dotT(mean, wl_ref[...]) + xr_ref[...], 0.0)
    p = _dotT(h1, wp1_ref[...]) + bp1_ref[...]
    o_ref[...] = _dotT(p, wp2_ref[...]) + bp2_ref[...]


_dense1 = pl.pallas_call(
    _dense1_body,
    grid=(N // BN,),
    in_specs=[
        pl.BlockSpec((NC, BN, D), lambda i: (0, i, 0)),
        pl.BlockSpec((BN, NW), lambda i: (i, 0)),
        pl.BlockSpec((BN, D), lambda i: (i, 0)),
        pl.BlockSpec((D, D), lambda i: (0, 0)),
        pl.BlockSpec((D, D), lambda i: (0, 0)),
        pl.BlockSpec((1, D), lambda i: (0, 0)),
        pl.BlockSpec((D, D), lambda i: (0, 0)),
        pl.BlockSpec((1, D), lambda i: (0, 0)),
    ],
    out_specs=pl.BlockSpec((BN, D), lambda i: (i, 0)),
    out_shape=jax.ShapeDtypeStruct((N, D), jnp.float32),
)


def kernel(x, edge_index, Wl0, bl0, Wr0, Wl1, bl1, Wr1, Wp1, bp1, Wp2, bp2):
    e = edge_index.reshape(2, NW, G, K, C)
    xr0 = _dense_xr(x, Wr0, bl0.reshape(1, D))
    agg0, cnt_flat = _sc_agg_counts(e, x)
    cnt_t = cnt_flat.reshape(NW, NP).T
    h0 = _dense0(agg0, cnt_t, xr0, Wl0)
    xr1 = _dense_xr(h0, Wr1, bl1.reshape(1, D))
    (agg1,) = _sc_agg(e, h0)
    return _dense1(agg1, cnt_t, xr1, Wl1,
                   Wp1, bp1.reshape(1, D), Wp2, bp2.reshape(1, D))

# --- scband reference (transcript-rebuilt; emitter-appended) ---
"""Pipeline reference for scband-gnn-31903017075422 (READ-ONLY COPY).

The authoritative reference and input builder live on the scoring server;
editing this copy changes nothing except your own understanding.
"""

import jax, jax.numpy as jnp
import numpy as np

N = 10000
E = 320000
D = 128


def setup_inputs(seed: int = 0) -> dict:
    key = jax.random.key(seed)
    ks = jax.random.split(key, 12)
    s = 1.0 / np.sqrt(D)
    inp = {}
    inp["x"] = jax.random.normal(ks[0], (N, D), dtype=jnp.float32)
    inp["edge_index"] = jax.random.randint(ks[1], (2, E), 0, N, dtype=jnp.int32)
    # SAGEConv layer 0: lin_l (with bias, applied to aggregated neighbors), lin_r (no bias, applied to root)
    inp["Wl0"] = jax.random.normal(ks[2], (D, D), dtype=jnp.float32) * s
    inp["bl0"] = jnp.zeros((D,), dtype=jnp.float32)
    inp["Wr0"] = jax.random.normal(ks[3], (D, D), dtype=jnp.float32) * s
    # SAGEConv layer 1
    inp["Wl1"] = jax.random.normal(ks[4], (D, D), dtype=jnp.float32) * s
    inp["bl1"] = jnp.zeros((D,), dtype=jnp.float32)
    inp["Wr1"] = jax.random.normal(ks[5], (D, D), dtype=jnp.float32) * s
    # post_mp: Linear(hidden, hidden) -> Dropout(eval: identity) -> Linear(hidden, output)
    inp["Wp1"] = jax.random.normal(ks[6], (D, D), dtype=jnp.float32) * s
    inp["bp1"] = jnp.zeros((D,), dtype=jnp.float32)
    inp["Wp2"] = jax.random.normal(ks[7], (D, D), dtype=jnp.float32) * s
    inp["bp2"] = jnp.zeros((D,), dtype=jnp.float32)
    return inp


def _sage_conv(x, edge_index, Wl, bl, Wr):
    # PyG SAGEConv (mean aggr): out = lin_l(mean_{j in N(i)} x_j) + lin_r(x_i)
    src = edge_index[0]
    dst = edge_index[1]
    msgs = jnp.take(x, src, axis=0)                              # gather   [E, D]
    agg = jax.ops.segment_sum(msgs, dst, num_segments=N)          # scatter-add [N, D]
    cnt = jax.ops.segment_sum(jnp.ones((E,), dtype=x.dtype), dst, num_segments=N)
    mean = agg / jnp.clip(cnt, 1.0)[:, None]
    return mean @ Wl.T + bl + x @ Wr.T


def reference(x, edge_index, Wl0, bl0, Wr0, Wl1, bl1, Wr1, Wp1, bp1, Wp2, bp2):
    # layer 0 + relu (dropout is identity in eval mode)
    h = jax.nn.relu(_sage_conv(x, edge_index, Wl0, bl0, Wr0))
    # layer 1 + relu
    h = jax.nn.relu(_sage_conv(h, edge_index, Wl1, bl1, Wr1))
    # post_mp
    h = h @ Wp1.T + bp1
    out = h @ Wp2.T + bp2
    return out

if __name__ == "__main__":
    import jax
    _d = setup_inputs()
    print(jax.jit(kernel)(*tuple(_d.values())))

</pallas_src>

<mosaic_0001>
#map = affine_map<(d0, d1) -> (0, 0, 0, 0, 0)>
#map1 = affine_map<(d0, d1) -> (0, 0)>
#map2 = affine_map<(d0, d1) -> (0, 0, 0)>
#map3 = affine_map<(d0, d1) -> (0)>
module attributes {stable_mosaic.version = 14 : i64} {
  func.func @body(%arg0: i32, %arg1: i32, %arg2: memref<2x32x5x25x80xi32, #tpu.memory_space<hbm>>, %arg3: memref<10000x128xf32, #tpu.memory_space<hbm>>, %arg4: memref<2x10240x128xf32, #tpu.memory_space<hbm>>, %arg5: memref<327680xf32, #tpu.memory_space<hbm>>, %arg6: memref<10240x128xf32, #tpu.memory_space<vmem_shared>>, %arg7: memref<25x80xi32, #tpu.memory_space<vmem>>, %arg8: memref<25x80xi32, #tpu.memory_space<vmem>>, %arg9: memref<25x80xi32, #tpu.memory_space<vmem>>, %arg10: memref<25x80xi32, #tpu.memory_space<vmem>>, %arg11: memref<80x128xf32, #tpu.memory_space<vmem>>, %arg12: memref<80x128xf32, #tpu.memory_space<vmem>>, %arg13: memref<!tpu.dma_semaphore, #tpu.memory_space<semaphore_mem>>, %arg14: memref<!tpu.dma_semaphore, #tpu.memory_space<semaphore_mem>>, %arg15: memref<!tpu.dma_semaphore, #tpu.memory_space<semaphore_mem>>, %arg16: memref<!tpu.dma_semaphore, #tpu.memory_space<semaphore_mem>>, %arg17: memref<!tpu.dma_semaphore, #tpu.memory_space<semaphore_mem>>, %arg18: memref<!tpu.dma_semaphore, #tpu.memory_space<semaphore_mem>>, %arg19: memref<10240xf32, #tpu.memory_space<vmem>>) attributes {dimension_semantics = [#tpu.dimension_semantics<core_parallel>, #tpu.dimension_semantics<subcore_parallel>], iteration_bounds = array<i64: 2, 16>, scalar_prefetch = 0 : i64, scratch_operands = 14 : i64, tpu.core_type = #tpu.core_type<sc_vector_subcore>, window_params = [{transform_indices = #map}, {transform_indices = #map1}, {transform_indices = #map2}, {transform_indices = #map3}]} {
    %mul3A = arith.constant 2 : i32
    %mul3A_0 = arith.muli %arg1, %mul3A : i32
    %add3A = arith.addi %mul3A_0, %arg0 : i32
    %dma_start3A = arith.constant 0 : i32
    %dma_start3A_1 = arith.constant 0 : i32
    %dma_start3A_2 = arith.constant 0 : i32
    %dma_start3A_3 = arith.constant 0 : i32
    %dma_start3A_4 = tpu.memref_slice %arg2[%dma_start3A, %add3A, %dma_start3A_1, %dma_start3A_2, %dma_start3A_3] : memref<2x32x5x25x80xi32, #tpu.memory_space<hbm>> -> memref<1x1x1x25x80xi32, #tpu.memory_space<hbm>>
    %dma_start3A_5 = tpu.memref_squeeze %dma_start3A_4 : memref<1x1x1x25x80xi32, #tpu.memory_space<hbm>> -> memref<25x80xi32, #tpu.memory_space<hbm>>
    %dma_start3A_6 = arith.constant 0 : i32
    %dma_start3A_7 = arith.constant 0 : i32
    %dma_start3A_8 = tpu.memref_slice %arg2[%dma_start3A, %add3A, %dma_start3A_1, %dma_start3A_6, %dma_start3A_7] : memref<2x32x5x25x80xi32, #tpu.memory_space<hbm>> -> memref<1x1x1x25x80xi32, #tpu.memory_space<hbm>>
    %dma_start3A_9 = tpu.memref_squeeze %dma_start3A_8 : memref<1x1x1x25x80xi32, #tpu.memory_space<hbm>> -> memref<25x80xi32, #tpu.memory_space<hbm>>
    tpu.enqueue_dma source(%dma_start3A_9 : memref<25x80xi32, #tpu.memory_space<hbm>>) target(%arg7 : memref<25x80xi32, #tpu.memory_space<vmem>>) target_semaphore(%arg17 : memref<!tpu.dma_semaphore, #tpu.memory_space<semaphore_mem>>)
    %dma_start3A_10 = arith.constant 1 : i32
    %dma_start3A_11 = arith.constant 0 : i32
    %dma_start3A_12 = arith.constant 0 : i32
    %dma_start3A_13 = arith.constant 0 : i32
    %dma_start3A_14 = tpu.memref_slice %arg2[%dma_start3A_10, %add3A, %dma_start3A_11, %dma_start3A_12, %dma_start3A_13] : memref<2x32x5x25x80xi32, #tpu.memory_space<hbm>> -> memref<1x1x1x25x80xi32, #tpu.memory_space<hbm>>
    %dma_start3A_15 = tpu.memref_squeeze %dma_start3A_14 : memref<1x1x1x25x80xi32, #tpu.memory_space<hbm>> -> memref<25x80xi32, #tpu.memory_space<hbm>>
    %dma_start3A_16 = arith.constant 0 : i32
    %dma_start3A_17 = arith.constant 0 : i32
    %dma_start3A_18 = tpu.memref_slice %arg2[%dma_start3A_10, %add3A, %dma_start3A_11, %dma_start3A_16, %dma_start3A_17] : memref<2x32x5x25x80xi32, #tpu.memory_space<hbm>> -> memref<1x1x1x25x80xi32, #tpu.memory_space<hbm>>
    %dma_start3A_19 = tpu.memref_squeeze %dma_start3A_18 : memref<1x1x1x25x80xi32, #tpu.memory_space<hbm>> -> memref<25x80xi32, #tpu.memory_space<hbm>>
    tpu.enqueue_dma source(%dma_start3A_19 : memref<25x80xi32, #tpu.memory_space<hbm>>) target(%arg9 : memref<25x80xi32, #tpu.memory_space<vmem>>) target_semaphore(%arg17 : memref<!tpu.dma_semaphore, #tpu.memory_space<semaphore_mem>>)
    %broadcast_in_dim3A = arith.constant 0.000000e+00 : f32
    %broadcast_in_dim3A_20 = vector.broadcast %broadcast_in_dim3A : f32 to vector<16xf32>
    %scan3A = arith.constant 0 : i32
    %scan3A_21 = arith.constant 0 : i32
    %scan3A_22 = arith.constant 80 : i32
    %scan3A_23 = arith.addi %scan3A_21, %scan3A_22 : i32
    %scan3A_24 = arith.constant 1 : i32
    scf.for %scan3A_1047 = %scan3A_21 to %scan3A_23 step %scan3A_24  : i32 {
      %swap3A = arith.index_cast %scan3A_1047 : i32 to index
      %swap3A_1048 = arith.constant 0 : index
      %swap3A_1049 = tpu.vector_load %arg11[%swap3A, %swap3A_1048] {strides = array<i32>} : memref<80x128xf32, #tpu.memory_space<vmem>>, vector<16xf32>,
      tpu.vector_store %arg11[%swap3A, %swap3A_1048], %broadcast_in_dim3A_20 {strides = array<i32>} : memref<80x128xf32, #tpu.memory_space<vmem>>, vector<16xf32>,
      %swap3A_1050 = arith.index_cast %scan3A_1047 : i32 to index
      %swap3A_1051 = arith.constant 0 : index
      %swap3A_1052 = tpu.vector_load %arg12[%swap3A_1050, %swap3A_1051] {strides = array<i32>} : memref<80x128xf32, #tpu.memory_space<vmem>>, vector<16xf32>,
      tpu.vector_store %arg12[%swap3A_1050, %swap3A_1051], %broadcast_in_dim3A_20 {strides = array<i32>} : memref<80x128xf32, #tpu.memory_space<vmem>>, vector<16xf32>,
      %swap3A_1053 = arith.index_cast %scan3A_1047 : i32 to index
      %swap3A_1054 = arith.constant 16 : index
      %swap3A_1055 = tpu.vector_load %arg11[%swap3A_1053, %swap3A_1054] {strides = array<i32>} : memref<80x128xf32, #tpu.memory_space<vmem>>, vector<16xf32>,
      tpu.vector_store %arg11[%swap3A_1053, %swap3A_1054], %broadcast_in_dim3A_20 {strides = array<i32>} : memref<80x128xf32, #tpu.memory_space<vmem>>, vector<16xf32>,
      %swap3A_1056 = arith.index_cast %scan3A_1047 : i32 to index
      %swap3A_1057 = arith.constant 16 : index
      %swap3A_1058 = tpu.vector_load %arg12[%swap3A_1056, %swap3A_1057] {strides = array<i32>} : memref<80x128xf32, #tpu.memory_space<vmem>>, vector<16xf32>,
      tpu.vector_store %arg12[%swap3A_1056, %swap3A_1057], %broadcast_in_dim3A_20 {strides = array<i32>} : memref<80x128xf32, #tpu.memory_space<vmem>>, vector<16xf32>,
      %swap3A_1059 = arith.index_cast %scan3A_1047 : i32 to index
      %swap3A_1060 = arith.constant 32 : index
      %swap3A_1061 = tpu.vector_load %arg11[%swap3A_1059, %swap3A_1060] {strides = array<i32>} : memref<80x128xf32, #tpu.memory_space<vmem>>, vector<16xf32>,
      tpu.vector_store %arg11[%swap3A_1059, %swap3A_1060], %broadcast_in_dim3A_20 {strides = array<i32>} : memref<80x128xf32, #tpu.memory_space<vmem>>, vector<16xf32>,
      %swap3A_1062 = arith.index_cast %scan3A_1047 : i32 to index
      %swap3A_1063 = arith.constant 32 : index
      %swap3A_1064 = tpu.vector_load %arg12[%swap3A_1062, %swap3A_1063] {strides = array<i32>} : memref<80x128xf32, #tpu.memory_space<vmem>>, vector<16xf32>,
      tpu.vector_store %arg12[%swap3A_1062, %swap3A_1063], %broadcast_in_dim3A_20 {strides = array<i32>} : memref<80x128xf32, #tpu.memory_space<vmem>>, vector<16xf32>,
      %swap3A_1065 = arith.index_cast %scan3A_1047 : i32 to index
      %swap3A_1066 = arith.constant 48 : index
      %swap3A_1067 = tpu.vector_load %arg11[%swap3A_1065, %swap3A_1066] {strides = array<i32>} : memref<80x128xf32, #tpu.memory_space<vmem>>, vector<16xf32>,
      tpu.vector_store %arg11[%swap3A_1065, %swap3A_1066], %broadcast_in_dim3A_20 {strides = array<i32>} : memref<80x128xf32, #tpu.memory_space<vmem>>, vector<16xf32>,
      %swap3A_1068 = arith.index_cast %scan3A_1047 : i32 to index
      %swap3A_1069 = arith.constant 48 : index
      %swap3A_1070 = tpu.vector_load %arg12[%swap3A_1068, %swap3A_1069] {strides = array<i32>} : memref<80x128xf32, #tpu.memory_space<vmem>>, vector<16xf32>,
      tpu.vector_store %arg12[%swap3A_1068, %swap3A_1069], %broadcast_in_dim3A_20 {strides = array<i32>} : memref<80x128xf32, #tpu.memory_space<vmem>>, vector<16xf32>,
      %swap3A_1071 = arith.index_cast %scan3A_1047 : i32 to index
      %swap3A_1072 = arith.constant 64 : index
      %swap3A_1073 = tpu.vector_load %arg11[%swap3A_1071, %swap3A_1072] {strides = array<i32>} : memref<80x128xf32, #tpu.memory_space<vmem>>, vector<16xf32>,
      tpu.vector_store %arg11[%swap3A_1071, %swap3A_1072], %broadcast_in_dim3A_20 {strides = array<i32>} : memref<80x128xf32, #tpu.memory_space<vmem>>, vector<16xf32>,
      %swap3A_1074 = arith.index_cast %scan3A_1047 : i32 to index
      %swap3A_1075 = arith.constant 64 : index
      %swap3A_1076 = tpu.vector_load %arg12[%swap3A_1074, %swap3A_1075] {strides = array<i32>} : memref<80x128xf32, #tpu.memory_space<vmem>>, vector<16xf32>,
      tpu.vector_store %arg12[%swap3A_1074, %swap3A_1075], %broadcast_in_dim3A_20 {strides = array<i32>} : memref<80x128xf32, #tpu.memory_space<vmem>>, vector<16xf32>,
      %swap3A_1077 = arith.index_cast %scan3A_1047 : i32 to index
      %swap3A_1078 = arith.constant 80 : index
      %swap3A_1079 = tpu.vector_load %arg11[%swap3A_1077, %swap3A_1078] {strides = array<i32>} : memref<80x128xf32, #tpu.memory_space<vmem>>, vector<16xf32>,
      tpu.vector_store %arg11[%swap3A_1077, %swap3A_1078], %broadcast_in_dim3A_20 {strides = array<i32>} : memref<80x128xf32, #tpu.memory_space<vmem>>, vector<16xf32>,
      %swap3A_1080 = arith.index_cast %scan3A_1047 : i32 to index
      %swap3A_1081 = arith.constant 80 : index
      %swap3A_1082 = tpu.vector_load %arg12[%swap3A_1080, %swap3A_1081] {strides = array<i32>} : memref<80x128xf32, #tpu.memory_space<vmem>>, vector<16xf32>,
      tpu.vector_store %arg12[%swap3A_1080, %swap3A_1081], %broadcast_in_dim3A_20 {strides = array<i32>} : memref<80x128xf32, #tpu.memory_space<vmem>>, vector<16xf32>,
      %swap3A_1083 = arith.index_cast %scan3A_1047 : i32 to index
      %swap3A_1084 = arith.constant 96 : index
      %swap3A_1085 = tpu.vector_load %arg11[%swap3A_1083, %swap3A_1084] {strides = array<i32>} : memref<80x128xf32, #tpu.memory_space<vmem>>, vector<16xf32>,
      tpu.vector_store %arg11[%swap3A_1083, %swap3A_1084], %broadcast_in_dim3A_20 {strides = array<i32>} : memref<80x128xf32, #tpu.memory_space<vmem>>, vector<16xf32>,
      %swap3A_1086 = arith.index_cast %scan3A_1047 : i32 to index
      %swap3A_1087 = arith.constant 96 : index
      %swap3A_1088 = tpu.vector_load %arg12[%swap3A_1086, %swap3A_1087] {strides = array<i32>} : memref<80x128xf32, #tpu.memory_space<vmem>>, vector<16xf32>,
      tpu.vector_store %arg12[%swap3A_1086, %swap3A_1087], %broadcast_in_dim3A_20 {strides = array<i32>} : memref<80x128xf32, #tpu.memory_space<vmem>>, vector<16xf32>,
      %swap3A_1089 = arith.index_cast %scan3A_1047 : i32 to index
      %swap3A_1090 = arith.constant 112 : index
      %swap3A_1091 = tpu.vector_load %arg11[%swap3A_1089, %swap3A_1090] {strides = array<i32>} : memref<80x128xf32, #tpu.memory_space<vmem>>, vector<16xf32>,
      tpu.vector_store %arg11[%swap3A_1089, %swap3A_1090], %broadcast_in_dim3A_20 {strides = array<i32>} : memref<80x128xf32, #tpu.memory_space<vmem>>, vector<16xf32>,
      %swap3A_1092 = arith.index_cast %scan3A_1047 : i32 to index
      %swap3A_1093 = arith.constant 112 : index
      %swap3A_1094 = tpu.vector_load %arg12[%swap3A_1092, %swap3A_1093] {strides = array<i32>} : memref<80x128xf32, #tpu.memory_space<vmem>>, vector<16xf32>,
      tpu.vector_store %arg12[%swap3A_1092, %swap3A_1093], %broadcast_in_dim3A_20 {strides = array<i32>} : memref<80x128xf32, #tpu.memory_space<vmem>>, vector<16xf32>,
    }
    %scan3A_25 = arith.constant 80 : i32
    %mul3A_26 = arith.constant 640 : i32
    %mul3A_27 = arith.muli %arg1, %mul3A_26 : i32
    %add3A_28 = arith.constant 0 : i32
    %add3A_29 = arith.addi %mul3A_27, %add3A_28 : i32
    %dma_start3A_30 = arith.constant 0 : i32
    %dma_start3A_31 = tpu.memref_slice %arg6[%add3A_29, %dma_start3A_30] : memref<10240x128xf32, #tpu.memory_space<vmem_shared>> -> memref<80x128xf32, #tpu.memory_space<vmem_shared>>
    %dma_start3A_32 = arith.constant 0 : i32
    %dma_start3A_33 = tpu.memref_slice %arg6[%add3A_29, %dma_start3A_32] : memref<10240x128xf32, #tpu.memory_space<vmem_shared>> -> memref<80x128xf32, #tpu.memory_space<vmem_shared>>
    tpu.enqueue_dma source(%arg11 : memref<80x128xf32, #tpu.memory_space<vmem>>) target(%dma_start3A_33 : memref<80x128xf32, #tpu.memory_space<vmem_shared>>) target_semaphore(%arg18 : memref<!tpu.dma_semaphore, #tpu.memory_space<semaphore_mem>>)
    %add3A_34 = arith.constant 80 : i32
    %add3A_35 = arith.addi %mul3A_27, %add3A_34 : i32
    %dma_start3A_36 = arith.constant 0 : i32
    %dma_start3A_37 = tpu.memref_slice %arg6[%add3A_35, %dma_start3A_36] : memref<10240x128xf32, #tpu.memory_space<vmem_shared>> -> memref<80x128xf32, #tpu.memory_space<vmem_shared>>
    %dma_start3A_38 = arith.constant 0 : i32
    %dma_start3A_39 = tpu.memref_slice %arg6[%add3A_35, %dma_start3A_38] : memref<10240x128xf32, #tpu.memory_space<vmem_shared>> -> memref<80x128xf32, #tpu.memory_space<vmem_shared>>
    tpu.enqueue_dma source(%arg12 : memref<80x128xf32, #tpu.memory_space<vmem>>) target(%dma_start3A_39 : memref<80x128xf32, #tpu.memory_space<vmem_shared>>) target_semaphore(%arg18 : memref<!tpu.dma_semaphore, #tpu.memory_space<semaphore_mem>>)
    %add3A_40 = arith.constant 160 : i32
    %add3A_41 = arith.addi %mul3A_27, %add3A_40 : i32
    %dma_start3A_42 = arith.constant 0 : i32
    %dma_start3A_43 = tpu.memref_slice %arg6[%add3A_41, %dma_start3A_42] : memref<10240x128xf32, #tpu.memory_space<vmem_shared>> -> memref<80x128xf32, #tpu.memory_space<vmem_shared>>
    %dma_start3A_44 = arith.constant 0 : i32
    %dma_start3A_45 = tpu.memref_slice %arg6[%add3A_41, %dma_start3A_44] : memref<10240x128xf32, #tpu.memory_space<vmem_shared>> -> memref<80x128xf32, #tpu.memory_space<vmem_shared>>
    tpu.enqueue_dma source(%arg11 : memref<80x128xf32, #tpu.memory_space<vmem>>) target(%dma_start3A_45 : memref<80x128xf32, #tpu.memory_space<vmem_shared>>) target_semaphore(%arg18 : memref<!tpu.dma_semaphore, #tpu.memory_space<semaphore_mem>>)
    %add3A_46 = arith.constant 240 : i32
    %add3A_47 = arith.addi %mul3A_27, %add3A_46 : i32
    %dma_start3A_48 = arith.constant 0 : i32
    %dma_start3A_49 = tpu.memref_slice %arg6[%add3A_47, %dma_start3A_48] : memref<10240x128xf32, #tpu.memory_space<vmem_shared>> -> memref<80x128xf32, #tpu.memory_space<vmem_shared>>
    %dma_start3A_50 = arith.constant 0 : i32
    %dma_start3A_51 = tpu.memref_slice %arg6[%add3A_47, %dma_start3A_50] : memref<10240x128xf32, #tpu.memory_space<vmem_shared>> -> memref<80x128xf32, #tpu.memory_space<vmem_shared>>
    tpu.enqueue_dma source(%arg12 : memref<80x128xf32, #tpu.memory_space<vmem>>) target(%dma_start3A_51 : memref<80x128xf32, #tpu.memory_space<vmem_shared>>) target_semaphore(%arg18 : memref<!tpu.dma_semaphore, #tpu.memory_space<semaphore_mem>>)
    %add3A_52 = arith.constant 320 : i32
    %add3A_53 = arith.addi %mul3A_27, %add3A_52 : i32
    %dma_start3A_54 = arith.constant 0 : i32
    %dma_start3A_55 = tpu.memref_slice %arg6[%add3A_53, %dma_start3A_54] : memref<10240x128xf32, #tpu.memory_space<vmem_shared>> -> memref<80x128xf32, #tpu.memory_space<vmem_shared>>
    %dma_start3A_56 = arith.constant 0 : i32
    %dma_start3A_57 = tpu.memref_slice %arg6[%add3A_53, %dma_start3A_56] : memref<10240x128xf32, #tpu.memory_space<vmem_shared>> -> memref<80x128xf32, #tpu.memory_space<vmem_shared>>
    tpu.enqueue_dma source(%arg11 : memref<80x128xf32, #tpu.memory_space<vmem>>) target(%dma_start3A_57 : memref<80x128xf32, #tpu.memory_space<vmem_shared>>) target_semaphore(%arg18 : memref<!tpu.dma_semaphore, #tpu.memory_space<semaphore_mem>>)
    %add3A_58 = arith.constant 400 : i32
    %add3A_59 = arith.addi %mul3A_27, %add3A_58 : i32
    %dma_start3A_60 = arith.constant 0 : i32
    %dma_start3A_61 = tpu.memref_slice %arg6[%add3A_59, %dma_start3A_60] : memref<10240x128xf32, #tpu.memory_space<vmem_shared>> -> memref<80x128xf32, #tpu.memory_space<vmem_shared>>
    %dma_start3A_62 = arith.constant 0 : i32
    %dma_start3A_63 = tpu.memref_slice %arg6[%add3A_59, %dma_start3A_62] : memref<10240x128xf32, #tpu.memory_space<vmem_shared>> -> memref<80x128xf32, #tpu.memory_space<vmem_shared>>
    tpu.enqueue_dma source(%arg12 : memref<80x128xf32, #tpu.memory_space<vmem>>) target(%dma_start3A_63 : memref<80x128xf32, #tpu.memory_space<vmem_shared>>) target_semaphore(%arg18 : memref<!tpu.dma_semaphore, #tpu.memory_space<semaphore_mem>>)
    %add3A_64 = arith.constant 480 : i32
    %add3A_65 = arith.addi %mul3A_27, %add3A_64 : i32
    %dma_start3A_66 = arith.constant 0 : i32
    %dma_start3A_67 = tpu.memref_slice %arg6[%add3A_65, %dma_start3A_66] : memref<10240x128xf32, #tpu.memory_space<vmem_shared>> -> memref<80x128xf32, #tpu.memory_space<vmem_shared>>
    %dma_start3A_68 = arith.constant 0 : i32
    %dma_start3A_69 = tpu.memref_slice %arg6[%add3A_65, %dma_start3A_68] : memref<10240x128xf32, #tpu.memory_space<vmem_shared>> -> memref<80x128xf32, #tpu.memory_space<vmem_shared>>
    tpu.enqueue_dma source(%arg11 : memref<80x128xf32, #tpu.memory_space<vmem>>) target(%dma_start3A_69 : memref<80x128xf32, #tpu.memory_space<vmem_shared>>) target_semaphore(%arg18 : memref<!tpu.dma_semaphore, #tpu.memory_space<semaphore_mem>>)
    %add3A_70 = arith.constant 560 : i32
    %add3A_71 = arith.addi %mul3A_27, %add3A_70 : i32
    %dma_start3A_72 = arith.constant 0 : i32
    %dma_start3A_73 = tpu.memref_slice %arg6[%add3A_71, %dma_start3A_72] : memref<10240x128xf32, #tpu.memory_space<vmem_shared>> -> memref<80x128xf32, #tpu.memory_space<vmem_shared>>
    %dma_start3A_74 = arith.constant 0 : i32
    %dma_start3A_75 = tpu.memref_slice %arg6[%add3A_71, %dma_start3A_74] : memref<10240x128xf32, #tpu.memory_space<vmem_shared>> -> memref<80x128xf32, #tpu.memory_space<vmem_shared>>
    tpu.enqueue_dma source(%arg12 : memref<80x128xf32, #tpu.memory_space<vmem>>) target(%dma_start3A_75 : memref<80x128xf32, #tpu.memory_space<vmem_shared>>) target_semaphore(%arg18 : memref<!tpu.dma_semaphore, #tpu.memory_space<semaphore_mem>>)
    %scan3A_76 = arith.constant 0 : i32
    %scan3A_77 = arith.constant 0 : i32
    %scan3A_78 = arith.constant 640 : i32
    %scan3A_79 = arith.addi %scan3A_77, %scan3A_78 : i32
    %scan3A_80 = arith.constant 1 : i32
    scf.for %scan3A_1047 = %scan3A_77 to %scan3A_79 step %scan3A_80  : i32 {
      %mul3A_1048 = arith.constant 16 : i32
      %mul3A_1049 = arith.muli %scan3A_1047, %mul3A_1048 : i32
      %swap3A = arith.index_cast %mul3A_1049 : i32 to index
      %swap3A_1050 = tpu.vector_load %arg19[%swap3A] {strides = array<i32>} : memref<10240xf32, #tpu.memory_space<vmem>>, vector<16xf32>,
      tpu.vector_store %arg19[%swap3A], %broadcast_in_dim3A_20 {strides = array<i32>} : memref<10240xf32, #tpu.memory_space<vmem>>, vector<16xf32>,
    }
    %scan3A_81 = arith.constant 640 : i32
    %dma_wait3A = arith.constant 0 : i32
    %dma_wait3A_82 = tpu.memref_slice %arg6[%add3A_29, %dma_wait3A] : memref<10240x128xf32, #tpu.memory_space<vmem_shared>> -> memref<80x128xf32, #tpu.memory_space<vmem_shared>>
    %dma_wait3A_83 = arith.constant 0 : i32
    %dma_wait3A_84 = tpu.memref_slice %arg6[%add3A_29, %dma_wait3A_83] : memref<10240x128xf32, #tpu.memory_space<vmem_shared>> -> memref<80x128xf32, #tpu.memory_space<vmem_shared>>
    tpu.wait_dma2 semaphore(%arg18 : memref<!tpu.dma_semaphore, #tpu.memory_space<semaphore_mem>>) src(%arg11 : memref<80x128xf32, #tpu.memory_space<vmem>>) dst(%dma_wait3A_84 : memref<80x128xf32, #tpu.memory_space<vmem_shared>>)
    %dma_wait3A_85 = arith.constant 0 : i32
    %dma_wait3A_86 = tpu.memref_slice %arg6[%add3A_35, %dma_wait3A_85] : memref<10240x128xf32, #tpu.memory_space<vmem_shared>> -> memref<80x128xf32, #tpu.memory_space<vmem_shared>>
    %dma_wait3A_87 = arith.constant 0 : i32
    %dma_wait3A_88 = tpu.memref_slice %arg6[%add3A_35, %dma_wait3A_87] : memref<10240x128xf32, #tpu.memory_space<vmem_shared>> -> memref<80x128xf32, #tpu.memory_space<vmem_shared>>
    tpu.wait_dma2 semaphore(%arg18 : memref<!tpu.dma_semaphore, #tpu.memory_space<semaphore_mem>>) src(%arg12 : memref<80x128xf32, #tpu.memory_space<vmem>>) dst(%dma_wait3A_88 : memref<80x128xf32, #tpu.memory_space<vmem_shared>>)
    %dma_wait3A_89 = arith.constant 0 : i32
    %dma_wait3A_90 = tpu.memref_slice %arg6[%add3A_41, %dma_wait3A_89] : memref<10240x128xf32, #tpu.memory_space<vmem_shared>> -> memref<80x128xf32, #tpu.memory_space<vmem_shared>>
    %dma_wait3A_91 = arith.constant 0 : i32
    %dma_wait3A_92 = tpu.memref_slice %arg6[%add3A_41, %dma_wait3A_91] : memref<10240x128xf32, #tpu.memory_space<vmem_shared>> -> memref<80x128xf32, #tpu.memory_space<vmem_shared>>
    tpu.wait_dma2 semaphore(%arg18 : memref<!tpu.dma_semaphore, #tpu.memory_space<semaphore_mem>>) src(%arg11 : memref<80x128xf32, #tpu.memory_space<vmem>>) dst(%dma_wait3A_92 : memref<80x128xf32, #tpu.memory_space<vmem_shared>>)
    %dma_wait3A_93 = arith.constant 0 : i32
    %dma_wait3A_94 = tpu.memref_slice %arg6[%add3A_47, %dma_wait3A_93] : memref<10240x128xf32, #tpu.memory_space<vmem_shared>> -> memref<80x128xf32, #tpu.memory_space<vmem_shared>>
    %dma_wait3A_95 = arith.constant 0 : i32
    %dma_wait3A_96 = tpu.memref_slice %arg6[%add3A_47, %dma_wait3A_95] : memref<10240x128xf32, #tpu.memory_space<vmem_shared>> -> memref<80x128xf32, #tpu.memory_space<vmem_shared>>
    tpu.wait_dma2 semaphore(%arg18 : memref<!tpu.dma_semaphore, #tpu.memory_space<semaphore_mem>>) src(%arg12 : memref<80x128xf32, #tpu.memory_space<vmem>>) dst(%dma_wait3A_96 : memref<80x128xf32, #tpu.memory_space<vmem_shared>>)
    %dma_wait3A_97 = arith.constant 0 : i32
    %dma_wait3A_98 = tpu.memref_slice %arg6[%add3A_53, %dma_wait3A_97] : memref<10240x128xf32, #tpu.memory_space<vmem_shared>> -> memref<80x128xf32, #tpu.memory_space<vmem_shared>>
    %dma_wait3A_99 = arith.constant 0 : i32
    %dma_wait3A_100 = tpu.memref_slice %arg6[%add3A_53, %dma_wait3A_99] : memref<10240x128xf32, #tpu.memory_space<vmem_shared>> -> memref<80x128xf32, #tpu.memory_space<vmem_shared>>
    tpu.wait_dma2 semaphore(%arg18 : memref<!tpu.dma_semaphore, #tpu.memory_space<semaphore_mem>>) src(%arg11 : memref<80x128xf32, #tpu.memory_space<vmem>>) dst(%dma_wait3A_100 : memref<80x128xf32, #tpu.memory_space<vmem_shared>>)
    %dma_wait3A_101 = arith.constant 0 : i32
    %dma_wait3A_102 = tpu.memref_slice %arg6[%add3A_59, %dma_wait3A_101] : memref<10240x128xf32, #tpu.memory_space<vmem_shared>> -> memref<80x128xf32, #tpu.memory_space<vmem_shared>>
    %dma_wait3A_103 = arith.constant 0 : i32
    %dma_wait3A_104 = tpu.memref_slice %arg6[%add3A_59, %dma_wait3A_103] : memref<10240x128xf32, #tpu.memory_space<vmem_shared>> -> memref<80x128xf32, #tpu.memory_space<vmem_shared>>
    tpu.wait_dma2 semaphore(%arg18 : memref<!tpu.dma_semaphore, #tpu.memory_space<semaphore_mem>>) src(%arg12 : memref<80x128xf32, #tpu.memory_space<vmem>>) dst(%dma_wait3A_104 : memref<80x128xf32, #tpu.memory_space<vmem_shared>>)
    %dma_wait3A_105 = arith.constant 0 : i32
    %dma_wait3A_106 = tpu.memref_slice %arg6[%add3A_65, %dma_wait3A_105] : memref<10240x128xf32, #tpu.memory_space<vmem_shared>> -> memref<80x128xf32, #tpu.memory_space<vmem_shared>>
    %dma_wait3A_107 = arith.constant 0 : i32
    %dma_wait3A_108 = tpu.memref_slice %arg6[%add3A_65, %dma_wait3A_107] : memref<10240x128xf32, #tpu.memory_space<vmem_shared>> -> memref<80x128xf32, #tpu.memory_space<vmem_shared>>
    tpu.wait_dma2 semaphore(%arg18 : memref<!tpu.dma_semaphore, #tpu.memory_space<semaphore_mem>>) src(%arg11 : memref<80x128xf32, #tpu.memory_space<vmem>>) dst(%dma_wait3A_108 : memref<80x128xf32, #tpu.memory_space<vmem_shared>>)
    %dma_wait3A_109 = arith.constant 0 : i32
    %dma_wait3A_110 = tpu.memref_slice %arg6[%add3A_71, %dma_wait3A_109] : memref<10240x128xf32, #tpu.memory_space<vmem_shared>> -> memref<80x128xf32, #tpu.memory_space<vmem_shared>>
    %dma_wait3A_111 = arith.constant 0 : i32
    %dma_wait3A_112 = tpu.memref_slice %arg6[%add3A_71, %dma_wait3A_111] : memref<10240x128xf32, #tpu.memory_space<vmem_shared>> -> memref<80x128xf32, #tpu.memory_space<vmem_shared>>
    tpu.wait_dma2 semaphore(%arg18 : memref<!tpu.dma_semaphore, #tpu.memory_space<semaphore_mem>>) src(%arg12 : memref<80x128xf32, #tpu.memory_space<vmem>>) dst(%dma_wait3A_112 : memref<80x128xf32, #tpu.memory_space<vmem_shared>>)
    %dma_wait3A_113 = arith.constant 0 : i32
    %dma_wait3A_114 = arith.constant 0 : i32
    %dma_wait3A_115 = arith.constant 0 : i32
    %dma_wait3A_116 = arith.constant 0 : i32
    %dma_wait3A_117 = tpu.memref_slice %arg2[%dma_wait3A_113, %add3A, %dma_wait3A_114, %dma_wait3A_115, %dma_wait3A_116] : memref<2x32x5x25x80xi32, #tpu.memory_space<hbm>> -> memref<1x1x1x25x80xi32, #tpu.memory_space<hbm>>
    %dma_wait3A_118 = tpu.memref_squeeze %dma_wait3A_117 : memref<1x1x1x25x80xi32, #tpu.memory_space<hbm>> -> memref<25x80xi32, #tpu.memory_space<hbm>>
    %dma_wait3A_119 = arith.constant 0 : i32
    %dma_wait3A_120 = arith.constant 0 : i32
    %dma_wait3A_121 = tpu.memref_slice %arg2[%dma_wait3A_113, %add3A, %dma_wait3A_114, %dma_wait3A_119, %dma_wait3A_120] : memref<2x32x5x25x80xi32, #tpu.memory_space<hbm>> -> memref<1x1x1x25x80xi32, #tpu.memory_space<hbm>>
    %dma_wait3A_122 = tpu.memref_squeeze %dma_wait3A_121 : memref<1x1x1x25x80xi32, #tpu.memory_space<hbm>> -> memref<25x80xi32, #tpu.memory_space<hbm>>
    tpu.wait_dma2 semaphore(%arg17 : memref<!tpu.dma_semaphore, #tpu.memory_space<semaphore_mem>>) src(%dma_wait3A_122 : memref<25x80xi32, #tpu.memory_space<hbm>>) dst(%arg7 : memref<25x80xi32, #tpu.memory_space<vmem>>)
    %dma_wait3A_123 = arith.constant 1 : i32
    %dma_wait3A_124 = arith.constant 0 : i32
    %dma_wait3A_125 = arith.constant 0 : i32
    %dma_wait3A_126 = arith.constant 0 : i32
    %dma_wait3A_127 = tpu.memref_slice %arg2[%dma_wait3A_123, %add3A, %dma_wait3A_124, %dma_wait3A_125, %dma_wait3A_126] : memref<2x32x5x25x80xi32, #tpu.memory_space<hbm>> -> memref<1x1x1x25x80xi32, #tpu.memory_space<hbm>>
    %dma_wait3A_128 = tpu.memref_squeeze %dma_wait3A_127 : memref<1x1x1x25x80xi32, #tpu.memory_space<hbm>> -> memref<25x80xi32, #tpu.memory_space<hbm>>
    %dma_wait3A_129 = arith.constant 0 : i32
    %dma_wait3A_130 = arith.constant 0 : i32
    %dma_wait3A_131 = tpu.memref_slice %arg2[%dma_wait3A_123, %add3A, %dma_wait3A_124, %dma_wait3A_129, %dma_wait3A_130] : memref<2x32x5x25x80xi32, #tpu.memory_space<hbm>> -> memref<1x1x1x25x80xi32, #tpu.memory_space<hbm>>
    %dma_wait3A_132 = tpu.memref_squeeze %dma_wait3A_131 : memref<1x1x1x25x80xi32, #tpu.memory_space<hbm>> -> memref<25x80xi32, #tpu.memory_space<hbm>>
    tpu.wait_dma2 semaphore(%arg17 : memref<!tpu.dma_semaphore, #tpu.memory_space<semaphore_mem>>) src(%dma_wait3A_132 : memref<25x80xi32, #tpu.memory_space<hbm>>) dst(%arg9 : memref<25x80xi32, #tpu.memory_space<vmem>>)
    %dma_start3A_133 = arith.constant 0 : i32
    %dma_start3A_134 = arith.constant 0 : i32
    %dma_start3A_135 = tpu.memref_slice %arg7[%dma_start3A_133, %dma_start3A_134] : memref<25x80xi32, #tpu.memory_space<vmem>> -> memref<1x80xi32, #tpu.memory_space<vmem>>
    %dma_start3A_136 = tpu.memref_squeeze %dma_start3A_135 : memref<1x80xi32, #tpu.memory_space<vmem>> -> memref<80xi32, #tpu.memory_space<vmem>>
    %dma_start3A_137 = arith.constant 0 : i32
    %dma_start3A_138 = arith.constant 0 : i32
    %dma_start3A_139 = tpu.memref_slice %arg3[%dma_start3A_137, %dma_start3A_138] : memref<10000x128xf32, #tpu.memory_space<hbm>> -> memref<10000x128xf32, #tpu.memory_space<hbm>>
    tpu.enqueue_indirect_dma source(%dma_start3A_139 : memref<10000x128xf32, #tpu.memory_space<hbm>>) target(%arg11 : memref<80x128xf32, #tpu.memory_space<vmem>>) offsets(%dma_start3A_136 : memref<80xi32, #tpu.memory_space<vmem>>) semaphore(%arg13 : memref<!tpu.dma_semaphore, #tpu.memory_space<semaphore_mem>>)
    %barrier3A = arith.constant 0 : index
    tpu.barrier barrier_id(%barrier3A)
    %broadcast_in_dim3A_140 = arith.constant 1.000000e+00 : f32
    %broadcast_in_dim3A_141 = vector.broadcast %broadcast_in_dim3A_140 : f32 to vector<16xf32>
    %dma_start3A_142 = arith.constant 0 : i32
    %dma_start3A_143 = arith.constant 1 : i32
    %dma_start3A_144 = arith.constant 0 : i32
    %dma_start3A_145 = arith.constant 0 : i32
    %dma_start3A_146 = tpu.memref_slice %arg2[%dma_start3A_142, %add3A, %dma_start3A_143, %dma_start3A_144, %dma_start3A_145] : memref<2x32x5x25x80xi32, #tpu.memory_space<hbm>> -> memref<1x1x1x25x80xi32, #tpu.memory_space<hbm>>
    %dma_start3A_147 = tpu.memref_squeeze %dma_start3A_146 : memref<1x1x1x25x80xi32, #tpu.memory_space<hbm>> -> memref<25x80xi32, #tpu.memory_space<hbm>>
    %dma_start3A_148 = arith.constant 0 : i32
    %dma_start3A_149 = arith.constant 0 : i32
    %dma_start3A_150 = tpu.memref_slice %arg2[%dma_start3A_142, %add3A, %dma_start3A_143, %dma_start3A_148, %dma_start3A_149] : memref<2x32x5x25x80xi32, #tpu.memory_space<hbm>> -> memref<1x1x1x25x80xi32, #tpu.memory_space<hbm>>
    %dma_start3A_151 = tpu.memref_squeeze %dma_start3A_150 : memref<1x1x1x25x80xi32, #tpu.memory_space<hbm>> -> memref<25x80xi32, #tpu.memory_space<hbm>>
    tpu.enqueue_dma source(%dma_start3A_151 : memref<25x80xi32, #tpu.memory_space<hbm>>) target(%arg8 : memref<25x80xi32, #tpu.memory_space<vmem>>) target_semaphore(%arg17 : memref<!tpu.dma_semaphore, #tpu.memory_space<semaphore_mem>>)
    %dma_start3A_152 = arith.constant 1 : i32
    %dma_start3A_153 = arith.constant 1 : i32
    %dma_start3A_154 = arith.constant 0 : i32
    %dma_start3A_155 = arith.constant 0 : i32
    %dma_start3A_156 = tpu.memref_slice %arg2[%dma_start3A_152, %add3A, %dma_start3A_153, %dma_start3A_154, %dma_start3A_155] : memref<2x32x5x25x80xi32, #tpu.memory_space<hbm>> -> memref<1x1x1x25x80xi32, #tpu.memory_space<hbm>>
    %dma_start3A_157 = tpu.memref_squeeze %dma_start3A_156 : memref<1x1x1x25x80xi32, #tpu.memory_space<hbm>> -> memref<25x80xi32, #tpu.memory_space<hbm>>
    %dma_start3A_158 = arith.constant 0 : i32
    %dma_start3A_159 = arith.constant 0 : i32
    %dma_start3A_160 = tpu.memref_slice %arg2[%dma_start3A_152, %add3A, %dma_start3A_153, %dma_start3A_158, %dma_start3A_159] : memref<2x32x5x25x80xi32, #tpu.memory_space<hbm>> -> memref<1x1x1x25x80xi32, #tpu.memory_space<hbm>>
    %dma_start3A_161 = tpu.memref_squeeze %dma_start3A_160 : memref<1x1x1x25x80xi32, #tpu.memory_space<hbm>> -> memref<25x80xi32, #tpu.memory_space<hbm>>
    tpu.enqueue_dma source(%dma_start3A_161 : memref<25x80xi32, #tpu.memory_space<hbm>>) target(%arg10 : memref<25x80xi32, #tpu.memory_space<vmem>>) target_semaphore(%arg17 : memref<!tpu.dma_semaphore, #tpu.memory_space<semaphore_mem>>)
    %dma_wait3A_162 = arith.constant 0 : i32
    %dma_wait3A_163 = arith.constant 0 : i32
    %dma_wait3A_164 = tpu.memref_slice %arg7[%dma_wait3A_162, %dma_wait3A_163] : memref<25x80xi32, #tpu.memory_space<vmem>> -> memref<1x80xi32, #tpu.memory_space<vmem>>
    %dma_wait3A_165 = tpu.memref_squeeze %dma_wait3A_164 : memref<1x80xi32, #tpu.memory_space<vmem>> -> memref<80xi32, #tpu.memory_space<vmem>>
    %dma_wait3A_166 = arith.constant 0 : i32
    %dma_wait3A_167 = arith.constant 0 : i32
    %dma_wait3A_168 = tpu.memref_slice %arg3[%dma_wait3A_166, %dma_wait3A_167] : memref<10000x128xf32, #tpu.memory_space<hbm>> -> memref<10000x128xf32, #tpu.memory_space<hbm>>
    tpu.wait_indirect_dma semaphore(%arg13 : memref<!tpu.dma_semaphore, #tpu.memory_space<semaphore_mem>>) src(%dma_wait3A_168 : memref<10000x128xf32, #tpu.memory_space<hbm>>) dst(%arg11 : memref<80x128xf32, #tpu.memory_space<vmem>>)
    %get3A = arith.constant 0 : i32
    %get3A_169 = arith.index_cast %get3A : i32 to index
    %get3A_170 = arith.constant 0 : index
    %get3A_171 = tpu.vector_load %arg9[%get3A_169, %get3A_170] {strides = array<i32>} : memref<25x80xi32, #tpu.memory_space<vmem>>, vector<16xi32>,
    tpu.vector_store_idx %arg19[%get3A_171], %broadcast_in_dim3A_141 {add = true} : memref<10240xf32, #tpu.memory_space<vmem>>[vector<16xi32>], vector<16xf32>,
    %get3A_172 = arith.constant 0 : i32
    %get3A_173 = arith.index_cast %get3A_172 : i32 to index
    %get3A_174 = arith.constant 16 : index
    %get3A_175 = tpu.vector_load %arg9[%get3A_173, %get3A_174] {strides = array<i32>} : memref<25x80xi32, #tpu.memory_space<vmem>>, vector<16xi32>,
    tpu.vector_store_idx %arg19[%get3A_175], %broadcast_in_dim3A_141 {add = true} : memref<10240xf32, #tpu.memory_space<vmem>>[vector<16xi32>], vector<16xf32>,
    %get3A_176 = arith.constant 0 : i32
    %get3A_177 = arith.index_cast %get3A_176 : i32 to index
    %get3A_178 = arith.constant 32 : index
    %get3A_179 = tpu.vector_load %arg9[%get3A_177, %get3A_178] {strides = array<i32>} : memref<25x80xi32, #tpu.memory_space<vmem>>, vector<16xi32>,
    tpu.vector_store_idx %arg19[%get3A_179], %broadcast_in_dim3A_141 {add = true} : memref<10240xf32, #tpu.memory_space<vmem>>[vector<16xi32>], vector<16xf32>,
    %get3A_180 = arith.constant 0 : i32
    %get3A_181 = arith.index_cast %get3A_180 : i32 to index
    %get3A_182 = arith.constant 48 : index
    %get3A_183 = tpu.vector_load %arg9[%get3A_181, %get3A_182] {strides = array<i32>} : memref<25x80xi32, #tpu.memory_space<vmem>>, vector<16xi32>,
    tpu.vector_store_idx %arg19[%get3A_183], %broadcast_in_dim3A_141 {add = true} : memref<10240xf32, #tpu.memory_space<vmem>>[vector<16xi32>], vector<16xf32>,
    %get3A_184 = arith.constant 0 : i32
    %get3A_185 = arith.index_cast %get3A_184 : i32 to index
    %get3A_186 = arith.constant 64 : index
    %get3A_187 = tpu.vector_load %arg9[%get3A_185, %get3A_186] {strides = array<i32>} : memref<25x80xi32, #tpu.memory_space<vmem>>, vector<16xi32>,
    tpu.vector_store_idx %arg19[%get3A_187], %broadcast_in_dim3A_141 {add = true} : memref<10240xf32, #tpu.memory_space<vmem>>[vector<16xi32>], vector<16xf32>,
    %dma_start3A_188 = arith.constant 1 : i32
    %dma_start3A_189 = arith.constant 0 : i32
    %dma_start3A_190 = tpu.memref_slice %arg7[%dma_start3A_188, %dma_start3A_189] : memref<25x80xi32, #tpu.memory_space<vmem>> -> memref<1x80xi32, #tpu.memory_space<vmem>>
    %dma_start3A_191 = tpu.memref_squeeze %dma_start3A_190 : memref<1x80xi32, #tpu.memory_space<vmem>> -> memref<80xi32, #tpu.memory_space<vmem>>
    %dma_start3A_192 = arith.constant 0 : i32
    %dma_start3A_193 = arith.constant 0 : i32
    %dma_start3A_194 = tpu.memref_slice %arg3[%dma_start3A_192, %dma_start3A_193] : memref<10000x128xf32, #tpu.memory_space<hbm>> -> memref<10000x128xf32, #tpu.memory_space<hbm>>
    tpu.enqueue_indirect_dma source(%dma_start3A_194 : memref<10000x128xf32, #tpu.memory_space<hbm>>) target(%arg12 : memref<80x128xf32, #tpu.memory_space<vmem>>) offsets(%dma_start3A_191 : memref<80xi32, #tpu.memory_space<vmem>>) semaphore(%arg14 : memref<!tpu.dma_semaphore, #tpu.memory_space<semaphore_mem>>)
    %dma_start3A_195 = arith.constant 0 : i32
    %dma_start3A_196 = arith.constant 0 : i32
    %dma_start3A_197 = tpu.memref_slice %arg9[%dma_start3A_195, %dma_start3A_196] : memref<25x80xi32, #tpu.memory_space<vmem>> -> memref<1x80xi32, #tpu.memory_space<vmem>>
    %dma_start3A_198 = tpu.memref_squeeze %dma_start3A_197 : memref<1x80xi32, #tpu.memory_space<vmem>> -> memref<80xi32, #tpu.memory_space<vmem>>
    %dma_start3A_199 = arith.constant 0 : i32
    %dma_start3A_200 = arith.constant 0 : i32
    %dma_start3A_201 = tpu.memref_slice %arg6[%dma_start3A_199, %dma_start3A_200] : memref<10240x128xf32, #tpu.memory_space<vmem_shared>> -> memref<10240x128xf32, #tpu.memory_space<vmem_shared>>
    tpu.enqueue_indirect_dma source(%arg11 : memref<80x128xf32, #tpu.memory_space<vmem>>) target(%dma_start3A_201 : memref<10240x128xf32, #tpu.memory_space<vmem_shared>>) offsets(%dma_start3A_198 : memref<80xi32, #tpu.memory_space<vmem>>) semaphore(%arg15 : memref<!tpu.dma_semaphore, #tpu.memory_space<semaphore_mem>>) {add = true}
    %dma_wait3A_202 = arith.constant 1 : i32
    %dma_wait3A_203 = arith.constant 0 : i32
    %dma_wait3A_204 = tpu.memref_slice %arg7[%dma_wait3A_202, %dma_wait3A_203] : memref<25x80xi32, #tpu.memory_space<vmem>> -> memref<1x80xi32, #tpu.memory_space<vmem>>
    %dma_wait3A_205 = tpu.memref_squeeze %dma_wait3A_204 : memref<1x80xi32, #tpu.memory_space<vmem>> -> memref<80xi32, #tpu.memory_space<vmem>>
    %dma_wait3A_206 = arith.constant 0 : i32
    %dma_wait3A_207 = arith.constant 0 : i32
    %dma_wait3A_208 = tpu.memref_slice %arg3[%dma_wait3A_206, %dma_wait3A_207] : memref<10000x128xf32, #tpu.memory_space<hbm>> -> memref<10000x128xf32, #tpu.memory_space<hbm>>
    tpu.wait_indirect_dma semaphore(%arg14 : memref<!tpu.dma_semaphore, #tpu.memory_space<semaphore_mem>>) src(%dma_wait3A_208 : memref<10000x128xf32, #tpu.memory_space<hbm>>) dst(%arg12 : memref<80x128xf32, #tpu.memory_space<vmem>>)
    %get3A_209 = arith.constant 1 : i32
    %get3A_210 = arith.index_cast %get3A_209 : i32 to index
    %get3A_211 = arith.constant 0 : index
    %get3A_212 = tpu.vector_load %arg9[%get3A_210, %get3A_211] {strides = array<i32>} : memref<25x80xi32, #tpu.memory_space<vmem>>, vector<16xi32>,
    tpu.vector_store_idx %arg19[%get3A_212], %broadcast_in_dim3A_141 {add = true} : memref<10240xf32, #tpu.memory_space<vmem>>[vector<16xi32>], vector<16xf32>,
    %get3A_213 = arith.constant 1 : i32
    %get3A_214 = arith.index_cast %get3A_213 : i32 to index
    %get3A_215 = arith.constant 16 : index
    %get3A_216 = tpu.vector_load %arg9[%get3A_214, %get3A_215] {strides = array<i32>} : memref<25x80xi32, #tpu.memory_space<vmem>>, vector<16xi32>,
    tpu.vector_store_idx %arg19[%get3A_216], %broadcast_in_dim3A_141 {add = true} : memref<10240xf32, #tpu.memory_space<vmem>>[vector<16xi32>], vector<16xf32>,
    %get3A_217 = arith.constant 1 : i32
    %get3A_218 = arith.index_cast %get3A_217 : i32 to index
    %get3A_219 = arith.constant 32 : index
    %get3A_220 = tpu.vector_load %arg9[%get3A_218, %get3A_219] {strides = array<i32>} : memref<25x80xi32, #tpu.memory_space<vmem>>, vector<16xi32>,
    tpu.vector_store_idx %arg19[%get3A_220], %broadcast_in_dim3A_141 {add = true} : memref<10240xf32, #tpu.memory_space<vmem>>[vector<16xi32>], vector<16xf32>,
    %get3A_221 = arith.constant 1 : i32
    %get3A_222 = arith.index_cast %get3A_221 : i32 to index
    %get3A_223 = arith.constant 48 : index
    %get3A_224 = tpu.vector_load %arg9[%get3A_222, %get3A_223] {strides = array<i32>} : memref<25x80xi32, #tpu.memory_space<vmem>>, vector<16xi32>,
    tpu.vector_store_idx %arg19[%get3A_224], %broadcast_in_dim3A_141 {add = true} : memref<10240xf32, #tpu.memory_space<vmem>>[vector<16xi32>], vector<16xf32>,
    %get3A_225 = arith.constant 1 : i32
    %get3A_226 = arith.index_cast %get3A_225 : i32 to index
    %get3A_227 = arith.constant 64 : index
    %get3A_228 = tpu.vector_load %arg9[%get3A_226, %get3A_227] {strides = array<i32>} : memref<25x80xi32, #tpu.memory_space<vmem>>, vector<16xi32>,
    tpu.vector_store_idx %arg19[%get3A_228], %broadcast_in_dim3A_141 {add = true} : memref<10240xf32, #tpu.memory_space<vmem>>[vector<16xi32>], vector<16xf32>,
    %dma_wait3A_229 = arith.constant 0 : i32
    %dma_wait3A_230 = arith.constant 0 : i32
    %dma_wait3A_231 = tpu.memref_slice %arg9[%dma_wait3A_229, %dma_wait3A_230] : memref<25x80xi32, #tpu.memory_space<vmem>> -> memref<1x80xi32, #tpu.memory_space<vmem>>
    %dma_wait3A_232 = tpu.memref_squeeze %dma_wait3A_231 : memref<1x80xi32, #tpu.memory_space<vmem>> -> memref<80xi32, #tpu.memory_space<vmem>>
    %dma_wait3A_233 = arith.constant 0 : i32
    %dma_wait3A_234 = arith.constant 0 : i32
    %dma_wait3A_235 = tpu.memref_slice %arg6[%dma_wait3A_233, %dma_wait3A_234] : memref<10240x128xf32, #tpu.memory_space<vmem_shared>> -> memref<10240x128xf32, #tpu.memory_space<vmem_shared>>
    tpu.wait_indirect_dma semaphore(%arg15 : memref<!tpu.dma_semaphore, #tpu.memory_space<semaphore_mem>>) src(%arg11 : memref<80x128xf32, #tpu.memory_space<vmem>>) dst(%dma_wait3A_235 : memref<10240x128xf32, #tpu.memory_space<vmem_shared>>)
    %dma_start3A_236 = arith.constant 2 : i32
    %dma_start3A_237 = arith.constant 0 : i32
    %dma_start3A_238 = tpu.memref_slice %arg7[%dma_start3A_236, %dma_start3A_237] : memref<25x80xi32, #tpu.memory_space<vmem>> -> memref<1x80xi32, #tpu.memory_space<vmem>>
    %dma_start3A_239 = tpu.memref_squeeze %dma_start3A_238 : memref<1x80xi32, #tpu.memory_space<vmem>> -> memref<80xi32, #tpu.memory_space<vmem>>
    %dma_start3A_240 = arith.constant 0 : i32
    %dma_start3A_241 = arith.constant 0 : i32
    %dma_start3A_242 = tpu.memref_slice %arg3[%dma_start3A_240, %dma_start3A_241] : memref<10000x128xf32, #tpu.memory_space<hbm>> -> memref<10000x128xf32, #tpu.memory_space<hbm>>
    tpu.enqueue_indirect_dma source(%dma_start3A_242 : memref<10000x128xf32, #tpu.memory_space<hbm>>) target(%arg11 : memref<80x128xf32, #tpu.memory_space<vmem>>) offsets(%dma_start3A_239 : memref<80xi32, #tpu.memory_space<vmem>>) semaphore(%arg13 : memref<!tpu.dma_semaphore, #tpu.memory_space<semaphore_mem>>)
    %dma_start3A_243 = arith.constant 1 : i32
    %dma_start3A_244 = arith.constant 0 : i32
    %dma_start3A_245 = tpu.memref_slice %arg9[%dma_start3A_243, %dma_start3A_244] : memref<25x80xi32, #tpu.memory_space<vmem>> -> memref<1x80xi32, #tpu.memory_space<vmem>>
    %dma_start3A_246 = tpu.memref_squeeze %dma_start3A_245 : memref<1x80xi32, #tpu.memory_space<vmem>> -> memref<80xi32, #tpu.memory_space<vmem>>
    %dma_start3A_247 = arith.constant 0 : i32
    %dma_start3A_248 = arith.constant 0 : i32
    %dma_start3A_249 = tpu.memref_slice %arg6[%dma_start3A_247, %dma_start3A_248] : memref<10240x128xf32, #tpu.memory_space<vmem_shared>> -> memref<10240x128xf32, #tpu.memory_space<vmem_shared>>
    tpu.enqueue_indirect_dma source(%arg12 : memref<80x128xf32, #tpu.memory_space<vmem>>) target(%dma_start3A_249 : memref<10240x128xf32, #tpu.memory_space<vmem_shared>>) offsets(%dma_start3A_246 : memref<80xi32, #tpu.memory_space<vmem>>) semaphore(%arg16 : memref<!tpu.dma_semaphore, #tpu.memory_space<semaphore_mem>>) {add = true}
    %scan3A_250 = arith.constant 0 : i32
    %scan3A_251 = arith.constant 1 : i32
    %scan3A_252 = arith.constant 11 : i32
    %scan3A_253 = arith.addi %scan3A_251, %scan3A_252 : i32
    %scan3A_254 = arith.constant 1 : i32
    scf.for %scan3A_1047 = %scan3A_251 to %scan3A_253 step %scan3A_254  : i32 {
      %mul3A_1048 = arith.constant 2 : i32
      %mul3A_1049 = arith.muli %mul3A_1048, %scan3A_1047 : i32
      %add3A_1050 = arith.constant 1 : i32
      %add3A_1051 = arith.addi %mul3A_1049, %add3A_1050 : i32
      %sub3A = arith.constant 1 : i32
      %sub3A_1052 = arith.subi %mul3A_1049, %sub3A : i32
      %dma_wait3A_1053 = arith.constant 0 : i32
      %dma_wait3A_1054 = tpu.memref_slice %arg7[%mul3A_1049, %dma_wait3A_1053] : memref<25x80xi32, #tpu.memory_space<vmem>> -> memref<1x80xi32, #tpu.memory_space<vmem>>
      %dma_wait3A_1055 = tpu.memref_squeeze %dma_wait3A_1054 : memref<1x80xi32, #tpu.memory_space<vmem>> -> memref<80xi32, #tpu.memory_space<vmem>>
      %dma_wait3A_1056 = arith.constant 0 : i32
      %dma_wait3A_1057 = arith.constant 0 : i32
      %dma_wait3A_1058 = tpu.memref_slice %arg3[%dma_wait3A_1056, %dma_wait3A_1057] : memref<10000x128xf32, #tpu.memory_space<hbm>> -> memref<10000x128xf32, #tpu.memory_space<hbm>>
      tpu.wait_indirect_dma semaphore(%arg13 : memref<!tpu.dma_semaphore, #tpu.memory_space<semaphore_mem>>) src(%dma_wait3A_1058 : memref<10000x128xf32, #tpu.memory_space<hbm>>) dst(%arg11 : memref<80x128xf32, #tpu.memory_space<vmem>>)
      %get3A_1059 = arith.index_cast %mul3A_1049 : i32 to index
      %get3A_1060 = arith.constant 0 : index
      %get3A_1061 = tpu.vector_load %arg9[%get3A_1059, %get3A_1060] {strides = array<i32>} : memref<25x80xi32, #tpu.memory_space<vmem>>, vector<16xi32>,
      tpu.vector_store_idx %arg19[%get3A_1061], %broadcast_in_dim3A_141 {add = true} : memref<10240xf32, #tpu.memory_space<vmem>>[vector<16xi32>], vector<16xf32>,
      %get3A_1062 = arith.index_cast %mul3A_1049 : i32 to index
      %get3A_1063 = arith.constant 16 : index
      %get3A_1064 = tpu.vector_load %arg9[%get3A_1062, %get3A_1063] {strides = array<i32>} : memref<25x80xi32, #tpu.memory_space<vmem>>, vector<16xi32>,
      tpu.vector_store_idx %arg19[%get3A_1064], %broadcast_in_dim3A_141 {add = true} : memref<10240xf32, #tpu.memory_space<vmem>>[vector<16xi32>], vector<16xf32>,
      %get3A_1065 = arith.index_cast %mul3A_1049 : i32 to index
      %get3A_1066 = arith.constant 32 : index
      %get3A_1067 = tpu.vector_load %arg9[%get3A_1065, %get3A_1066] {strides = array<i32>} : memref<25x80xi32, #tpu.memory_space<vmem>>, vector<16xi32>,
      tpu.vector_store_idx %arg19[%get3A_1067], %broadcast_in_dim3A_141 {add = true} : memref<10240xf32, #tpu.memory_space<vmem>>[vector<16xi32>], vector<16xf32>,
      %get3A_1068 = arith.index_cast %mul3A_1049 : i32 to index
      %get3A_1069 = arith.constant 48 : index
      %get3A_1070 = tpu.vector_load %arg9[%get3A_1068, %get3A_1069] {strides = array<i32>} : memref<25x80xi32, #tpu.memory_space<vmem>>, vector<16xi32>,
      tpu.vector_store_idx %arg19[%get3A_1070], %broadcast_in_dim3A_141 {add = true} : memref<10240xf32, #tpu.memory_space<vmem>>[vector<16xi32>], vector<16xf32>,
      %get3A_1071 = arith.index_cast %mul3A_1049 : i32 to index
      %get3A_1072 = arith.constant 64 : index
      %get3A_1073 = tpu.vector_load %arg9[%get3A_1071, %get3A_1072] {strides = array<i32>} : memref<25x80xi32, #tpu.memory_space<vmem>>, vector<16xi32>,
      tpu.vector_store_idx %arg19[%get3A_1073], %broadcast_in_dim3A_141 {add = true} : memref<10240xf32, #tpu.memory_space<vmem>>[vector<16xi32>], vector<16xf32>,
      %dma_wait3A_1074 = arith.constant 0 : i32
      %dma_wait3A_1075 = tpu.memref_slice %arg9[%sub3A_1052, %dma_wait3A_1074] : memref<25x80xi32, #tpu.memory_space<vmem>> -> memref<1x80xi32, #tpu.memory_space<vmem>>
      %dma_wait3A_1076 = tpu.memref_squeeze %dma_wait3A_1075 : memref<1x80xi32, #tpu.memory_space<vmem>> -> memref<80xi32, #tpu.memory_space<vmem>>
      %dma_wait3A_1077 = arith.constant 0 : i32
      %dma_wait3A_1078 = arith.constant 0 : i32
      %dma_wait3A_1079 = tpu.memref_slice %arg6[%dma_wait3A_1077, %dma_wait3A_1078] : memref<10240x128xf32, #tpu.memory_space<vmem_shared>> -> memref<10240x128xf32, #tpu.memory_space<vmem_shared>>
      tpu.wait_indirect_dma semaphore(%arg16 : memref<!tpu.dma_semaphore, #tpu.memory_space<semaphore_mem>>) src(%arg12 : memref<80x128xf32, #tpu.memory_space<vmem>>) dst(%dma_wait3A_1079 : memref<10240x128xf32, #tpu.memory_space<vmem_shared>>)
      %dma_start3A_1080 = arith.constant 0 : i32
      %dma_start3A_1081 = tpu.memref_slice %arg7[%add3A_1051, %dma_start3A_1080] : memref<25x80xi32, #tpu.memory_space<vmem>> -> memref<1x80xi32, #tpu.memory_space<vmem>>
      %dma_start3A_1082 = tpu.memref_squeeze %dma_start3A_1081 : memref<1x80xi32, #tpu.memory_space<vmem>> -> memref<80xi32, #tpu.memory_space<vmem>>
      %dma_start3A_1083 = arith.constant 0 : i32
      %dma_start3A_1084 = arith.constant 0 : i32
      %dma_start3A_1085 = tpu.memref_slice %arg3[%dma_start3A_1083, %dma_start3A_1084] : memref<10000x128xf32, #tpu.memory_space<hbm>> -> memref<10000x128xf32, #tpu.memory_space<hbm>>
      tpu.enqueue_indirect_dma source(%dma_start3A_1085 : memref<10000x128xf32, #tpu.memory_space<hbm>>) target(%arg12 : memref<80x128xf32, #tpu.memory_space<vmem>>) offsets(%dma_start3A_1082 : memref<80xi32, #tpu.memory_space<vmem>>) semaphore(%arg14 : memref<!tpu.dma_semaphore, #tpu.memory_space<semaphore_mem>>)
      %dma_start3A_1086 = arith.constant 0 : i32
      %dma_start3A_1087 = tpu.memref_slice %arg9[%mul3A_1049, %dma_start3A_1086] : memref<25x80xi32, #tpu.memory_space<vmem>> -> memref<1x80xi32, #tpu.memory_space<vmem>>
      %dma_start3A_1088 = tpu.memref_squeeze %dma_start3A_1087 : memref<1x80xi32, #tpu.memory_space<vmem>> -> memref<80xi32, #tpu.memory_space<vmem>>
      %dma_start3A_1089 = arith.constant 0 : i32
      %dma_start3A_1090 = arith.constant 0 : i32
      %dma_start3A_1091 = tpu.memref_slice %arg6[%dma_start3A_1089, %dma_start3A_1090] : memref<10240x128xf32, #tpu.memory_space<vmem_shared>> -> memref<10240x128xf32, #tpu.memory_space<vmem_shared>>
      tpu.enqueue_indirect_dma source(%arg11 : memref<80x128xf32, #tpu.memory_space<vmem>>) target(%dma_start3A_1091 : memref<10240x128xf32, #tpu.memory_space<vmem_shared>>) offsets(%dma_start3A_1088 : memref<80xi32, #tpu.memory_space<vmem>>) semaphore(%arg15 : memref<!tpu.dma_semaphore, #tpu.memory_space<semaphore_mem>>) {add = true}
      %add3A_1092 = arith.constant 1 : i32
      %add3A_1093 = arith.addi %mul3A_1049, %add3A_1092 : i32
      %add3A_1094 = arith.constant 2 : i32
      %add3A_1095 = arith.addi %mul3A_1049, %add3A_1094 : i32
      %dma_wait3A_1096 = arith.constant 0 : i32
      %dma_wait3A_1097 = tpu.memref_slice %arg7[%add3A_1093, %dma_wait3A_1096] : memref<25x80xi32, #tpu.memory_space<vmem>> -> memref<1x80xi32, #tpu.memory_space<vmem>>
      %dma_wait3A_1098 = tpu.memref_squeeze %dma_wait3A_1097 : memref<1x80xi32, #tpu.memory_space<vmem>> -> memref<80xi32, #tpu.memory_space<vmem>>
      %dma_wait3A_1099 = arith.constant 0 : i32
      %dma_wait3A_1100 = arith.constant 0 : i32
      %dma_wait3A_1101 = tpu.memref_slice %arg3[%dma_wait3A_1099, %dma_wait3A_1100] : memref<10000x128xf32, #tpu.memory_space<hbm>> -> memref<10000x128xf32, #tpu.memory_space<hbm>>
      tpu.wait_indirect_dma semaphore(%arg14 : memref<!tpu.dma_semaphore, #tpu.memory_space<semaphore_mem>>) src(%dma_wait3A_1101 : memref<10000x128xf32, #tpu.memory_space<hbm>>) dst(%arg12 : memref<80x128xf32, #tpu.memory_space<vmem>>)
      %get3A_1102 = arith.index_cast %add3A_1093 : i32 to index
      %get3A_1103 = arith.constant 0 : index
      %get3A_1104 = tpu.vector_load %arg9[%get3A_1102, %get3A_1103] {strides = array<i32>} : memref<25x80xi32, #tpu.memory_space<vmem>>, vector<16xi32>,
      tpu.vector_store_idx %arg19[%get3A_1104], %broadcast_in_dim3A_141 {add = true} : memref<10240xf32, #tpu.memory_space<vmem>>[vector<16xi32>], vector<16xf32>,
      %get3A_1105 = arith.index_cast %add3A_1093 : i32 to index
      %get3A_1106 = arith.constant 16 : index
      %get3A_1107 = tpu.vector_load %arg9[%get3A_1105, %get3A_1106] {strides = array<i32>} : memref<25x80xi32, #tpu.memory_space<vmem>>, vector<16xi32>,
      tpu.vector_store_idx %arg19[%get3A_1107], %broadcast_in_dim3A_141 {add = true} : memref<10240xf32, #tpu.memory_space<vmem>>[vector<16xi32>], vector<16xf32>,
      %get3A_1108 = arith.index_cast %add3A_1093 : i32 to index
      %get3A_1109 = arith.constant 32 : index
      %get3A_1110 = tpu.vector_load %arg9[%get3A_1108, %get3A_1109] {strides = array<i32>} : memref<25x80xi32, #tpu.memory_space<vmem>>, vector<16xi32>,
      tpu.vector_store_idx %arg19[%get3A_1110], %broadcast_in_dim3A_141 {add = true} : memref<10240xf32, #tpu.memory_space<vmem>>[vector<16xi32>], vector<16xf32>,
      %get3A_1111 = arith.index_cast %add3A_1093 : i32 to index
      %get3A_1112 = arith.constant 48 : index
      %get3A_1113 = tpu.vector_load %arg9[%get3A_1111, %get3A_1112] {strides = array<i32>} : memref<25x80xi32, #tpu.memory_space<vmem>>, vector<16xi32>,
      tpu.vector_store_idx %arg19[%get3A_1113], %broadcast_in_dim3A_141 {add = true} : memref<10240xf32, #tpu.memory_space<vmem>>[vector<16xi32>], vector<16xf32>,
      %get3A_1114 = arith.index_cast %add3A_1093 : i32 to index
      %get3A_1115 = arith.constant 64 : index
      %get3A_1116 = tpu.vector_load %arg9[%get3A_1114, %get3A_1115] {strides = array<i32>} : memref<25x80xi32, #tpu.memory_space<vmem>>, vector<16xi32>,
      tpu.vector_store_idx %arg19[%get3A_1116], %broadcast_in_dim3A_141 {add = true} : memref<10240xf32, #tpu.memory_space<vmem>>[vector<16xi32>], vector<16xf32>,
      %dma_wait3A_1117 = arith.constant 0 : i32
      %dma_wait3A_1118 = tpu.memref_slice %arg9[%mul3A_1049, %dma_wait3A_1117] : memref<25x80xi32, #tpu.memory_space<vmem>> -> memref<1x80xi32, #tpu.memory_space<vmem>>
      %dma_wait3A_1119 = tpu.memref_squeeze %dma_wait3A_1118 : memref<1x80xi32, #tpu.memory_space<vmem>> -> memref<80xi32, #tpu.memory_space<vmem>>
      %dma_wait3A_1120 = arith.constant 0 : i32
      %dma_wait3A_1121 = arith.constant 0 : i32
      %dma_wait3A_1122 = tpu.memref_slice %arg6[%dma_wait3A_1120, %dma_wait3A_1121] : memref<10240x128xf32, #tpu.memory_space<vmem_shared>> -> memref<10240x128xf32, #tpu.memory_space<vmem_shared>>
      tpu.wait_indirect_dma semaphore(%arg15 : memref<!tpu.dma_semaphore, #tpu.memory_space<semaphore_mem>>) src(%arg11 : memref<80x128xf32, #tpu.memory_space<vmem>>) dst(%dma_wait3A_1122 : memref<10240x128xf32, #tpu.memory_space<vmem_shared>>)
      %dma_start3A_1123 = arith.constant 0 : i32
      %dma_start3A_1124 = tpu.memref_slice %arg7[%add3A_1095, %dma_start3A_1123] : memref<25x80xi32, #tpu.memory_space<vmem>> -> memref<1x80xi32, #tpu.memory_space<vmem>>
      %dma_start3A_1125 = tpu.memref_squeeze %dma_start3A_1124 : memref<1x80xi32, #tpu.memory_space<vmem>> -> memref<80xi32, #tpu.memory_space<vmem>>
      %dma_start3A_1126 = arith.constant 0 : i32
      %dma_start3A_1127 = arith.constant 0 : i32
      %dma_start3A_1128 = tpu.memref_slice %arg3[%dma_start3A_1126, %dma_start3A_1127] : memref<10000x128xf32, #tpu.memory_space<hbm>> -> memref<10000x128xf32, #tpu.memory_space<hbm>>
      tpu.enqueue_indirect_dma source(%dma_start3A_1128 : memref<10000x128xf32, #tpu.memory_space<hbm>>) target(%arg11 : memref<80x128xf32, #tpu.memory_space<vmem>>) offsets(%dma_start3A_1125 : memref<80xi32, #tpu.memory_space<vmem>>) semaphore(%arg13 : memref<!tpu.dma_semaphore, #tpu.memory_space<semaphore_mem>>)
      %dma_start3A_1129 = arith.constant 0 : i32
      %dma_start3A_1130 = tpu.memref_slice %arg9[%add3A_1093, %dma_start3A_1129] : memref<25x80xi32, #tpu.memory_space<vmem>> -> memref<1x80xi32, #tpu.memory_space<vmem>>
      %dma_start3A_1131 = tpu.memref_squeeze %dma_start3A_1130 : memref<1x80xi32, #tpu.memory_space<vmem>> -> memref<80xi32, #tpu.memory_space<vmem>>
      %dma_start3A_1132 = arith.constant 0 : i32
      %dma_start3A_1133 = arith.constant 0 : i32
      %dma_start3A_1134 = tpu.memref_slice %arg6[%dma_start3A_1132, %dma_start3A_1133] : memref<10240x128xf32, #tpu.memory_space<vmem_shared>> -> memref<10240x128xf32, #tpu.memory_space<vmem_shared>>
      tpu.enqueue_indirect_dma source(%arg12 : memref<80x128xf32, #tpu.memory_space<vmem>>) target(%dma_start3A_1134 : memref<10240x128xf32, #tpu.memory_space<vmem_shared>>) offsets(%dma_start3A_1131 : memref<80xi32, #tpu.memory_space<vmem>>) semaphore(%arg16 : memref<!tpu.dma_semaphore, #tpu.memory_space<semaphore_mem>>) {add = true}
    }
    %scan3A_255 = arith.constant 11 : i32
    %dma_wait3A_256 = arith.constant 0 : i32
    %dma_wait3A_257 = arith.constant 1 : i32
    %dma_wait3A_258 = arith.constant 0 : i32
    %dma_wait3A_259 = arith.constant 0 : i32
    %dma_wait3A_260 = tpu.memref_slice %arg2[%dma_wait3A_256, %add3A, %dma_wait3A_257, %dma_wait3A_258, %dma_wait3A_259] : memref<2x32x5x25x80xi32, #tpu.memory_space<hbm>> -> memref<1x1x1x25x80xi32, #tpu.memory_space<hbm>>
    %dma_wait3A_261 = tpu.memref_squeeze %dma_wait3A_260 : memref<1x1x1x25x80xi32, #tpu.memory_space<hbm>> -> memref<25x80xi32, #tpu.memory_space<hbm>>
    %dma_wait3A_262 = arith.constant 0 : i32
    %dma_wait3A_263 = arith.constant 0 : i32
    %dma_wait3A_264 = tpu.memref_slice %arg2[%dma_wait3A_256, %add3A, %dma_wait3A_257, %dma_wait3A_262, %dma_wait3A_263] : memref<2x32x5x25x80xi32, #tpu.memory_space<hbm>> -> memref<1x1x1x25x80xi32, #tpu.memory_space<hbm>>
    %dma_wait3A_265 = tpu.memref_squeeze %dma_wait3A_264 : memref<1x1x1x25x80xi32, #tpu.memory_space<hbm>> -> memref<25x80xi32, #tpu.memory_space<hbm>>
    tpu.wait_dma2 semaphore(%arg17 : memref<!tpu.dma_semaphore, #tpu.memory_space<semaphore_mem>>) src(%dma_wait3A_265 : memref<25x80xi32, #tpu.memory_space<hbm>>) dst(%arg8 : memref<25x80xi32, #tpu.memory_space<vmem>>)
    %dma_wait3A_266 = arith.constant 1 : i32
    %dma_wait3A_267 = arith.constant 1 : i32
    %dma_wait3A_268 = arith.constant 0 : i32
    %dma_wait3A_269 = arith.constant 0 : i32
    %dma_wait3A_270 = tpu.memref_slice %arg2[%dma_wait3A_266, %add3A, %dma_wait3A_267, %dma_wait3A_268, %dma_wait3A_269] : memref<2x32x5x25x80xi32, #tpu.memory_space<hbm>> -> memref<1x1x1x25x80xi32, #tpu.memory_space<hbm>>
    %dma_wait3A_271 = tpu.memref_squeeze %dma_wait3A_270 : memref<1x1x1x25x80xi32, #tpu.memory_space<hbm>> -> memref<25x80xi32, #tpu.memory_space<hbm>>
    %dma_wait3A_272 = arith.constant 0 : i32
    %dma_wait3A_273 = arith.constant 0 : i32
    %dma_wait3A_274 = tpu.memref_slice %arg2[%dma_wait3A_266, %add3A, %dma_wait3A_267, %dma_wait3A_272, %dma_wait3A_273] : memref<2x32x5x25x80xi32, #tpu.memory_space<hbm>> -> memref<1x1x1x25x80xi32, #tpu.memory_space<hbm>>
    %dma_wait3A_275 = tpu.memref_squeeze %dma_wait3A_274 : memref<1x1x1x25x80xi32, #tpu.memory_space<hbm>> -> memref<25x80xi32, #tpu.memory_space<hbm>>
    tpu.wait_dma2 semaphore(%arg17 : memref<!tpu.dma_semaphore, #tpu.memory_space<semaphore_mem>>) src(%dma_wait3A_275 : memref<25x80xi32, #tpu.memory_space<hbm>>) dst(%arg10 : memref<25x80xi32, #tpu.memory_space<vmem>>)
    %dma_wait3A_276 = arith.constant 24 : i32
    %dma_wait3A_277 = arith.constant 0 : i32
    %dma_wait3A_278 = tpu.memref_slice %arg7[%dma_wait3A_276, %dma_wait3A_277] : memref<25x80xi32, #tpu.memory_space<vmem>> -> memref<1x80xi32, #tpu.memory_space<vmem>>
    %dma_wait3A_279 = tpu.memref_squeeze %dma_wait3A_278 : memref<1x80xi32, #tpu.memory_space<vmem>> -> memref<80xi32, #tpu.memory_space<vmem>>
    %dma_wait3A_280 = arith.constant 0 : i32
    %dma_wait3A_281 = arith.constant 0 : i32
    %dma_wait3A_282 = tpu.memref_slice %arg3[%dma_wait3A_280, %dma_wait3A_281] : memref<10000x128xf32, #tpu.memory_space<hbm>> -> memref<10000x128xf32, #tpu.memory_space<hbm>>
    tpu.wait_indirect_dma semaphore(%arg13 : memref<!tpu.dma_semaphore, #tpu.memory_space<semaphore_mem>>) src(%dma_wait3A_282 : memref<10000x128xf32, #tpu.memory_space<hbm>>) dst(%arg11 : memref<80x128xf32, #tpu.memory_space<vmem>>)
    %get3A_283 = arith.constant 24 : i32
    %get3A_284 = arith.index_cast %get3A_283 : i32 to index
    %get3A_285 = arith.constant 0 : index
    %get3A_286 = tpu.vector_load %arg9[%get3A_284, %get3A_285] {strides = array<i32>} : memref<25x80xi32, #tpu.memory_space<vmem>>, vector<16xi32>,
    tpu.vector_store_idx %arg19[%get3A_286], %broadcast_in_dim3A_141 {add = true} : memref<10240xf32, #tpu.memory_space<vmem>>[vector<16xi32>], vector<16xf32>,
    %get3A_287 = arith.constant 24 : i32
    %get3A_288 = arith.index_cast %get3A_287 : i32 to index
    %get3A_289 = arith.constant 16 : index
    %get3A_290 = tpu.vector_load %arg9[%get3A_288, %get3A_289] {strides = array<i32>} : memref<25x80xi32, #tpu.memory_space<vmem>>, vector<16xi32>,
    tpu.vector_store_idx %arg19[%get3A_290], %broadcast_in_dim3A_141 {add = true} : memref<10240xf32, #tpu.memory_space<vmem>>[vector<16xi32>], vector<16xf32>,
    %get3A_291 = arith.constant 24 : i32
    %get3A_292 = arith.index_cast %get3A_291 : i32 to index
    %get3A_293 = arith.constant 32 : index
    %get3A_294 = tpu.vector_load %arg9[%get3A_292, %get3A_293] {strides = array<i32>} : memref<25x80xi32, #tpu.memory_space<vmem>>, vector<16xi32>,
    tpu.vector_store_idx %arg19[%get3A_294], %broadcast_in_dim3A_141 {add = true} : memref<10240xf32, #tpu.memory_space<vmem>>[vector<16xi32>], vector<16xf32>,
    %get3A_295 = arith.constant 24 : i32
    %get3A_296 = arith.index_cast %get3A_295 : i32 to index
    %get3A_297 = arith.constant 48 : index
    %get3A_298 = tpu.vector_load %arg9[%get3A_296, %get3A_297] {strides = array<i32>} : memref<25x80xi32, #tpu.memory_space<vmem>>, vector<16xi32>,
    tpu.vector_store_idx %arg19[%get3A_298], %broadcast_in_dim3A_141 {add = true} : memref<10240xf32, #tpu.memory_space<vmem>>[vector<16xi32>], vector<16xf32>,
    %get3A_299 = arith.constant 24 : i32
    %get3A_300 = arith.index_cast %get3A_299 : i32 to index
    %get3A_301 = arith.constant 64 : index
    %get3A_302 = tpu.vector_load %arg9[%get3A_300, %get3A_301] {strides = array<i32>} : memref<25x80xi32, #tpu.memory_space<vmem>>, vector<16xi32>,
    tpu.vector_store_idx %arg19[%get3A_302], %broadcast_in_dim3A_141 {add = true} : memref<10240xf32, #tpu.memory_space<vmem>>[vector<16xi32>], vector<16xf32>,
    %dma_wait3A_303 = arith.constant 23 : i32
    %dma_wait3A_304 = arith.constant 0 : i32
    %dma_wait3A_305 = tpu.memref_slice %arg9[%dma_wait3A_303, %dma_wait3A_304] : memref<25x80xi32, #tpu.memory_space<vmem>> -> memref<1x80xi32, #tpu.memory_space<vmem>>
    %dma_wait3A_306 = tpu.memref_squeeze %dma_wait3A_305 : memref<1x80xi32, #tpu.memory_space<vmem>> -> memref<80xi32, #tpu.memory_space<vmem>>
    %dma_wait3A_307 = arith.constant 0 : i32
    %dma_wait3A_308 = arith.constant 0 : i32
    %dma_wait3A_309 = tpu.memref_slice %arg6[%dma_wait3A_307, %dma_wait3A_308] : memref<10240x128xf32, #tpu.memory_space<vmem_shared>> -> memref<10240x128xf32, #tpu.memory_space<vmem_shared>>
    tpu.wait_indirect_dma semaphore(%arg16 : memref<!tpu.dma_semaphore, #tpu.memory_space<semaphore_mem>>) src(%arg12 : memref<80x128xf32, #tpu.memory_space<vmem>>) dst(%dma_wait3A_309 : memref<10240x128xf32, #tpu.memory_space<vmem_shared>>)
    %dma_start3A_310 = arith.constant 0 : i32
    %dma_start3A_311 = arith.constant 0 : i32
    %dma_start3A_312 = tpu.memref_slice %arg8[%dma_start3A_310, %dma_start3A_311] : memref<25x80xi32, #tpu.memory_space<vmem>> -> memref<1x80xi32, #tpu.memory_space<vmem>>
    %dma_start3A_313 = tpu.memref_squeeze %dma_start3A_312 : memref<1x80xi32, #tpu.memory_space<vmem>> -> memref<80xi32, #tpu.memory_space<vmem>>
    %dma_start3A_314 = arith.constant 0 : i32
    %dma_start3A_315 = arith.constant 0 : i32
    %dma_start3A_316 = tpu.memref_slice %arg3[%dma_start3A_314, %dma_start3A_315] : memref<10000x128xf32, #tpu.memory_space<hbm>> -> memref<10000x128xf32, #tpu.memory_space<hbm>>
    tpu.enqueue_indirect_dma source(%dma_start3A_316 : memref<10000x128xf32, #tpu.memory_space<hbm>>) target(%arg12 : memref<80x128xf32, #tpu.memory_space<vmem>>) offsets(%dma_start3A_313 : memref<80xi32, #tpu.memory_space<vmem>>) semaphore(%arg14 : memref<!tpu.dma_semaphore, #tpu.memory_space<semaphore_mem>>)
    %dma_start3A_317 = arith.constant 24 : i32
    %dma_start3A_318 = arith.constant 0 : i32
    %dma_start3A_319 = tpu.memref_slice %arg9[%dma_start3A_317, %dma_start3A_318] : memref<25x80xi32, #tpu.memory_space<vmem>> -> memref<1x80xi32, #tpu.memory_space<vmem>>
    %dma_start3A_320 = tpu.memref_squeeze %dma_start3A_319 : memref<1x80xi32, #tpu.memory_space<vmem>> -> memref<80xi32, #tpu.memory_space<vmem>>
    %dma_start3A_321 = arith.constant 0 : i32
    %dma_start3A_322 = arith.constant 0 : i32
    %dma_start3A_323 = tpu.memref_slice %arg6[%dma_start3A_321, %dma_start3A_322] : memref<10240x128xf32, #tpu.memory_space<vmem_shared>> -> memref<10240x128xf32, #tpu.memory_space<vmem_shared>>
    tpu.enqueue_indirect_dma source(%arg11 : memref<80x128xf32, #tpu.memory_space<vmem>>) target(%dma_start3A_323 : memref<10240x128xf32, #tpu.memory_space<vmem_shared>>) offsets(%dma_start3A_320 : memref<80xi32, #tpu.memory_space<vmem>>) semaphore(%arg15 : memref<!tpu.dma_semaphore, #tpu.memory_space<semaphore_mem>>) {add = true}
    %dma_wait3A_324 = arith.constant 24 : i32
    %dma_wait3A_325 = arith.constant 0 : i32
    %dma_wait3A_326 = tpu.memref_slice %arg9[%dma_wait3A_324, %dma_wait3A_325] : memref<25x80xi32, #tpu.memory_space<vmem>> -> memref<1x80xi32, #tpu.memory_space<vmem>>
    %dma_wait3A_327 = tpu.memref_squeeze %dma_wait3A_326 : memref<1x80xi32, #tpu.memory_space<vmem>> -> memref<80xi32, #tpu.memory_space<vmem>>
    %dma_wait3A_328 = arith.constant 0 : i32
    %dma_wait3A_329 = arith.constant 0 : i32
    %dma_wait3A_330 = tpu.memref_slice %arg6[%dma_wait3A_328, %dma_wait3A_329] : memref<10240x128xf32, #tpu.memory_space<vmem_shared>> -> memref<10240x128xf32, #tpu.memory_space<vmem_shared>>
    tpu.wait_indirect_dma semaphore(%arg15 : memref<!tpu.dma_semaphore, #tpu.memory_space<semaphore_mem>>) src(%arg11 : memref<80x128xf32, #tpu.memory_space<vmem>>) dst(%dma_wait3A_330 : memref<10240x128xf32, #tpu.memory_space<vmem_shared>>)
    %dma_start3A_331 = arith.constant 0 : i32
    %dma_start3A_332 = arith.constant 2 : i32
    %dma_start3A_333 = arith.constant 0 : i32
    %dma_start3A_334 = arith.constant 0 : i32
    %dma_start3A_335 = tpu.memref_slice %arg2[%dma_start3A_331, %add3A, %dma_start3A_332, %dma_start3A_333, %dma_start3A_334] : memref<2x32x5x25x80xi32, #tpu.memory_space<hbm>> -> memref<1x1x1x25x80xi32, #tpu.memory_space<hbm>>
    %dma_start3A_336 = tpu.memref_squeeze %dma_start3A_335 : memref<1x1x1x25x80xi32, #tpu.memory_space<hbm>> -> memref<25x80xi32, #tpu.memory_space<hbm>>
    %dma_start3A_337 = arith.constant 0 : i32
    %dma_start3A_338 = arith.constant 0 : i32
    %dma_start3A_339 = tpu.memref_slice %arg2[%dma_start3A_331, %add3A, %dma_start3A_332, %dma_start3A_337, %dma_start3A_338] : memref<2x32x5x25x80xi32, #tpu.memory_space<hbm>> -> memref<1x1x1x25x80xi32, #tpu.memory_space<hbm>>
    %dma_start3A_340 = tpu.memref_squeeze %dma_start3A_339 : memref<1x1x1x25x80xi32, #tpu.memory_space<hbm>> -> memref<25x80xi32, #tpu.memory_space<hbm>>
    tpu.enqueue_dma source(%dma_start3A_340 : memref<25x80xi32, #tpu.memory_space<hbm>>) target(%arg7 : memref<25x80xi32, #tpu.memory_space<vmem>>) target_semaphore(%arg17 : memref<!tpu.dma_semaphore, #tpu.memory_space<semaphore_mem>>)
    %dma_start3A_341 = arith.constant 1 : i32
    %dma_start3A_342 = arith.constant 2 : i32
    %dma_start3A_343 = arith.constant 0 : i32
    %dma_start3A_344 = arith.constant 0 : i32
    %dma_start3A_345 = tpu.memref_slice %arg2[%dma_start3A_341, %add3A, %dma_start3A_342, %dma_start3A_343, %dma_start3A_344] : memref<2x32x5x25x80xi32, #tpu.memory_space<hbm>> -> memref<1x1x1x25x80xi32, #tpu.memory_space<hbm>>
    %dma_start3A_346 = tpu.memref_squeeze %dma_start3A_345 : memref<1x1x1x25x80xi32, #tpu.memory_space<hbm>> -> memref<25x80xi32, #tpu.memory_space<hbm>>
    %dma_start3A_347 = arith.constant 0 : i32
    %dma_start3A_348 = arith.constant 0 : i32
    %dma_start3A_349 = tpu.memref_slice %arg2[%dma_start3A_341, %add3A, %dma_start3A_342, %dma_start3A_347, %dma_start3A_348] : memref<2x32x5x25x80xi32, #tpu.memory_space<hbm>> -> memref<1x1x1x25x80xi32, #tpu.memory_space<hbm>>
    %dma_start3A_350 = tpu.memref_squeeze %dma_start3A_349 : memref<1x1x1x25x80xi32, #tpu.memory_space<hbm>> -> memref<25x80xi32, #tpu.memory_space<hbm>>
    tpu.enqueue_dma source(%dma_start3A_350 : memref<25x80xi32, #tpu.memory_space<hbm>>) target(%arg9 : memref<25x80xi32, #tpu.memory_space<vmem>>) target_semaphore(%arg17 : memref<!tpu.dma_semaphore, #tpu.memory_space<semaphore_mem>>)
    %dma_wait3A_351 = arith.constant 0 : i32
    %dma_wait3A_352 = arith.constant 0 : i32
    %dma_wait3A_353 = tpu.memref_slice %arg8[%dma_wait3A_351, %dma_wait3A_352] : memref<25x80xi32, #tpu.memory_space<vmem>> -> memref<1x80xi32, #tpu.memory_space<vmem>>
    %dma_wait3A_354 = tpu.memref_squeeze %dma_wait3A_353 : memref<1x80xi32, #tpu.memory_space<vmem>> -> memref<80xi32, #tpu.memory_space<vmem>>
    %dma_wait3A_355 = arith.constant 0 : i32
    %dma_wait3A_356 = arith.constant 0 : i32
    %dma_wait3A_357 = tpu.memref_slice %arg3[%dma_wait3A_355, %dma_wait3A_356] : memref<10000x128xf32, #tpu.memory_space<hbm>> -> memref<10000x128xf32, #tpu.memory_space<hbm>>
    tpu.wait_indirect_dma semaphore(%arg14 : memref<!tpu.dma_semaphore, #tpu.memory_space<semaphore_mem>>) src(%dma_wait3A_357 : memref<10000x128xf32, #tpu.memory_space<hbm>>) dst(%arg12 : memref<80x128xf32, #tpu.memory_space<vmem>>)
    %get3A_358 = arith.constant 0 : i32
    %get3A_359 = arith.index_cast %get3A_358 : i32 to index
    %get3A_360 = arith.constant 0 : index
    %get3A_361 = tpu.vector_load %arg10[%get3A_359, %get3A_360] {strides = array<i32>} : memref<25x80xi32, #tpu.memory_space<vmem>>, vector<16xi32>,
    tpu.vector_store_idx %arg19[%get3A_361], %broadcast_in_dim3A_141 {add = true} : memref<10240xf32, #tpu.memory_space<vmem>>[vector<16xi32>], vector<16xf32>,
    %get3A_362 = arith.constant 0 : i32
    %get3A_363 = arith.index_cast %get3A_362 : i32 to index
    %get3A_364 = arith.constant 16 : index
    %get3A_365 = tpu.vector_load %arg10[%get3A_363, %get3A_364] {strides = array<i32>} : memref<25x80xi32, #tpu.memory_space<vmem>>, vector<16xi32>,
    tpu.vector_store_idx %arg19[%get3A_365], %broadcast_in_dim3A_141 {add = true} : memref<10240xf32, #tpu.memory_space<vmem>>[vector<16xi32>], vector<16xf32>,
    %get3A_366 = arith.constant 0 : i32
    %get3A_367 = arith.index_cast %get3A_366 : i32 to index
    %get3A_368 = arith.constant 32 : index
    %get3A_369 = tpu.vector_load %arg10[%get3A_367, %get3A_368] {strides = array<i32>} : memref<25x80xi32, #tpu.memory_space<vmem>>, vector<16xi32>,
    tpu.vector_store_idx %arg19[%get3A_369], %broadcast_in_dim3A_141 {add = true} : memref<10240xf32, #tpu.memory_space<vmem>>[vector<16xi32>], vector<16xf32>,
    %get3A_370 = arith.constant 0 : i32
    %get3A_371 = arith.index_cast %get3A_370 : i32 to index
    %get3A_372 = arith.constant 48 : index
    %get3A_373 = tpu.vector_load %arg10[%get3A_371, %get3A_372] {strides = array<i32>} : memref<25x80xi32, #tpu.memory_space<vmem>>, vector<16xi32>,
    tpu.vector_store_idx %arg19[%get3A_373], %broadcast_in_dim3A_141 {add = true} : memref<10240xf32, #tpu.memory_space<vmem>>[vector<16xi32>], vector<16xf32>,
    %get3A_374 = arith.constant 0 : i32
    %get3A_375 = arith.index_cast %get3A_374 : i32 to index
    %get3A_376 = arith.constant 64 : index
    %get3A_377 = tpu.vector_load %arg10[%get3A_375, %get3A_376] {strides = array<i32>} : memref<25x80xi32, #tpu.memory_space<vmem>>, vector<16xi32>,
    tpu.vector_store_idx %arg19[%get3A_377], %broadcast_in_dim3A_141 {add = true} : memref<10240xf32, #tpu.memory_space<vmem>>[vector<16xi32>], vector<16xf32>,
    %dma_start3A_378 = arith.constant 1 : i32
    %dma_start3A_379 = arith.constant 0 : i32
    %dma_start3A_380 = tpu.memref_slice %arg8[%dma_start3A_378, %dma_start3A_379] : memref<25x80xi32, #tpu.memory_space<vmem>> -> memref<1x80xi32, #tpu.memory_space<vmem>>
    %dma_start3A_381 = tpu.memref_squeeze %dma_start3A_380 : memref<1x80xi32, #tpu.memory_space<vmem>> -> memref<80xi32, #tpu.memory_space<vmem>>
    %dma_start3A_382 = arith.constant 0 : i32
    %dma_start3A_383 = arith.constant 0 : i32
    %dma_start3A_384 = tpu.memref_slice %arg3[%dma_start3A_382, %dma_start3A_383] : memref<10000x128xf32, #tpu.memory_space<hbm>> -> memref<10000x128xf32, #tpu.memory_space<hbm>>
    tpu.enqueue_indirect_dma source(%dma_start3A_384 : memref<10000x128xf32, #tpu.memory_space<hbm>>) target(%arg11 : memref<80x128xf32, #tpu.memory_space<vmem>>) offsets(%dma_start3A_381 : memref<80xi32, #tpu.memory_space<vmem>>) semaphore(%arg13 : memref<!tpu.dma_semaphore, #tpu.memory_space<semaphore_mem>>)
    %dma_start3A_385 = arith.constant 0 : i32
    %dma_start3A_386 = arith.constant 0 : i32
    %dma_start3A_387 = tpu.memref_slice %arg10[%dma_start3A_385, %dma_start3A_386] : memref<25x80xi32, #tpu.memory_space<vmem>> -> memref<1x80xi32, #tpu.memory_space<vmem>>
    %dma_start3A_388 = tpu.memref_squeeze %dma_start3A_387 : memref<1x80xi32, #tpu.memory_space<vmem>> -> memref<80xi32, #tpu.memory_space<vmem>>
    %dma_start3A_389 = arith.constant 0 : i32
    %dma_start3A_390 = arith.constant 0 : i32
    %dma_start3A_391 = tpu.memref_slice %arg6[%dma_start3A_389, %dma_start3A_390] : memref<10240x128xf32, #tpu.memory_space<vmem_shared>> -> memref<10240x128xf32, #tpu.memory_space<vmem_shared>>
    tpu.enqueue_indirect_dma source(%arg12 : memref<80x128xf32, #tpu.memory_space<vmem>>) target(%dma_start3A_391 : memref<10240x128xf32, #tpu.memory_space<vmem_shared>>) offsets(%dma_start3A_388 : memref<80xi32, #tpu.memory_space<vmem>>) semaphore(%arg16 : memref<!tpu.dma_semaphore, #tpu.memory_space<semaphore_mem>>) {add = true}
    %dma_wait3A_392 = arith.constant 1 : i32
    %dma_wait3A_393 = arith.constant 0 : i32
    %dma_wait3A_394 = tpu.memref_slice %arg8[%dma_wait3A_392, %dma_wait3A_393] : memref<25x80xi32, #tpu.memory_space<vmem>> -> memref<1x80xi32, #tpu.memory_space<vmem>>
    %dma_wait3A_395 = tpu.memref_squeeze %dma_wait3A_394 : memref<1x80xi32, #tpu.memory_space<vmem>> -> memref<80xi32, #tpu.memory_space<vmem>>
    %dma_wait3A_396 = arith.constant 0 : i32
    %dma_wait3A_397 = arith.constant 0 : i32
    %dma_wait3A_398 = tpu.memref_slice %arg3[%dma_wait3A_396, %dma_wait3A_397] : memref<10000x128xf32, #tpu.memory_space<hbm>> -> memref<10000x128xf32, #tpu.memory_space<hbm>>
    tpu.wait_indirect_dma semaphore(%arg13 : memref<!tpu.dma_semaphore, #tpu.memory_space<semaphore_mem>>) src(%dma_wait3A_398 : memref<10000x128xf32, #tpu.memory_space<hbm>>) dst(%arg11 : memref<80x128xf32, #tpu.memory_space<vmem>>)
    %get3A_399 = arith.constant 1 : i32
    %get3A_400 = arith.index_cast %get3A_399 : i32 to index
    %get3A_401 = arith.constant 0 : index
    %get3A_402 = tpu.vector_load %arg10[%get3A_400, %get3A_401] {strides = array<i32>} : memref<25x80xi32, #tpu.memory_space<vmem>>, vector<16xi32>,
    tpu.vector_store_idx %arg19[%get3A_402], %broadcast_in_dim3A_141 {add = true} : memref<10240xf32, #tpu.memory_space<vmem>>[vector<16xi32>], vector<16xf32>,
    %get3A_403 = arith.constant 1 : i32
    %get3A_404 = arith.index_cast %get3A_403 : i32 to index
    %get3A_405 = arith.constant 16 : index
    %get3A_406 = tpu.vector_load %arg10[%get3A_404, %get3A_405] {strides = array<i32>} : memref<25x80xi32, #tpu.memory_space<vmem>>, vector<16xi32>,
    tpu.vector_store_idx %arg19[%get3A_406], %broadcast_in_dim3A_141 {add = true} : memref<10240xf32, #tpu.memory_space<vmem>>[vector<16xi32>], vector<16xf32>,
    %get3A_407 = arith.constant 1 : i32
    %get3A_408 = arith.index_cast %get3A_407 : i32 to index
    %get3A_409 = arith.constant 32 : index
    %get3A_410 = tpu.vector_load %arg10[%get3A_408, %get3A_409] {strides = array<i32>} : memref<25x80xi32, #tpu.memory_space<vmem>>, vector<16xi32>,
    tpu.vector_store_idx %arg19[%get3A_410], %broadcast_in_dim3A_141 {add = true} : memref<10240xf32, #tpu.memory_space<vmem>>[vector<16xi32>], vector<16xf32>,
    %get3A_411 = arith.constant 1 : i32
    %get3A_412 = arith.index_cast %get3A_411 : i32 to index
    %get3A_413 = arith.constant 48 : index
    %get3A_414 = tpu.vector_load %arg10[%get3A_412, %get3A_413] {strides = array<i32>} : memref<25x80xi32, #tpu.memory_space<vmem>>, vector<16xi32>,
    tpu.vector_store_idx %arg19[%get3A_414], %broadcast_in_dim3A_141 {add = true} : memref<10240xf32, #tpu.memory_space<vmem>>[vector<16xi32>], vector<16xf32>,
    %get3A_415 = arith.constant 1 : i32
    %get3A_416 = arith.index_cast %get3A_415 : i32 to index
    %get3A_417 = arith.constant 64 : index
    %get3A_418 = tpu.vector_load %arg10[%get3A_416, %get3A_417] {strides = array<i32>} : memref<25x80xi32, #tpu.memory_space<vmem>>, vector<16xi32>,
    tpu.vector_store_idx %arg19[%get3A_418], %broadcast_in_dim3A_141 {add = true} : memref<10240xf32, #tpu.memory_space<vmem>>[vector<16xi32>], vector<16xf32>,
    %dma_wait3A_419 = arith.constant 0 : i32
    %dma_wait3A_420 = arith.constant 0 : i32
    %dma_wait3A_421 = tpu.memref_slice %arg10[%dma_wait3A_419, %dma_wait3A_420] : memref<25x80xi32, #tpu.memory_space<vmem>> -> memref<1x80xi32, #tpu.memory_space<vmem>>
    %dma_wait3A_422 = tpu.memref_squeeze %dma_wait3A_421 : memref<1x80xi32, #tpu.memory_space<vmem>> -> memref<80xi32, #tpu.memory_space<vmem>>
    %dma_wait3A_423 = arith.constant 0 : i32
    %dma_wait3A_424 = arith.constant 0 : i32
    %dma_wait3A_425 = tpu.memref_slice %arg6[%dma_wait3A_423, %dma_wait3A_424] : memref<10240x128xf32, #tpu.memory_space<vmem_shared>> -> memref<10240x128xf32, #tpu.memory_space<vmem_shared>>
    tpu.wait_indirect_dma semaphore(%arg16 : memref<!tpu.dma_semaphore, #tpu.memory_space<semaphore_mem>>) src(%arg12 : memref<80x128xf32, #tpu.memory_space<vmem>>) dst(%dma_wait3A_425 : memref<10240x128xf32, #tpu.memory_space<vmem_shared>>)
    %dma_start3A_426 = arith.constant 2 : i32
    %dma_start3A_427 = arith.constant 0 : i32
    %dma_start3A_428 = tpu.memref_slice %arg8[%dma_start3A_426, %dma_start3A_427] : memref<25x80xi32, #tpu.memory_space<vmem>> -> memref<1x80xi32, #tpu.memory_space<vmem>>
    %dma_start3A_429 = tpu.memref_squeeze %dma_start3A_428 : memref<1x80xi32, #tpu.memory_space<vmem>> -> memref<80xi32, #tpu.memory_space<vmem>>
    %dma_start3A_430 = arith.constant 0 : i32
    %dma_start3A_431 = arith.constant 0 : i32
    %dma_start3A_432 = tpu.memref_slice %arg3[%dma_start3A_430, %dma_start3A_431] : memref<10000x128xf32, #tpu.memory_space<hbm>> -> memref<10000x128xf32, #tpu.memory_space<hbm>>
    tpu.enqueue_indirect_dma source(%dma_start3A_432 : memref<10000x128xf32, #tpu.memory_space<hbm>>) target(%arg12 : memref<80x128xf32, #tpu.memory_space<vmem>>) offsets(%dma_start3A_429 : memref<80xi32, #tpu.memory_space<vmem>>) semaphore(%arg14 : memref<!tpu.dma_semaphore, #tpu.memory_space<semaphore_mem>>)
    %dma_start3A_433 = arith.constant 1 : i32
    %dma_start3A_434 = arith.constant 0 : i32
    %dma_start3A_435 = tpu.memref_slice %arg10[%dma_start3A_433, %dma_start3A_434] : memref<25x80xi32, #tpu.memory_space<vmem>> -> memref<1x80xi32, #tpu.memory_space<vmem>>
    %dma_start3A_436 = tpu.memref_squeeze %dma_start3A_435 : memref<1x80xi32, #tpu.memory_space<vmem>> -> memref<80xi32, #tpu.memory_space<vmem>>
    %dma_start3A_437 = arith.constant 0 : i32
    %dma_start3A_438 = arith.constant 0 : i32
    %dma_start3A_439 = tpu.memref_slice %arg6[%dma_start3A_437, %dma_start3A_438] : memref<10240x128xf32, #tpu.memory_space<vmem_shared>> -> memref<10240x128xf32, #tpu.memory_space<vmem_shared>>
    tpu.enqueue_indirect_dma source(%arg11 : memref<80x128xf32, #tpu.memory_space<vmem>>) target(%dma_start3A_439 : memref<10240x128xf32, #tpu.memory_space<vmem_shared>>) offsets(%dma_start3A_436 : memref<80xi32, #tpu.memory_space<vmem>>) semaphore(%arg15 : memref<!tpu.dma_semaphore, #tpu.memory_space<semaphore_mem>>) {add = true}
    %scan3A_440 = arith.constant 0 : i32
    %scan3A_441 = arith.constant 1 : i32
    %scan3A_442 = arith.constant 11 : i32
    %scan3A_443 = arith.addi %scan3A_441, %scan3A_442 : i32
    %scan3A_444 = arith.constant 1 : i32
    scf.for %scan3A_1047 = %scan3A_441 to %scan3A_443 step %scan3A_444  : i32 {
      %mul3A_1048 = arith.constant 2 : i32
      %mul3A_1049 = arith.muli %mul3A_1048, %scan3A_1047 : i32
      %add3A_1050 = arith.constant 1 : i32
      %add3A_1051 = arith.addi %mul3A_1049, %add3A_1050 : i32
      %sub3A = arith.constant 1 : i32
      %sub3A_1052 = arith.subi %mul3A_1049, %sub3A : i32
      %dma_wait3A_1053 = arith.constant 0 : i32
      %dma_wait3A_1054 = tpu.memref_slice %arg8[%mul3A_1049, %dma_wait3A_1053] : memref<25x80xi32, #tpu.memory_space<vmem>> -> memref<1x80xi32, #tpu.memory_space<vmem>>
      %dma_wait3A_1055 = tpu.memref_squeeze %dma_wait3A_1054 : memref<1x80xi32, #tpu.memory_space<vmem>> -> memref<80xi32, #tpu.memory_space<vmem>>
      %dma_wait3A_1056 = arith.constant 0 : i32
      %dma_wait3A_1057 = arith.constant 0 : i32
      %dma_wait3A_1058 = tpu.memref_slice %arg3[%dma_wait3A_1056, %dma_wait3A_1057] : memref<10000x128xf32, #tpu.memory_space<hbm>> -> memref<10000x128xf32, #tpu.memory_space<hbm>>
      tpu.wait_indirect_dma semaphore(%arg14 : memref<!tpu.dma_semaphore, #tpu.memory_space<semaphore_mem>>) src(%dma_wait3A_1058 : memref<10000x128xf32, #tpu.memory_space<hbm>>) dst(%arg12 : memref<80x128xf32, #tpu.memory_space<vmem>>)
      %get3A_1059 = arith.index_cast %mul3A_1049 : i32 to index
      %get3A_1060 = arith.constant 0 : index
      %get3A_1061 = tpu.vector_load %arg10[%get3A_1059, %get3A_1060] {strides = array<i32>} : memref<25x80xi32, #tpu.memory_space<vmem>>, vector<16xi32>,
      tpu.vector_store_idx %arg19[%get3A_1061], %broadcast_in_dim3A_141 {add = true} : memref<10240xf32, #tpu.memory_space<vmem>>[vector<16xi32>], vector<16xf32>,
      %get3A_1062 = arith.index_cast %mul3A_1049 : i32 to index
      %get3A_1063 = arith.constant 16 : index
      %get3A_1064 = tpu.vector_load %arg10[%get3A_1062, %get3A_1063] {strides = array<i32>} : memref<25x80xi32, #tpu.memory_space<vmem>>, vector<16xi32>,
      tpu.vector_store_idx %arg19[%get3A_1064], %broadcast_in_dim3A_141 {add = true} : memref<10240xf32, #tpu.memory_space<vmem>>[vector<16xi32>], vector<16xf32>,
      %get3A_1065 = arith.index_cast %mul3A_1049 : i32 to index
      %get3A_1066 = arith.constant 32 : index
      %get3A_1067 = tpu.vector_load %arg10[%get3A_1065, %get3A_1066] {strides = array<i32>} : memref<25x80xi32, #tpu.memory_space<vmem>>, vector<16xi32>,
      tpu.vector_store_idx %arg19[%get3A_1067], %broadcast_in_dim3A_141 {add = true} : memref<10240xf32, #tpu.memory_space<vmem>>[vector<16xi32>], vector<16xf32>,
      %get3A_1068 = arith.index_cast %mul3A_1049 : i32 to index
      %get3A_1069 = arith.constant 48 : index
      %get3A_1070 = tpu.vector_load %arg10[%get3A_1068, %get3A_1069] {strides = array<i32>} : memref<25x80xi32, #tpu.memory_space<vmem>>, vector<16xi32>,
      tpu.vector_store_idx %arg19[%get3A_1070], %broadcast_in_dim3A_141 {add = true} : memref<10240xf32, #tpu.memory_space<vmem>>[vector<16xi32>], vector<16xf32>,
      %get3A_1071 = arith.index_cast %mul3A_1049 : i32 to index
      %get3A_1072 = arith.constant 64 : index
      %get3A_1073 = tpu.vector_load %arg10[%get3A_1071, %get3A_1072] {strides = array<i32>} : memref<25x80xi32, #tpu.memory_space<vmem>>, vector<16xi32>,
      tpu.vector_store_idx %arg19[%get3A_1073], %broadcast_in_dim3A_141 {add = true} : memref<10240xf32, #tpu.memory_space<vmem>>[vector<16xi32>], vector<16xf32>,
      %dma_wait3A_1074 = arith.constant 0 : i32
      %dma_wait3A_1075 = tpu.memref_slice %arg10[%sub3A_1052, %dma_wait3A_1074] : memref<25x80xi32, #tpu.memory_space<vmem>> -> memref<1x80xi32, #tpu.memory_space<vmem>>
      %dma_wait3A_1076 = tpu.memref_squeeze %dma_wait3A_1075 : memref<1x80xi32, #tpu.memory_space<vmem>> -> memref<80xi32, #tpu.memory_space<vmem>>
      %dma_wait3A_1077 = arith.constant 0 : i32
      %dma_wait3A_1078 = arith.constant 0 : i32
      %dma_wait3A_1079 = tpu.memref_slice %arg6[%dma_wait3A_1077, %dma_wait3A_1078] : memref<10240x128xf32, #tpu.memory_space<vmem_shared>> -> memref<10240x128xf32, #tpu.memory_space<vmem_shared>>
      tpu.wait_indirect_dma semaphore(%arg15 : memref<!tpu.dma_semaphore, #tpu.memory_space<semaphore_mem>>) src(%arg11 : memref<80x128xf32, #tpu.memory_space<vmem>>) dst(%dma_wait3A_1079 : memref<10240x128xf32, #tpu.memory_space<vmem_shared>>)
      %dma_start3A_1080 = arith.constant 0 : i32
      %dma_start3A_1081 = tpu.memref_slice %arg8[%add3A_1051, %dma_start3A_1080] : memref<25x80xi32, #tpu.memory_space<vmem>> -> memref<1x80xi32, #tpu.memory_space<vmem>>
      %dma_start3A_1082 = tpu.memref_squeeze %dma_start3A_1081 : memref<1x80xi32, #tpu.memory_space<vmem>> -> memref<80xi32, #tpu.memory_space<vmem>>
      %dma_start3A_1083 = arith.constant 0 : i32
      %dma_start3A_1084 = arith.constant 0 : i32
      %dma_start3A_1085 = tpu.memref_slice %arg3[%dma_start3A_1083, %dma_start3A_1084] : memref<10000x128xf32, #tpu.memory_space<hbm>> -> memref<10000x128xf32, #tpu.memory_space<hbm>>
      tpu.enqueue_indirect_dma source(%dma_start3A_1085 : memref<10000x128xf32, #tpu.memory_space<hbm>>) target(%arg11 : memref<80x128xf32, #tpu.memory_space<vmem>>) offsets(%dma_start3A_1082 : memref<80xi32, #tpu.memory_space<vmem>>) semaphore(%arg13 : memref<!tpu.dma_semaphore, #tpu.memory_space<semaphore_mem>>)
      %dma_start3A_1086 = arith.constant 0 : i32
      %dma_start3A_1087 = tpu.memref_slice %arg10[%mul3A_1049, %dma_start3A_1086] : memref<25x80xi32, #tpu.memory_space<vmem>> -> memref<1x80xi32, #tpu.memory_space<vmem>>
      %dma_start3A_1088 = tpu.memref_squeeze %dma_start3A_1087 : memref<1x80xi32, #tpu.memory_space<vmem>> -> memref<80xi32, #tpu.memory_space<vmem>>
      %dma_start3A_1089 = arith.constant 0 : i32
      %dma_start3A_1090 = arith.constant 0 : i32
      %dma_start3A_1091 = tpu.memref_slice %arg6[%dma_start3A_1089, %dma_start3A_1090] : memref<10240x128xf32, #tpu.memory_space<vmem_shared>> -> memref<10240x128xf32, #tpu.memory_space<vmem_shared>>
      tpu.enqueue_indirect_dma source(%arg12 : memref<80x128xf32, #tpu.memory_space<vmem>>) target(%dma_start3A_1091 : memref<10240x128xf32, #tpu.memory_space<vmem_shared>>) offsets(%dma_start3A_1088 : memref<80xi32, #tpu.memory_space<vmem>>) semaphore(%arg16 : memref<!tpu.dma_semaphore, #tpu.memory_space<semaphore_mem>>) {add = true}
      %add3A_1092 = arith.constant 1 : i32
      %add3A_1093 = arith.addi %mul3A_1049, %add3A_1092 : i32
      %add3A_1094 = arith.constant 2 : i32
      %add3A_1095 = arith.addi %mul3A_1049, %add3A_1094 : i32
      %dma_wait3A_1096 = arith.constant 0 : i32
      %dma_wait3A_1097 = tpu.memref_slice %arg8[%add3A_1093, %dma_wait3A_1096] : memref<25x80xi32, #tpu.memory_space<vmem>> -> memref<1x80xi32, #tpu.memory_space<vmem>>
      %dma_wait3A_1098 = tpu.memref_squeeze %dma_wait3A_1097 : memref<1x80xi32, #tpu.memory_space<vmem>> -> memref<80xi32, #tpu.memory_space<vmem>>
      %dma_wait3A_1099 = arith.constant 0 : i32
      %dma_wait3A_1100 = arith.constant 0 : i32
      %dma_wait3A_1101 = tpu.memref_slice %arg3[%dma_wait3A_1099, %dma_wait3A_1100] : memref<10000x128xf32, #tpu.memory_space<hbm>> -> memref<10000x128xf32, #tpu.memory_space<hbm>>
      tpu.wait_indirect_dma semaphore(%arg13 : memref<!tpu.dma_semaphore, #tpu.memory_space<semaphore_mem>>) src(%dma_wait3A_1101 : memref<10000x128xf32, #tpu.memory_space<hbm>>) dst(%arg11 : memref<80x128xf32, #tpu.memory_space<vmem>>)
      %get3A_1102 = arith.index_cast %add3A_1093 : i32 to index
      %get3A_1103 = arith.constant 0 : index
      %get3A_1104 = tpu.vector_load %arg10[%get3A_1102, %get3A_1103] {strides = array<i32>} : memref<25x80xi32, #tpu.memory_space<vmem>>, vector<16xi32>,
      tpu.vector_store_idx %arg19[%get3A_1104], %broadcast_in_dim3A_141 {add = true} : memref<10240xf32, #tpu.memory_space<vmem>>[vector<16xi32>], vector<16xf32>,
      %get3A_1105 = arith.index_cast %add3A_1093 : i32 to index
      %get3A_1106 = arith.constant 16 : index
      %get3A_1107 = tpu.vector_load %arg10[%get3A_1105, %get3A_1106] {strides = array<i32>} : memref<25x80xi32, #tpu.memory_space<vmem>>, vector<16xi32>,
      tpu.vector_store_idx %arg19[%get3A_1107], %broadcast_in_dim3A_141 {add = true} : memref<10240xf32, #tpu.memory_space<vmem>>[vector<16xi32>], vector<16xf32>,
      %get3A_1108 = arith.index_cast %add3A_1093 : i32 to index
      %get3A_1109 = arith.constant 32 : index
      %get3A_1110 = tpu.vector_load %arg10[%get3A_1108, %get3A_1109] {strides = array<i32>} : memref<25x80xi32, #tpu.memory_space<vmem>>, vector<16xi32>,
      tpu.vector_store_idx %arg19[%get3A_1110], %broadcast_in_dim3A_141 {add = true} : memref<10240xf32, #tpu.memory_space<vmem>>[vector<16xi32>], vector<16xf32>,
      %get3A_1111 = arith.index_cast %add3A_1093 : i32 to index
      %get3A_1112 = arith.constant 48 : index
      %get3A_1113 = tpu.vector_load %arg10[%get3A_1111, %get3A_1112] {strides = array<i32>} : memref<25x80xi32, #tpu.memory_space<vmem>>, vector<16xi32>,
      tpu.vector_store_idx %arg19[%get3A_1113], %broadcast_in_dim3A_141 {add = true} : memref<10240xf32, #tpu.memory_space<vmem>>[vector<16xi32>], vector<16xf32>,
      %get3A_1114 = arith.index_cast %add3A_1093 : i32 to index
      %get3A_1115 = arith.constant 64 : index
      %get3A_1116 = tpu.vector_load %arg10[%get3A_1114, %get3A_1115] {strides = array<i32>} : memref<25x80xi32, #tpu.memory_space<vmem>>, vector<16xi32>,
      tpu.vector_store_idx %arg19[%get3A_1116], %broadcast_in_dim3A_141 {add = true} : memref<10240xf32, #tpu.memory_space<vmem>>[vector<16xi32>], vector<16xf32>,
      %dma_wait3A_1117 = arith.constant 0 : i32
      %dma_wait3A_1118 = tpu.memref_slice %arg10[%mul3A_1049, %dma_wait3A_1117] : memref<25x80xi32, #tpu.memory_space<vmem>> -> memref<1x80xi32, #tpu.memory_space<vmem>>
      %dma_wait3A_1119 = tpu.memref_squeeze %dma_wait3A_1118 : memref<1x80xi32, #tpu.memory_space<vmem>> -> memref<80xi32, #tpu.memory_space<vmem>>
      %dma_wait3A_1120 = arith.constant 0 : i32
      %dma_wait3A_1121 = arith.constant 0 : i32
      %dma_wait3A_1122 = tpu.memref_slice %arg6[%dma_wait3A_1120, %dma_wait3A_1121] : memref<10240x128xf32, #tpu.memory_space<vmem_shared>> -> memref<10240x128xf32, #tpu.memory_space<vmem_shared>>
      tpu.wait_indirect_dma semaphore(%arg16 : memref<!tpu.dma_semaphore, #tpu.memory_space<semaphore_mem>>) src(%arg12 : memref<80x128xf32, #tpu.memory_space<vmem>>) dst(%dma_wait3A_1122 : memref<10240x128xf32, #tpu.memory_space<vmem_shared>>)
      %dma_start3A_1123 = arith.constant 0 : i32
      %dma_start3A_1124 = tpu.memref_slice %arg8[%add3A_1095, %dma_start3A_1123] : memref<25x80xi32, #tpu.memory_space<vmem>> -> memref<1x80xi32, #tpu.memory_space<vmem>>
      %dma_start3A_1125 = tpu.memref_squeeze %dma_start3A_1124 : memref<1x80xi32, #tpu.memory_space<vmem>> -> memref<80xi32, #tpu.memory_space<vmem>>
      %dma_start3A_1126 = arith.constant 0 : i32
      %dma_start3A_1127 = arith.constant 0 : i32
      %dma_start3A_1128 = tpu.memref_slice %arg3[%dma_start3A_1126, %dma_start3A_1127] : memref<10000x128xf32, #tpu.memory_space<hbm>> -> memref<10000x128xf32, #tpu.memory_space<hbm>>
      tpu.enqueue_indirect_dma source(%dma_start3A_1128 : memref<10000x128xf32, #tpu.memory_space<hbm>>) target(%arg12 : memref<80x128xf32, #tpu.memory_space<vmem>>) offsets(%dma_start3A_1125 : memref<80xi32, #tpu.memory_space<vmem>>) semaphore(%arg14 : memref<!tpu.dma_semaphore, #tpu.memory_space<semaphore_mem>>)
      %dma_start3A_1129 = arith.constant 0 : i32
      %dma_start3A_1130 = tpu.memref_slice %arg10[%add3A_1093, %dma_start3A_1129] : memref<25x80xi32, #tpu.memory_space<vmem>> -> memref<1x80xi32, #tpu.memory_space<vmem>>
      %dma_start3A_1131 = tpu.memref_squeeze %dma_start3A_1130 : memref<1x80xi32, #tpu.memory_space<vmem>> -> memref<80xi32, #tpu.memory_space<vmem>>
      %dma_start3A_1132 = arith.constant 0 : i32
      %dma_start3A_1133 = arith.constant 0 : i32
      %dma_start3A_1134 = tpu.memref_slice %arg6[%dma_start3A_1132, %dma_start3A_1133] : memref<10240x128xf32, #tpu.memory_space<vmem_shared>> -> memref<10240x128xf32, #tpu.memory_space<vmem_shared>>
      tpu.enqueue_indirect_dma source(%arg11 : memref<80x128xf32, #tpu.memory_space<vmem>>) target(%dma_start3A_1134 : memref<10240x128xf32, #tpu.memory_space<vmem_shared>>) offsets(%dma_start3A_1131 : memref<80xi32, #tpu.memory_space<vmem>>) semaphore(%arg15 : memref<!tpu.dma_semaphore, #tpu.memory_space<semaphore_mem>>) {add = true}
    }
    %scan3A_445 = arith.constant 11 : i32
    %dma_wait3A_446 = arith.constant 0 : i32
    %dma_wait3A_447 = arith.constant 2 : i32
    %dma_wait3A_448 = arith.constant 0 : i32
    %dma_wait3A_449 = arith.constant 0 : i32
    %dma_wait3A_450 = tpu.memref_slice %arg2[%dma_wait3A_446, %add3A, %dma_wait3A_447, %dma_wait3A_448, %dma_wait3A_449] : memref<2x32x5x25x80xi32, #tpu.memory_space<hbm>> -> memref<1x1x1x25x80xi32, #tpu.memory_space<hbm>>
    %dma_wait3A_451 = tpu.memref_squeeze %dma_wait3A_450 : memref<1x1x1x25x80xi32, #tpu.memory_space<hbm>> -> memref<25x80xi32, #tpu.memory_space<hbm>>
    %dma_wait3A_452 = arith.constant 0 : i32
    %dma_wait3A_453 = arith.constant 0 : i32
    %dma_wait3A_454 = tpu.memref_slice %arg2[%dma_wait3A_446, %add3A, %dma_wait3A_447, %dma_wait3A_452, %dma_wait3A_453] : memref<2x32x5x25x80xi32, #tpu.memory_space<hbm>> -> memref<1x1x1x25x80xi32, #tpu.memory_space<hbm>>
    %dma_wait3A_455 = tpu.memref_squeeze %dma_wait3A_454 : memref<1x1x1x25x80xi32, #tpu.memory_space<hbm>> -> memref<25x80xi32, #tpu.memory_space<hbm>>
    tpu.wait_dma2 semaphore(%arg17 : memref<!tpu.dma_semaphore, #tpu.memory_space<semaphore_mem>>) src(%dma_wait3A_455 : memref<25x80xi32, #tpu.memory_space<hbm>>) dst(%arg7 : memref<25x80xi32, #tpu.memory_space<vmem>>)
    %dma_wait3A_456 = arith.constant 1 : i32
    %dma_wait3A_457 = arith.constant 2 : i32
    %dma_wait3A_458 = arith.constant 0 : i32
    %dma_wait3A_459 = arith.constant 0 : i32
    %dma_wait3A_460 = tpu.memref_slice %arg2[%dma_wait3A_456, %add3A, %dma_wait3A_457, %dma_wait3A_458, %dma_wait3A_459] : memref<2x32x5x25x80xi32, #tpu.memory_space<hbm>> -> memref<1x1x1x25x80xi32, #tpu.memory_space<hbm>>
    %dma_wait3A_461 = tpu.memref_squeeze %dma_wait3A_460 : memref<1x1x1x25x80xi32, #tpu.memory_space<hbm>> -> memref<25x80xi32, #tpu.memory_space<hbm>>
    %dma_wait3A_462 = arith.constant 0 : i32
    %dma_wait3A_463 = arith.constant 0 : i32
    %dma_wait3A_464 = tpu.memref_slice %arg2[%dma_wait3A_456, %add3A, %dma_wait3A_457, %dma_wait3A_462, %dma_wait3A_463] : memref<2x32x5x25x80xi32, #tpu.memory_space<hbm>> -> memref<1x1x1x25x80xi32, #tpu.memory_space<hbm>>
    %dma_wait3A_465 = tpu.memref_squeeze %dma_wait3A_464 : memref<1x1x1x25x80xi32, #tpu.memory_space<hbm>> -> memref<25x80xi32, #tpu.memory_space<hbm>>
    tpu.wait_dma2 semaphore(%arg17 : memref<!tpu.dma_semaphore, #tpu.memory_space<semaphore_mem>>) src(%dma_wait3A_465 : memref<25x80xi32, #tpu.memory_space<hbm>>) dst(%arg9 : memref<25x80xi32, #tpu.memory_space<vmem>>)
    %dma_wait3A_466 = arith.constant 24 : i32
    %dma_wait3A_467 = arith.constant 0 : i32
    %dma_wait3A_468 = tpu.memref_slice %arg8[%dma_wait3A_466, %dma_wait3A_467] : memref<25x80xi32, #tpu.memory_space<vmem>> -> memref<1x80xi32, #tpu.memory_space<vmem>>
    %dma_wait3A_469 = tpu.memref_squeeze %dma_wait3A_468 : memref<1x80xi32, #tpu.memory_space<vmem>> -> memref<80xi32, #tpu.memory_space<vmem>>
    %dma_wait3A_470 = arith.constant 0 : i32
    %dma_wait3A_471 = arith.constant 0 : i32
    %dma_wait3A_472 = tpu.memref_slice %arg3[%dma_wait3A_470, %dma_wait3A_471] : memref<10000x128xf32, #tpu.memory_space<hbm>> -> memref<10000x128xf32, #tpu.memory_space<hbm>>
    tpu.wait_indirect_dma semaphore(%arg14 : memref<!tpu.dma_semaphore, #tpu.memory_space<semaphore_mem>>) src(%dma_wait3A_472 : memref<10000x128xf32, #tpu.memory_space<hbm>>) dst(%arg12 : memref<80x128xf32, #tpu.memory_space<vmem>>)
    %get3A_473 = arith.constant 24 : i32
    %get3A_474 = arith.index_cast %get3A_473 : i32 to index
    %get3A_475 = arith.constant 0 : index
    %get3A_476 = tpu.vector_load %arg10[%get3A_474, %get3A_475] {strides = array<i32>} : memref<25x80xi32, #tpu.memory_space<vmem>>, vector<16xi32>,
    tpu.vector_store_idx %arg19[%get3A_476], %broadcast_in_dim3A_141 {add = true} : memref<10240xf32, #tpu.memory_space<vmem>>[vector<16xi32>], vector<16xf32>,
    %get3A_477 = arith.constant 24 : i32
    %get3A_478 = arith.index_cast %get3A_477 : i32 to index
    %get3A_479 = arith.constant 16 : index
    %get3A_480 = tpu.vector_load %arg10[%get3A_478, %get3A_479] {strides = array<i32>} : memref<25x80xi32, #tpu.memory_space<vmem>>, vector<16xi32>,
    tpu.vector_store_idx %arg19[%get3A_480], %broadcast_in_dim3A_141 {add = true} : memref<10240xf32, #tpu.memory_space<vmem>>[vector<16xi32>], vector<16xf32>,
    %get3A_481 = arith.constant 24 : i32
    %get3A_482 = arith.index_cast %get3A_481 : i32 to index
    %get3A_483 = arith.constant 32 : index
    %get3A_484 = tpu.vector_load %arg10[%get3A_482, %get3A_483] {strides = array<i32>} : memref<25x80xi32, #tpu.memory_space<vmem>>, vector<16xi32>,
    tpu.vector_store_idx %arg19[%get3A_484], %broadcast_in_dim3A_141 {add = true} : memref<10240xf32, #tpu.memory_space<vmem>>[vector<16xi32>], vector<16xf32>,
    %get3A_485 = arith.constant 24 : i32
    %get3A_486 = arith.index_cast %get3A_485 : i32 to index
    %get3A_487 = arith.constant 48 : index
    %get3A_488 = tpu.vector_load %arg10[%get3A_486, %get3A_487] {strides = array<i32>} : memref<25x80xi32, #tpu.memory_space<vmem>>, vector<16xi32>,
    tpu.vector_store_idx %arg19[%get3A_488], %broadcast_in_dim3A_141 {add = true} : memref<10240xf32, #tpu.memory_space<vmem>>[vector<16xi32>], vector<16xf32>,
    %get3A_489 = arith.constant 24 : i32
    %get3A_490 = arith.index_cast %get3A_489 : i32 to index
    %get3A_491 = arith.constant 64 : index
    %get3A_492 = tpu.vector_load %arg10[%get3A_490, %get3A_491] {strides = array<i32>} : memref<25x80xi32, #tpu.memory_space<vmem>>, vector<16xi32>,
    tpu.vector_store_idx %arg19[%get3A_492], %broadcast_in_dim3A_141 {add = true} : memref<10240xf32, #tpu.memory_space<vmem>>[vector<16xi32>], vector<16xf32>,
    %dma_wait3A_493 = arith.constant 23 : i32
    %dma_wait3A_494 = arith.constant 0 : i32
    %dma_wait3A_495 = tpu.memref_slice %arg10[%dma_wait3A_493, %dma_wait3A_494] : memref<25x80xi32, #tpu.memory_space<vmem>> -> memref<1x80xi32, #tpu.memory_space<vmem>>
    %dma_wait3A_496 = tpu.memref_squeeze %dma_wait3A_495 : memref<1x80xi32, #tpu.memory_space<vmem>> -> memref<80xi32, #tpu.memory_space<vmem>>
    %dma_wait3A_497 = arith.constant 0 : i32
    %dma_wait3A_498 = arith.constant 0 : i32
    %dma_wait3A_499 = tpu.memref_slice %arg6[%dma_wait3A_497, %dma_wait3A_498] : memref<10240x128xf32, #tpu.memory_space<vmem_shared>> -> memref<10240x128xf32, #tpu.memory_space<vmem_shared>>
    tpu.wait_indirect_dma semaphore(%arg15 : memref<!tpu.dma_semaphore, #tpu.memory_space<semaphore_mem>>) src(%arg11 : memref<80x128xf32, #tpu.memory_space<vmem>>) dst(%dma_wait3A_499 : memref<10240x128xf32, #tpu.memory_space<vmem_shared>>)
    %dma_start3A_500 = arith.constant 0 : i32
    %dma_start3A_501 = arith.constant 0 : i32
    %dma_start3A_502 = tpu.memref_slice %arg7[%dma_start3A_500, %dma_start3A_501] : memref<25x80xi32, #tpu.memory_space<vmem>> -> memref<1x80xi32, #tpu.memory_space<vmem>>
    %dma_start3A_503 = tpu.memref_squeeze %dma_start3A_502 : memref<1x80xi32, #tpu.memory_space<vmem>> -> memref<80xi32, #tpu.memory_space<vmem>>
    %dma_start3A_504 = arith.constant 0 : i32
    %dma_start3A_505 = arith.constant 0 : i32
    %dma_start3A_506 = tpu.memref_slice %arg3[%dma_start3A_504, %dma_start3A_505] : memref<10000x128xf32, #tpu.memory_space<hbm>> -> memref<10000x128xf32, #tpu.memory_space<hbm>>
    tpu.enqueue_indirect_dma source(%dma_start3A_506 : memref<10000x128xf32, #tpu.memory_space<hbm>>) target(%arg11 : memref<80x128xf32, #tpu.memory_space<vmem>>) offsets(%dma_start3A_503 : memref<80xi32, #tpu.memory_space<vmem>>) semaphore(%arg13 : memref<!tpu.dma_semaphore, #tpu.memory_space<semaphore_mem>>)
    %dma_start3A_507 = arith.constant 24 : i32
    %dma_start3A_508 = arith.constant 0 : i32
    %dma_start3A_509 = tpu.memref_slice %arg10[%dma_start3A_507, %dma_start3A_508] : memref<25x80xi32, #tpu.memory_space<vmem>> -> memref<1x80xi32, #tpu.memory_space<vmem>>
    %dma_start3A_510 = tpu.memref_squeeze %dma_start3A_509 : memref<1x80xi32, #tpu.memory_space<vmem>> -> memref<80xi32, #tpu.memory_space<vmem>>
    %dma_start3A_511 = arith.constant 0 : i32
    %dma_start3A_512 = arith.constant 0 : i32
    %dma_start3A_513 = tpu.memref_slice %arg6[%dma_start3A_511, %dma_start3A_512] : memref<10240x128xf32, #tpu.memory_space<vmem_shared>> -> memref<10240x128xf32, #tpu.memory_space<vmem_shared>>
    tpu.enqueue_indirect_dma source(%arg12 : memref<80x128xf32, #tpu.memory_space<vmem>>) target(%dma_start3A_513 : memref<10240x128xf32, #tpu.memory_space<vmem_shared>>) offsets(%dma_start3A_510 : memref<80xi32, #tpu.memory_space<vmem>>) semaphore(%arg16 : memref<!tpu.dma_semaphore, #tpu.memory_space<semaphore_mem>>) {add = true}
    %dma_wait3A_514 = arith.constant 24 : i32
    %dma_wait3A_515 = arith.constant 0 : i32
    %dma_wait3A_516 = tpu.memref_slice %arg10[%dma_wait3A_514, %dma_wait3A_515] : memref<25x80xi32, #tpu.memory_space<vmem>> -> memref<1x80xi32, #tpu.memory_space<vmem>>
    %dma_wait3A_517 = tpu.memref_squeeze %dma_wait3A_516 : memref<1x80xi32, #tpu.memory_space<vmem>> -> memref<80xi32, #tpu.memory_space<vmem>>
    %dma_wait3A_518 = arith.constant 0 : i32
    %dma_wait3A_519 = arith.constant 0 : i32
    %dma_wait3A_520 = tpu.memref_slice %arg6[%dma_wait3A_518, %dma_wait3A_519] : memref<10240x128xf32, #tpu.memory_space<vmem_shared>> -> memref<10240x128xf32, #tpu.memory_space<vmem_shared>>
    tpu.wait_indirect_dma semaphore(%arg16 : memref<!tpu.dma_semaphore, #tpu.memory_space<semaphore_mem>>) src(%arg12 : memref<80x128xf32, #tpu.memory_space<vmem>>) dst(%dma_wait3A_520 : memref<10240x128xf32, #tpu.memory_space<vmem_shared>>)
    %dma_start3A_521 = arith.constant 0 : i32
    %dma_start3A_522 = arith.constant 3 : i32
    %dma_start3A_523 = arith.constant 0 : i32
    %dma_start3A_524 = arith.constant 0 : i32
    %dma_start3A_525 = tpu.memref_slice %arg2[%dma_start3A_521, %add3A, %dma_start3A_522, %dma_start3A_523, %dma_start3A_524] : memref<2x32x5x25x80xi32, #tpu.memory_space<hbm>> -> memref<1x1x1x25x80xi32, #tpu.memory_space<hbm>>
    %dma_start3A_526 = tpu.memref_squeeze %dma_start3A_525 : memref<1x1x1x25x80xi32, #tpu.memory_space<hbm>> -> memref<25x80xi32, #tpu.memory_space<hbm>>
    %dma_start3A_527 = arith.constant 0 : i32
    %dma_start3A_528 = arith.constant 0 : i32
    %dma_start3A_529 = tpu.memref_slice %arg2[%dma_start3A_521, %add3A, %dma_start3A_522, %dma_start3A_527, %dma_start3A_528] : memref<2x32x5x25x80xi32, #tpu.memory_space<hbm>> -> memref<1x1x1x25x80xi32, #tpu.memory_space<hbm>>
    %dma_start3A_530 = tpu.memref_squeeze %dma_start3A_529 : memref<1x1x1x25x80xi32, #tpu.memory_space<hbm>> -> memref<25x80xi32, #tpu.memory_space<hbm>>
    tpu.enqueue_dma source(%dma_start3A_530 : memref<25x80xi32, #tpu.memory_space<hbm>>) target(%arg8 : memref<25x80xi32, #tpu.memory_space<vmem>>) target_semaphore(%arg17 : memref<!tpu.dma_semaphore, #tpu.memory_space<semaphore_mem>>)
    %dma_start3A_531 = arith.constant 1 : i32
    %dma_start3A_532 = arith.constant 3 : i32
    %dma_start3A_533 = arith.constant 0 : i32
    %dma_start3A_534 = arith.constant 0 : i32
    %dma_start3A_535 = tpu.memref_slice %arg2[%dma_start3A_531, %add3A, %dma_start3A_532, %dma_start3A_533, %dma_start3A_534] : memref<2x32x5x25x80xi32, #tpu.memory_space<hbm>> -> memref<1x1x1x25x80xi32, #tpu.memory_space<hbm>>
    %dma_start3A_536 = tpu.memref_squeeze %dma_start3A_535 : memref<1x1x1x25x80xi32, #tpu.memory_space<hbm>> -> memref<25x80xi32, #tpu.memory_space<hbm>>
    %dma_start3A_537 = arith.constant 0 : i32
    %dma_start3A_538 = arith.constant 0 : i32
    %dma_start3A_539 = tpu.memref_slice %arg2[%dma_start3A_531, %add3A, %dma_start3A_532, %dma_start3A_537, %dma_start3A_538] : memref<2x32x5x25x80xi32, #tpu.memory_space<hbm>> -> memref<1x1x1x25x80xi32, #tpu.memory_space<hbm>>
    %dma_start3A_540 = tpu.memref_squeeze %dma_start3A_539 : memref<1x1x1x25x80xi32, #tpu.memory_space<hbm>> -> memref<25x80xi32, #tpu.memory_space<hbm>>
    tpu.enqueue_dma source(%dma_start3A_540 : memref<25x80xi32, #tpu.memory_space<hbm>>) target(%arg10 : memref<25x80xi32, #tpu.memory_space<vmem>>) target_semaphore(%arg17 : memref<!tpu.dma_semaphore, #tpu.memory_space<semaphore_mem>>)
    %dma_wait3A_541 = arith.constant 0 : i32
    %dma_wait3A_542 = arith.constant 0 : i32
    %dma_wait3A_543 = tpu.memref_slice %arg7[%dma_wait3A_541, %dma_wait3A_542] : memref<25x80xi32, #tpu.memory_space<vmem>> -> memref<1x80xi32, #tpu.memory_space<vmem>>
    %dma_wait3A_544 = tpu.memref_squeeze %dma_wait3A_543 : memref<1x80xi32, #tpu.memory_space<vmem>> -> memref<80xi32, #tpu.memory_space<vmem>>
    %dma_wait3A_545 = arith.constant 0 : i32
    %dma_wait3A_546 = arith.constant 0 : i32
    %dma_wait3A_547 = tpu.memref_slice %arg3[%dma_wait3A_545, %dma_wait3A_546] : memref<10000x128xf32, #tpu.memory_space<hbm>> -> memref<10000x128xf32, #tpu.memory_space<hbm>>
    tpu.wait_indirect_dma semaphore(%arg13 : memref<!tpu.dma_semaphore, #tpu.memory_space<semaphore_mem>>) src(%dma_wait3A_547 : memref<10000x128xf32, #tpu.memory_space<hbm>>) dst(%arg11 : memref<80x128xf32, #tpu.memory_space<vmem>>)
    %get3A_548 = arith.constant 0 : i32
    %get3A_549 = arith.index_cast %get3A_548 : i32 to index
    %get3A_550 = arith.constant 0 : index
    %get3A_551 = tpu.vector_load %arg9[%get3A_549, %get3A_550] {strides = array<i32>} : memref<25x80xi32, #tpu.memory_space<vmem>>, vector<16xi32>,
    tpu.vector_store_idx %arg19[%get3A_551], %broadcast_in_dim3A_141 {add = true} : memref<10240xf32, #tpu.memory_space<vmem>>[vector<16xi32>], vector<16xf32>,
    %get3A_552 = arith.constant 0 : i32
    %get3A_553 = arith.index_cast %get3A_552 : i32 to index
    %get3A_554 = arith.constant 16 : index
    %get3A_555 = tpu.vector_load %arg9[%get3A_553, %get3A_554] {strides = array<i32>} : memref<25x80xi32, #tpu.memory_space<vmem>>, vector<16xi32>,
    tpu.vector_store_idx %arg19[%get3A_555], %broadcast_in_dim3A_141 {add = true} : memref<10240xf32, #tpu.memory_space<vmem>>[vector<16xi32>], vector<16xf32>,
    %get3A_556 = arith.constant 0 : i32
    %get3A_557 = arith.index_cast %get3A_556 : i32 to index
    %get3A_558 = arith.constant 32 : index
    %get3A_559 = tpu.vector_load %arg9[%get3A_557, %get3A_558] {strides = array<i32>} : memref<25x80xi32, #tpu.memory_space<vmem>>, vector<16xi32>,
    tpu.vector_store_idx %arg19[%get3A_559], %broadcast_in_dim3A_141 {add = true} : memref<10240xf32, #tpu.memory_space<vmem>>[vector<16xi32>], vector<16xf32>,
    %get3A_560 = arith.constant 0 : i32
    %get3A_561 = arith.index_cast %get3A_560 : i32 to index
    %get3A_562 = arith.constant 48 : index
    %get3A_563 = tpu.vector_load %arg9[%get3A_561, %get3A_562] {strides = array<i32>} : memref<25x80xi32, #tpu.memory_space<vmem>>, vector<16xi32>,
    tpu.vector_store_idx %arg19[%get3A_563], %broadcast_in_dim3A_141 {add = true} : memref<10240xf32, #tpu.memory_space<vmem>>[vector<16xi32>], vector<16xf32>,
    %get3A_564 = arith.constant 0 : i32
    %get3A_565 = arith.index_cast %get3A_564 : i32 to index
    %get3A_566 = arith.constant 64 : index
    %get3A_567 = tpu.vector_load %arg9[%get3A_565, %get3A_566] {strides = array<i32>} : memref<25x80xi32, #tpu.memory_space<vmem>>, vector<16xi32>,
    tpu.vector_store_idx %arg19[%get3A_567], %broadcast_in_dim3A_141 {add = true} : memref<10240xf32, #tpu.memory_space<vmem>>[vector<16xi32>], vector<16xf32>,
    %dma_start3A_568 = arith.constant 1 : i32
    %dma_start3A_569 = arith.constant 0 : i32
    %dma_start3A_570 = tpu.memref_slice %arg7[%dma_start3A_568, %dma_start3A_569] : memref<25x80xi32, #tpu.memory_space<vmem>> -> memref<1x80xi32, #tpu.memory_space<vmem>>
    %dma_start3A_571 = tpu.memref_squeeze %dma_start3A_570 : memref<1x80xi32, #tpu.memory_space<vmem>> -> memref<80xi32, #tpu.memory_space<vmem>>
    %dma_start3A_572 = arith.constant 0 : i32
    %dma_start3A_573 = arith.constant 0 : i32
    %dma_start3A_574 = tpu.memref_slice %arg3[%dma_start3A_572, %dma_start3A_573] : memref<10000x128xf32, #tpu.memory_space<hbm>> -> memref<10000x128xf32, #tpu.memory_space<hbm>>
    tpu.enqueue_indirect_dma source(%dma_start3A_574 : memref<10000x128xf32, #tpu.memory_space<hbm>>) target(%arg12 : memref<80x128xf32, #tpu.memory_space<vmem>>) offsets(%dma_start3A_571 : memref<80xi32, #tpu.memory_space<vmem>>) semaphore(%arg14 : memref<!tpu.dma_semaphore, #tpu.memory_space<semaphore_mem>>)
    %dma_start3A_575 = arith.constant 0 : i32
    %dma_start3A_576 = arith.constant 0 : i32
    %dma_start3A_577 = tpu.memref_slice %arg9[%dma_start3A_575, %dma_start3A_576] : memref<25x80xi32, #tpu.memory_space<vmem>> -> memref<1x80xi32, #tpu.memory_space<vmem>>
    %dma_start3A_578 = tpu.memref_squeeze %dma_start3A_577 : memref<1x80xi32, #tpu.memory_space<vmem>> -> memref<80xi32, #tpu.memory_space<vmem>>
    %dma_start3A_579 = arith.constant 0 : i32
    %dma_start3A_580 = arith.constant 0 : i32
    %dma_start3A_581 = tpu.memref_slice %arg6[%dma_start3A_579, %dma_start3A_580] : memref<10240x128xf32, #tpu.memory_space<vmem_shared>> -> memref<10240x128xf32, #tpu.memory_space<vmem_shared>>
    tpu.enqueue_indirect_dma source(%arg11 : memref<80x128xf32, #tpu.memory_space<vmem>>) target(%dma_start3A_581 : memref<10240x128xf32, #tpu.memory_space<vmem_shared>>) offsets(%dma_start3A_578 : memref<80xi32, #tpu.memory_space<vmem>>) semaphore(%arg15 : memref<!tpu.dma_semaphore, #tpu.memory_space<semaphore_mem>>) {add = true}
    %dma_wait3A_582 = arith.constant 1 : i32
    %dma_wait3A_583 = arith.constant 0 : i32
    %dma_wait3A_584 = tpu.memref_slice %arg7[%dma_wait3A_582, %dma_wait3A_583] : memref<25x80xi32, #tpu.memory_space<vmem>> -> memref<1x80xi32, #tpu.memory_space<vmem>>
    %dma_wait3A_585 = tpu.memref_squeeze %dma_wait3A_584 : memref<1x80xi32, #tpu.memory_space<vmem>> -> memref<80xi32, #tpu.memory_space<vmem>>
    %dma_wait3A_586 = arith.constant 0 : i32
    %dma_wait3A_587 = arith.constant 0 : i32
    %dma_wait3A_588 = tpu.memref_slice %arg3[%dma_wait3A_586, %dma_wait3A_587] : memref<10000x128xf32, #tpu.memory_space<hbm>> -> memref<10000x128xf32, #tpu.memory_space<hbm>>
    tpu.wait_indirect_dma semaphore(%arg14 : memref<!tpu.dma_semaphore, #tpu.memory_space<semaphore_mem>>) src(%dma_wait3A_588 : memref<10000x128xf32, #tpu.memory_space<hbm>>) dst(%arg12 : memref<80x128xf32, #tpu.memory_space<vmem>>)
    %get3A_589 = arith.constant 1 : i32
    %get3A_590 = arith.index_cast %get3A_589 : i32 to index
    %get3A_591 = arith.constant 0 : index
    %get3A_592 = tpu.vector_load %arg9[%get3A_590, %get3A_591] {strides = array<i32>} : memref<25x80xi32, #tpu.memory_space<vmem>>, vector<16xi32>,
    tpu.vector_store_idx %arg19[%get3A_592], %broadcast_in_dim3A_141 {add = true} : memref<10240xf32, #tpu.memory_space<vmem>>[vector<16xi32>], vector<16xf32>,
    %get3A_593 = arith.constant 1 : i32
    %get3A_594 = arith.index_cast %get3A_593 : i32 to index
    %get3A_595 = arith.constant 16 : index
    %get3A_596 = tpu.vector_load %arg9[%get3A_594, %get3A_595] {strides = array<i32>} : memref<25x80xi32, #tpu.memory_space<vmem>>, vector<16xi32>,
    tpu.vector_store_idx %arg19[%get3A_596], %broadcast_in_dim3A_141 {add = true} : memref<10240xf32, #tpu.memory_space<vmem>>[vector<16xi32>], vector<16xf32>,
    %get3A_597 = arith.constant 1 : i32
    %get3A_598 = arith.index_cast %get3A_597 : i32 to index
    %get3A_599 = arith.constant 32 : index
    %get3A_600 = tpu.vector_load %arg9[%get3A_598, %get3A_599] {strides = array<i32>} : memref<25x80xi32, #tpu.memory_space<vmem>>, vector<16xi32>,
    tpu.vector_store_idx %arg19[%get3A_600], %broadcast_in_dim3A_141 {add = true} : memref<10240xf32, #tpu.memory_space<vmem>>[vector<16xi32>], vector<16xf32>,
    %get3A_601 = arith.constant 1 : i32
    %get3A_602 = arith.index_cast %get3A_601 : i32 to index
    %get3A_603 = arith.constant 48 : index
    %get3A_604 = tpu.vector_load %arg9[%get3A_602, %get3A_603] {strides = array<i32>} : memref<25x80xi32, #tpu.memory_space<vmem>>, vector<16xi32>,
    tpu.vector_store_idx %arg19[%get3A_604], %broadcast_in_dim3A_141 {add = true} : memref<10240xf32, #tpu.memory_space<vmem>>[vector<16xi32>], vector<16xf32>,
    %get3A_605 = arith.constant 1 : i32
    %get3A_606 = arith.index_cast %get3A_605 : i32 to index
    %get3A_607 = arith.constant 64 : index
    %get3A_608 = tpu.vector_load %arg9[%get3A_606, %get3A_607] {strides = array<i32>} : memref<25x80xi32, #tpu.memory_space<vmem>>, vector<16xi32>,
    tpu.vector_store_idx %arg19[%get3A_608], %broadcast_in_dim3A_141 {add = true} : memref<10240xf32, #tpu.memory_space<vmem>>[vector<16xi32>], vector<16xf32>,
    %dma_wait3A_609 = arith.constant 0 : i32
    %dma_wait3A_610 = arith.constant 0 : i32
    %dma_wait3A_611 = tpu.memref_slice %arg9[%dma_wait3A_609, %dma_wait3A_610] : memref<25x80xi32, #tpu.memory_space<vmem>> -> memref<1x80xi32, #tpu.memory_space<vmem>>
    %dma_wait3A_612 = tpu.memref_squeeze %dma_wait3A_611 : memref<1x80xi32, #tpu.memory_space<vmem>> -> memref<80xi32, #tpu.memory_space<vmem>>
    %dma_wait3A_613 = arith.constant 0 : i32
    %dma_wait3A_614 = arith.constant 0 : i32
    %dma_wait3A_615 = tpu.memref_slice %arg6[%dma_wait3A_613, %dma_wait3A_614] : memref<10240x128xf32, #tpu.memory_space<vmem_shared>> -> memref<10240x128xf32, #tpu.memory_space<vmem_shared>>
    tpu.wait_indirect_dma semaphore(%arg15 : memref<!tpu.dma_semaphore, #tpu.memory_space<semaphore_mem>>) src(%arg11 : memref<80x128xf32, #tpu.memory_space<vmem>>) dst(%dma_wait3A_615 : memref<10240x128xf32, #tpu.memory_space<vmem_shared>>)
    %dma_start3A_616 = arith.constant 2 : i32
    %dma_start3A_617 = arith.constant 0 : i32
    %dma_start3A_618 = tpu.memref_slice %arg7[%dma_start3A_616, %dma_start3A_617] : memref<25x80xi32, #tpu.memory_space<vmem>> -> memref<1x80xi32, #tpu.memory_space<vmem>>
    %dma_start3A_619 = tpu.memref_squeeze %dma_start3A_618 : memref<1x80xi32, #tpu.memory_space<vmem>> -> memref<80xi32, #tpu.memory_space<vmem>>
    %dma_start3A_620 = arith.constant 0 : i32
    %dma_start3A_621 = arith.constant 0 : i32
    %dma_start3A_622 = tpu.memref_slice %arg3[%dma_start3A_620, %dma_start3A_621] : memref<10000x128xf32, #tpu.memory_space<hbm>> -> memref<10000x128xf32, #tpu.memory_space<hbm>>
    tpu.enqueue_indirect_dma source(%dma_start3A_622 : memref<10000x128xf32, #tpu.memory_space<hbm>>) target(%arg11 : memref<80x128xf32, #tpu.memory_space<vmem>>) offsets(%dma_start3A_619 : memref<80xi32, #tpu.memory_space<vmem>>) semaphore(%arg13 : memref<!tpu.dma_semaphore, #tpu.memory_space<semaphore_mem>>)
    %dma_start3A_623 = arith.constant 1 : i32
    %dma_start3A_624 = arith.constant 0 : i32
    %dma_start3A_625 = tpu.memref_slice %arg9[%dma_start3A_623, %dma_start3A_624] : memref<25x80xi32, #tpu.memory_space<vmem>> -> memref<1x80xi32, #tpu.memory_space<vmem>>
    %dma_start3A_626 = tpu.memref_squeeze %dma_start3A_625 : memref<1x80xi32, #tpu.memory_space<vmem>> -> memref<80xi32, #tpu.memory_space<vmem>>
    %dma_start3A_627 = arith.constant 0 : i32
    %dma_start3A_628 = arith.constant 0 : i32
    %dma_start3A_629 = tpu.memref_slice %arg6[%dma_start3A_627, %dma_start3A_628] : memref<10240x128xf32, #tpu.memory_space<vmem_shared>> -> memref<10240x128xf32, #tpu.memory_space<vmem_shared>>
    tpu.enqueue_indirect_dma source(%arg12 : memref<80x128xf32, #tpu.memory_space<vmem>>) target(%dma_start3A_629 : memref<10240x128xf32, #tpu.memory_space<vmem_shared>>) offsets(%dma_start3A_626 : memref<80xi32, #tpu.memory_space<vmem>>) semaphore(%arg16 : memref<!tpu.dma_semaphore, #tpu.memory_space<semaphore_mem>>) {add = true}
    %scan3A_630 = arith.constant 0 : i32
    %scan3A_631 = arith.constant 1 : i32
    %scan3A_632 = arith.constant 11 : i32
    %scan3A_633 = arith.addi %scan3A_631, %scan3A_632 : i32
    %scan3A_634 = arith.constant 1 : i32
    scf.for %scan3A_1047 = %scan3A_631 to %scan3A_633 step %scan3A_634  : i32 {
      %mul3A_1048 = arith.constant 2 : i32
      %mul3A_1049 = arith.muli %mul3A_1048, %scan3A_1047 : i32
      %add3A_1050 = arith.constant 1 : i32
      %add3A_1051 = arith.addi %mul3A_1049, %add3A_1050 : i32
      %sub3A = arith.constant 1 : i32
      %sub3A_1052 = arith.subi %mul3A_1049, %sub3A : i32
      %dma_wait3A_1053 = arith.constant 0 : i32
      %dma_wait3A_1054 = tpu.memref_slice %arg7[%mul3A_1049, %dma_wait3A_1053] : memref<25x80xi32, #tpu.memory_space<vmem>> -> memref<1x80xi32, #tpu.memory_space<vmem>>
      %dma_wait3A_1055 = tpu.memref_squeeze %dma_wait3A_1054 : memref<1x80xi32, #tpu.memory_space<vmem>> -> memref<80xi32, #tpu.memory_space<vmem>>
      %dma_wait3A_1056 = arith.constant 0 : i32
      %dma_wait3A_1057 = arith.constant 0 : i32
      %dma_wait3A_1058 = tpu.memref_slice %arg3[%dma_wait3A_1056, %dma_wait3A_1057] : memref<10000x128xf32, #tpu.memory_space<hbm>> -> memref<10000x128xf32, #tpu.memory_space<hbm>>
      tpu.wait_indirect_dma semaphore(%arg13 : memref<!tpu.dma_semaphore, #tpu.memory_space<semaphore_mem>>) src(%dma_wait3A_1058 : memref<10000x128xf32, #tpu.memory_space<hbm>>) dst(%arg11 : memref<80x128xf32, #tpu.memory_space<vmem>>)
      %get3A_1059 = arith.index_cast %mul3A_1049 : i32 to index
      %get3A_1060 = arith.constant 0 : index
      %get3A_1061 = tpu.vector_load %arg9[%get3A_1059, %get3A_1060] {strides = array<i32>} : memref<25x80xi32, #tpu.memory_space<vmem>>, vector<16xi32>,
      tpu.vector_store_idx %arg19[%get3A_1061], %broadcast_in_dim3A_141 {add = true} : memref<10240xf32, #tpu.memory_space<vmem>>[vector<16xi32>], vector<16xf32>,
      %get3A_1062 = arith.index_cast %mul3A_1049 : i32 to index
      %get3A_1063 = arith.constant 16 : index
      %get3A_1064 = tpu.vector_load %arg9[%get3A_1062, %get3A_1063] {strides = array<i32>} : memref<25x80xi32, #tpu.memory_space<vmem>>, vector<16xi32>,
      tpu.vector_store_idx %arg19[%get3A_1064], %broadcast_in_dim3A_141 {add = true} : memref<10240xf32, #tpu.memory_space<vmem>>[vector<16xi32>], vector<16xf32>,
      %get3A_1065 = arith.index_cast %mul3A_1049 : i32 to index
      %get3A_1066 = arith.constant 32 : index
      %get3A_1067 = tpu.vector_load %arg9[%get3A_1065, %get3A_1066] {strides = array<i32>} : memref<25x80xi32, #tpu.memory_space<vmem>>, vector<16xi32>,
      tpu.vector_store_idx %arg19[%get3A_1067], %broadcast_in_dim3A_141 {add = true} : memref<10240xf32, #tpu.memory_space<vmem>>[vector<16xi32>], vector<16xf32>,
      %get3A_1068 = arith.index_cast %mul3A_1049 : i32 to index
      %get3A_1069 = arith.constant 48 : index
      %get3A_1070 = tpu.vector_load %arg9[%get3A_1068, %get3A_1069] {strides = array<i32>} : memref<25x80xi32, #tpu.memory_space<vmem>>, vector<16xi32>,
      tpu.vector_store_idx %arg19[%get3A_1070], %broadcast_in_dim3A_141 {add = true} : memref<10240xf32, #tpu.memory_space<vmem>>[vector<16xi32>], vector<16xf32>,
      %get3A_1071 = arith.index_cast %mul3A_1049 : i32 to index
      %get3A_1072 = arith.constant 64 : index
      %get3A_1073 = tpu.vector_load %arg9[%get3A_1071, %get3A_1072] {strides = array<i32>} : memref<25x80xi32, #tpu.memory_space<vmem>>, vector<16xi32>,
      tpu.vector_store_idx %arg19[%get3A_1073], %broadcast_in_dim3A_141 {add = true} : memref<10240xf32, #tpu.memory_space<vmem>>[vector<16xi32>], vector<16xf32>,
      %dma_wait3A_1074 = arith.constant 0 : i32
      %dma_wait3A_1075 = tpu.memref_slice %arg9[%sub3A_1052, %dma_wait3A_1074] : memref<25x80xi32, #tpu.memory_space<vmem>> -> memref<1x80xi32, #tpu.memory_space<vmem>>
      %dma_wait3A_1076 = tpu.memref_squeeze %dma_wait3A_1075 : memref<1x80xi32, #tpu.memory_space<vmem>> -> memref<80xi32, #tpu.memory_space<vmem>>
      %dma_wait3A_1077 = arith.constant 0 : i32
      %dma_wait3A_1078 = arith.constant 0 : i32
      %dma_wait3A_1079 = tpu.memref_slice %arg6[%dma_wait3A_1077, %dma_wait3A_1078] : memref<10240x128xf32, #tpu.memory_space<vmem_shared>> -> memref<10240x128xf32, #tpu.memory_space<vmem_shared>>
      tpu.wait_indirect_dma semaphore(%arg16 : memref<!tpu.dma_semaphore, #tpu.memory_space<semaphore_mem>>) src(%arg12 : memref<80x128xf32, #tpu.memory_space<vmem>>) dst(%dma_wait3A_1079 : memref<10240x128xf32, #tpu.memory_space<vmem_shared>>)
      %dma_start3A_1080 = arith.constant 0 : i32
      %dma_start3A_1081 = tpu.memref_slice %arg7[%add3A_1051, %dma_start3A_1080] : memref<25x80xi32, #tpu.memory_space<vmem>> -> memref<1x80xi32, #tpu.memory_space<vmem>>
      %dma_start3A_1082 = tpu.memref_squeeze %dma_start3A_1081 : memref<1x80xi32, #tpu.memory_space<vmem>> -> memref<80xi32, #tpu.memory_space<vmem>>
      %dma_start3A_1083 = arith.constant 0 : i32
      %dma_start3A_1084 = arith.constant 0 : i32
      %dma_start3A_1085 = tpu.memref_slice %arg3[%dma_start3A_1083, %dma_start3A_1084] : memref<10000x128xf32, #tpu.memory_space<hbm>> -> memref<10000x128xf32, #tpu.memory_space<hbm>>
      tpu.enqueue_indirect_dma source(%dma_start3A_1085 : memref<10000x128xf32, #tpu.memory_space<hbm>>) target(%arg12 : memref<80x128xf32, #tpu.memory_space<vmem>>) offsets(%dma_start3A_1082 : memref<80xi32, #tpu.memory_space<vmem>>) semaphore(%arg14 : memref<!tpu.dma_semaphore, #tpu.memory_space<semaphore_mem>>)
      %dma_start3A_1086 = arith.constant 0 : i32
      %dma_start3A_1087 = tpu.memref_slice %arg9[%mul3A_1049, %dma_start3A_1086] : memref<25x80xi32, #tpu.memory_space<vmem>> -> memref<1x80xi32, #tpu.memory_space<vmem>>
      %dma_start3A_1088 = tpu.memref_squeeze %dma_start3A_1087 : memref<1x80xi32, #tpu.memory_space<vmem>> -> memref<80xi32, #tpu.memory_space<vmem>>
      %dma_start3A_1089 = arith.constant 0 : i32
      %dma_start3A_1090 = arith.constant 0 : i32
      %dma_start3A_1091 = tpu.memref_slice %arg6[%dma_start3A_1089, %dma_start3A_1090] : memref<10240x128xf32, #tpu.memory_space<vmem_shared>> -> memref<10240x128xf32, #tpu.memory_space<vmem_shared>>
      tpu.enqueue_indirect_dma source(%arg11 : memref<80x128xf32, #tpu.memory_space<vmem>>) target(%dma_start3A_1091 : memref<10240x128xf32, #tpu.memory_space<vmem_shared>>) offsets(%dma_start3A_1088 : memref<80xi32, #tpu.memory_space<vmem>>) semaphore(%arg15 : memref<!tpu.dma_semaphore, #tpu.memory_space<semaphore_mem>>) {add = true}
      %add3A_1092 = arith.constant 1 : i32
      %add3A_1093 = arith.addi %mul3A_1049, %add3A_1092 : i32
      %add3A_1094 = arith.constant 2 : i32
      %add3A_1095 = arith.addi %mul3A_1049, %add3A_1094 : i32
      %dma_wait3A_1096 = arith.constant 0 : i32
      %dma_wait3A_1097 = tpu.memref_slice %arg7[%add3A_1093, %dma_wait3A_1096] : memref<25x80xi32, #tpu.memory_space<vmem>> -> memref<1x80xi32, #tpu.memory_space<vmem>>
      %dma_wait3A_1098 = tpu.memref_squeeze %dma_wait3A_1097 : memref<1x80xi32, #tpu.memory_space<vmem>> -> memref<80xi32, #tpu.memory_space<vmem>>
      %dma_wait3A_1099 = arith.constant 0 : i32
      %dma_wait3A_1100 = arith.constant 0 : i32
      %dma_wait3A_1101 = tpu.memref_slice %arg3[%dma_wait3A_1099, %dma_wait3A_1100] : memref<10000x128xf32, #tpu.memory_space<hbm>> -> memref<10000x128xf32, #tpu.memory_space<hbm>>
      tpu.wait_indirect_dma semaphore(%arg14 : memref<!tpu.dma_semaphore, #tpu.memory_space<semaphore_mem>>) src(%dma_wait3A_1101 : memref<10000x128xf32, #tpu.memory_space<hbm>>) dst(%arg12 : memref<80x128xf32, #tpu.memory_space<vmem>>)
      %get3A_1102 = arith.index_cast %add3A_1093 : i32 to index
      %get3A_1103 = arith.constant 0 : index
      %get3A_1104 = tpu.vector_load %arg9[%get3A_1102, %get3A_1103] {strides = array<i32>} : memref<25x80xi32, #tpu.memory_space<vmem>>, vector<16xi32>,
      tpu.vector_store_idx %arg19[%get3A_1104], %broadcast_in_dim3A_141 {add = true} : memref<10240xf32, #tpu.memory_space<vmem>>[vector<16xi32>], vector<16xf32>,
      %get3A_1105 = arith.index_cast %add3A_1093 : i32 to index
      %get3A_1106 = arith.constant 16 : index
      %get3A_1107 = tpu.vector_load %arg9[%get3A_1105, %get3A_1106] {strides = array<i32>} : memref<25x80xi32, #tpu.memory_space<vmem>>, vector<16xi32>,
      tpu.vector_store_idx %arg19[%get3A_1107], %broadcast_in_dim3A_141 {add = true} : memref<10240xf32, #tpu.memory_space<vmem>>[vector<16xi32>], vector<16xf32>,
      %get3A_1108 = arith.index_cast %add3A_1093 : i32 to index
      %get3A_1109 = arith.constant 32 : index
      %get3A_1110 = tpu.vector_load %arg9[%get3A_1108, %get3A_1109] {strides = array<i32>} : memref<25x80xi32, #tpu.memory_space<vmem>>, vector<16xi32>,
      tpu.vector_store_idx %arg19[%get3A_1110], %broadcast_in_dim3A_141 {add = true} : memref<10240xf32, #tpu.memory_space<vmem>>[vector<16xi32>], vector<16xf32>,
      %get3A_1111 = arith.index_cast %add3A_1093 : i32 to index
      %get3A_1112 = arith.constant 48 : index
      %get3A_1113 = tpu.vector_load %arg9[%get3A_1111, %get3A_1112] {strides = array<i32>} : memref<25x80xi32, #tpu.memory_space<vmem>>, vector<16xi32>,
      tpu.vector_store_idx %arg19[%get3A_1113], %broadcast_in_dim3A_141 {add = true} : memref<10240xf32, #tpu.memory_space<vmem>>[vector<16xi32>], vector<16xf32>,
      %get3A_1114 = arith.index_cast %add3A_1093 : i32 to index
      %get3A_1115 = arith.constant 64 : index
      %get3A_1116 = tpu.vector_load %arg9[%get3A_1114, %get3A_1115] {strides = array<i32>} : memref<25x80xi32, #tpu.memory_space<vmem>>, vector<16xi32>,
      tpu.vector_store_idx %arg19[%get3A_1116], %broadcast_in_dim3A_141 {add = true} : memref<10240xf32, #tpu.memory_space<vmem>>[vector<16xi32>], vector<16xf32>,
      %dma_wait3A_1117 = arith.constant 0 : i32
      %dma_wait3A_1118 = tpu.memref_slice %arg9[%mul3A_1049, %dma_wait3A_1117] : memref<25x80xi32, #tpu.memory_space<vmem>> -> memref<1x80xi32, #tpu.memory_space<vmem>>
      %dma_wait3A_1119 = tpu.memref_squeeze %dma_wait3A_1118 : memref<1x80xi32, #tpu.memory_space<vmem>> -> memref<80xi32, #tpu.memory_space<vmem>>
      %dma_wait3A_1120 = arith.constant 0 : i32
      %dma_wait3A_1121 = arith.constant 0 : i32
      %dma_wait3A_1122 = tpu.memref_slice %arg6[%dma_wait3A_1120, %dma_wait3A_1121] : memref<10240x128xf32, #tpu.memory_space<vmem_shared>> -> memref<10240x128xf32, #tpu.memory_space<vmem_shared>>
      tpu.wait_indirect_dma semaphore(%arg15 : memref<!tpu.dma_semaphore, #tpu.memory_space<semaphore_mem>>) src(%arg11 : memref<80x128xf32, #tpu.memory_space<vmem>>) dst(%dma_wait3A_1122 : memref<10240x128xf32, #tpu.memory_space<vmem_shared>>)
      %dma_start3A_1123 = arith.constant 0 : i32
      %dma_start3A_1124 = tpu.memref_slice %arg7[%add3A_1095, %dma_start3A_1123] : memref<25x80xi32, #tpu.memory_space<vmem>> -> memref<1x80xi32, #tpu.memory_space<vmem>>
      %dma_start3A_1125 = tpu.memref_squeeze %dma_start3A_1124 : memref<1x80xi32, #tpu.memory_space<vmem>> -> memref<80xi32, #tpu.memory_space<vmem>>
      %dma_start3A_1126 = arith.constant 0 : i32
      %dma_start3A_1127 = arith.constant 0 : i32
      %dma_start3A_1128 = tpu.memref_slice %arg3[%dma_start3A_1126, %dma_start3A_1127] : memref<10000x128xf32, #tpu.memory_space<hbm>> -> memref<10000x128xf32, #tpu.memory_space<hbm>>
      tpu.enqueue_indirect_dma source(%dma_start3A_1128 : memref<10000x128xf32, #tpu.memory_space<hbm>>) target(%arg11 : memref<80x128xf32, #tpu.memory_space<vmem>>) offsets(%dma_start3A_1125 : memref<80xi32, #tpu.memory_space<vmem>>) semaphore(%arg13 : memref<!tpu.dma_semaphore, #tpu.memory_space<semaphore_mem>>)
      %dma_start3A_1129 = arith.constant 0 : i32
      %dma_start3A_1130 = tpu.memref_slice %arg9[%add3A_1093, %dma_start3A_1129] : memref<25x80xi32, #tpu.memory_space<vmem>> -> memref<1x80xi32, #tpu.memory_space<vmem>>
      %dma_start3A_1131 = tpu.memref_squeeze %dma_start3A_1130 : memref<1x80xi32, #tpu.memory_space<vmem>> -> memref<80xi32, #tpu.memory_space<vmem>>
      %dma_start3A_1132 = arith.constant 0 : i32
      %dma_start3A_1133 = arith.constant 0 : i32
      %dma_start3A_1134 = tpu.memref_slice %arg6[%dma_start3A_1132, %dma_start3A_1133] : memref<10240x128xf32, #tpu.memory_space<vmem_shared>> -> memref<10240x128xf32, #tpu.memory_space<vmem_shared>>
      tpu.enqueue_indirect_dma source(%arg12 : memref<80x128xf32, #tpu.memory_space<vmem>>) target(%dma_start3A_1134 : memref<10240x128xf32, #tpu.memory_space<vmem_shared>>) offsets(%dma_start3A_1131 : memref<80xi32, #tpu.memory_space<vmem>>) semaphore(%arg16 : memref<!tpu.dma_semaphore, #tpu.memory_space<semaphore_mem>>) {add = true}
    }
    %scan3A_635 = arith.constant 11 : i32
    %dma_wait3A_636 = arith.constant 0 : i32
    %dma_wait3A_637 = arith.constant 3 : i32
    %dma_wait3A_638 = arith.constant 0 : i32
    %dma_wait3A_639 = arith.constant 0 : i32
    %dma_wait3A_640 = tpu.memref_slice %arg2[%dma_wait3A_636, %add3A, %dma_wait3A_637, %dma_wait3A_638, %dma_wait3A_639] : memref<2x32x5x25x80xi32, #tpu.memory_space<hbm>> -> memref<1x1x1x25x80xi32, #tpu.memory_space<hbm>>
    %dma_wait3A_641 = tpu.memref_squeeze %dma_wait3A_640 : memref<1x1x1x25x80xi32, #tpu.memory_space<hbm>> -> memref<25x80xi32, #tpu.memory_space<hbm>>
    %dma_wait3A_642 = arith.constant 0 : i32
    %dma_wait3A_643 = arith.constant 0 : i32
    %dma_wait3A_644 = tpu.memref_slice %arg2[%dma_wait3A_636, %add3A, %dma_wait3A_637, %dma_wait3A_642, %dma_wait3A_643] : memref<2x32x5x25x80xi32, #tpu.memory_space<hbm>> -> memref<1x1x1x25x80xi32, #tpu.memory_space<hbm>>
    %dma_wait3A_645 = tpu.memref_squeeze %dma_wait3A_644 : memref<1x1x1x25x80xi32, #tpu.memory_space<hbm>> -> memref<25x80xi32, #tpu.memory_space<hbm>>
    tpu.wait_dma2 semaphore(%arg17 : memref<!tpu.dma_semaphore, #tpu.memory_space<semaphore_mem>>) src(%dma_wait3A_645 : memref<25x80xi32, #tpu.memory_space<hbm>>) dst(%arg8 : memref<25x80xi32, #tpu.memory_space<vmem>>)
    %dma_wait3A_646 = arith.constant 1 : i32
    %dma_wait3A_647 = arith.constant 3 : i32
    %dma_wait3A_648 = arith.constant 0 : i32
    %dma_wait3A_649 = arith.constant 0 : i32
    %dma_wait3A_650 = tpu.memref_slice %arg2[%dma_wait3A_646, %add3A, %dma_wait3A_647, %dma_wait3A_648, %dma_wait3A_649] : memref<2x32x5x25x80xi32, #tpu.memory_space<hbm>> -> memref<1x1x1x25x80xi32, #tpu.memory_space<hbm>>
    %dma_wait3A_651 = tpu.memref_squeeze %dma_wait3A_650 : memref<1x1x1x25x80xi32, #tpu.memory_space<hbm>> -> memref<25x80xi32, #tpu.memory_space<hbm>>
    %dma_wait3A_652 = arith.constant 0 : i32
    %dma_wait3A_653 = arith.constant 0 : i32
    %dma_wait3A_654 = tpu.memref_slice %arg2[%dma_wait3A_646, %add3A, %dma_wait3A_647, %dma_wait3A_652, %dma_wait3A_653] : memref<2x32x5x25x80xi32, #tpu.memory_space<hbm>> -> memref<1x1x1x25x80xi32, #tpu.memory_space<hbm>>
    %dma_wait3A_655 = tpu.memref_squeeze %dma_wait3A_654 : memref<1x1x1x25x80xi32, #tpu.memory_space<hbm>> -> memref<25x80xi32, #tpu.memory_space<hbm>>
    tpu.wait_dma2 semaphore(%arg17 : memref<!tpu.dma_semaphore, #tpu.memory_space<semaphore_mem>>) src(%dma_wait3A_655 : memref<25x80xi32, #tpu.memory_space<hbm>>) dst(%arg10 : memref<25x80xi32, #tpu.memory_space<vmem>>)
    %dma_wait3A_656 = arith.constant 24 : i32
    %dma_wait3A_657 = arith.constant 0 : i32
    %dma_wait3A_658 = tpu.memref_slice %arg7[%dma_wait3A_656, %dma_wait3A_657] : memref<25x80xi32, #tpu.memory_space<vmem>> -> memref<1x80xi32, #tpu.memory_space<vmem>>
    %dma_wait3A_659 = tpu.memref_squeeze %dma_wait3A_658 : memref<1x80xi32, #tpu.memory_space<vmem>> -> memref<80xi32, #tpu.memory_space<vmem>>
    %dma_wait3A_660 = arith.constant 0 : i32
    %dma_wait3A_661 = arith.constant 0 : i32
    %dma_wait3A_662 = tpu.memref_slice %arg3[%dma_wait3A_660, %dma_wait3A_661] : memref<10000x128xf32, #tpu.memory_space<hbm>> -> memref<10000x128xf32, #tpu.memory_space<hbm>>
    tpu.wait_indirect_dma semaphore(%arg13 : memref<!tpu.dma_semaphore, #tpu.memory_space<semaphore_mem>>) src(%dma_wait3A_662 : memref<10000x128xf32, #tpu.memory_space<hbm>>) dst(%arg11 : memref<80x128xf32, #tpu.memory_space<vmem>>)
    %get3A_663 = arith.constant 24 : i32
    %get3A_664 = arith.index_cast %get3A_663 : i32 to index
    %get3A_665 = arith.constant 0 : index
    %get3A_666 = tpu.vector_load %arg9[%get3A_664, %get3A_665] {strides = array<i32>} : memref<25x80xi32, #tpu.memory_space<vmem>>, vector<16xi32>,
    tpu.vector_store_idx %arg19[%get3A_666], %broadcast_in_dim3A_141 {add = true} : memref<10240xf32, #tpu.memory_space<vmem>>[vector<16xi32>], vector<16xf32>,
    %get3A_667 = arith.constant 24 : i32
    %get3A_668 = arith.index_cast %get3A_667 : i32 to index
    %get3A_669 = arith.constant 16 : index
    %get3A_670 = tpu.vector_load %arg9[%get3A_668, %get3A_669] {strides = array<i32>} : memref<25x80xi32, #tpu.memory_space<vmem>>, vector<16xi32>,
    tpu.vector_store_idx %arg19[%get3A_670], %broadcast_in_dim3A_141 {add = true} : memref<10240xf32, #tpu.memory_space<vmem>>[vector<16xi32>], vector<16xf32>,
    %get3A_671 = arith.constant 24 : i32
    %get3A_672 = arith.index_cast %get3A_671 : i32 to index
    %get3A_673 = arith.constant 32 : index
    %get3A_674 = tpu.vector_load %arg9[%get3A_672, %get3A_673] {strides = array<i32>} : memref<25x80xi32, #tpu.memory_space<vmem>>, vector<16xi32>,
    tpu.vector_store_idx %arg19[%get3A_674], %broadcast_in_dim3A_141 {add = true} : memref<10240xf32, #tpu.memory_space<vmem>>[vector<16xi32>], vector<16xf32>,
    %get3A_675 = arith.constant 24 : i32
    %get3A_676 = arith.index_cast %get3A_675 : i32 to index
    %get3A_677 = arith.constant 48 : index
    %get3A_678 = tpu.vector_load %arg9[%get3A_676, %get3A_677] {strides = array<i32>} : memref<25x80xi32, #tpu.memory_space<vmem>>, vector<16xi32>,
    tpu.vector_store_idx %arg19[%get3A_678], %broadcast_in_dim3A_141 {add = true} : memref<10240xf32, #tpu.memory_space<vmem>>[vector<16xi32>], vector<16xf32>,
    %get3A_679 = arith.constant 24 : i32
    %get3A_680 = arith.index_cast %get3A_679 : i32 to index
    %get3A_681 = arith.constant 64 : index
    %get3A_682 = tpu.vector_load %arg9[%get3A_680, %get3A_681] {strides = array<i32>} : memref<25x80xi32, #tpu.memory_space<vmem>>, vector<16xi32>,
    tpu.vector_store_idx %arg19[%get3A_682], %broadcast_in_dim3A_141 {add = true} : memref<10240xf32, #tpu.memory_space<vmem>>[vector<16xi32>], vector<16xf32>,
    %dma_wait3A_683 = arith.constant 23 : i32
    %dma_wait3A_684 = arith.constant 0 : i32
    %dma_wait3A_685 = tpu.memref_slice %arg9[%dma_wait3A_683, %dma_wait3A_684] : memref<25x80xi32, #tpu.memory_space<vmem>> -> memref<1x80xi32, #tpu.memory_space<vmem>>
    %dma_wait3A_686 = tpu.memref_squeeze %dma_wait3A_685 : memref<1x80xi32, #tpu.memory_space<vmem>> -> memref<80xi32, #tpu.memory_space<vmem>>
    %dma_wait3A_687 = arith.constant 0 : i32
    %dma_wait3A_688 = arith.constant 0 : i32
    %dma_wait3A_689 = tpu.memref_slice %arg6[%dma_wait3A_687, %dma_wait3A_688] : memref<10240x128xf32, #tpu.memory_space<vmem_shared>> -> memref<10240x128xf32, #tpu.memory_space<vmem_shared>>
    tpu.wait_indirect_dma semaphore(%arg16 : memref<!tpu.dma_semaphore, #tpu.memory_space<semaphore_mem>>) src(%arg12 : memref<80x128xf32, #tpu.memory_space<vmem>>) dst(%dma_wait3A_689 : memref<10240x128xf32, #tpu.memory_space<vmem_shared>>)
    %dma_start3A_690 = arith.constant 0 : i32
    %dma_start3A_691 = arith.constant 0 : i32
    %dma_start3A_692 = tpu.memref_slice %arg8[%dma_start3A_690, %dma_start3A_691] : memref<25x80xi32, #tpu.memory_space<vmem>> -> memref<1x80xi32, #tpu.memory_space<vmem>>
    %dma_start3A_693 = tpu.memref_squeeze %dma_start3A_692 : memref<1x80xi32, #tpu.memory_space<vmem>> -> memref<80xi32, #tpu.memory_space<vmem>>
    %dma_start3A_694 = arith.constant 0 : i32
    %dma_start3A_695 = arith.constant 0 : i32
    %dma_start3A_696 = tpu.memref_slice %arg3[%dma_start3A_694, %dma_start3A_695] : memref<10000x128xf32, #tpu.memory_space<hbm>> -> memref<10000x128xf32, #tpu.memory_space<hbm>>
    tpu.enqueue_indirect_dma source(%dma_start3A_696 : memref<10000x128xf32, #tpu.memory_space<hbm>>) target(%arg12 : memref<80x128xf32, #tpu.memory_space<vmem>>) offsets(%dma_start3A_693 : memref<80xi32, #tpu.memory_space<vmem>>) semaphore(%arg14 : memref<!tpu.dma_semaphore, #tpu.memory_space<semaphore_mem>>)
    %dma_start3A_697 = arith.constant 24 : i32
    %dma_start3A_698 = arith.constant 0 : i32
    %dma_start3A_699 = tpu.memref_slice %arg9[%dma_start3A_697, %dma_start3A_698] : memref<25x80xi32, #tpu.memory_space<vmem>> -> memref<1x80xi32, #tpu.memory_space<vmem>>
    %dma_start3A_700 = tpu.memref_squeeze %dma_start3A_699 : memref<1x80xi32, #tpu.memory_space<vmem>> -> memref<80xi32, #tpu.memory_space<vmem>>
    %dma_start3A_701 = arith.constant 0 : i32
    %dma_start3A_702 = arith.constant 0 : i32
    %dma_start3A_703 = tpu.memref_slice %arg6[%dma_start3A_701, %dma_start3A_702] : memref<10240x128xf32, #tpu.memory_space<vmem_shared>> -> memref<10240x128xf32, #tpu.memory_space<vmem_shared>>
    tpu.enqueue_indirect_dma source(%arg11 : memref<80x128xf32, #tpu.memory_space<vmem>>) target(%dma_start3A_703 : memref<10240x128xf32, #tpu.memory_space<vmem_shared>>) offsets(%dma_start3A_700 : memref<80xi32, #tpu.memory_space<vmem>>) semaphore(%arg15 : memref<!tpu.dma_semaphore, #tpu.memory_space<semaphore_mem>>) {add = true}
    %dma_wait3A_704 = arith.constant 24 : i32
    %dma_wait3A_705 = arith.constant 0 : i32
    %dma_wait3A_706 = tpu.memref_slice %arg9[%dma_wait3A_704, %dma_wait3A_705] : memref<25x80xi32, #tpu.memory_space<vmem>> -> memref<1x80xi32, #tpu.memory_space<vmem>>
    %dma_wait3A_707 = tpu.memref_squeeze %dma_wait3A_706 : memref<1x80xi32, #tpu.memory_space<vmem>> -> memref<80xi32, #tpu.memory_space<vmem>>
    %dma_wait3A_708 = arith.constant 0 : i32
    %dma_wait3A_709 = arith.constant 0 : i32
    %dma_wait3A_710 = tpu.memref_slice %arg6[%dma_wait3A_708, %dma_wait3A_709] : memref<10240x128xf32, #tpu.memory_space<vmem_shared>> -> memref<10240x128xf32, #tpu.memory_space<vmem_shared>>
    tpu.wait_indirect_dma semaphore(%arg15 : memref<!tpu.dma_semaphore, #tpu.memory_space<semaphore_mem>>) src(%arg11 : memref<80x128xf32, #tpu.memory_space<vmem>>) dst(%dma_wait3A_710 : memref<10240x128xf32, #tpu.memory_space<vmem_shared>>)
    %dma_start3A_711 = arith.constant 0 : i32
    %dma_start3A_712 = arith.constant 4 : i32
    %dma_start3A_713 = arith.constant 0 : i32
    %dma_start3A_714 = arith.constant 0 : i32
    %dma_start3A_715 = tpu.memref_slice %arg2[%dma_start3A_711, %add3A, %dma_start3A_712, %dma_start3A_713, %dma_start3A_714] : memref<2x32x5x25x80xi32, #tpu.memory_space<hbm>> -> memref<1x1x1x25x80xi32, #tpu.memory_space<hbm>>
    %dma_start3A_716 = tpu.memref_squeeze %dma_start3A_715 : memref<1x1x1x25x80xi32, #tpu.memory_space<hbm>> -> memref<25x80xi32, #tpu.memory_space<hbm>>
    %dma_start3A_717 = arith.constant 0 : i32
    %dma_start3A_718 = arith.constant 0 : i32
    %dma_start3A_719 = tpu.memref_slice %arg2[%dma_start3A_711, %add3A, %dma_start3A_712, %dma_start3A_717, %dma_start3A_718] : memref<2x32x5x25x80xi32, #tpu.memory_space<hbm>> -> memref<1x1x1x25x80xi32, #tpu.memory_space<hbm>>
    %dma_start3A_720 = tpu.memref_squeeze %dma_start3A_719 : memref<1x1x1x25x80xi32, #tpu.memory_space<hbm>> -> memref<25x80xi32, #tpu.memory_space<hbm>>
    tpu.enqueue_dma source(%dma_start3A_720 : memref<25x80xi32, #tpu.memory_space<hbm>>) target(%arg7 : memref<25x80xi32, #tpu.memory_space<vmem>>) target_semaphore(%arg17 : memref<!tpu.dma_semaphore, #tpu.memory_space<semaphore_mem>>)
    %dma_start3A_721 = arith.constant 1 : i32
    %dma_start3A_722 = arith.constant 4 : i32
    %dma_start3A_723 = arith.constant 0 : i32
    %dma_start3A_724 = arith.constant 0 : i32
    %dma_start3A_725 = tpu.memref_slice %arg2[%dma_start3A_721, %add3A, %dma_start3A_722, %dma_start3A_723, %dma_start3A_724] : memref<2x32x5x25x80xi32, #tpu.memory_space<hbm>> -> memref<1x1x1x25x80xi32, #tpu.memory_space<hbm>>
    %dma_start3A_726 = tpu.memref_squeeze %dma_start3A_725 : memref<1x1x1x25x80xi32, #tpu.memory_space<hbm>> -> memref<25x80xi32, #tpu.memory_space<hbm>>
    %dma_start3A_727 = arith.constant 0 : i32
    %dma_start3A_728 = arith.constant 0 : i32
    %dma_start3A_729 = tpu.memref_slice %arg2[%dma_start3A_721, %add3A, %dma_start3A_722, %dma_start3A_727, %dma_start3A_728] : memref<2x32x5x25x80xi32, #tpu.memory_space<hbm>> -> memref<1x1x1x25x80xi32, #tpu.memory_space<hbm>>
    %dma_start3A_730 = tpu.memref_squeeze %dma_start3A_729 : memref<1x1x1x25x80xi32, #tpu.memory_space<hbm>> -> memref<25x80xi32, #tpu.memory_space<hbm>>
    tpu.enqueue_dma source(%dma_start3A_730 : memref<25x80xi32, #tpu.memory_space<hbm>>) target(%arg9 : memref<25x80xi32, #tpu.memory_space<vmem>>) target_semaphore(%arg17 : memref<!tpu.dma_semaphore, #tpu.memory_space<semaphore_mem>>)
    %dma_wait3A_731 = arith.constant 0 : i32
    %dma_wait3A_732 = arith.constant 0 : i32
    %dma_wait3A_733 = tpu.memref_slice %arg8[%dma_wait3A_731, %dma_wait3A_732] : memref<25x80xi32, #tpu.memory_space<vmem>> -> memref<1x80xi32, #tpu.memory_space<vmem>>
    %dma_wait3A_734 = tpu.memref_squeeze %dma_wait3A_733 : memref<1x80xi32, #tpu.memory_space<vmem>> -> memref<80xi32, #tpu.memory_space<vmem>>
    %dma_wait3A_735 = arith.constant 0 : i32
    %dma_wait3A_736 = arith.constant 0 : i32
    %dma_wait3A_737 = tpu.memref_slice %arg3[%dma_wait3A_735, %dma_wait3A_736] : memref<10000x128xf32, #tpu.memory_space<hbm>> -> memref<10000x128xf32, #tpu.memory_space<hbm>>
    tpu.wait_indirect_dma semaphore(%arg14 : memref<!tpu.dma_semaphore, #tpu.memory_space<semaphore_mem>>) src(%dma_wait3A_737 : memref<10000x128xf32, #tpu.memory_space<hbm>>) dst(%arg12 : memref<80x128xf32, #tpu.memory_space<vmem>>)
    %get3A_738 = arith.constant 0 : i32
    %get3A_739 = arith.index_cast %get3A_738 : i32 to index
    %get3A_740 = arith.constant 0 : index
    %get3A_741 = tpu.vector_load %arg10[%get3A_739, %get3A_740] {strides = array<i32>} : memref<25x80xi32, #tpu.memory_space<vmem>>, vector<16xi32>,
    tpu.vector_store_idx %arg19[%get3A_741], %broadcast_in_dim3A_141 {add = true} : memref<10240xf32, #tpu.memory_space<vmem>>[vector<16xi32>], vector<16xf32>,
    %get3A_742 = arith.constant 0 : i32
    %get3A_743 = arith.index_cast %get3A_742 : i32 to index
    %get3A_744 = arith.constant 16 : index
    %get3A_745 = tpu.vector_load %arg10[%get3A_743, %get3A_744] {strides = array<i32>} : memref<25x80xi32, #tpu.memory_space<vmem>>, vector<16xi32>,
    tpu.vector_store_idx %arg19[%get3A_745], %broadcast_in_dim3A_141 {add = true} : memref<10240xf32, #tpu.memory_space<vmem>>[vector<16xi32>], vector<16xf32>,
    %get3A_746 = arith.constant 0 : i32
    %get3A_747 = arith.index_cast %get3A_746 : i32 to index
    %get3A_748 = arith.constant 32 : index
    %get3A_749 = tpu.vector_load %arg10[%get3A_747, %get3A_748] {strides = array<i32>} : memref<25x80xi32, #tpu.memory_space<vmem>>, vector<16xi32>,
    tpu.vector_store_idx %arg19[%get3A_749], %broadcast_in_dim3A_141 {add = true} : memref<10240xf32, #tpu.memory_space<vmem>>[vector<16xi32>], vector<16xf32>,
    %get3A_750 = arith.constant 0 : i32
    %get3A_751 = arith.index_cast %get3A_750 : i32 to index
    %get3A_752 = arith.constant 48 : index
    %get3A_753 = tpu.vector_load %arg10[%get3A_751, %get3A_752] {strides = array<i32>} : memref<25x80xi32, #tpu.memory_space<vmem>>, vector<16xi32>,
    tpu.vector_store_idx %arg19[%get3A_753], %broadcast_in_dim3A_141 {add = true} : memref<10240xf32, #tpu.memory_space<vmem>>[vector<16xi32>], vector<16xf32>,
    %get3A_754 = arith.constant 0 : i32
    %get3A_755 = arith.index_cast %get3A_754 : i32 to index
    %get3A_756 = arith.constant 64 : index
    %get3A_757 = tpu.vector_load %arg10[%get3A_755, %get3A_756] {strides = array<i32>} : memref<25x80xi32, #tpu.memory_space<vmem>>, vector<16xi32>,
    tpu.vector_store_idx %arg19[%get3A_757], %broadcast_in_dim3A_141 {add = true} : memref<10240xf32, #tpu.memory_space<vmem>>[vector<16xi32>], vector<16xf32>,
    %dma_start3A_758 = arith.constant 1 : i32
    %dma_start3A_759 = arith.constant 0 : i32
    %dma_start3A_760 = tpu.memref_slice %arg8[%dma_start3A_758, %dma_start3A_759] : memref<25x80xi32, #tpu.memory_space<vmem>> -> memref<1x80xi32, #tpu.memory_space<vmem>>
    %dma_start3A_761 = tpu.memref_squeeze %dma_start3A_760 : memref<1x80xi32, #tpu.memory_space<vmem>> -> memref<80xi32, #tpu.memory_space<vmem>>
    %dma_start3A_762 = arith.constant 0 : i32
    %dma_start3A_763 = arith.constant 0 : i32
    %dma_start3A_764 = tpu.memref_slice %arg3[%dma_start3A_762, %dma_start3A_763] : memref<10000x128xf32, #tpu.memory_space<hbm>> -> memref<10000x128xf32, #tpu.memory_space<hbm>>
    tpu.enqueue_indirect_dma source(%dma_start3A_764 : memref<10000x128xf32, #tpu.memory_space<hbm>>) target(%arg11 : memref<80x128xf32, #tpu.memory_space<vmem>>) offsets(%dma_start3A_761 : memref<80xi32, #tpu.memory_space<vmem>>) semaphore(%arg13 : memref<!tpu.dma_semaphore, #tpu.memory_space<semaphore_mem>>)
    %dma_start3A_765 = arith.constant 0 : i32
    %dma_start3A_766 = arith.constant 0 : i32
    %dma_start3A_767 = tpu.memref_slice %arg10[%dma_start3A_765, %dma_start3A_766] : memref<25x80xi32, #tpu.memory_space<vmem>> -> memref<1x80xi32, #tpu.memory_space<vmem>>
    %dma_start3A_768 = tpu.memref_squeeze %dma_start3A_767 : memref<1x80xi32, #tpu.memory_space<vmem>> -> memref<80xi32, #tpu.memory_space<vmem>>
    %dma_start3A_769 = arith.constant 0 : i32
    %dma_start3A_770 = arith.constant 0 : i32
    %dma_start3A_771 = tpu.memref_slice %arg6[%dma_start3A_769, %dma_start3A_770] : memref<10240x128xf32, #tpu.memory_space<vmem_shared>> -> memref<10240x128xf32, #tpu.memory_space<vmem_shared>>
    tpu.enqueue_indirect_dma source(%arg12 : memref<80x128xf32, #tpu.memory_space<vmem>>) target(%dma_start3A_771 : memref<10240x128xf32, #tpu.memory_space<vmem_shared>>) offsets(%dma_start3A_768 : memref<80xi32, #tpu.memory_space<vmem>>) semaphore(%arg16 : memref<!tpu.dma_semaphore, #tpu.memory_space<semaphore_mem>>) {add = true}
    %dma_wait3A_772 = arith.constant 1 : i32
    %dma_wait3A_773 = arith.constant 0 : i32
    %dma_wait3A_774 = tpu.memref_slice %arg8[%dma_wait3A_772, %dma_wait3A_773] : memref<25x80xi32, #tpu.memory_space<vmem>> -> memref<1x80xi32, #tpu.memory_space<vmem>>
    %dma_wait3A_775 = tpu.memref_squeeze %dma_wait3A_774 : memref<1x80xi32, #tpu.memory_space<vmem>> -> memref<80xi32, #tpu.memory_space<vmem>>
    %dma_wait3A_776 = arith.constant 0 : i32
    %dma_wait3A_777 = arith.constant 0 : i32
    %dma_wait3A_778 = tpu.memref_slice %arg3[%dma_wait3A_776, %dma_wait3A_777] : memref<10000x128xf32, #tpu.memory_space<hbm>> -> memref<10000x128xf32, #tpu.memory_space<hbm>>
    tpu.wait_indirect_dma semaphore(%arg13 : memref<!tpu.dma_semaphore, #tpu.memory_space<semaphore_mem>>) src(%dma_wait3A_778 : memref<10000x128xf32, #tpu.memory_space<hbm>>) dst(%arg11 : memref<80x128xf32, #tpu.memory_space<vmem>>)
    %get3A_779 = arith.constant 1 : i32
    %get3A_780 = arith.index_cast %get3A_779 : i32 to index
    %get3A_781 = arith.constant 0 : index
    %get3A_782 = tpu.vector_load %arg10[%get3A_780, %get3A_781] {strides = array<i32>} : memref<25x80xi32, #tpu.memory_space<vmem>>, vector<16xi32>,
    tpu.vector_store_idx %arg19[%get3A_782], %broadcast_in_dim3A_141 {add = true} : memref<10240xf32, #tpu.memory_space<vmem>>[vector<16xi32>], vector<16xf32>,
    %get3A_783 = arith.constant 1 : i32
    %get3A_784 = arith.index_cast %get3A_783 : i32 to index
    %get3A_785 = arith.constant 16 : index
    %get3A_786 = tpu.vector_load %arg10[%get3A_784, %get3A_785] {strides = array<i32>} : memref<25x80xi32, #tpu.memory_space<vmem>>, vector<16xi32>,
    tpu.vector_store_idx %arg19[%get3A_786], %broadcast_in_dim3A_141 {add = true} : memref<10240xf32, #tpu.memory_space<vmem>>[vector<16xi32>], vector<16xf32>,
    %get3A_787 = arith.constant 1 : i32
    %get3A_788 = arith.index_cast %get3A_787 : i32 to index
    %get3A_789 = arith.constant 32 : index
    %get3A_790 = tpu.vector_load %arg10[%get3A_788, %get3A_789] {strides = array<i32>} : memref<25x80xi32, #tpu.memory_space<vmem>>, vector<16xi32>,
    tpu.vector_store_idx %arg19[%get3A_790], %broadcast_in_dim3A_141 {add = true} : memref<10240xf32, #tpu.memory_space<vmem>>[vector<16xi32>], vector<16xf32>,
    %get3A_791 = arith.constant 1 : i32
    %get3A_792 = arith.index_cast %get3A_791 : i32 to index
    %get3A_793 = arith.constant 48 : index
    %get3A_794 = tpu.vector_load %arg10[%get3A_792, %get3A_793] {strides = array<i32>} : memref<25x80xi32, #tpu.memory_space<vmem>>, vector<16xi32>,
    tpu.vector_store_idx %arg19[%get3A_794], %broadcast_in_dim3A_141 {add = true} : memref<10240xf32, #tpu.memory_space<vmem>>[vector<16xi32>], vector<16xf32>,
    %get3A_795 = arith.constant 1 : i32
    %get3A_796 = arith.index_cast %get3A_795 : i32 to index
    %get3A_797 = arith.constant 64 : index
    %get3A_798 = tpu.vector_load %arg10[%get3A_796, %get3A_797] {strides = array<i32>} : memref<25x80xi32, #tpu.memory_space<vmem>>, vector<16xi32>,
    tpu.vector_store_idx %arg19[%get3A_798], %broadcast_in_dim3A_141 {add = true} : memref<10240xf32, #tpu.memory_space<vmem>>[vector<16xi32>], vector<16xf32>,
    %dma_wait3A_799 = arith.constant 0 : i32
    %dma_wait3A_800 = arith.constant 0 : i32
    %dma_wait3A_801 = tpu.memref_slice %arg10[%dma_wait3A_799, %dma_wait3A_800] : memref<25x80xi32, #tpu.memory_space<vmem>> -> memref<1x80xi32, #tpu.memory_space<vmem>>
    %dma_wait3A_802 = tpu.memref_squeeze %dma_wait3A_801 : memref<1x80xi32, #tpu.memory_space<vmem>> -> memref<80xi32, #tpu.memory_space<vmem>>
    %dma_wait3A_803 = arith.constant 0 : i32
    %dma_wait3A_804 = arith.constant 0 : i32
    %dma_wait3A_805 = tpu.memref_slice %arg6[%dma_wait3A_803, %dma_wait3A_804] : memref<10240x128xf32, #tpu.memory_space<vmem_shared>> -> memref<10240x128xf32, #tpu.memory_space<vmem_shared>>
    tpu.wait_indirect_dma semaphore(%arg16 : memref<!tpu.dma_semaphore, #tpu.memory_space<semaphore_mem>>) src(%arg12 : memref<80x128xf32, #tpu.memory_space<vmem>>) dst(%dma_wait3A_805 : memref<10240x128xf32, #tpu.memory_space<vmem_shared>>)
    %dma_start3A_806 = arith.constant 2 : i32
    %dma_start3A_807 = arith.constant 0 : i32
    %dma_start3A_808 = tpu.memref_slice %arg8[%dma_start3A_806, %dma_start3A_807] : memref<25x80xi32, #tpu.memory_space<vmem>> -> memref<1x80xi32, #tpu.memory_space<vmem>>
    %dma_start3A_809 = tpu.memref_squeeze %dma_start3A_808 : memref<1x80xi32, #tpu.memory_space<vmem>> -> memref<80xi32, #tpu.memory_space<vmem>>
    %dma_start3A_810 = arith.constant 0 : i32
    %dma_start3A_811 = arith.constant 0 : i32
    %dma_start3A_812 = tpu.memref_slice %arg3[%dma_start3A_810, %dma_start3A_811] : memref<10000x128xf32, #tpu.memory_space<hbm>> -> memref<10000x128xf32, #tpu.memory_space<hbm>>
    tpu.enqueue_indirect_dma source(%dma_start3A_812 : memref<10000x128xf32, #tpu.memory_space<hbm>>) target(%arg12 : memref<80x128xf32, #tpu.memory_space<vmem>>) offsets(%dma_start3A_809 : memref<80xi32, #tpu.memory_space<vmem>>) semaphore(%arg14 : memref<!tpu.dma_semaphore, #tpu.memory_space<semaphore_mem>>)
    %dma_start3A_813 = arith.constant 1 : i32
    %dma_start3A_814 = arith.constant 0 : i32
    %dma_start3A_815 = tpu.memref_slice %arg10[%dma_start3A_813, %dma_start3A_814] : memref<25x80xi32, #tpu.memory_space<vmem>> -> memref<1x80xi32, #tpu.memory_space<vmem>>
    %dma_start3A_816 = tpu.memref_squeeze %dma_start3A_815 : memref<1x80xi32, #tpu.memory_space<vmem>> -> memref<80xi32, #tpu.memory_space<vmem>>
    %dma_start3A_817 = arith.constant 0 : i32
    %dma_start3A_818 = arith.constant 0 : i32
    %dma_start3A_819 = tpu.memref_slice %arg6[%dma_start3A_817, %dma_start3A_818] : memref<10240x128xf32, #tpu.memory_space<vmem_shared>> -> memref<10240x128xf32, #tpu.memory_space<vmem_shared>>
    tpu.enqueue_indirect_dma source(%arg11 : memref<80x128xf32, #tpu.memory_space<vmem>>) target(%dma_start3A_819 : memref<10240x128xf32, #tpu.memory_space<vmem_shared>>) offsets(%dma_start3A_816 : memref<80xi32, #tpu.memory_space<vmem>>) semaphore(%arg15 : memref<!tpu.dma_semaphore, #tpu.memory_space<semaphore_mem>>) {add = true}
    %scan3A_820 = arith.constant 0 : i32
    %scan3A_821 = arith.constant 1 : i32
    %scan3A_822 = arith.constant 11 : i32
    %scan3A_823 = arith.addi %scan3A_821, %scan3A_822 : i32
    %scan3A_824 = arith.constant 1 : i32
    scf.for %scan3A_1047 = %scan3A_821 to %scan3A_823 step %scan3A_824  : i32 {
      %mul3A_1048 = arith.constant 2 : i32
      %mul3A_1049 = arith.muli %mul3A_1048, %scan3A_1047 : i32
      %add3A_1050 = arith.constant 1 : i32
      %add3A_1051 = arith.addi %mul3A_1049, %add3A_1050 : i32
      %sub3A = arith.constant 1 : i32
      %sub3A_1052 = arith.subi %mul3A_1049, %sub3A : i32
      %dma_wait3A_1053 = arith.constant 0 : i32
      %dma_wait3A_1054 = tpu.memref_slice %arg8[%mul3A_1049, %dma_wait3A_1053] : memref<25x80xi32, #tpu.memory_space<vmem>> -> memref<1x80xi32, #tpu.memory_space<vmem>>
      %dma_wait3A_1055 = tpu.memref_squeeze %dma_wait3A_1054 : memref<1x80xi32, #tpu.memory_space<vmem>> -> memref<80xi32, #tpu.memory_space<vmem>>
      %dma_wait3A_1056 = arith.constant 0 : i32
      %dma_wait3A_1057 = arith.constant 0 : i32
      %dma_wait3A_1058 = tpu.memref_slice %arg3[%dma_wait3A_1056, %dma_wait3A_1057] : memref<10000x128xf32, #tpu.memory_space<hbm>> -> memref<10000x128xf32, #tpu.memory_space<hbm>>
      tpu.wait_indirect_dma semaphore(%arg14 : memref<!tpu.dma_semaphore, #tpu.memory_space<semaphore_mem>>) src(%dma_wait3A_1058 : memref<10000x128xf32, #tpu.memory_space<hbm>>) dst(%arg12 : memref<80x128xf32, #tpu.memory_space<vmem>>)
      %get3A_1059 = arith.index_cast %mul3A_1049 : i32 to index
      %get3A_1060 = arith.constant 0 : index
      %get3A_1061 = tpu.vector_load %arg10[%get3A_1059, %get3A_1060] {strides = array<i32>} : memref<25x80xi32, #tpu.memory_space<vmem>>, vector<16xi32>,
      tpu.vector_store_idx %arg19[%get3A_1061], %broadcast_in_dim3A_141 {add = true} : memref<10240xf32, #tpu.memory_space<vmem>>[vector<16xi32>], vector<16xf32>,
      %get3A_1062 = arith.index_cast %mul3A_1049 : i32 to index
      %get3A_1063 = arith.constant 16 : index
      %get3A_1064 = tpu.vector_load %arg10[%get3A_1062, %get3A_1063] {strides = array<i32>} : memref<25x80xi32, #tpu.memory_space<vmem>>, vector<16xi32>,
      tpu.vector_store_idx %arg19[%get3A_1064], %broadcast_in_dim3A_141 {add = true} : memref<10240xf32, #tpu.memory_space<vmem>>[vector<16xi32>], vector<16xf32>,
      %get3A_1065 = arith.index_cast %mul3A_1049 : i32 to index
      %get3A_1066 = arith.constant 32 : index
      %get3A_1067 = tpu.vector_load %arg10[%get3A_1065, %get3A_1066] {strides = array<i32>} : memref<25x80xi32, #tpu.memory_space<vmem>>, vector<16xi32>,
      tpu.vector_store_idx %arg19[%get3A_1067], %broadcast_in_dim3A_141 {add = true} : memref<10240xf32, #tpu.memory_space<vmem>>[vector<16xi32>], vector<16xf32>,
      %get3A_1068 = arith.index_cast %mul3A_1049 : i32 to index
      %get3A_1069 = arith.constant 48 : index
      %get3A_1070 = tpu.vector_load %arg10[%get3A_1068, %get3A_1069] {strides = array<i32>} : memref<25x80xi32, #tpu.memory_space<vmem>>, vector<16xi32>,
      tpu.vector_store_idx %arg19[%get3A_1070], %broadcast_in_dim3A_141 {add = true} : memref<10240xf32, #tpu.memory_space<vmem>>[vector<16xi32>], vector<16xf32>,
      %get3A_1071 = arith.index_cast %mul3A_1049 : i32 to index
      %get3A_1072 = arith.constant 64 : index
      %get3A_1073 = tpu.vector_load %arg10[%get3A_1071, %get3A_1072] {strides = array<i32>} : memref<25x80xi32, #tpu.memory_space<vmem>>, vector<16xi32>,
      tpu.vector_store_idx %arg19[%get3A_1073], %broadcast_in_dim3A_141 {add = true} : memref<10240xf32, #tpu.memory_space<vmem>>[vector<16xi32>], vector<16xf32>,
      %dma_wait3A_1074 = arith.constant 0 : i32
      %dma_wait3A_1075 = tpu.memref_slice %arg10[%sub3A_1052, %dma_wait3A_1074] : memref<25x80xi32, #tpu.memory_space<vmem>> -> memref<1x80xi32, #tpu.memory_space<vmem>>
      %dma_wait3A_1076 = tpu.memref_squeeze %dma_wait3A_1075 : memref<1x80xi32, #tpu.memory_space<vmem>> -> memref<80xi32, #tpu.memory_space<vmem>>
      %dma_wait3A_1077 = arith.constant 0 : i32
      %dma_wait3A_1078 = arith.constant 0 : i32
      %dma_wait3A_1079 = tpu.memref_slice %arg6[%dma_wait3A_1077, %dma_wait3A_1078] : memref<10240x128xf32, #tpu.memory_space<vmem_shared>> -> memref<10240x128xf32, #tpu.memory_space<vmem_shared>>
      tpu.wait_indirect_dma semaphore(%arg15 : memref<!tpu.dma_semaphore, #tpu.memory_space<semaphore_mem>>) src(%arg11 : memref<80x128xf32, #tpu.memory_space<vmem>>) dst(%dma_wait3A_1079 : memref<10240x128xf32, #tpu.memory_space<vmem_shared>>)
      %dma_start3A_1080 = arith.constant 0 : i32
      %dma_start3A_1081 = tpu.memref_slice %arg8[%add3A_1051, %dma_start3A_1080] : memref<25x80xi32, #tpu.memory_space<vmem>> -> memref<1x80xi32, #tpu.memory_space<vmem>>
      %dma_start3A_1082 = tpu.memref_squeeze %dma_start3A_1081 : memref<1x80xi32, #tpu.memory_space<vmem>> -> memref<80xi32, #tpu.memory_space<vmem>>
      %dma_start3A_1083 = arith.constant 0 : i32
      %dma_start3A_1084 = arith.constant 0 : i32
      %dma_start3A_1085 = tpu.memref_slice %arg3[%dma_start3A_1083, %dma_start3A_1084] : memref<10000x128xf32, #tpu.memory_space<hbm>> -> memref<10000x128xf32, #tpu.memory_space<hbm>>
      tpu.enqueue_indirect_dma source(%dma_start3A_1085 : memref<10000x128xf32, #tpu.memory_space<hbm>>) target(%arg11 : memref<80x128xf32, #tpu.memory_space<vmem>>) offsets(%dma_start3A_1082 : memref<80xi32, #tpu.memory_space<vmem>>) semaphore(%arg13 : memref<!tpu.dma_semaphore, #tpu.memory_space<semaphore_mem>>)
      %dma_start3A_1086 = arith.constant 0 : i32
      %dma_start3A_1087 = tpu.memref_slice %arg10[%mul3A_1049, %dma_start3A_1086] : memref<25x80xi32, #tpu.memory_space<vmem>> -> memref<1x80xi32, #tpu.memory_space<vmem>>
      %dma_start3A_1088 = tpu.memref_squeeze %dma_start3A_1087 : memref<1x80xi32, #tpu.memory_space<vmem>> -> memref<80xi32, #tpu.memory_space<vmem>>
      %dma_start3A_1089 = arith.constant 0 : i32
      %dma_start3A_1090 = arith.constant 0 : i32
      %dma_start3A_1091 = tpu.memref_slice %arg6[%dma_start3A_1089, %dma_start3A_1090] : memref<10240x128xf32, #tpu.memory_space<vmem_shared>> -> memref<10240x128xf32, #tpu.memory_space<vmem_shared>>
      tpu.enqueue_indirect_dma source(%arg12 : memref<80x128xf32, #tpu.memory_space<vmem>>) target(%dma_start3A_1091 : memref<10240x128xf32, #tpu.memory_space<vmem_shared>>) offsets(%dma_start3A_1088 : memref<80xi32, #tpu.memory_space<vmem>>) semaphore(%arg16 : memref<!tpu.dma_semaphore, #tpu.memory_space<semaphore_mem>>) {add = true}
      %add3A_1092 = arith.constant 1 : i32
      %add3A_1093 = arith.addi %mul3A_1049, %add3A_1092 : i32
      %add3A_1094 = arith.constant 2 : i32
      %add3A_1095 = arith.addi %mul3A_1049, %add3A_1094 : i32
      %dma_wait3A_1096 = arith.constant 0 : i32
      %dma_wait3A_1097 = tpu.memref_slice %arg8[%add3A_1093, %dma_wait3A_1096] : memref<25x80xi32, #tpu.memory_space<vmem>> -> memref<1x80xi32, #tpu.memory_space<vmem>>
      %dma_wait3A_1098 = tpu.memref_squeeze %dma_wait3A_1097 : memref<1x80xi32, #tpu.memory_space<vmem>> -> memref<80xi32, #tpu.memory_space<vmem>>
      %dma_wait3A_1099 = arith.constant 0 : i32
      %dma_wait3A_1100 = arith.constant 0 : i32
      %dma_wait3A_1101 = tpu.memref_slice %arg3[%dma_wait3A_1099, %dma_wait3A_1100] : memref<10000x128xf32, #tpu.memory_space<hbm>> -> memref<10000x128xf32, #tpu.memory_space<hbm>>
      tpu.wait_indirect_dma semaphore(%arg13 : memref<!tpu.dma_semaphore, #tpu.memory_space<semaphore_mem>>) src(%dma_wait3A_1101 : memref<10000x128xf32, #tpu.memory_space<hbm>>) dst(%arg11 : memref<80x128xf32, #tpu.memory_space<vmem>>)
      %get3A_1102 = arith.index_cast %add3A_1093 : i32 to index
      %get3A_1103 = arith.constant 0 : index
      %get3A_1104 = tpu.vector_load %arg10[%get3A_1102, %get3A_1103] {strides = array<i32>} : memref<25x80xi32, #tpu.memory_space<vmem>>, vector<16xi32>,
      tpu.vector_store_idx %arg19[%get3A_1104], %broadcast_in_dim3A_141 {add = true} : memref<10240xf32, #tpu.memory_space<vmem>>[vector<16xi32>], vector<16xf32>,
      %get3A_1105 = arith.index_cast %add3A_1093 : i32 to index
      %get3A_1106 = arith.constant 16 : index
      %get3A_1107 = tpu.vector_load %arg10[%get3A_1105, %get3A_1106] {strides = array<i32>} : memref<25x80xi32, #tpu.memory_space<vmem>>, vector<16xi32>,
      tpu.vector_store_idx %arg19[%get3A_1107], %broadcast_in_dim3A_141 {add = true} : memref<10240xf32, #tpu.memory_space<vmem>>[vector<16xi32>], vector<16xf32>,
      %get3A_1108 = arith.index_cast %add3A_1093 : i32 to index
      %get3A_1109 = arith.constant 32 : index
      %get3A_1110 = tpu.vector_load %arg10[%get3A_1108, %get3A_1109] {strides = array<i32>} : memref<25x80xi32, #tpu.memory_space<vmem>>, vector<16xi32>,
      tpu.vector_store_idx %arg19[%get3A_1110], %broadcast_in_dim3A_141 {add = true} : memref<10240xf32, #tpu.memory_space<vmem>>[vector<16xi32>], vector<16xf32>,
      %get3A_1111 = arith.index_cast %add3A_1093 : i32 to index
      %get3A_1112 = arith.constant 48 : index
      %get3A_1113 = tpu.vector_load %arg10[%get3A_1111, %get3A_1112] {strides = array<i32>} : memref<25x80xi32, #tpu.memory_space<vmem>>, vector<16xi32>,
      tpu.vector_store_idx %arg19[%get3A_1113], %broadcast_in_dim3A_141 {add = true} : memref<10240xf32, #tpu.memory_space<vmem>>[vector<16xi32>], vector<16xf32>,
      %get3A_1114 = arith.index_cast %add3A_1093 : i32 to index
      %get3A_1115 = arith.constant 64 : index
      %get3A_1116 = tpu.vector_load %arg10[%get3A_1114, %get3A_1115] {strides = array<i32>} : memref<25x80xi32, #tpu.memory_space<vmem>>, vector<16xi32>,
      tpu.vector_store_idx %arg19[%get3A_1116], %broadcast_in_dim3A_141 {add = true} : memref<10240xf32, #tpu.memory_space<vmem>>[vector<16xi32>], vector<16xf32>,
      %dma_wait3A_1117 = arith.constant 0 : i32
      %dma_wait3A_1118 = tpu.memref_slice %arg10[%mul3A_1049, %dma_wait3A_1117] : memref<25x80xi32, #tpu.memory_space<vmem>> -> memref<1x80xi32, #tpu.memory_space<vmem>>
      %dma_wait3A_1119 = tpu.memref_squeeze %dma_wait3A_1118 : memref<1x80xi32, #tpu.memory_space<vmem>> -> memref<80xi32, #tpu.memory_space<vmem>>
      %dma_wait3A_1120 = arith.constant 0 : i32
      %dma_wait3A_1121 = arith.constant 0 : i32
      %dma_wait3A_1122 = tpu.memref_slice %arg6[%dma_wait3A_1120, %dma_wait3A_1121] : memref<10240x128xf32, #tpu.memory_space<vmem_shared>> -> memref<10240x128xf32, #tpu.memory_space<vmem_shared>>
      tpu.wait_indirect_dma semaphore(%arg16 : memref<!tpu.dma_semaphore, #tpu.memory_space<semaphore_mem>>) src(%arg12 : memref<80x128xf32, #tpu.memory_space<vmem>>) dst(%dma_wait3A_1122 : memref<10240x128xf32, #tpu.memory_space<vmem_shared>>)
      %dma_start3A_1123 = arith.constant 0 : i32
      %dma_start3A_1124 = tpu.memref_slice %arg8[%add3A_1095, %dma_start3A_1123] : memref<25x80xi32, #tpu.memory_space<vmem>> -> memref<1x80xi32, #tpu.memory_space<vmem>>
      %dma_start3A_1125 = tpu.memref_squeeze %dma_start3A_1124 : memref<1x80xi32, #tpu.memory_space<vmem>> -> memref<80xi32, #tpu.memory_space<vmem>>
      %dma_start3A_1126 = arith.constant 0 : i32
      %dma_start3A_1127 = arith.constant 0 : i32
      %dma_start3A_1128 = tpu.memref_slice %arg3[%dma_start3A_1126, %dma_start3A_1127] : memref<10000x128xf32, #tpu.memory_space<hbm>> -> memref<10000x128xf32, #tpu.memory_space<hbm>>
      tpu.enqueue_indirect_dma source(%dma_start3A_1128 : memref<10000x128xf32, #tpu.memory_space<hbm>>) target(%arg12 : memref<80x128xf32, #tpu.memory_space<vmem>>) offsets(%dma_start3A_1125 : memref<80xi32, #tpu.memory_space<vmem>>) semaphore(%arg14 : memref<!tpu.dma_semaphore, #tpu.memory_space<semaphore_mem>>)
      %dma_start3A_1129 = arith.constant 0 : i32
      %dma_start3A_1130 = tpu.memref_slice %arg10[%add3A_1093, %dma_start3A_1129] : memref<25x80xi32, #tpu.memory_space<vmem>> -> memref<1x80xi32, #tpu.memory_space<vmem>>
      %dma_start3A_1131 = tpu.memref_squeeze %dma_start3A_1130 : memref<1x80xi32, #tpu.memory_space<vmem>> -> memref<80xi32, #tpu.memory_space<vmem>>
      %dma_start3A_1132 = arith.constant 0 : i32
      %dma_start3A_1133 = arith.constant 0 : i32
      %dma_start3A_1134 = tpu.memref_slice %arg6[%dma_start3A_1132, %dma_start3A_1133] : memref<10240x128xf32, #tpu.memory_space<vmem_shared>> -> memref<10240x128xf32, #tpu.memory_space<vmem_shared>>
      tpu.enqueue_indirect_dma source(%arg11 : memref<80x128xf32, #tpu.memory_space<vmem>>) target(%dma_start3A_1134 : memref<10240x128xf32, #tpu.memory_space<vmem_shared>>) offsets(%dma_start3A_1131 : memref<80xi32, #tpu.memory_space<vmem>>) semaphore(%arg15 : memref<!tpu.dma_semaphore, #tpu.memory_space<semaphore_mem>>) {add = true}
    }
    %scan3A_825 = arith.constant 11 : i32
    %dma_wait3A_826 = arith.constant 0 : i32
    %dma_wait3A_827 = arith.constant 4 : i32
    %dma_wait3A_828 = arith.constant 0 : i32
    %dma_wait3A_829 = arith.constant 0 : i32
    %dma_wait3A_830 = tpu.memref_slice %arg2[%dma_wait3A_826, %add3A, %dma_wait3A_827, %dma_wait3A_828, %dma_wait3A_829] : memref<2x32x5x25x80xi32, #tpu.memory_space<hbm>> -> memref<1x1x1x25x80xi32, #tpu.memory_space<hbm>>
    %dma_wait3A_831 = tpu.memref_squeeze %dma_wait3A_830 : memref<1x1x1x25x80xi32, #tpu.memory_space<hbm>> -> memref<25x80xi32, #tpu.memory_space<hbm>>
    %dma_wait3A_832 = arith.constant 0 : i32
    %dma_wait3A_833 = arith.constant 0 : i32
    %dma_wait3A_834 = tpu.memref_slice %arg2[%dma_wait3A_826, %add3A, %dma_wait3A_827, %dma_wait3A_832, %dma_wait3A_833] : memref<2x32x5x25x80xi32, #tpu.memory_space<hbm>> -> memref<1x1x1x25x80xi32, #tpu.memory_space<hbm>>
    %dma_wait3A_835 = tpu.memref_squeeze %dma_wait3A_834 : memref<1x1x1x25x80xi32, #tpu.memory_space<hbm>> -> memref<25x80xi32, #tpu.memory_space<hbm>>
    tpu.wait_dma2 semaphore(%arg17 : memref<!tpu.dma_semaphore, #tpu.memory_space<semaphore_mem>>) src(%dma_wait3A_835 : memref<25x80xi32, #tpu.memory_space<hbm>>) dst(%arg7 : memref<25x80xi32, #tpu.memory_space<vmem>>)
    %dma_wait3A_836 = arith.constant 1 : i32
    %dma_wait3A_837 = arith.constant 4 : i32
    %dma_wait3A_838 = arith.constant 0 : i32
    %dma_wait3A_839 = arith.constant 0 : i32
    %dma_wait3A_840 = tpu.memref_slice %arg2[%dma_wait3A_836, %add3A, %dma_wait3A_837, %dma_wait3A_838, %dma_wait3A_839] : memref<2x32x5x25x80xi32, #tpu.memory_space<hbm>> -> memref<1x1x1x25x80xi32, #tpu.memory_space<hbm>>
    %dma_wait3A_841 = tpu.memref_squeeze %dma_wait3A_840 : memref<1x1x1x25x80xi32, #tpu.memory_space<hbm>> -> memref<25x80xi32, #tpu.memory_space<hbm>>
    %dma_wait3A_842 = arith.constant 0 : i32
    %dma_wait3A_843 = arith.constant 0 : i32
    %dma_wait3A_844 = tpu.memref_slice %arg2[%dma_wait3A_836, %add3A, %dma_wait3A_837, %dma_wait3A_842, %dma_wait3A_843] : memref<2x32x5x25x80xi32, #tpu.memory_space<hbm>> -> memref<1x1x1x25x80xi32, #tpu.memory_space<hbm>>
    %dma_wait3A_845 = tpu.memref_squeeze %dma_wait3A_844 : memref<1x1x1x25x80xi32, #tpu.memory_space<hbm>> -> memref<25x80xi32, #tpu.memory_space<hbm>>
    tpu.wait_dma2 semaphore(%arg17 : memref<!tpu.dma_semaphore, #tpu.memory_space<semaphore_mem>>) src(%dma_wait3A_845 : memref<25x80xi32, #tpu.memory_space<hbm>>) dst(%arg9 : memref<25x80xi32, #tpu.memory_space<vmem>>)
    %dma_wait3A_846 = arith.constant 24 : i32
    %dma_wait3A_847 = arith.constant 0 : i32
    %dma_wait3A_848 = tpu.memref_slice %arg8[%dma_wait3A_846, %dma_wait3A_847] : memref<25x80xi32, #tpu.memory_space<vmem>> -> memref<1x80xi32, #tpu.memory_space<vmem>>
    %dma_wait3A_849 = tpu.memref_squeeze %dma_wait3A_848 : memref<1x80xi32, #tpu.memory_space<vmem>> -> memref<80xi32, #tpu.memory_space<vmem>>
    %dma_wait3A_850 = arith.constant 0 : i32
    %dma_wait3A_851 = arith.constant 0 : i32
    %dma_wait3A_852 = tpu.memref_slice %arg3[%dma_wait3A_850, %dma_wait3A_851] : memref<10000x128xf32, #tpu.memory_space<hbm>> -> memref<10000x128xf32, #tpu.memory_space<hbm>>
    tpu.wait_indirect_dma semaphore(%arg14 : memref<!tpu.dma_semaphore, #tpu.memory_space<semaphore_mem>>) src(%dma_wait3A_852 : memref<10000x128xf32, #tpu.memory_space<hbm>>) dst(%arg12 : memref<80x128xf32, #tpu.memory_space<vmem>>)
    %get3A_853 = arith.constant 24 : i32
    %get3A_854 = arith.index_cast %get3A_853 : i32 to index
    %get3A_855 = arith.constant 0 : index
    %get3A_856 = tpu.vector_load %arg10[%get3A_854, %get3A_855] {strides = array<i32>} : memref<25x80xi32, #tpu.memory_space<vmem>>, vector<16xi32>,
    tpu.vector_store_idx %arg19[%get3A_856], %broadcast_in_dim3A_141 {add = true} : memref<10240xf32, #tpu.memory_space<vmem>>[vector<16xi32>], vector<16xf32>,
    %get3A_857 = arith.constant 24 : i32
    %get3A_858 = arith.index_cast %get3A_857 : i32 to index
    %get3A_859 = arith.constant 16 : index
    %get3A_860 = tpu.vector_load %arg10[%get3A_858, %get3A_859] {strides = array<i32>} : memref<25x80xi32, #tpu.memory_space<vmem>>, vector<16xi32>,
    tpu.vector_store_idx %arg19[%get3A_860], %broadcast_in_dim3A_141 {add = true} : memref<10240xf32, #tpu.memory_space<vmem>>[vector<16xi32>], vector<16xf32>,
    %get3A_861 = arith.constant 24 : i32
    %get3A_862 = arith.index_cast %get3A_861 : i32 to index
    %get3A_863 = arith.constant 32 : index
    %get3A_864 = tpu.vector_load %arg10[%get3A_862, %get3A_863] {strides = array<i32>} : memref<25x80xi32, #tpu.memory_space<vmem>>, vector<16xi32>,
    tpu.vector_store_idx %arg19[%get3A_864], %broadcast_in_dim3A_141 {add = true} : memref<10240xf32, #tpu.memory_space<vmem>>[vector<16xi32>], vector<16xf32>,
    %get3A_865 = arith.constant 24 : i32
    %get3A_866 = arith.index_cast %get3A_865 : i32 to index
    %get3A_867 = arith.constant 48 : index
    %get3A_868 = tpu.vector_load %arg10[%get3A_866, %get3A_867] {strides = array<i32>} : memref<25x80xi32, #tpu.memory_space<vmem>>, vector<16xi32>,
    tpu.vector_store_idx %arg19[%get3A_868], %broadcast_in_dim3A_141 {add = true} : memref<10240xf32, #tpu.memory_space<vmem>>[vector<16xi32>], vector<16xf32>,
    %get3A_869 = arith.constant 24 : i32
    %get3A_870 = arith.index_cast %get3A_869 : i32 to index
    %get3A_871 = arith.constant 64 : index
    %get3A_872 = tpu.vector_load %arg10[%get3A_870, %get3A_871] {strides = array<i32>} : memref<25x80xi32, #tpu.memory_space<vmem>>, vector<16xi32>,
    tpu.vector_store_idx %arg19[%get3A_872], %broadcast_in_dim3A_141 {add = true} : memref<10240xf32, #tpu.memory_space<vmem>>[vector<16xi32>], vector<16xf32>,
    %dma_wait3A_873 = arith.constant 23 : i32
    %dma_wait3A_874 = arith.constant 0 : i32
    %dma_wait3A_875 = tpu.memref_slice %arg10[%dma_wait3A_873, %dma_wait3A_874] : memref<25x80xi32, #tpu.memory_space<vmem>> -> memref<1x80xi32, #tpu.memory_space<vmem>>
    %dma_wait3A_876 = tpu.memref_squeeze %dma_wait3A_875 : memref<1x80xi32, #tpu.memory_space<vmem>> -> memref<80xi32, #tpu.memory_space<vmem>>
    %dma_wait3A_877 = arith.constant 0 : i32
    %dma_wait3A_878 = arith.constant 0 : i32
    %dma_wait3A_879 = tpu.memref_slice %arg6[%dma_wait3A_877, %dma_wait3A_878] : memref<10240x128xf32, #tpu.memory_space<vmem_shared>> -> memref<10240x128xf32, #tpu.memory_space<vmem_shared>>
    tpu.wait_indirect_dma semaphore(%arg15 : memref<!tpu.dma_semaphore, #tpu.memory_space<semaphore_mem>>) src(%arg11 : memref<80x128xf32, #tpu.memory_space<vmem>>) dst(%dma_wait3A_879 : memref<10240x128xf32, #tpu.memory_space<vmem_shared>>)
    %dma_start3A_880 = arith.constant 0 : i32
    %dma_start3A_881 = arith.constant 0 : i32
    %dma_start3A_882 = tpu.memref_slice %arg7[%dma_start3A_880, %dma_start3A_881] : memref<25x80xi32, #tpu.memory_space<vmem>> -> memref<1x80xi32, #tpu.memory_space<vmem>>
    %dma_start3A_883 = tpu.memref_squeeze %dma_start3A_882 : memref<1x80xi32, #tpu.memory_space<vmem>> -> memref<80xi32, #tpu.memory_space<vmem>>
    %dma_start3A_884 = arith.constant 0 : i32
    %dma_start3A_885 = arith.constant 0 : i32
    %dma_start3A_886 = tpu.memref_slice %arg3[%dma_start3A_884, %dma_start3A_885] : memref<10000x128xf32, #tpu.memory_space<hbm>> -> memref<10000x128xf32, #tpu.memory_space<hbm>>
    tpu.enqueue_indirect_dma source(%dma_start3A_886 : memref<10000x128xf32, #tpu.memory_space<hbm>>) target(%arg11 : memref<80x128xf32, #tpu.memory_space<vmem>>) offsets(%dma_start3A_883 : memref<80xi32, #tpu.memory_space<vmem>>) semaphore(%arg13 : memref<!tpu.dma_semaphore, #tpu.memory_space<semaphore_mem>>)
    %dma_start3A_887 = arith.constant 24 : i32
    %dma_start3A_888 = arith.constant 0 : i32
    %dma_start3A_889 = tpu.memref_slice %arg10[%dma_start3A_887, %dma_start3A_888] : memref<25x80xi32, #tpu.memory_space<vmem>> -> memref<1x80xi32, #tpu.memory_space<vmem>>
    %dma_start3A_890 = tpu.memref_squeeze %dma_start3A_889 : memref<1x80xi32, #tpu.memory_space<vmem>> -> memref<80xi32, #tpu.memory_space<vmem>>
    %dma_start3A_891 = arith.constant 0 : i32
    %dma_start3A_892 = arith.constant 0 : i32
    %dma_start3A_893 = tpu.memref_slice %arg6[%dma_start3A_891, %dma_start3A_892] : memref<10240x128xf32, #tpu.memory_space<vmem_shared>> -> memref<10240x128xf32, #tpu.memory_space<vmem_shared>>
    tpu.enqueue_indirect_dma source(%arg12 : memref<80x128xf32, #tpu.memory_space<vmem>>) target(%dma_start3A_893 : memref<10240x128xf32, #tpu.memory_space<vmem_shared>>) offsets(%dma_start3A_890 : memref<80xi32, #tpu.memory_space<vmem>>) semaphore(%arg16 : memref<!tpu.dma_semaphore, #tpu.memory_space<semaphore_mem>>) {add = true}
    %dma_wait3A_894 = arith.constant 24 : i32
    %dma_wait3A_895 = arith.constant 0 : i32
    %dma_wait3A_896 = tpu.memref_slice %arg10[%dma_wait3A_894, %dma_wait3A_895] : memref<25x80xi32, #tpu.memory_space<vmem>> -> memref<1x80xi32, #tpu.memory_space<vmem>>
    %dma_wait3A_897 = tpu.memref_squeeze %dma_wait3A_896 : memref<1x80xi32, #tpu.memory_space<vmem>> -> memref<80xi32, #tpu.memory_space<vmem>>
    %dma_wait3A_898 = arith.constant 0 : i32
    %dma_wait3A_899 = arith.constant 0 : i32
    %dma_wait3A_900 = tpu.memref_slice %arg6[%dma_wait3A_898, %dma_wait3A_899] : memref<10240x128xf32, #tpu.memory_space<vmem_shared>> -> memref<10240x128xf32, #tpu.memory_space<vmem_shared>>
    tpu.wait_indirect_dma semaphore(%arg16 : memref<!tpu.dma_semaphore, #tpu.memory_space<semaphore_mem>>) src(%arg12 : memref<80x128xf32, #tpu.memory_space<vmem>>) dst(%dma_wait3A_900 : memref<10240x128xf32, #tpu.memory_space<vmem_shared>>)
    %dma_wait3A_901 = arith.constant 0 : i32
    %dma_wait3A_902 = arith.constant 0 : i32
    %dma_wait3A_903 = tpu.memref_slice %arg7[%dma_wait3A_901, %dma_wait3A_902] : memref<25x80xi32, #tpu.memory_space<vmem>> -> memref<1x80xi32, #tpu.memory_space<vmem>>
    %dma_wait3A_904 = tpu.memref_squeeze %dma_wait3A_903 : memref<1x80xi32, #tpu.memory_space<vmem>> -> memref<80xi32, #tpu.memory_space<vmem>>
    %dma_wait3A_905 = arith.constant 0 : i32
    %dma_wait3A_906 = arith.constant 0 : i32
    %dma_wait3A_907 = tpu.memref_slice %arg3[%dma_wait3A_905, %dma_wait3A_906] : memref<10000x128xf32, #tpu.memory_space<hbm>> -> memref<10000x128xf32, #tpu.memory_space<hbm>>
    tpu.wait_indirect_dma semaphore(%arg13 : memref<!tpu.dma_semaphore, #tpu.memory_space<semaphore_mem>>) src(%dma_wait3A_907 : memref<10000x128xf32, #tpu.memory_space<hbm>>) dst(%arg11 : memref<80x128xf32, #tpu.memory_space<vmem>>)
    %get3A_908 = arith.constant 0 : i32
    %get3A_909 = arith.index_cast %get3A_908 : i32 to index
    %get3A_910 = arith.constant 0 : index
    %get3A_911 = tpu.vector_load %arg9[%get3A_909, %get3A_910] {strides = array<i32>} : memref<25x80xi32, #tpu.memory_space<vmem>>, vector<16xi32>,
    tpu.vector_store_idx %arg19[%get3A_911], %broadcast_in_dim3A_141 {add = true} : memref<10240xf32, #tpu.memory_space<vmem>>[vector<16xi32>], vector<16xf32>,
    %get3A_912 = arith.constant 0 : i32
    %get3A_913 = arith.index_cast %get3A_912 : i32 to index
    %get3A_914 = arith.constant 16 : index
    %get3A_915 = tpu.vector_load %arg9[%get3A_913, %get3A_914] {strides = array<i32>} : memref<25x80xi32, #tpu.memory_space<vmem>>, vector<16xi32>,
    tpu.vector_store_idx %arg19[%get3A_915], %broadcast_in_dim3A_141 {add = true} : memref<10240xf32, #tpu.memory_space<vmem>>[vector<16xi32>], vector<16xf32>,
    %get3A_916 = arith.constant 0 : i32
    %get3A_917 = arith.index_cast %get3A_916 : i32 to index
    %get3A_918 = arith.constant 32 : index
    %get3A_919 = tpu.vector_load %arg9[%get3A_917, %get3A_918] {strides = array<i32>} : memref<25x80xi32, #tpu.memory_space<vmem>>, vector<16xi32>,
    tpu.vector_store_idx %arg19[%get3A_919], %broadcast_in_dim3A_141 {add = true} : memref<10240xf32, #tpu.memory_space<vmem>>[vector<16xi32>], vector<16xf32>,
    %get3A_920 = arith.constant 0 : i32
    %get3A_921 = arith.index_cast %get3A_920 : i32 to index
    %get3A_922 = arith.constant 48 : index
    %get3A_923 = tpu.vector_load %arg9[%get3A_921, %get3A_922] {strides = array<i32>} : memref<25x80xi32, #tpu.memory_space<vmem>>, vector<16xi32>,
    tpu.vector_store_idx %arg19[%get3A_923], %broadcast_in_dim3A_141 {add = true} : memref<10240xf32, #tpu.memory_space<vmem>>[vector<16xi32>], vector<16xf32>,
    %get3A_924 = arith.constant 0 : i32
    %get3A_925 = arith.index_cast %get3A_924 : i32 to index
    %get3A_926 = arith.constant 64 : index
    %get3A_927 = tpu.vector_load %arg9[%get3A_925, %get3A_926] {strides = array<i32>} : memref<25x80xi32, #tpu.memory_space<vmem>>, vector<16xi32>,
    tpu.vector_store_idx %arg19[%get3A_927], %broadcast_in_dim3A_141 {add = true} : memref<10240xf32, #tpu.memory_space<vmem>>[vector<16xi32>], vector<16xf32>,
    %dma_start3A_928 = arith.constant 1 : i32
    %dma_start3A_929 = arith.constant 0 : i32
    %dma_start3A_930 = tpu.memref_slice %arg7[%dma_start3A_928, %dma_start3A_929] : memref<25x80xi32, #tpu.memory_space<vmem>> -> memref<1x80xi32, #tpu.memory_space<vmem>>
    %dma_start3A_931 = tpu.memref_squeeze %dma_start3A_930 : memref<1x80xi32, #tpu.memory_space<vmem>> -> memref<80xi32, #tpu.memory_space<vmem>>
    %dma_start3A_932 = arith.constant 0 : i32
    %dma_start3A_933 = arith.constant 0 : i32
    %dma_start3A_934 = tpu.memref_slice %arg3[%dma_start3A_932, %dma_start3A_933] : memref<10000x128xf32, #tpu.memory_space<hbm>> -> memref<10000x128xf32, #tpu.memory_space<hbm>>
    tpu.enqueue_indirect_dma source(%dma_start3A_934 : memref<10000x128xf32, #tpu.memory_space<hbm>>) target(%arg12 : memref<80x128xf32, #tpu.memory_space<vmem>>) offsets(%dma_start3A_931 : memref<80xi32, #tpu.memory_space<vmem>>) semaphore(%arg14 : memref<!tpu.dma_semaphore, #tpu.memory_space<semaphore_mem>>)
    %dma_start3A_935 = arith.constant 0 : i32
    %dma_start3A_936 = arith.constant 0 : i32
    %dma_start3A_937 = tpu.memref_slice %arg9[%dma_start3A_935, %dma_start3A_936] : memref<25x80xi32, #tpu.memory_space<vmem>> -> memref<1x80xi32, #tpu.memory_space<vmem>>
    %dma_start3A_938 = tpu.memref_squeeze %dma_start3A_937 : memref<1x80xi32, #tpu.memory_space<vmem>> -> memref<80xi32, #tpu.memory_space<vmem>>
    %dma_start3A_939 = arith.constant 0 : i32
    %dma_start3A_940 = arith.constant 0 : i32
    %dma_start3A_941 = tpu.memref_slice %arg6[%dma_start3A_939, %dma_start3A_940] : memref<10240x128xf32, #tpu.memory_space<vmem_shared>> -> memref<10240x128xf32, #tpu.memory_space<vmem_shared>>
    tpu.enqueue_indirect_dma source(%arg11 : memref<80x128xf32, #tpu.memory_space<vmem>>) target(%dma_start3A_941 : memref<10240x128xf32, #tpu.memory_space<vmem_shared>>) offsets(%dma_start3A_938 : memref<80xi32, #tpu.memory_space<vmem>>) semaphore(%arg15 : memref<!tpu.dma_semaphore, #tpu.memory_space<semaphore_mem>>) {add = true}
    %dma_wait3A_942 = arith.constant 1 : i32
    %dma_wait3A_943 = arith.constant 0 : i32
    %dma_wait3A_944 = tpu.memref_slice %arg7[%dma_wait3A_942, %dma_wait3A_943] : memref<25x80xi32, #tpu.memory_space<vmem>> -> memref<1x80xi32, #tpu.memory_space<vmem>>
    %dma_wait3A_945 = tpu.memref_squeeze %dma_wait3A_944 : memref<1x80xi32, #tpu.memory_space<vmem>> -> memref<80xi32, #tpu.memory_space<vmem>>
    %dma_wait3A_946 = arith.constant 0 : i32
    %dma_wait3A_947 = arith.constant 0 : i32
    %dma_wait3A_948 = tpu.memref_slice %arg3[%dma_wait3A_946, %dma_wait3A_947] : memref<10000x128xf32, #tpu.memory_space<hbm>> -> memref<10000x128xf32, #tpu.memory_space<hbm>>
    tpu.wait_indirect_dma semaphore(%arg14 : memref<!tpu.dma_semaphore, #tpu.memory_space<semaphore_mem>>) src(%dma_wait3A_948 : memref<10000x128xf32, #tpu.memory_space<hbm>>) dst(%arg12 : memref<80x128xf32, #tpu.memory_space<vmem>>)
    %get3A_949 = arith.constant 1 : i32
    %get3A_950 = arith.index_cast %get3A_949 : i32 to index
    %get3A_951 = arith.constant 0 : index
    %get3A_952 = tpu.vector_load %arg9[%get3A_950, %get3A_951] {strides = array<i32>} : memref<25x80xi32, #tpu.memory_space<vmem>>, vector<16xi32>,
    tpu.vector_store_idx %arg19[%get3A_952], %broadcast_in_dim3A_141 {add = true} : memref<10240xf32, #tpu.memory_space<vmem>>[vector<16xi32>], vector<16xf32>,
    %get3A_953 = arith.constant 1 : i32
    %get3A_954 = arith.index_cast %get3A_953 : i32 to index
    %get3A_955 = arith.constant 16 : index
    %get3A_956 = tpu.vector_load %arg9[%get3A_954, %get3A_955] {strides = array<i32>} : memref<25x80xi32, #tpu.memory_space<vmem>>, vector<16xi32>,
    tpu.vector_store_idx %arg19[%get3A_956], %broadcast_in_dim3A_141 {add = true} : memref<10240xf32, #tpu.memory_space<vmem>>[vector<16xi32>], vector<16xf32>,
    %get3A_957 = arith.constant 1 : i32
    %get3A_958 = arith.index_cast %get3A_957 : i32 to index
    %get3A_959 = arith.constant 32 : index
    %get3A_960 = tpu.vector_load %arg9[%get3A_958, %get3A_959] {strides = array<i32>} : memref<25x80xi32, #tpu.memory_space<vmem>>, vector<16xi32>,
    tpu.vector_store_idx %arg19[%get3A_960], %broadcast_in_dim3A_141 {add = true} : memref<10240xf32, #tpu.memory_space<vmem>>[vector<16xi32>], vector<16xf32>,
    %get3A_961 = arith.constant 1 : i32
    %get3A_962 = arith.index_cast %get3A_961 : i32 to index
    %get3A_963 = arith.constant 48 : index
    %get3A_964 = tpu.vector_load %arg9[%get3A_962, %get3A_963] {strides = array<i32>} : memref<25x80xi32, #tpu.memory_space<vmem>>, vector<16xi32>,
    tpu.vector_store_idx %arg19[%get3A_964], %broadcast_in_dim3A_141 {add = true} : memref<10240xf32, #tpu.memory_space<vmem>>[vector<16xi32>], vector<16xf32>,
    %get3A_965 = arith.constant 1 : i32
    %get3A_966 = arith.index_cast %get3A_965 : i32 to index
    %get3A_967 = arith.constant 64 : index
    %get3A_968 = tpu.vector_load %arg9[%get3A_966, %get3A_967] {strides = array<i32>} : memref<25x80xi32, #tpu.memory_space<vmem>>, vector<16xi32>,
    tpu.vector_store_idx %arg19[%get3A_968], %broadcast_in_dim3A_141 {add = true} : memref<10240xf32, #tpu.memory_space<vmem>>[vector<16xi32>], vector<16xf32>,
    %dma_wait3A_969 = arith.constant 0 : i32
    %dma_wait3A_970 = arith.constant 0 : i32
    %dma_wait3A_971 = tpu.memref_slice %arg9[%dma_wait3A_969, %dma_wait3A_970] : memref<25x80xi32, #tpu.memory_space<vmem>> -> memref<1x80xi32, #tpu.memory_space<vmem>>
    %dma_wait3A_972 = tpu.memref_squeeze %dma_wait3A_971 : memref<1x80xi32, #tpu.memory_space<vmem>> -> memref<80xi32, #tpu.memory_space<vmem>>
    %dma_wait3A_973 = arith.constant 0 : i32
    %dma_wait3A_974 = arith.constant 0 : i32
    %dma_wait3A_975 = tpu.memref_slice %arg6[%dma_wait3A_973, %dma_wait3A_974] : memref<10240x128xf32, #tpu.memory_space<vmem_shared>> -> memref<10240x128xf32, #tpu.memory_space<vmem_shared>>
    tpu.wait_indirect_dma semaphore(%arg15 : memref<!tpu.dma_semaphore, #tpu.memory_space<semaphore_mem>>) src(%arg11 : memref<80x128xf32, #tpu.memory_space<vmem>>) dst(%dma_wait3A_975 : memref<10240x128xf32, #tpu.memory_space<vmem_shared>>)
    %dma_start3A_976 = arith.constant 2 : i32
    %dma_start3A_977 = arith.constant 0 : i32
    %dma_start3A_978 = tpu.memref_slice %arg7[%dma_start3A_976, %dma_start3A_977] : memref<25x80xi32, #tpu.memory_space<vmem>> -> memref<1x80xi32, #tpu.memory_space<vmem>>
    %dma_start3A_979 = tpu.memref_squeeze %dma_start3A_978 : memref<1x80xi32, #tpu.memory_space<vmem>> -> memref<80xi32, #tpu.memory_space<vmem>>
    %dma_start3A_980 = arith.constant 0 : i32
    %dma_start3A_981 = arith.constant 0 : i32
    %dma_start3A_982 = tpu.memref_slice %arg3[%dma_start3A_980, %dma_start3A_981] : memref<10000x128xf32, #tpu.memory_space<hbm>> -> memref<10000x128xf32, #tpu.memory_space<hbm>>
    tpu.enqueue_indirect_dma source(%dma_start3A_982 : memref<10000x128xf32, #tpu.memory_space<hbm>>) target(%arg11 : memref<80x128xf32, #tpu.memory_space<vmem>>) offsets(%dma_start3A_979 : memref<80xi32, #tpu.memory_space<vmem>>) semaphore(%arg13 : memref<!tpu.dma_semaphore, #tpu.memory_space<semaphore_mem>>)
    %dma_start3A_983 = arith.constant 1 : i32
    %dma_start3A_984 = arith.constant 0 : i32
    %dma_start3A_985 = tpu.memref_slice %arg9[%dma_start3A_983, %dma_start3A_984] : memref<25x80xi32, #tpu.memory_space<vmem>> -> memref<1x80xi32, #tpu.memory_space<vmem>>
    %dma_start3A_986 = tpu.memref_squeeze %dma_start3A_985 : memref<1x80xi32, #tpu.memory_space<vmem>> -> memref<80xi32, #tpu.memory_space<vmem>>
    %dma_start3A_987 = arith.constant 0 : i32
    %dma_start3A_988 = arith.constant 0 : i32
    %dma_start3A_989 = tpu.memref_slice %arg6[%dma_start3A_987, %dma_start3A_988] : memref<10240x128xf32, #tpu.memory_space<vmem_shared>> -> memref<10240x128xf32, #tpu.memory_space<vmem_shared>>
    tpu.enqueue_indirect_dma source(%arg12 : memref<80x128xf32, #tpu.memory_space<vmem>>) target(%dma_start3A_989 : memref<10240x128xf32, #tpu.memory_space<vmem_shared>>) offsets(%dma_start3A_986 : memref<80xi32, #tpu.memory_space<vmem>>) semaphore(%arg16 : memref<!tpu.dma_semaphore, #tpu.memory_space<semaphore_mem>>) {add = true}
    %scan3A_990 = arith.constant 0 : i32
    %scan3A_991 = arith.constant 1 : i32
    %scan3A_992 = arith.constant 11 : i32
    %scan3A_993 = arith.addi %scan3A_991, %scan3A_992 : i32
    %scan3A_994 = arith.constant 1 : i32
    scf.for %scan3A_1047 = %scan3A_991 to %scan3A_993 step %scan3A_994  : i32 {
      %mul3A_1048 = arith.constant 2 : i32
      %mul3A_1049 = arith.muli %mul3A_1048, %scan3A_1047 : i32
      %add3A_1050 = arith.constant 1 : i32
      %add3A_1051 = arith.addi %mul3A_1049, %add3A_1050 : i32
      %sub3A = arith.constant 1 : i32
      %sub3A_1052 = arith.subi %mul3A_1049, %sub3A : i32
      %dma_wait3A_1053 = arith.constant 0 : i32
      %dma_wait3A_1054 = tpu.memref_slice %arg7[%mul3A_1049, %dma_wait3A_1053] : memref<25x80xi32, #tpu.memory_space<vmem>> -> memref<1x80xi32, #tpu.memory_space<vmem>>
      %dma_wait3A_1055 = tpu.memref_squeeze %dma_wait3A_1054 : memref<1x80xi32, #tpu.memory_space<vmem>> -> memref<80xi32, #tpu.memory_space<vmem>>
      %dma_wait3A_1056 = arith.constant 0 : i32
      %dma_wait3A_1057 = arith.constant 0 : i32
      %dma_wait3A_1058 = tpu.memref_slice %arg3[%dma_wait3A_1056, %dma_wait3A_1057] : memref<10000x128xf32, #tpu.memory_space<hbm>> -> memref<10000x128xf32, #tpu.memory_space<hbm>>
      tpu.wait_indirect_dma semaphore(%arg13 : memref<!tpu.dma_semaphore, #tpu.memory_space<semaphore_mem>>) src(%dma_wait3A_1058 : memref<10000x128xf32, #tpu.memory_space<hbm>>) dst(%arg11 : memref<80x128xf32, #tpu.memory_space<vmem>>)
      %get3A_1059 = arith.index_cast %mul3A_1049 : i32 to index
      %get3A_1060 = arith.constant 0 : index
      %get3A_1061 = tpu.vector_load %arg9[%get3A_1059, %get3A_1060] {strides = array<i32>} : memref<25x80xi32, #tpu.memory_space<vmem>>, vector<16xi32>,
      tpu.vector_store_idx %arg19[%get3A_1061], %broadcast_in_dim3A_141 {add = true} : memref<10240xf32, #tpu.memory_space<vmem>>[vector<16xi32>], vector<16xf32>,
      %get3A_1062 = arith.index_cast %mul3A_1049 : i32 to index
      %get3A_1063 = arith.constant 16 : index
      %get3A_1064 = tpu.vector_load %arg9[%get3A_1062, %get3A_1063] {strides = array<i32>} : memref<25x80xi32, #tpu.memory_space<vmem>>, vector<16xi32>,
      tpu.vector_store_idx %arg19[%get3A_1064], %broadcast_in_dim3A_141 {add = true} : memref<10240xf32, #tpu.memory_space<vmem>>[vector<16xi32>], vector<16xf32>,
      %get3A_1065 = arith.index_cast %mul3A_1049 : i32 to index
      %get3A_1066 = arith.constant 32 : index
      %get3A_1067 = tpu.vector_load %arg9[%get3A_1065, %get3A_1066] {strides = array<i32>} : memref<25x80xi32, #tpu.memory_space<vmem>>, vector<16xi32>,
      tpu.vector_store_idx %arg19[%get3A_1067], %broadcast_in_dim3A_141 {add = true} : memref<10240xf32, #tpu.memory_space<vmem>>[vector<16xi32>], vector<16xf32>,
      %get3A_1068 = arith.index_cast %mul3A_1049 : i32 to index
      %get3A_1069 = arith.constant 48 : index
      %get3A_1070 = tpu.vector_load %arg9[%get3A_1068, %get3A_1069] {strides = array<i32>} : memref<25x80xi32, #tpu.memory_space<vmem>>, vector<16xi32>,
      tpu.vector_store_idx %arg19[%get3A_1070], %broadcast_in_dim3A_141 {add = true} : memref<10240xf32, #tpu.memory_space<vmem>>[vector<16xi32>], vector<16xf32>,
      %get3A_1071 = arith.index_cast %mul3A_1049 : i32 to index
      %get3A_1072 = arith.constant 64 : index
      %get3A_1073 = tpu.vector_load %arg9[%get3A_1071, %get3A_1072] {strides = array<i32>} : memref<25x80xi32, #tpu.memory_space<vmem>>, vector<16xi32>,
      tpu.vector_store_idx %arg19[%get3A_1073], %broadcast_in_dim3A_141 {add = true} : memref<10240xf32, #tpu.memory_space<vmem>>[vector<16xi32>], vector<16xf32>,
      %dma_wait3A_1074 = arith.constant 0 : i32
      %dma_wait3A_1075 = tpu.memref_slice %arg9[%sub3A_1052, %dma_wait3A_1074] : memref<25x80xi32, #tpu.memory_space<vmem>> -> memref<1x80xi32, #tpu.memory_space<vmem>>
      %dma_wait3A_1076 = tpu.memref_squeeze %dma_wait3A_1075 : memref<1x80xi32, #tpu.memory_space<vmem>> -> memref<80xi32, #tpu.memory_space<vmem>>
      %dma_wait3A_1077 = arith.constant 0 : i32
      %dma_wait3A_1078 = arith.constant 0 : i32
      %dma_wait3A_1079 = tpu.memref_slice %arg6[%dma_wait3A_1077, %dma_wait3A_1078] : memref<10240x128xf32, #tpu.memory_space<vmem_shared>> -> memref<10240x128xf32, #tpu.memory_space<vmem_shared>>
      tpu.wait_indirect_dma semaphore(%arg16 : memref<!tpu.dma_semaphore, #tpu.memory_space<semaphore_mem>>) src(%arg12 : memref<80x128xf32, #tpu.memory_space<vmem>>) dst(%dma_wait3A_1079 : memref<10240x128xf32, #tpu.memory_space<vmem_shared>>)
      %dma_start3A_1080 = arith.constant 0 : i32
      %dma_start3A_1081 = tpu.memref_slice %arg7[%add3A_1051, %dma_start3A_1080] : memref<25x80xi32, #tpu.memory_space<vmem>> -> memref<1x80xi32, #tpu.memory_space<vmem>>
      %dma_start3A_1082 = tpu.memref_squeeze %dma_start3A_1081 : memref<1x80xi32, #tpu.memory_space<vmem>> -> memref<80xi32, #tpu.memory_space<vmem>>
      %dma_start3A_1083 = arith.constant 0 : i32
      %dma_start3A_1084 = arith.constant 0 : i32
      %dma_start3A_1085 = tpu.memref_slice %arg3[%dma_start3A_1083, %dma_start3A_1084] : memref<10000x128xf32, #tpu.memory_space<hbm>> -> memref<10000x128xf32, #tpu.memory_space<hbm>>
      tpu.enqueue_indirect_dma source(%dma_start3A_1085 : memref<10000x128xf32, #tpu.memory_space<hbm>>) target(%arg12 : memref<80x128xf32, #tpu.memory_space<vmem>>) offsets(%dma_start3A_1082 : memref<80xi32, #tpu.memory_space<vmem>>) semaphore(%arg14 : memref<!tpu.dma_semaphore, #tpu.memory_space<semaphore_mem>>)
      %dma_start3A_1086 = arith.constant 0 : i32
      %dma_start3A_1087 = tpu.memref_slice %arg9[%mul3A_1049, %dma_start3A_1086] : memref<25x80xi32, #tpu.memory_space<vmem>> -> memref<1x80xi32, #tpu.memory_space<vmem>>
      %dma_start3A_1088 = tpu.memref_squeeze %dma_start3A_1087 : memref<1x80xi32, #tpu.memory_space<vmem>> -> memref<80xi32, #tpu.memory_space<vmem>>
      %dma_start3A_1089 = arith.constant 0 : i32
      %dma_start3A_1090 = arith.constant 0 : i32
      %dma_start3A_1091 = tpu.memref_slice %arg6[%dma_start3A_1089, %dma_start3A_1090] : memref<10240x128xf32, #tpu.memory_space<vmem_shared>> -> memref<10240x128xf32, #tpu.memory_space<vmem_shared>>
      tpu.enqueue_indirect_dma source(%arg11 : memref<80x128xf32, #tpu.memory_space<vmem>>) target(%dma_start3A_1091 : memref<10240x128xf32, #tpu.memory_space<vmem_shared>>) offsets(%dma_start3A_1088 : memref<80xi32, #tpu.memory_space<vmem>>) semaphore(%arg15 : memref<!tpu.dma_semaphore, #tpu.memory_space<semaphore_mem>>) {add = true}
      %add3A_1092 = arith.constant 1 : i32
      %add3A_1093 = arith.addi %mul3A_1049, %add3A_1092 : i32
      %add3A_1094 = arith.constant 2 : i32
      %add3A_1095 = arith.addi %mul3A_1049, %add3A_1094 : i32
      %dma_wait3A_1096 = arith.constant 0 : i32
      %dma_wait3A_1097 = tpu.memref_slice %arg7[%add3A_1093, %dma_wait3A_1096] : memref<25x80xi32, #tpu.memory_space<vmem>> -> memref<1x80xi32, #tpu.memory_space<vmem>>
      %dma_wait3A_1098 = tpu.memref_squeeze %dma_wait3A_1097 : memref<1x80xi32, #tpu.memory_space<vmem>> -> memref<80xi32, #tpu.memory_space<vmem>>
      %dma_wait3A_1099 = arith.constant 0 : i32
      %dma_wait3A_1100 = arith.constant 0 : i32
      %dma_wait3A_1101 = tpu.memref_slice %arg3[%dma_wait3A_1099, %dma_wait3A_1100] : memref<10000x128xf32, #tpu.memory_space<hbm>> -> memref<10000x128xf32, #tpu.memory_space<hbm>>
      tpu.wait_indirect_dma semaphore(%arg14 : memref<!tpu.dma_semaphore, #tpu.memory_space<semaphore_mem>>) src(%dma_wait3A_1101 : memref<10000x128xf32, #tpu.memory_space<hbm>>) dst(%arg12 : memref<80x128xf32, #tpu.memory_space<vmem>>)
      %get3A_1102 = arith.index_cast %add3A_1093 : i32 to index
      %get3A_1103 = arith.constant 0 : index
      %get3A_1104 = tpu.vector_load %arg9[%get3A_1102, %get3A_1103] {strides = array<i32>} : memref<25x80xi32, #tpu.memory_space<vmem>>, vector<16xi32>,
      tpu.vector_store_idx %arg19[%get3A_1104], %broadcast_in_dim3A_141 {add = true} : memref<10240xf32, #tpu.memory_space<vmem>>[vector<16xi32>], vector<16xf32>,
      %get3A_1105 = arith.index_cast %add3A_1093 : i32 to index
      %get3A_1106 = arith.constant 16 : index
      %get3A_1107 = tpu.vector_load %arg9[%get3A_1105, %get3A_1106] {strides = array<i32>} : memref<25x80xi32, #tpu.memory_space<vmem>>, vector<16xi32>,
      tpu.vector_store_idx %arg19[%get3A_1107], %broadcast_in_dim3A_141 {add = true} : memref<10240xf32, #tpu.memory_space<vmem>>[vector<16xi32>], vector<16xf32>,
      %get3A_1108 = arith.index_cast %add3A_1093 : i32 to index
      %get3A_1109 = arith.constant 32 : index
      %get3A_1110 = tpu.vector_load %arg9[%get3A_1108, %get3A_1109] {strides = array<i32>} : memref<25x80xi32, #tpu.memory_space<vmem>>, vector<16xi32>,
      tpu.vector_store_idx %arg19[%get3A_1110], %broadcast_in_dim3A_141 {add = true} : memref<10240xf32, #tpu.memory_space<vmem>>[vector<16xi32>], vector<16xf32>,
      %get3A_1111 = arith.index_cast %add3A_1093 : i32 to index
      %get3A_1112 = arith.constant 48 : index
      %get3A_1113 = tpu.vector_load %arg9[%get3A_1111, %get3A_1112] {strides = array<i32>} : memref<25x80xi32, #tpu.memory_space<vmem>>, vector<16xi32>,
      tpu.vector_store_idx %arg19[%get3A_1113], %broadcast_in_dim3A_141 {add = true} : memref<10240xf32, #tpu.memory_space<vmem>>[vector<16xi32>], vector<16xf32>,
      %get3A_1114 = arith.index_cast %add3A_1093 : i32 to index
      %get3A_1115 = arith.constant 64 : index
      %get3A_1116 = tpu.vector_load %arg9[%get3A_1114, %get3A_1115] {strides = array<i32>} : memref<25x80xi32, #tpu.memory_space<vmem>>, vector<16xi32>,
      tpu.vector_store_idx %arg19[%get3A_1116], %broadcast_in_dim3A_141 {add = true} : memref<10240xf32, #tpu.memory_space<vmem>>[vector<16xi32>], vector<16xf32>,
      %dma_wait3A_1117 = arith.constant 0 : i32
      %dma_wait3A_1118 = tpu.memref_slice %arg9[%mul3A_1049, %dma_wait3A_1117] : memref<25x80xi32, #tpu.memory_space<vmem>> -> memref<1x80xi32, #tpu.memory_space<vmem>>
      %dma_wait3A_1119 = tpu.memref_squeeze %dma_wait3A_1118 : memref<1x80xi32, #tpu.memory_space<vmem>> -> memref<80xi32, #tpu.memory_space<vmem>>
      %dma_wait3A_1120 = arith.constant 0 : i32
      %dma_wait3A_1121 = arith.constant 0 : i32
      %dma_wait3A_1122 = tpu.memref_slice %arg6[%dma_wait3A_1120, %dma_wait3A_1121] : memref<10240x128xf32, #tpu.memory_space<vmem_shared>> -> memref<10240x128xf32, #tpu.memory_space<vmem_shared>>
      tpu.wait_indirect_dma semaphore(%arg15 : memref<!tpu.dma_semaphore, #tpu.memory_space<semaphore_mem>>) src(%arg11 : memref<80x128xf32, #tpu.memory_space<vmem>>) dst(%dma_wait3A_1122 : memref<10240x128xf32, #tpu.memory_space<vmem_shared>>)
      %dma_start3A_1123 = arith.constant 0 : i32
      %dma_start3A_1124 = tpu.memref_slice %arg7[%add3A_1095, %dma_start3A_1123] : memref<25x80xi32, #tpu.memory_space<vmem>> -> memref<1x80xi32, #tpu.memory_space<vmem>>
      %dma_start3A_1125 = tpu.memref_squeeze %dma_start3A_1124 : memref<1x80xi32, #tpu.memory_space<vmem>> -> memref<80xi32, #tpu.memory_space<vmem>>
      %dma_start3A_1126 = arith.constant 0 : i32
      %dma_start3A_1127 = arith.constant 0 : i32
      %dma_start3A_1128 = tpu.memref_slice %arg3[%dma_start3A_1126, %dma_start3A_1127] : memref<10000x128xf32, #tpu.memory_space<hbm>> -> memref<10000x128xf32, #tpu.memory_space<hbm>>
      tpu.enqueue_indirect_dma source(%dma_start3A_1128 : memref<10000x128xf32, #tpu.memory_space<hbm>>) target(%arg11 : memref<80x128xf32, #tpu.memory_space<vmem>>) offsets(%dma_start3A_1125 : memref<80xi32, #tpu.memory_space<vmem>>) semaphore(%arg13 : memref<!tpu.dma_semaphore, #tpu.memory_space<semaphore_mem>>)
      %dma_start3A_1129 = arith.constant 0 : i32
      %dma_start3A_1130 = tpu.memref_slice %arg9[%add3A_1093, %dma_start3A_1129] : memref<25x80xi32, #tpu.memory_space<vmem>> -> memref<1x80xi32, #tpu.memory_space<vmem>>
      %dma_start3A_1131 = tpu.memref_squeeze %dma_start3A_1130 : memref<1x80xi32, #tpu.memory_space<vmem>> -> memref<80xi32, #tpu.memory_space<vmem>>
      %dma_start3A_1132 = arith.constant 0 : i32
      %dma_start3A_1133 = arith.constant 0 : i32
      %dma_start3A_1134 = tpu.memref_slice %arg6[%dma_start3A_1132, %dma_start3A_1133] : memref<10240x128xf32, #tpu.memory_space<vmem_shared>> -> memref<10240x128xf32, #tpu.memory_space<vmem_shared>>
      tpu.enqueue_indirect_dma source(%arg12 : memref<80x128xf32, #tpu.memory_space<vmem>>) target(%dma_start3A_1134 : memref<10240x128xf32, #tpu.memory_space<vmem_shared>>) offsets(%dma_start3A_1131 : memref<80xi32, #tpu.memory_space<vmem>>) semaphore(%arg16 : memref<!tpu.dma_semaphore, #tpu.memory_space<semaphore_mem>>) {add = true}
    }
    %scan3A_995 = arith.constant 11 : i32
    %dma_wait3A_996 = arith.constant 24 : i32
    %dma_wait3A_997 = arith.constant 0 : i32
    %dma_wait3A_998 = tpu.memref_slice %arg7[%dma_wait3A_996, %dma_wait3A_997] : memref<25x80xi32, #tpu.memory_space<vmem>> -> memref<1x80xi32, #tpu.memory_space<vmem>>
    %dma_wait3A_999 = tpu.memref_squeeze %dma_wait3A_998 : memref<1x80xi32, #tpu.memory_space<vmem>> -> memref<80xi32, #tpu.memory_space<vmem>>
    %dma_wait3A_1000 = arith.constant 0 : i32
    %dma_wait3A_1001 = arith.constant 0 : i32
    %dma_wait3A_1002 = tpu.memref_slice %arg3[%dma_wait3A_1000, %dma_wait3A_1001] : memref<10000x128xf32, #tpu.memory_space<hbm>> -> memref<10000x128xf32, #tpu.memory_space<hbm>>
    tpu.wait_indirect_dma semaphore(%arg13 : memref<!tpu.dma_semaphore, #tpu.memory_space<semaphore_mem>>) src(%dma_wait3A_1002 : memref<10000x128xf32, #tpu.memory_space<hbm>>) dst(%arg11 : memref<80x128xf32, #tpu.memory_space<vmem>>)
    %get3A_1003 = arith.constant 24 : i32
    %get3A_1004 = arith.index_cast %get3A_1003 : i32 to index
    %get3A_1005 = arith.constant 0 : index
    %get3A_1006 = tpu.vector_load %arg9[%get3A_1004, %get3A_1005] {strides = array<i32>} : memref<25x80xi32, #tpu.memory_space<vmem>>, vector<16xi32>,
    tpu.vector_store_idx %arg19[%get3A_1006], %broadcast_in_dim3A_141 {add = true} : memref<10240xf32, #tpu.memory_space<vmem>>[vector<16xi32>], vector<16xf32>,
    %get3A_1007 = arith.constant 24 : i32
    %get3A_1008 = arith.index_cast %get3A_1007 : i32 to index
    %get3A_1009 = arith.constant 16 : index
    %get3A_1010 = tpu.vector_load %arg9[%get3A_1008, %get3A_1009] {strides = array<i32>} : memref<25x80xi32, #tpu.memory_space<vmem>>, vector<16xi32>,
    tpu.vector_store_idx %arg19[%get3A_1010], %broadcast_in_dim3A_141 {add = true} : memref<10240xf32, #tpu.memory_space<vmem>>[vector<16xi32>], vector<16xf32>,
    %get3A_1011 = arith.constant 24 : i32
    %get3A_1012 = arith.index_cast %get3A_1011 : i32 to index
    %get3A_1013 = arith.constant 32 : index
    %get3A_1014 = tpu.vector_load %arg9[%get3A_1012, %get3A_1013] {strides = array<i32>} : memref<25x80xi32, #tpu.memory_space<vmem>>, vector<16xi32>,
    tpu.vector_store_idx %arg19[%get3A_1014], %broadcast_in_dim3A_141 {add = true} : memref<10240xf32, #tpu.memory_space<vmem>>[vector<16xi32>], vector<16xf32>,
    %get3A_1015 = arith.constant 24 : i32
    %get3A_1016 = arith.index_cast %get3A_1015 : i32 to index
    %get3A_1017 = arith.constant 48 : index
    %get3A_1018 = tpu.vector_load %arg9[%get3A_1016, %get3A_1017] {strides = array<i32>} : memref<25x80xi32, #tpu.memory_space<vmem>>, vector<16xi32>,
    tpu.vector_store_idx %arg19[%get3A_1018], %broadcast_in_dim3A_141 {add = true} : memref<10240xf32, #tpu.memory_space<vmem>>[vector<16xi32>], vector<16xf32>,
    %get3A_1019 = arith.constant 24 : i32
    %get3A_1020 = arith.index_cast %get3A_1019 : i32 to index
    %get3A_1021 = arith.constant 64 : index
    %get3A_1022 = tpu.vector_load %arg9[%get3A_1020, %get3A_1021] {strides = array<i32>} : memref<25x80xi32, #tpu.memory_space<vmem>>, vector<16xi32>,
    tpu.vector_store_idx %arg19[%get3A_1022], %broadcast_in_dim3A_141 {add = true} : memref<10240xf32, #tpu.memory_space<vmem>>[vector<16xi32>], vector<16xf32>,
    %dma_wait3A_1023 = arith.constant 23 : i32
    %dma_wait3A_1024 = arith.constant 0 : i32
    %dma_wait3A_1025 = tpu.memref_slice %arg9[%dma_wait3A_1023, %dma_wait3A_1024] : memref<25x80xi32, #tpu.memory_space<vmem>> -> memref<1x80xi32, #tpu.memory_space<vmem>>
    %dma_wait3A_1026 = tpu.memref_squeeze %dma_wait3A_1025 : memref<1x80xi32, #tpu.memory_space<vmem>> -> memref<80xi32, #tpu.memory_space<vmem>>
    %dma_wait3A_1027 = arith.constant 0 : i32
    %dma_wait3A_1028 = arith.constant 0 : i32
    %dma_wait3A_1029 = tpu.memref_slice %arg6[%dma_wait3A_1027, %dma_wait3A_1028] : memref<10240x128xf32, #tpu.memory_space<vmem_shared>> -> memref<10240x128xf32, #tpu.memory_space<vmem_shared>>
    tpu.wait_indirect_dma semaphore(%arg16 : memref<!tpu.dma_semaphore, #tpu.memory_space<semaphore_mem>>) src(%arg12 : memref<80x128xf32, #tpu.memory_space<vmem>>) dst(%dma_wait3A_1029 : memref<10240x128xf32, #tpu.memory_space<vmem_shared>>)
    %dma_start3A_1030 = arith.constant 24 : i32
    %dma_start3A_1031 = arith.constant 0 : i32
    %dma_start3A_1032 = tpu.memref_slice %arg9[%dma_start3A_1030, %dma_start3A_1031] : memref<25x80xi32, #tpu.memory_space<vmem>> -> memref<1x80xi32, #tpu.memory_space<vmem>>
    %dma_start3A_1033 = tpu.memref_squeeze %dma_start3A_1032 : memref<1x80xi32, #tpu.memory_space<vmem>> -> memref<80xi32, #tpu.memory_space<vmem>>
    %dma_start3A_1034 = arith.constant 0 : i32
    %dma_start3A_1035 = arith.constant 0 : i32
    %dma_start3A_1036 = tpu.memref_slice %arg6[%dma_start3A_1034, %dma_start3A_1035] : memref<10240x128xf32, #tpu.memory_space<vmem_shared>> -> memref<10240x128xf32, #tpu.memory_space<vmem_shared>>
    tpu.enqueue_indirect_dma source(%arg11 : memref<80x128xf32, #tpu.memory_space<vmem>>) target(%dma_start3A_1036 : memref<10240x128xf32, #tpu.memory_space<vmem_shared>>) offsets(%dma_start3A_1033 : memref<80xi32, #tpu.memory_space<vmem>>) semaphore(%arg15 : memref<!tpu.dma_semaphore, #tpu.memory_space<semaphore_mem>>) {add = true}
    %dma_wait3A_1037 = arith.constant 24 : i32
    %dma_wait3A_1038 = arith.constant 0 : i32
    %dma_wait3A_1039 = tpu.memref_slice %arg9[%dma_wait3A_1037, %dma_wait3A_1038] : memref<25x80xi32, #tpu.memory_space<vmem>> -> memref<1x80xi32, #tpu.memory_space<vmem>>
    %dma_wait3A_1040 = tpu.memref_squeeze %dma_wait3A_1039 : memref<1x80xi32, #tpu.memory_space<vmem>> -> memref<80xi32, #tpu.memory_space<vmem>>
    %dma_wait3A_1041 = arith.constant 0 : i32
    %dma_wait3A_1042 = arith.constant 0 : i32
    %dma_wait3A_1043 = tpu.memref_slice %arg6[%dma_wait3A_1041, %dma_wait3A_1042] : memref<10240x128xf32, #tpu.memory_space<vmem_shared>> -> memref<10240x128xf32, #tpu.memory_space<vmem_shared>>
    tpu.wait_indirect_dma semaphore(%arg15 : memref<!tpu.dma_semaphore, #tpu.memory_space<semaphore_mem>>) src(%arg11 : memref<80x128xf32, #tpu.memory_space<vmem>>) dst(%dma_wait3A_1043 : memref<10240x128xf32, #tpu.memory_space<vmem_shared>>)
    %barrier3A_1044 = arith.constant 0 : index
    tpu.barrier barrier_id(%barrier3A_1044)
    "tpu.region"() ({
      %run_scoped3A = tpu.sem_alloc : memref<!tpu.dma_semaphore, #tpu.memory_space<semaphore_mem>>
      %dma_start3A_1047 = arith.constant 0 : i32
      %dma_start3A_1048 = tpu.memref_slice %arg4[%arg0, %mul3A_27, %dma_start3A_1047] : memref<2x10240x128xf32, #tpu.memory_space<hbm>> -> memref<1x640x128xf32, #tpu.memory_space<hbm>>
      %dma_start3A_1049 = tpu.memref_squeeze %dma_start3A_1048 : memref<1x640x128xf32, #tpu.memory_space<hbm>> -> memref<640x128xf32, #tpu.memory_space<hbm>>
      %dma_start3A_1050 = arith.constant 0 : i32
      %dma_start3A_1051 = tpu.memref_slice %arg6[%mul3A_27, %dma_start3A_1050] : memref<10240x128xf32, #tpu.memory_space<vmem_shared>> -> memref<640x128xf32, #tpu.memory_space<vmem_shared>>
      tpu.enqueue_dma source(%dma_start3A_1051 : memref<640x128xf32, #tpu.memory_space<vmem_shared>>) target(%dma_start3A_1049 : memref<640x128xf32, #tpu.memory_space<hbm>>) target_semaphore(%run_scoped3A : memref<!tpu.dma_semaphore, #tpu.memory_space<semaphore_mem>>)
      %dma_wait3A_1052 = arith.constant 0 : i32
      %dma_wait3A_1053 = tpu.memref_slice %arg4[%arg0, %mul3A_27, %dma_wait3A_1052] : memref<2x10240x128xf32, #tpu.memory_space<hbm>> -> memref<1x640x128xf32, #tpu.memory_space<hbm>>
      %dma_wait3A_1054 = tpu.memref_squeeze %dma_wait3A_1053 : memref<1x640x128xf32, #tpu.memory_space<hbm>> -> memref<640x128xf32, #tpu.memory_space<hbm>>
      %dma_wait3A_1055 = arith.constant 0 : i32
      %dma_wait3A_1056 = tpu.memref_slice %arg6[%mul3A_27, %dma_wait3A_1055] : memref<10240x128xf32, #tpu.memory_space<vmem_shared>> -> memref<640x128xf32, #tpu.memory_space<vmem_shared>>
      tpu.wait_dma2 semaphore(%run_scoped3A : memref<!tpu.dma_semaphore, #tpu.memory_space<semaphore_mem>>) src(%dma_wait3A_1056 : memref<640x128xf32, #tpu.memory_space<vmem_shared>>) dst(%dma_wait3A_1054 : memref<640x128xf32, #tpu.memory_space<hbm>>)
      tpu.yield
    }) : () -> ()
    %mul3A_1045 = arith.constant 10240 : i32
    %mul3A_1046 = arith.muli %add3A, %mul3A_1045 : i32
    "tpu.region"() ({
      %run_scoped3A = tpu.sem_alloc : memref<!tpu.dma_semaphore, #tpu.memory_space<semaphore_mem>>
      %dma_start3A_1047 = tpu.memref_slice %arg5[%mul3A_1046] : memref<327680xf32, #tpu.memory_space<hbm>> -> memref<10240xf32, #tpu.memory_space<hbm>>
      %dma_start3A_1048 = tpu.memref_slice %arg5[%mul3A_1046] : memref<327680xf32, #tpu.memory_space<hbm>> -> memref<10240xf32, #tpu.memory_space<hbm>>
      tpu.enqueue_dma source(%arg19 : memref<10240xf32, #tpu.memory_space<vmem>>) target(%dma_start3A_1048 : memref<10240xf32, #tpu.memory_space<hbm>>) target_semaphore(%run_scoped3A : memref<!tpu.dma_semaphore, #tpu.memory_space<semaphore_mem>>)
      %dma_wait3A_1049 = tpu.memref_slice %arg5[%mul3A_1046] : memref<327680xf32, #tpu.memory_space<hbm>> -> memref<10240xf32, #tpu.memory_space<hbm>>
      %dma_wait3A_1050 = tpu.memref_slice %arg5[%mul3A_1046] : memref<327680xf32, #tpu.memory_space<hbm>> -> memref<10240xf32, #tpu.memory_space<hbm>>
      tpu.wait_dma2 semaphore(%run_scoped3A : memref<!tpu.dma_semaphore, #tpu.memory_space<semaphore_mem>>) src(%arg19 : memref<10240xf32, #tpu.memory_space<vmem>>) dst(%dma_wait3A_1050 : memref<10240xf32, #tpu.memory_space<hbm>>)
      tpu.yield
    }) : () -> ()
    return
  }
}

#map = affine_map<(d0, d1) -> (0, 0, 0, 0, 0)>
#map1 = affine_map<(d0, d1) -> (0, 0)>
#map2 = affine_map<(d0, d1) -> (0, 0, 0)>
module attributes {stable_mosaic.version = 14 : i64} {
  func.func @body(%arg0: i32, %arg1: i32, %arg2: memref<2x32x5x25x80xi32, #tpu.memory_space<hbm>>, %arg3: memref<10000x128xf32, #tpu.memory_space<hbm>>, %arg4: memref<2x10240x128xf32, #tpu.memory_space<hbm>>, %arg5: memref<10240x128xf32, #tpu.memory_space<vmem_shared>>, %arg6: memref<25x80xi32, #tpu.memory_space<vmem>>, %arg7: memref<25x80xi32, #tpu.memory_space<vmem>>, %arg8: memref<25x80xi32, #tpu.memory_space<vmem>>, %arg9: memref<25x80xi32, #tpu.memory_space<vmem>>, %arg10: memref<80x128xf32, #tpu.memory_space<vmem>>, %arg11: memref<80x128xf32, #tpu.memory_space<vmem>>, %arg12: memref<!tpu.dma_semaphore, #tpu.memory_space<semaphore_mem>>, %arg13: memref<!tpu.dma_semaphore, #tpu.memory_space<semaphore_mem>>, %arg14: memref<!tpu.dma_semaphore, #tpu.memory_space<semaphore_mem>>, %arg15: memref<!tpu.dma_semaphore, #tpu.memory_space<semaphore_mem>>, %arg16: memref<!tpu.dma_semaphore, #tpu.memory_space<semaphore_mem>>, %arg17: memref<!tpu.dma_semaphore, #tpu.memory_space<semaphore_mem>>) attributes {dimension_semantics = [#tpu.dimension_semantics<core_parallel>, #tpu.dimension_semantics<subcore_parallel>], iteration_bounds = array<i64: 2, 16>, scalar_prefetch = 0 : i64, scratch_operands = 13 : i64, tpu.core_type = #tpu.core_type<sc_vector_subcore>, window_params = [{transform_indices = #map}, {transform_indices = #map1}, {transform_indices = #map2}]} {
    %mul3A = arith.constant 2 : i32
    %mul3A_0 = arith.muli %arg1, %mul3A : i32
    %add3A = arith.addi %mul3A_0, %arg0 : i32
    %dma_start3A = arith.constant 0 : i32
    %dma_start3A_1 = arith.constant 0 : i32
    %dma_start3A_2 = arith.constant 0 : i32
    %dma_start3A_3 = arith.constant 0 : i32
    %dma_start3A_4 = tpu.memref_slice %arg2[%dma_start3A, %add3A, %dma_start3A_1, %dma_start3A_2, %dma_start3A_3] : memref<2x32x5x25x80xi32, #tpu.memory_space<hbm>> -> memref<1x1x1x25x80xi32, #tpu.memory_space<hbm>>
    %dma_start3A_5 = tpu.memref_squeeze %dma_start3A_4 : memref<1x1x1x25x80xi32, #tpu.memory_space<hbm>> -> memref<25x80xi32, #tpu.memory_space<hbm>>
    %dma_start3A_6 = arith.constant 0 : i32
    %dma_start3A_7 = arith.constant 0 : i32
    %dma_start3A_8 = tpu.memref_slice %arg2[%dma_start3A, %add3A, %dma_start3A_1, %dma_start3A_6, %dma_start3A_7] : memref<2x32x5x25x80xi32, #tpu.memory_space<hbm>> -> memref<1x1x1x25x80xi32, #tpu.memory_space<hbm>>
    %dma_start3A_9 = tpu.memref_squeeze %dma_start3A_8 : memref<1x1x1x25x80xi32, #tpu.memory_space<hbm>> -> memref<25x80xi32, #tpu.memory_space<hbm>>
    tpu.enqueue_dma source(%dma_start3A_9 : memref<25x80xi32, #tpu.memory_space<hbm>>) target(%arg6 : memref<25x80xi32, #tpu.memory_space<vmem>>) target_semaphore(%arg16 : memref<!tpu.dma_semaphore, #tpu.memory_space<semaphore_mem>>)
    %dma_start3A_10 = arith.constant 1 : i32
    %dma_start3A_11 = arith.constant 0 : i32
    %dma_start3A_12 = arith.constant 0 : i32
    %dma_start3A_13 = arith.constant 0 : i32
    %dma_start3A_14 = tpu.memref_slice %arg2[%dma_start3A_10, %add3A, %dma_start3A_11, %dma_start3A_12, %dma_start3A_13] : memref<2x32x5x25x80xi32, #tpu.memory_space<hbm>> -> memref<1x1x1x25x80xi32, #tpu.memory_space<hbm>>
    %dma_start3A_15 = tpu.memref_squeeze %dma_start3A_14 : memref<1x1x1x25x80xi32, #tpu.memory_space<hbm>> -> memref<25x80xi32, #tpu.memory_space<hbm>>
    %dma_start3A_16 = arith.constant 0 : i32
    %dma_start3A_17 = arith.constant 0 : i32
    %dma_start3A_18 = tpu.memref_slice %arg2[%dma_start3A_10, %add3A, %dma_start3A_11, %dma_start3A_16, %dma_start3A_17] : memref<2x32x5x25x80xi32, #tpu.memory_space<hbm>> -> memref<1x1x1x25x80xi32, #tpu.memory_space<hbm>>
    %dma_start3A_19 = tpu.memref_squeeze %dma_start3A_18 : memref<1x1x1x25x80xi32, #tpu.memory_space<hbm>> -> memref<25x80xi32, #tpu.memory_space<hbm>>
    tpu.enqueue_dma source(%dma_start3A_19 : memref<25x80xi32, #tpu.memory_space<hbm>>) target(%arg8 : memref<25x80xi32, #tpu.memory_space<vmem>>) target_semaphore(%arg16 : memref<!tpu.dma_semaphore, #tpu.memory_space<semaphore_mem>>)
    %broadcast_in_dim3A = arith.constant 0.000000e+00 : f32
    %broadcast_in_dim3A_20 = vector.broadcast %broadcast_in_dim3A : f32 to vector<16xf32>
    %scan3A = arith.constant 0 : i32
    %scan3A_21 = arith.constant 0 : i32
    %scan3A_22 = arith.constant 80 : i32
    %scan3A_23 = arith.addi %scan3A_21, %scan3A_22 : i32
    %scan3A_24 = arith.constant 1 : i32
    scf.for %scan3A_740 = %scan3A_21 to %scan3A_23 step %scan3A_24  : i32 {
      %swap3A = arith.index_cast %scan3A_740 : i32 to index
      %swap3A_741 = arith.constant 0 : index
      %swap3A_742 = tpu.vector_load %arg10[%swap3A, %swap3A_741] {strides = array<i32>} : memref<80x128xf32, #tpu.memory_space<vmem>>, vector<16xf32>,
      tpu.vector_store %arg10[%swap3A, %swap3A_741], %broadcast_in_dim3A_20 {strides = array<i32>} : memref<80x128xf32, #tpu.memory_space<vmem>>, vector<16xf32>,
      %swap3A_743 = arith.index_cast %scan3A_740 : i32 to index
      %swap3A_744 = arith.constant 0 : index
      %swap3A_745 = tpu.vector_load %arg11[%swap3A_743, %swap3A_744] {strides = array<i32>} : memref<80x128xf32, #tpu.memory_space<vmem>>, vector<16xf32>,
      tpu.vector_store %arg11[%swap3A_743, %swap3A_744], %broadcast_in_dim3A_20 {strides = array<i32>} : memref<80x128xf32, #tpu.memory_space<vmem>>, vector<16xf32>,
      %swap3A_746 = arith.index_cast %scan3A_740 : i32 to index
      %swap3A_747 = arith.constant 16 : index
      %swap3A_748 = tpu.vector_load %arg10[%swap3A_746, %swap3A_747] {strides = array<i32>} : memref<80x128xf32, #tpu.memory_space<vmem>>, vector<16xf32>,
      tpu.vector_store %arg10[%swap3A_746, %swap3A_747], %broadcast_in_dim3A_20 {strides = array<i32>} : memref<80x128xf32, #tpu.memory_space<vmem>>, vector<16xf32>,
      %swap3A_749 = arith.index_cast %scan3A_740 : i32 to index
      %swap3A_750 = arith.constant 16 : index
      %swap3A_751 = tpu.vector_load %arg11[%swap3A_749, %swap3A_750] {strides = array<i32>} : memref<80x128xf32, #tpu.memory_space<vmem>>, vector<16xf32>,
      tpu.vector_store %arg11[%swap3A_749, %swap3A_750], %broadcast_in_dim3A_20 {strides = array<i32>} : memref<80x128xf32, #tpu.memory_space<vmem>>, vector<16xf32>,
      %swap3A_752 = arith.index_cast %scan3A_740 : i32 to index
      %swap3A_753 = arith.constant 32 : index
      %swap3A_754 = tpu.vector_load %arg10[%swap3A_752, %swap3A_753] {strides = array<i32>} : memref<80x128xf32, #tpu.memory_space<vmem>>, vector<16xf32>,
      tpu.vector_store %arg10[%swap3A_752, %swap3A_753], %broadcast_in_dim3A_20 {strides = array<i32>} : memref<80x128xf32, #tpu.memory_space<vmem>>, vector<16xf32>,
      %swap3A_755 = arith.index_cast %scan3A_740 : i32 to index
      %swap3A_756 = arith.constant 32 : index
      %swap3A_757 = tpu.vector_load %arg11[%swap3A_755, %swap3A_756] {strides = array<i32>} : memref<80x128xf32, #tpu.memory_space<vmem>>, vector<16xf32>,
      tpu.vector_store %arg11[%swap3A_755, %swap3A_756], %broadcast_in_dim3A_20 {strides = array<i32>} : memref<80x128xf32, #tpu.memory_space<vmem>>, vector<16xf32>,
      %swap3A_758 = arith.index_cast %scan3A_740 : i32 to index
      %swap3A_759 = arith.constant 48 : index
      %swap3A_760 = tpu.vector_load %arg10[%swap3A_758, %swap3A_759] {strides = array<i32>} : memref<80x128xf32, #tpu.memory_space<vmem>>, vector<16xf32>,
      tpu.vector_store %arg10[%swap3A_758, %swap3A_759], %broadcast_in_dim3A_20 {strides = array<i32>} : memref<80x128xf32, #tpu.memory_space<vmem>>, vector<16xf32>,
      %swap3A_761 = arith.index_cast %scan3A_740 : i32 to index
      %swap3A_762 = arith.constant 48 : index
      %swap3A_763 = tpu.vector_load %arg11[%swap3A_761, %swap3A_762] {strides = array<i32>} : memref<80x128xf32, #tpu.memory_space<vmem>>, vector<16xf32>,
      tpu.vector_store %arg11[%swap3A_761, %swap3A_762], %broadcast_in_dim3A_20 {strides = array<i32>} : memref<80x128xf32, #tpu.memory_space<vmem>>, vector<16xf32>,
      %swap3A_764 = arith.index_cast %scan3A_740 : i32 to index
      %swap3A_765 = arith.constant 64 : index
      %swap3A_766 = tpu.vector_load %arg10[%swap3A_764, %swap3A_765] {strides = array<i32>} : memref<80x128xf32, #tpu.memory_space<vmem>>, vector<16xf32>,
      tpu.vector_store %arg10[%swap3A_764, %swap3A_765], %broadcast_in_dim3A_20 {strides = array<i32>} : memref<80x128xf32, #tpu.memory_space<vmem>>, vector<16xf32>,
      %swap3A_767 = arith.index_cast %scan3A_740 : i32 to index
      %swap3A_768 = arith.constant 64 : index
      %swap3A_769 = tpu.vector_load %arg11[%swap3A_767, %swap3A_768] {strides = array<i32>} : memref<80x128xf32, #tpu.memory_space<vmem>>, vector<16xf32>,
      tpu.vector_store %arg11[%swap3A_767, %swap3A_768], %broadcast_in_dim3A_20 {strides = array<i32>} : memref<80x128xf32, #tpu.memory_space<vmem>>, vector<16xf32>,
      %swap3A_770 = arith.index_cast %scan3A_740 : i32 to index
      %swap3A_771 = arith.constant 80 : index
      %swap3A_772 = tpu.vector_load %arg10[%swap3A_770, %swap3A_771] {strides = array<i32>} : memref<80x128xf32, #tpu.memory_space<vmem>>, vector<16xf32>,
      tpu.vector_store %arg10[%swap3A_770, %swap3A_771], %broadcast_in_dim3A_20 {strides = array<i32>} : memref<80x128xf32, #tpu.memory_space<vmem>>, vector<16xf32>,
      %swap3A_773 = arith.index_cast %scan3A_740 : i32 to index
      %swap3A_774 = arith.constant 80 : index
      %swap3A_775 = tpu.vector_load %arg11[%swap3A_773, %swap3A_774] {strides = array<i32>} : memref<80x128xf32, #tpu.memory_space<vmem>>, vector<16xf32>,
      tpu.vector_store %arg11[%swap3A_773, %swap3A_774], %broadcast_in_dim3A_20 {strides = array<i32>} : memref<80x128xf32, #tpu.memory_space<vmem>>, vector<16xf32>,
      %swap3A_776 = arith.index_cast %scan3A_740 : i32 to index
      %swap3A_777 = arith.constant 96 : index
      %swap3A_778 = tpu.vector_load %arg10[%swap3A_776, %swap3A_777] {strides = array<i32>} : memref<80x128xf32, #tpu.memory_space<vmem>>, vector<16xf32>,
      tpu.vector_store %arg10[%swap3A_776, %swap3A_777], %broadcast_in_dim3A_20 {strides = array<i32>} : memref<80x128xf32, #tpu.memory_space<vmem>>, vector<16xf32>,
      %swap3A_779 = arith.index_cast %scan3A_740 : i32 to index
      %swap3A_780 = arith.constant 96 : index
      %swap3A_781 = tpu.vector_load %arg11[%swap3A_779, %swap3A_780] {strides = array<i32>} : memref<80x128xf32, #tpu.memory_space<vmem>>, vector<16xf32>,
      tpu.vector_store %arg11[%swap3A_779, %swap3A_780], %broadcast_in_dim3A_20 {strides = array<i32>} : memref<80x128xf32, #tpu.memory_space<vmem>>, vector<16xf32>,
      %swap3A_782 = arith.index_cast %scan3A_740 : i32 to index
      %swap3A_783 = arith.constant 112 : index
      %swap3A_784 = tpu.vector_load %arg10[%swap3A_782, %swap3A_783] {strides = array<i32>} : memref<80x128xf32, #tpu.memory_space<vmem>>, vector<16xf32>,
      tpu.vector_store %arg10[%swap3A_782, %swap3A_783], %broadcast_in_dim3A_20 {strides = array<i32>} : memref<80x128xf32, #tpu.memory_space<vmem>>, vector<16xf32>,
      %swap3A_785 = arith.index_cast %scan3A_740 : i32 to index
      %swap3A_786 = arith.constant 112 : index
      %swap3A_787 = tpu.vector_load %arg11[%swap3A_785, %swap3A_786] {strides = array<i32>} : memref<80x128xf32, #tpu.memory_space<vmem>>, vector<16xf32>,
      tpu.vector_store %arg11[%swap3A_785, %swap3A_786], %broadcast_in_dim3A_20 {strides = array<i32>} : memref<80x128xf32, #tpu.memory_space<vmem>>, vector<16xf32>,
    }
    %scan3A_25 = arith.constant 80 : i32
    %mul3A_26 = arith.constant 640 : i32
    %mul3A_27 = arith.muli %arg1, %mul3A_26 : i32
    %add3A_28 = arith.constant 0 : i32
    %add3A_29 = arith.addi %mul3A_27, %add3A_28 : i32
    %dma_start3A_30 = arith.constant 0 : i32
    %dma_start3A_31 = tpu.memref_slice %arg5[%add3A_29, %dma_start3A_30] : memref<10240x128xf32, #tpu.memory_space<vmem_shared>> -> memref<80x128xf32, #tpu.memory_space<vmem_shared>>
    %dma_start3A_32 = arith.constant 0 : i32
    %dma_start3A_33 = tpu.memref_slice %arg5[%add3A_29, %dma_start3A_32] : memref<10240x128xf32, #tpu.memory_space<vmem_shared>> -> memref<80x128xf32, #tpu.memory_space<vmem_shared>>
    tpu.enqueue_dma source(%arg10 : memref<80x128xf32, #tpu.memory_space<vmem>>) target(%dma_start3A_33 : memref<80x128xf32, #tpu.memory_space<vmem_shared>>) target_semaphore(%arg17 : memref<!tpu.dma_semaphore, #tpu.memory_space<semaphore_mem>>)
    %add3A_34 = arith.constant 80 : i32
    %add3A_35 = arith.addi %mul3A_27, %add3A_34 : i32
    %dma_start3A_36 = arith.constant 0 : i32
    %dma_start3A_37 = tpu.memref_slice %arg5[%add3A_35, %dma_start3A_36] : memref<10240x128xf32, #tpu.memory_space<vmem_shared>> -> memref<80x128xf32, #tpu.memory_space<vmem_shared>>
    %dma_start3A_38 = arith.constant 0 : i32
    %dma_start3A_39 = tpu.memref_slice %arg5[%add3A_35, %dma_start3A_38] : memref<10240x128xf32, #tpu.memory_space<vmem_shared>> -> memref<80x128xf32, #tpu.memory_space<vmem_shared>>
    tpu.enqueue_dma source(%arg11 : memref<80x128xf32, #tpu.memory_space<vmem>>) target(%dma_start3A_39 : memref<80x128xf32, #tpu.memory_space<vmem_shared>>) target_semaphore(%arg17 : memref<!tpu.dma_semaphore, #tpu.memory_space<semaphore_mem>>)
    %add3A_40 = arith.constant 160 : i32
    %add3A_41 = arith.addi %mul3A_27, %add3A_40 : i32
    %dma_start3A_42 = arith.constant 0 : i32
    %dma_start3A_43 = tpu.memref_slice %arg5[%add3A_41, %dma_start3A_42] : memref<10240x128xf32, #tpu.memory_space<vmem_shared>> -> memref<80x128xf32, #tpu.memory_space<vmem_shared>>
    %dma_start3A_44 = arith.constant 0 : i32
    %dma_start3A_45 = tpu.memref_slice %arg5[%add3A_41, %dma_start3A_44] : memref<10240x128xf32, #tpu.memory_space<vmem_shared>> -> memref<80x128xf32, #tpu.memory_space<vmem_shared>>
    tpu.enqueue_dma source(%arg10 : memref<80x128xf32, #tpu.memory_space<vmem>>) target(%dma_start3A_45 : memref<80x128xf32, #tpu.memory_space<vmem_shared>>) target_semaphore(%arg17 : memref<!tpu.dma_semaphore, #tpu.memory_space<semaphore_mem>>)
    %add3A_46 = arith.constant 240 : i32
    %add3A_47 = arith.addi %mul3A_27, %add3A_46 : i32
    %dma_start3A_48 = arith.constant 0 : i32
    %dma_start3A_49 = tpu.memref_slice %arg5[%add3A_47, %dma_start3A_48] : memref<10240x128xf32, #tpu.memory_space<vmem_shared>> -> memref<80x128xf32, #tpu.memory_space<vmem_shared>>
    %dma_start3A_50 = arith.constant 0 : i32
    %dma_start3A_51 = tpu.memref_slice %arg5[%add3A_47, %dma_start3A_50] : memref<10240x128xf32, #tpu.memory_space<vmem_shared>> -> memref<80x128xf32, #tpu.memory_space<vmem_shared>>
    tpu.enqueue_dma source(%arg11 : memref<80x128xf32, #tpu.memory_space<vmem>>) target(%dma_start3A_51 : memref<80x128xf32, #tpu.memory_space<vmem_shared>>) target_semaphore(%arg17 : memref<!tpu.dma_semaphore, #tpu.memory_space<semaphore_mem>>)
    %add3A_52 = arith.constant 320 : i32
    %add3A_53 = arith.addi %mul3A_27, %add3A_52 : i32
    %dma_start3A_54 = arith.constant 0 : i32
    %dma_start3A_55 = tpu.memref_slice %arg5[%add3A_53, %dma_start3A_54] : memref<10240x128xf32, #tpu.memory_space<vmem_shared>> -> memref<80x128xf32, #tpu.memory_space<vmem_shared>>
    %dma_start3A_56 = arith.constant 0 : i32
    %dma_start3A_57 = tpu.memref_slice %arg5[%add3A_53, %dma_start3A_56] : memref<10240x128xf32, #tpu.memory_space<vmem_shared>> -> memref<80x128xf32, #tpu.memory_space<vmem_shared>>
    tpu.enqueue_dma source(%arg10 : memref<80x128xf32, #tpu.memory_space<vmem>>) target(%dma_start3A_57 : memref<80x128xf32, #tpu.memory_space<vmem_shared>>) target_semaphore(%arg17 : memref<!tpu.dma_semaphore, #tpu.memory_space<semaphore_mem>>)
    %add3A_58 = arith.constant 400 : i32
    %add3A_59 = arith.addi %mul3A_27, %add3A_58 : i32
    %dma_start3A_60 = arith.constant 0 : i32
    %dma_start3A_61 = tpu.memref_slice %arg5[%add3A_59, %dma_start3A_60] : memref<10240x128xf32, #tpu.memory_space<vmem_shared>> -> memref<80x128xf32, #tpu.memory_space<vmem_shared>>
    %dma_start3A_62 = arith.constant 0 : i32
    %dma_start3A_63 = tpu.memref_slice %arg5[%add3A_59, %dma_start3A_62] : memref<10240x128xf32, #tpu.memory_space<vmem_shared>> -> memref<80x128xf32, #tpu.memory_space<vmem_shared>>
    tpu.enqueue_dma source(%arg11 : memref<80x128xf32, #tpu.memory_space<vmem>>) target(%dma_start3A_63 : memref<80x128xf32, #tpu.memory_space<vmem_shared>>) target_semaphore(%arg17 : memref<!tpu.dma_semaphore, #tpu.memory_space<semaphore_mem>>)
    %add3A_64 = arith.constant 480 : i32
    %add3A_65 = arith.addi %mul3A_27, %add3A_64 : i32
    %dma_start3A_66 = arith.constant 0 : i32
    %dma_start3A_67 = tpu.memref_slice %arg5[%add3A_65, %dma_start3A_66] : memref<10240x128xf32, #tpu.memory_space<vmem_shared>> -> memref<80x128xf32, #tpu.memory_space<vmem_shared>>
    %dma_start3A_68 = arith.constant 0 : i32
    %dma_start3A_69 = tpu.memref_slice %arg5[%add3A_65, %dma_start3A_68] : memref<10240x128xf32, #tpu.memory_space<vmem_shared>> -> memref<80x128xf32, #tpu.memory_space<vmem_shared>>
    tpu.enqueue_dma source(%arg10 : memref<80x128xf32, #tpu.memory_space<vmem>>) target(%dma_start3A_69 : memref<80x128xf32, #tpu.memory_space<vmem_shared>>) target_semaphore(%arg17 : memref<!tpu.dma_semaphore, #tpu.memory_space<semaphore_mem>>)
    %add3A_70 = arith.constant 560 : i32
    %add3A_71 = arith.addi %mul3A_27, %add3A_70 : i32
    %dma_start3A_72 = arith.constant 0 : i32
    %dma_start3A_73 = tpu.memref_slice %arg5[%add3A_71, %dma_start3A_72] : memref<10240x128xf32, #tpu.memory_space<vmem_shared>> -> memref<80x128xf32, #tpu.memory_space<vmem_shared>>
    %dma_start3A_74 = arith.constant 0 : i32
    %dma_start3A_75 = tpu.memref_slice %arg5[%add3A_71, %dma_start3A_74] : memref<10240x128xf32, #tpu.memory_space<vmem_shared>> -> memref<80x128xf32, #tpu.memory_space<vmem_shared>>
    tpu.enqueue_dma source(%arg11 : memref<80x128xf32, #tpu.memory_space<vmem>>) target(%dma_start3A_75 : memref<80x128xf32, #tpu.memory_space<vmem_shared>>) target_semaphore(%arg17 : memref<!tpu.dma_semaphore, #tpu.memory_space<semaphore_mem>>)
    %dma_wait3A = arith.constant 0 : i32
    %dma_wait3A_76 = tpu.memref_slice %arg5[%add3A_29, %dma_wait3A] : memref<10240x128xf32, #tpu.memory_space<vmem_shared>> -> memref<80x128xf32, #tpu.memory_space<vmem_shared>>
    %dma_wait3A_77 = arith.constant 0 : i32
    %dma_wait3A_78 = tpu.memref_slice %arg5[%add3A_29, %dma_wait3A_77] : memref<10240x128xf32, #tpu.memory_space<vmem_shared>> -> memref<80x128xf32, #tpu.memory_space<vmem_shared>>
    tpu.wait_dma2 semaphore(%arg17 : memref<!tpu.dma_semaphore, #tpu.memory_space<semaphore_mem>>) src(%arg10 : memref<80x128xf32, #tpu.memory_space<vmem>>) dst(%dma_wait3A_78 : memref<80x128xf32, #tpu.memory_space<vmem_shared>>)
    %dma_wait3A_79 = arith.constant 0 : i32
    %dma_wait3A_80 = tpu.memref_slice %arg5[%add3A_35, %dma_wait3A_79] : memref<10240x128xf32, #tpu.memory_space<vmem_shared>> -> memref<80x128xf32, #tpu.memory_space<vmem_shared>>
    %dma_wait3A_81 = arith.constant 0 : i32
    %dma_wait3A_82 = tpu.memref_slice %arg5[%add3A_35, %dma_wait3A_81] : memref<10240x128xf32, #tpu.memory_space<vmem_shared>> -> memref<80x128xf32, #tpu.memory_space<vmem_shared>>
    tpu.wait_dma2 semaphore(%arg17 : memref<!tpu.dma_semaphore, #tpu.memory_space<semaphore_mem>>) src(%arg11 : memref<80x128xf32, #tpu.memory_space<vmem>>) dst(%dma_wait3A_82 : memref<80x128xf32, #tpu.memory_space<vmem_shared>>)
    %dma_wait3A_83 = arith.constant 0 : i32
    %dma_wait3A_84 = tpu.memref_slice %arg5[%add3A_41, %dma_wait3A_83] : memref<10240x128xf32, #tpu.memory_space<vmem_shared>> -> memref<80x128xf32, #tpu.memory_space<vmem_shared>>
    %dma_wait3A_85 = arith.constant 0 : i32
    %dma_wait3A_86 = tpu.memref_slice %arg5[%add3A_41, %dma_wait3A_85] : memref<10240x128xf32, #tpu.memory_space<vmem_shared>> -> memref<80x128xf32, #tpu.memory_space<vmem_shared>>
    tpu.wait_dma2 semaphore(%arg17 : memref<!tpu.dma_semaphore, #tpu.memory_space<semaphore_mem>>) src(%arg10 : memref<80x128xf32, #tpu.memory_space<vmem>>) dst(%dma_wait3A_86 : memref<80x128xf32, #tpu.memory_space<vmem_shared>>)
    %dma_wait3A_87 = arith.constant 0 : i32
    %dma_wait3A_88 = tpu.memref_slice %arg5[%add3A_47, %dma_wait3A_87] : memref<10240x128xf32, #tpu.memory_space<vmem_shared>> -> memref<80x128xf32, #tpu.memory_space<vmem_shared>>
    %dma_wait3A_89 = arith.constant 0 : i32
    %dma_wait3A_90 = tpu.memref_slice %arg5[%add3A_47, %dma_wait3A_89] : memref<10240x128xf32, #tpu.memory_space<vmem_shared>> -> memref<80x128xf32, #tpu.memory_space<vmem_shared>>
    tpu.wait_dma2 semaphore(%arg17 : memref<!tpu.dma_semaphore, #tpu.memory_space<semaphore_mem>>) src(%arg11 : memref<80x128xf32, #tpu.memory_space<vmem>>) dst(%dma_wait3A_90 : memref<80x128xf32, #tpu.memory_space<vmem_shared>>)
    %dma_wait3A_91 = arith.constant 0 : i32
    %dma_wait3A_92 = tpu.memref_slice %arg5[%add3A_53, %dma_wait3A_91] : memref<10240x128xf32, #tpu.memory_space<vmem_shared>> -> memref<80x128xf32, #tpu.memory_space<vmem_shared>>
    %dma_wait3A_93 = arith.constant 0 : i32
    %dma_wait3A_94 = tpu.memref_slice %arg5[%add3A_53, %dma_wait3A_93] : memref<10240x128xf32, #tpu.memory_space<vmem_shared>> -> memref<80x128xf32, #tpu.memory_space<vmem_shared>>
    tpu.wait_dma2 semaphore(%arg17 : memref<!tpu.dma_semaphore, #tpu.memory_space<semaphore_mem>>) src(%arg10 : memref<80x128xf32, #tpu.memory_space<vmem>>) dst(%dma_wait3A_94 : memref<80x128xf32, #tpu.memory_space<vmem_shared>>)
    %dma_wait3A_95 = arith.constant 0 : i32
    %dma_wait3A_96 = tpu.memref_slice %arg5[%add3A_59, %dma_wait3A_95] : memref<10240x128xf32, #tpu.memory_space<vmem_shared>> -> memref<80x128xf32, #tpu.memory_space<vmem_shared>>
    %dma_wait3A_97 = arith.constant 0 : i32
    %dma_wait3A_98 = tpu.memref_slice %arg5[%add3A_59, %dma_wait3A_97] : memref<10240x128xf32, #tpu.memory_space<vmem_shared>> -> memref<80x128xf32, #tpu.memory_space<vmem_shared>>
    tpu.wait_dma2 semaphore(%arg17 : memref<!tpu.dma_semaphore, #tpu.memory_space<semaphore_mem>>) src(%arg11 : memref<80x128xf32, #tpu.memory_space<vmem>>) dst(%dma_wait3A_98 : memref<80x128xf32, #tpu.memory_space<vmem_shared>>)
    %dma_wait3A_99 = arith.constant 0 : i32
    %dma_wait3A_100 = tpu.memref_slice %arg5[%add3A_65, %dma_wait3A_99] : memref<10240x128xf32, #tpu.memory_space<vmem_shared>> -> memref<80x128xf32, #tpu.memory_space<vmem_shared>>
    %dma_wait3A_101 = arith.constant 0 : i32
    %dma_wait3A_102 = tpu.memref_slice %arg5[%add3A_65, %dma_wait3A_101] : memref<10240x128xf32, #tpu.memory_space<vmem_shared>> -> memref<80x128xf32, #tpu.memory_space<vmem_shared>>
    tpu.wait_dma2 semaphore(%arg17 : memref<!tpu.dma_semaphore, #tpu.memory_space<semaphore_mem>>) src(%arg10 : memref<80x128xf32, #tpu.memory_space<vmem>>) dst(%dma_wait3A_102 : memref<80x128xf32, #tpu.memory_space<vmem_shared>>)
    %dma_wait3A_103 = arith.constant 0 : i32
    %dma_wait3A_104 = tpu.memref_slice %arg5[%add3A_71, %dma_wait3A_103] : memref<10240x128xf32, #tpu.memory_space<vmem_shared>> -> memref<80x128xf32, #tpu.memory_space<vmem_shared>>
    %dma_wait3A_105 = arith.constant 0 : i32
    %dma_wait3A_106 = tpu.memref_slice %arg5[%add3A_71, %dma_wait3A_105] : memref<10240x128xf32, #tpu.memory_space<vmem_shared>> -> memref<80x128xf32, #tpu.memory_space<vmem_shared>>
    tpu.wait_dma2 semaphore(%arg17 : memref<!tpu.dma_semaphore, #tpu.memory_space<semaphore_mem>>) src(%arg11 : memref<80x128xf32, #tpu.memory_space<vmem>>) dst(%dma_wait3A_106 : memref<80x128xf32, #tpu.memory_space<vmem_shared>>)
    %dma_wait3A_107 = arith.constant 0 : i32
    %dma_wait3A_108 = arith.constant 0 : i32
    %dma_wait3A_109 = arith.constant 0 : i32
    %dma_wait3A_110 = arith.constant 0 : i32
    %dma_wait3A_111 = tpu.memref_slice %arg2[%dma_wait3A_107, %add3A, %dma_wait3A_108, %dma_wait3A_109, %dma_wait3A_110] : memref<2x32x5x25x80xi32, #tpu.memory_space<hbm>> -> memref<1x1x1x25x80xi32, #tpu.memory_space<hbm>>
    %dma_wait3A_112 = tpu.memref_squeeze %dma_wait3A_111 : memref<1x1x1x25x80xi32, #tpu.memory_space<hbm>> -> memref<25x80xi32, #tpu.memory_space<hbm>>
    %dma_wait3A_113 = arith.constant 0 : i32
    %dma_wait3A_114 = arith.constant 0 : i32
    %dma_wait3A_115 = tpu.memref_slice %arg2[%dma_wait3A_107, %add3A, %dma_wait3A_108, %dma_wait3A_113, %dma_wait3A_114] : memref<2x32x5x25x80xi32, #tpu.memory_space<hbm>> -> memref<1x1x1x25x80xi32, #tpu.memory_space<hbm>>
    %dma_wait3A_116 = tpu.memref_squeeze %dma_wait3A_115 : memref<1x1x1x25x80xi32, #tpu.memory_space<hbm>> -> memref<25x80xi32, #tpu.memory_space<hbm>>
    tpu.wait_dma2 semaphore(%arg16 : memref<!tpu.dma_semaphore, #tpu.memory_space<semaphore_mem>>) src(%dma_wait3A_116 : memref<25x80xi32, #tpu.memory_space<hbm>>) dst(%arg6 : memref<25x80xi32, #tpu.memory_space<vmem>>)
    %dma_wait3A_117 = arith.constant 1 : i32
    %dma_wait3A_118 = arith.constant 0 : i32
    %dma_wait3A_119 = arith.constant 0 : i32
    %dma_wait3A_120 = arith.constant 0 : i32
    %dma_wait3A_121 = tpu.memref_slice %arg2[%dma_wait3A_117, %add3A, %dma_wait3A_118, %dma_wait3A_119, %dma_wait3A_120] : memref<2x32x5x25x80xi32, #tpu.memory_space<hbm>> -> memref<1x1x1x25x80xi32, #tpu.memory_space<hbm>>
    %dma_wait3A_122 = tpu.memref_squeeze %dma_wait3A_121 : memref<1x1x1x25x80xi32, #tpu.memory_space<hbm>> -> memref<25x80xi32, #tpu.memory_space<hbm>>
    %dma_wait3A_123 = arith.constant 0 : i32
    %dma_wait3A_124 = arith.constant 0 : i32
    %dma_wait3A_125 = tpu.memref_slice %arg2[%dma_wait3A_117, %add3A, %dma_wait3A_118, %dma_wait3A_123, %dma_wait3A_124] : memref<2x32x5x25x80xi32, #tpu.memory_space<hbm>> -> memref<1x1x1x25x80xi32, #tpu.memory_space<hbm>>
    %dma_wait3A_126 = tpu.memref_squeeze %dma_wait3A_125 : memref<1x1x1x25x80xi32, #tpu.memory_space<hbm>> -> memref<25x80xi32, #tpu.memory_space<hbm>>
    tpu.wait_dma2 semaphore(%arg16 : memref<!tpu.dma_semaphore, #tpu.memory_space<semaphore_mem>>) src(%dma_wait3A_126 : memref<25x80xi32, #tpu.memory_space<hbm>>) dst(%arg8 : memref<25x80xi32, #tpu.memory_space<vmem>>)
    %dma_start3A_127 = arith.constant 0 : i32
    %dma_start3A_128 = arith.constant 0 : i32
    %dma_start3A_129 = tpu.memref_slice %arg6[%dma_start3A_127, %dma_start3A_128] : memref<25x80xi32, #tpu.memory_space<vmem>> -> memref<1x80xi32, #tpu.memory_space<vmem>>
    %dma_start3A_130 = tpu.memref_squeeze %dma_start3A_129 : memref<1x80xi32, #tpu.memory_space<vmem>> -> memref<80xi32, #tpu.memory_space<vmem>>
    %dma_start3A_131 = arith.constant 0 : i32
    %dma_start3A_132 = arith.constant 0 : i32
    %dma_start3A_133 = tpu.memref_slice %arg3[%dma_start3A_131, %dma_start3A_132] : memref<10000x128xf32, #tpu.memory_space<hbm>> -> memref<10000x128xf32, #tpu.memory_space<hbm>>
    tpu.enqueue_indirect_dma source(%dma_start3A_133 : memref<10000x128xf32, #tpu.memory_space<hbm>>) target(%arg10 : memref<80x128xf32, #tpu.memory_space<vmem>>) offsets(%dma_start3A_130 : memref<80xi32, #tpu.memory_space<vmem>>) semaphore(%arg12 : memref<!tpu.dma_semaphore, #tpu.memory_space<semaphore_mem>>)
    %barrier3A = arith.constant 0 : index
    tpu.barrier barrier_id(%barrier3A)
    %broadcast_in_dim3A_134 = arith.constant 1.000000e+00 : f32
    %broadcast_in_dim3A_135 = vector.broadcast %broadcast_in_dim3A_134 : f32 to vector<16xf32>
    %dma_start3A_136 = arith.constant 0 : i32
    %dma_start3A_137 = arith.constant 1 : i32
    %dma_start3A_138 = arith.constant 0 : i32
    %dma_start3A_139 = arith.constant 0 : i32
    %dma_start3A_140 = tpu.memref_slice %arg2[%dma_start3A_136, %add3A, %dma_start3A_137, %dma_start3A_138, %dma_start3A_139] : memref<2x32x5x25x80xi32, #tpu.memory_space<hbm>> -> memref<1x1x1x25x80xi32, #tpu.memory_space<hbm>>
    %dma_start3A_141 = tpu.memref_squeeze %dma_start3A_140 : memref<1x1x1x25x80xi32, #tpu.memory_space<hbm>> -> memref<25x80xi32, #tpu.memory_space<hbm>>
    %dma_start3A_142 = arith.constant 0 : i32
    %dma_start3A_143 = arith.constant 0 : i32
    %dma_start3A_144 = tpu.memref_slice %arg2[%dma_start3A_136, %add3A, %dma_start3A_137, %dma_start3A_142, %dma_start3A_143] : memref<2x32x5x25x80xi32, #tpu.memory_space<hbm>> -> memref<1x1x1x25x80xi32, #tpu.memory_space<hbm>>
    %dma_start3A_145 = tpu.memref_squeeze %dma_start3A_144 : memref<1x1x1x25x80xi32, #tpu.memory_space<hbm>> -> memref<25x80xi32, #tpu.memory_space<hbm>>
    tpu.enqueue_dma source(%dma_start3A_145 : memref<25x80xi32, #tpu.memory_space<hbm>>) target(%arg7 : memref<25x80xi32, #tpu.memory_space<vmem>>) target_semaphore(%arg16 : memref<!tpu.dma_semaphore, #tpu.memory_space<semaphore_mem>>)
    %dma_start3A_146 = arith.constant 1 : i32
    %dma_start3A_147 = arith.constant 1 : i32
    %dma_start3A_148 = arith.constant 0 : i32
    %dma_start3A_149 = arith.constant 0 : i32
    %dma_start3A_150 = tpu.memref_slice %arg2[%dma_start3A_146, %add3A, %dma_start3A_147, %dma_start3A_148, %dma_start3A_149] : memref<2x32x5x25x80xi32, #tpu.memory_space<hbm>> -> memref<1x1x1x25x80xi32, #tpu.memory_space<hbm>>
    %dma_start3A_151 = tpu.memref_squeeze %dma_start3A_150 : memref<1x1x1x25x80xi32, #tpu.memory_space<hbm>> -> memref<25x80xi32, #tpu.memory_space<hbm>>
    %dma_start3A_152 = arith.constant 0 : i32
    %dma_start3A_153 = arith.constant 0 : i32
    %dma_start3A_154 = tpu.memref_slice %arg2[%dma_start3A_146, %add3A, %dma_start3A_147, %dma_start3A_152, %dma_start3A_153] : memref<2x32x5x25x80xi32, #tpu.memory_space<hbm>> -> memref<1x1x1x25x80xi32, #tpu.memory_space<hbm>>
    %dma_start3A_155 = tpu.memref_squeeze %dma_start3A_154 : memref<1x1x1x25x80xi32, #tpu.memory_space<hbm>> -> memref<25x80xi32, #tpu.memory_space<hbm>>
    tpu.enqueue_dma source(%dma_start3A_155 : memref<25x80xi32, #tpu.memory_space<hbm>>) target(%arg9 : memref<25x80xi32, #tpu.memory_space<vmem>>) target_semaphore(%arg16 : memref<!tpu.dma_semaphore, #tpu.memory_space<semaphore_mem>>)
    %dma_wait3A_156 = arith.constant 0 : i32
    %dma_wait3A_157 = arith.constant 0 : i32
    %dma_wait3A_158 = tpu.memref_slice %arg6[%dma_wait3A_156, %dma_wait3A_157] : memref<25x80xi32, #tpu.memory_space<vmem>> -> memref<1x80xi32, #tpu.memory_space<vmem>>
    %dma_wait3A_159 = tpu.memref_squeeze %dma_wait3A_158 : memref<1x80xi32, #tpu.memory_space<vmem>> -> memref<80xi32, #tpu.memory_space<vmem>>
    %dma_wait3A_160 = arith.constant 0 : i32
    %dma_wait3A_161 = arith.constant 0 : i32
    %dma_wait3A_162 = tpu.memref_slice %arg3[%dma_wait3A_160, %dma_wait3A_161] : memref<10000x128xf32, #tpu.memory_space<hbm>> -> memref<10000x128xf32, #tpu.memory_space<hbm>>
    tpu.wait_indirect_dma semaphore(%arg12 : memref<!tpu.dma_semaphore, #tpu.memory_space<semaphore_mem>>) src(%dma_wait3A_162 : memref<10000x128xf32, #tpu.memory_space<hbm>>) dst(%arg10 : memref<80x128xf32, #tpu.memory_space<vmem>>)
    %dma_start3A_163 = arith.constant 1 : i32
    %dma_start3A_164 = arith.constant 0 : i32
    %dma_start3A_165 = tpu.memref_slice %arg6[%dma_start3A_163, %dma_start3A_164] : memref<25x80xi32, #tpu.memory_space<vmem>> -> memref<1x80xi32, #tpu.memory_space<vmem>>
    %dma_start3A_166 = tpu.memref_squeeze %dma_start3A_165 : memref<1x80xi32, #tpu.memory_space<vmem>> -> memref<80xi32, #tpu.memory_space<vmem>>
    %dma_start3A_167 = arith.constant 0 : i32
    %dma_start3A_168 = arith.constant 0 : i32
    %dma_start3A_169 = tpu.memref_slice %arg3[%dma_start3A_167, %dma_start3A_168] : memref<10000x128xf32, #tpu.memory_space<hbm>> -> memref<10000x128xf32, #tpu.memory_space<hbm>>
    tpu.enqueue_indirect_dma source(%dma_start3A_169 : memref<10000x128xf32, #tpu.memory_space<hbm>>) target(%arg11 : memref<80x128xf32, #tpu.memory_space<vmem>>) offsets(%dma_start3A_166 : memref<80xi32, #tpu.memory_space<vmem>>) semaphore(%arg13 : memref<!tpu.dma_semaphore, #tpu.memory_space<semaphore_mem>>)
    %dma_start3A_170 = arith.constant 0 : i32
    %dma_start3A_171 = arith.constant 0 : i32
    %dma_start3A_172 = tpu.memref_slice %arg8[%dma_start3A_170, %dma_start3A_171] : memref<25x80xi32, #tpu.memory_space<vmem>> -> memref<1x80xi32, #tpu.memory_space<vmem>>
    %dma_start3A_173 = tpu.memref_squeeze %dma_start3A_172 : memref<1x80xi32, #tpu.memory_space<vmem>> -> memref<80xi32, #tpu.memory_space<vmem>>
    %dma_start3A_174 = arith.constant 0 : i32
    %dma_start3A_175 = arith.constant 0 : i32
    %dma_start3A_176 = tpu.memref_slice %arg5[%dma_start3A_174, %dma_start3A_175] : memref<10240x128xf32, #tpu.memory_space<vmem_shared>> -> memref<10240x128xf32, #tpu.memory_space<vmem_shared>>
    tpu.enqueue_indirect_dma source(%arg10 : memref<80x128xf32, #tpu.memory_space<vmem>>) target(%dma_start3A_176 : memref<10240x128xf32, #tpu.memory_space<vmem_shared>>) offsets(%dma_start3A_173 : memref<80xi32, #tpu.memory_space<vmem>>) semaphore(%arg14 : memref<!tpu.dma_semaphore, #tpu.memory_space<semaphore_mem>>) {add = true}
    %dma_wait3A_177 = arith.constant 1 : i32
    %dma_wait3A_178 = arith.constant 0 : i32
    %dma_wait3A_179 = tpu.memref_slice %arg6[%dma_wait3A_177, %dma_wait3A_178] : memref<25x80xi32, #tpu.memory_space<vmem>> -> memref<1x80xi32, #tpu.memory_space<vmem>>
    %dma_wait3A_180 = tpu.memref_squeeze %dma_wait3A_179 : memref<1x80xi32, #tpu.memory_space<vmem>> -> memref<80xi32, #tpu.memory_space<vmem>>
    %dma_wait3A_181 = arith.constant 0 : i32
    %dma_wait3A_182 = arith.constant 0 : i32
    %dma_wait3A_183 = tpu.memref_slice %arg3[%dma_wait3A_181, %dma_wait3A_182] : memref<10000x128xf32, #tpu.memory_space<hbm>> -> memref<10000x128xf32, #tpu.memory_space<hbm>>
    tpu.wait_indirect_dma semaphore(%arg13 : memref<!tpu.dma_semaphore, #tpu.memory_space<semaphore_mem>>) src(%dma_wait3A_183 : memref<10000x128xf32, #tpu.memory_space<hbm>>) dst(%arg11 : memref<80x128xf32, #tpu.memory_space<vmem>>)
    %dma_wait3A_184 = arith.constant 0 : i32
    %dma_wait3A_185 = arith.constant 0 : i32
    %dma_wait3A_186 = tpu.memref_slice %arg8[%dma_wait3A_184, %dma_wait3A_185] : memref<25x80xi32, #tpu.memory_space<vmem>> -> memref<1x80xi32, #tpu.memory_space<vmem>>
    %dma_wait3A_187 = tpu.memref_squeeze %dma_wait3A_186 : memref<1x80xi32, #tpu.memory_space<vmem>> -> memref<80xi32, #tpu.memory_space<vmem>>
    %dma_wait3A_188 = arith.constant 0 : i32
    %dma_wait3A_189 = arith.constant 0 : i32
    %dma_wait3A_190 = tpu.memref_slice %arg5[%dma_wait3A_188, %dma_wait3A_189] : memref<10240x128xf32, #tpu.memory_space<vmem_shared>> -> memref<10240x128xf32, #tpu.memory_space<vmem_shared>>
    tpu.wait_indirect_dma semaphore(%arg14 : memref<!tpu.dma_semaphore, #tpu.memory_space<semaphore_mem>>) src(%arg10 : memref<80x128xf32, #tpu.memory_space<vmem>>) dst(%dma_wait3A_190 : memref<10240x128xf32, #tpu.memory_space<vmem_shared>>)
    %dma_start3A_191 = arith.constant 2 : i32
    %dma_start3A_192 = arith.constant 0 : i32
    %dma_start3A_193 = tpu.memref_slice %arg6[%dma_start3A_191, %dma_start3A_192] : memref<25x80xi32, #tpu.memory_space<vmem>> -> memref<1x80xi32, #tpu.memory_space<vmem>>
    %dma_start3A_194 = tpu.memref_squeeze %dma_start3A_193 : memref<1x80xi32, #tpu.memory_space<vmem>> -> memref<80xi32, #tpu.memory_space<vmem>>
    %dma_start3A_195 = arith.constant 0 : i32
    %dma_start3A_196 = arith.constant 0 : i32
    %dma_start3A_197 = tpu.memref_slice %arg3[%dma_start3A_195, %dma_start3A_196] : memref<10000x128xf32, #tpu.memory_space<hbm>> -> memref<10000x128xf32, #tpu.memory_space<hbm>>
    tpu.enqueue_indirect_dma source(%dma_start3A_197 : memref<10000x128xf32, #tpu.memory_space<hbm>>) target(%arg10 : memref<80x128xf32, #tpu.memory_space<vmem>>) offsets(%dma_start3A_194 : memref<80xi32, #tpu.memory_space<vmem>>) semaphore(%arg12 : memref<!tpu.dma_semaphore, #tpu.memory_space<semaphore_mem>>)
    %dma_start3A_198 = arith.constant 1 : i32
    %dma_start3A_199 = arith.constant 0 : i32
    %dma_start3A_200 = tpu.memref_slice %arg8[%dma_start3A_198, %dma_start3A_199] : memref<25x80xi32, #tpu.memory_space<vmem>> -> memref<1x80xi32, #tpu.memory_space<vmem>>
    %dma_start3A_201 = tpu.memref_squeeze %dma_start3A_200 : memref<1x80xi32, #tpu.memory_space<vmem>> -> memref<80xi32, #tpu.memory_space<vmem>>
    %dma_start3A_202 = arith.constant 0 : i32
    %dma_start3A_203 = arith.constant 0 : i32
    %dma_start3A_204 = tpu.memref_slice %arg5[%dma_start3A_202, %dma_start3A_203] : memref<10240x128xf32, #tpu.memory_space<vmem_shared>> -> memref<10240x128xf32, #tpu.memory_space<vmem_shared>>
    tpu.enqueue_indirect_dma source(%arg11 : memref<80x128xf32, #tpu.memory_space<vmem>>) target(%dma_start3A_204 : memref<10240x128xf32, #tpu.memory_space<vmem_shared>>) offsets(%dma_start3A_201 : memref<80xi32, #tpu.memory_space<vmem>>) semaphore(%arg15 : memref<!tpu.dma_semaphore, #tpu.memory_space<semaphore_mem>>) {add = true}
    %scan3A_205 = arith.constant 0 : i32
    %scan3A_206 = arith.constant 1 : i32
    %scan3A_207 = arith.constant 11 : i32
    %scan3A_208 = arith.addi %scan3A_206, %scan3A_207 : i32
    %scan3A_209 = arith.constant 1 : i32
    scf.for %scan3A_740 = %scan3A_206 to %scan3A_208 step %scan3A_209  : i32 {
      %mul3A_741 = arith.constant 2 : i32
      %mul3A_742 = arith.muli %mul3A_741, %scan3A_740 : i32
      %add3A_743 = arith.constant 1 : i32
      %add3A_744 = arith.addi %mul3A_742, %add3A_743 : i32
      %sub3A = arith.constant 1 : i32
      %sub3A_745 = arith.subi %mul3A_742, %sub3A : i32
      %dma_wait3A_746 = arith.constant 0 : i32
      %dma_wait3A_747 = tpu.memref_slice %arg6[%mul3A_742, %dma_wait3A_746] : memref<25x80xi32, #tpu.memory_space<vmem>> -> memref<1x80xi32, #tpu.memory_space<vmem>>
      %dma_wait3A_748 = tpu.memref_squeeze %dma_wait3A_747 : memref<1x80xi32, #tpu.memory_space<vmem>> -> memref<80xi32, #tpu.memory_space<vmem>>
      %dma_wait3A_749 = arith.constant 0 : i32
      %dma_wait3A_750 = arith.constant 0 : i32
      %dma_wait3A_751 = tpu.memref_slice %arg3[%dma_wait3A_749, %dma_wait3A_750] : memref<10000x128xf32, #tpu.memory_space<hbm>> -> memref<10000x128xf32, #tpu.memory_space<hbm>>
      tpu.wait_indirect_dma semaphore(%arg12 : memref<!tpu.dma_semaphore, #tpu.memory_space<semaphore_mem>>) src(%dma_wait3A_751 : memref<10000x128xf32, #tpu.memory_space<hbm>>) dst(%arg10 : memref<80x128xf32, #tpu.memory_space<vmem>>)
      %dma_wait3A_752 = arith.constant 0 : i32
      %dma_wait3A_753 = tpu.memref_slice %arg8[%sub3A_745, %dma_wait3A_752] : memref<25x80xi32, #tpu.memory_space<vmem>> -> memref<1x80xi32, #tpu.memory_space<vmem>>
      %dma_wait3A_754 = tpu.memref_squeeze %dma_wait3A_753 : memref<1x80xi32, #tpu.memory_space<vmem>> -> memref<80xi32, #tpu.memory_space<vmem>>
      %dma_wait3A_755 = arith.constant 0 : i32
      %dma_wait3A_756 = arith.constant 0 : i32
      %dma_wait3A_757 = tpu.memref_slice %arg5[%dma_wait3A_755, %dma_wait3A_756] : memref<10240x128xf32, #tpu.memory_space<vmem_shared>> -> memref<10240x128xf32, #tpu.memory_space<vmem_shared>>
      tpu.wait_indirect_dma semaphore(%arg15 : memref<!tpu.dma_semaphore, #tpu.memory_space<semaphore_mem>>) src(%arg11 : memref<80x128xf32, #tpu.memory_space<vmem>>) dst(%dma_wait3A_757 : memref<10240x128xf32, #tpu.memory_space<vmem_shared>>)
      %dma_start3A_758 = arith.constant 0 : i32
      %dma_start3A_759 = tpu.memref_slice %arg6[%add3A_744, %dma_start3A_758] : memref<25x80xi32, #tpu.memory_space<vmem>> -> memref<1x80xi32, #tpu.memory_space<vmem>>
      %dma_start3A_760 = tpu.memref_squeeze %dma_start3A_759 : memref<1x80xi32, #tpu.memory_space<vmem>> -> memref<80xi32, #tpu.memory_space<vmem>>
      %dma_start3A_761 = arith.constant 0 : i32
      %dma_start3A_762 = arith.constant 0 : i32
      %dma_start3A_763 = tpu.memref_slice %arg3[%dma_start3A_761, %dma_start3A_762] : memref<10000x128xf32, #tpu.memory_space<hbm>> -> memref<10000x128xf32, #tpu.memory_space<hbm>>
      tpu.enqueue_indirect_dma source(%dma_start3A_763 : memref<10000x128xf32, #tpu.memory_space<hbm>>) target(%arg11 : memref<80x128xf32, #tpu.memory_space<vmem>>) offsets(%dma_start3A_760 : memref<80xi32, #tpu.memory_space<vmem>>) semaphore(%arg13 : memref<!tpu.dma_semaphore, #tpu.memory_space<semaphore_mem>>)
      %dma_start3A_764 = arith.constant 0 : i32
      %dma_start3A_765 = tpu.memref_slice %arg8[%mul3A_742, %dma_start3A_764] : memref<25x80xi32, #tpu.memory_space<vmem>> -> memref<1x80xi32, #tpu.memory_space<vmem>>
      %dma_start3A_766 = tpu.memref_squeeze %dma_start3A_765 : memref<1x80xi32, #tpu.memory_space<vmem>> -> memref<80xi32, #tpu.memory_space<vmem>>
      %dma_start3A_767 = arith.constant 0 : i32
      %dma_start3A_768 = arith.constant 0 : i32
      %dma_start3A_769 = tpu.memref_slice %arg5[%dma_start3A_767, %dma_start3A_768] : memref<10240x128xf32, #tpu.memory_space<vmem_shared>> -> memref<10240x128xf32, #tpu.memory_space<vmem_shared>>
      tpu.enqueue_indirect_dma source(%arg10 : memref<80x128xf32, #tpu.memory_space<vmem>>) target(%dma_start3A_769 : memref<10240x128xf32, #tpu.memory_space<vmem_shared>>) offsets(%dma_start3A_766 : memref<80xi32, #tpu.memory_space<vmem>>) semaphore(%arg14 : memref<!tpu.dma_semaphore, #tpu.memory_space<semaphore_mem>>) {add = true}
      %add3A_770 = arith.constant 1 : i32
      %add3A_771 = arith.addi %mul3A_742, %add3A_770 : i32
      %add3A_772 = arith.constant 2 : i32
      %add3A_773 = arith.addi %mul3A_742, %add3A_772 : i32
      %dma_wait3A_774 = arith.constant 0 : i32
      %dma_wait3A_775 = tpu.memref_slice %arg6[%add3A_771, %dma_wait3A_774] : memref<25x80xi32, #tpu.memory_space<vmem>> -> memref<1x80xi32, #tpu.memory_space<vmem>>
      %dma_wait3A_776 = tpu.memref_squeeze %dma_wait3A_775 : memref<1x80xi32, #tpu.memory_space<vmem>> -> memref<80xi32, #tpu.memory_space<vmem>>
      %dma_wait3A_777 = arith.constant 0 : i32
      %dma_wait3A_778 = arith.constant 0 : i32
      %dma_wait3A_779 = tpu.memref_slice %arg3[%dma_wait3A_777, %dma_wait3A_778] : memref<10000x128xf32, #tpu.memory_space<hbm>> -> memref<10000x128xf32, #tpu.memory_space<hbm>>
      tpu.wait_indirect_dma semaphore(%arg13 : memref<!tpu.dma_semaphore, #tpu.memory_space<semaphore_mem>>) src(%dma_wait3A_779 : memref<10000x128xf32, #tpu.memory_space<hbm>>) dst(%arg11 : memref<80x128xf32, #tpu.memory_space<vmem>>)
      %dma_wait3A_780 = arith.constant 0 : i32
      %dma_wait3A_781 = tpu.memref_slice %arg8[%mul3A_742, %dma_wait3A_780] : memref<25x80xi32, #tpu.memory_space<vmem>> -> memref<1x80xi32, #tpu.memory_space<vmem>>
      %dma_wait3A_782 = tpu.memref_squeeze %dma_wait3A_781 : memref<1x80xi32, #tpu.memory_space<vmem>> -> memref<80xi32, #tpu.memory_space<vmem>>
      %dma_wait3A_783 = arith.constant 0 : i32
      %dma_wait3A_784 = arith.constant 0 : i32
      %dma_wait3A_785 = tpu.memref_slice %arg5[%dma_wait3A_783, %dma_wait3A_784] : memref<10240x128xf32, #tpu.memory_space<vmem_shared>> -> memref<10240x128xf32, #tpu.memory_space<vmem_shared>>
      tpu.wait_indirect_dma semaphore(%arg14 : memref<!tpu.dma_semaphore, #tpu.memory_space<semaphore_mem>>) src(%arg10 : memref<80x128xf32, #tpu.memory_space<vmem>>) dst(%dma_wait3A_785 : memref<10240x128xf32, #tpu.memory_space<vmem_shared>>)
      %dma_start3A_786 = arith.constant 0 : i32
      %dma_start3A_787 = tpu.memref_slice %arg6[%add3A_773, %dma_start3A_786] : memref<25x80xi32, #tpu.memory_space<vmem>> -> memref<1x80xi32, #tpu.memory_space<vmem>>
      %dma_start3A_788 = tpu.memref_squeeze %dma_start3A_787 : memref<1x80xi32, #tpu.memory_space<vmem>> -> memref<80xi32, #tpu.memory_space<vmem>>
      %dma_start3A_789 = arith.constant 0 : i32
      %dma_start3A_790 = arith.constant 0 : i32
      %dma_start3A_791 = tpu.memref_slice %arg3[%dma_start3A_789, %dma_start3A_790] : memref<10000x128xf32, #tpu.memory_space<hbm>> -> memref<10000x128xf32, #tpu.memory_space<hbm>>
      tpu.enqueue_indirect_dma source(%dma_start3A_791 : memref<10000x128xf32, #tpu.memory_space<hbm>>) target(%arg10 : memref<80x128xf32, #tpu.memory_space<vmem>>) offsets(%dma_start3A_788 : memref<80xi32, #tpu.memory_space<vmem>>) semaphore(%arg12 : memref<!tpu.dma_semaphore, #tpu.memory_space<semaphore_mem>>)
      %dma_start3A_792 = arith.constant 0 : i32
      %dma_start3A_793 = tpu.memref_slice %arg8[%add3A_771, %dma_start3A_792] : memref<25x80xi32, #tpu.memory_space<vmem>> -> memref<1x80xi32, #tpu.memory_space<vmem>>
      %dma_start3A_794 = tpu.memref_squeeze %dma_start3A_793 : memref<1x80xi32, #tpu.memory_space<vmem>> -> memref<80xi32, #tpu.memory_space<vmem>>
      %dma_start3A_795 = arith.constant 0 : i32
      %dma_start3A_796 = arith.constant 0 : i32
      %dma_start3A_797 = tpu.memref_slice %arg5[%dma_start3A_795, %dma_start3A_796] : memref<10240x128xf32, #tpu.memory_space<vmem_shared>> -> memref<10240x128xf32, #tpu.memory_space<vmem_shared>>
      tpu.enqueue_indirect_dma source(%arg11 : memref<80x128xf32, #tpu.memory_space<vmem>>) target(%dma_start3A_797 : memref<10240x128xf32, #tpu.memory_space<vmem_shared>>) offsets(%dma_start3A_794 : memref<80xi32, #tpu.memory_space<vmem>>) semaphore(%arg15 : memref<!tpu.dma_semaphore, #tpu.memory_space<semaphore_mem>>) {add = true}
    }
    %scan3A_210 = arith.constant 11 : i32
    %dma_wait3A_211 = arith.constant 0 : i32
    %dma_wait3A_212 = arith.constant 1 : i32
    %dma_wait3A_213 = arith.constant 0 : i32
    %dma_wait3A_214 = arith.constant 0 : i32
    %dma_wait3A_215 = tpu.memref_slice %arg2[%dma_wait3A_211, %add3A, %dma_wait3A_212, %dma_wait3A_213, %dma_wait3A_214] : memref<2x32x5x25x80xi32, #tpu.memory_space<hbm>> -> memref<1x1x1x25x80xi32, #tpu.memory_space<hbm>>
    %dma_wait3A_216 = tpu.memref_squeeze %dma_wait3A_215 : memref<1x1x1x25x80xi32, #tpu.memory_space<hbm>> -> memref<25x80xi32, #tpu.memory_space<hbm>>
    %dma_wait3A_217 = arith.constant 0 : i32
    %dma_wait3A_218 = arith.constant 0 : i32
    %dma_wait3A_219 = tpu.memref_slice %arg2[%dma_wait3A_211, %add3A, %dma_wait3A_212, %dma_wait3A_217, %dma_wait3A_218] : memref<2x32x5x25x80xi32, #tpu.memory_space<hbm>> -> memref<1x1x1x25x80xi32, #tpu.memory_space<hbm>>
    %dma_wait3A_220 = tpu.memref_squeeze %dma_wait3A_219 : memref<1x1x1x25x80xi32, #tpu.memory_space<hbm>> -> memref<25x80xi32, #tpu.memory_space<hbm>>
    tpu.wait_dma2 semaphore(%arg16 : memref<!tpu.dma_semaphore, #tpu.memory_space<semaphore_mem>>) src(%dma_wait3A_220 : memref<25x80xi32, #tpu.memory_space<hbm>>) dst(%arg7 : memref<25x80xi32, #tpu.memory_space<vmem>>)
    %dma_wait3A_221 = arith.constant 1 : i32
    %dma_wait3A_222 = arith.constant 1 : i32
    %dma_wait3A_223 = arith.constant 0 : i32
    %dma_wait3A_224 = arith.constant 0 : i32
    %dma_wait3A_225 = tpu.memref_slice %arg2[%dma_wait3A_221, %add3A, %dma_wait3A_222, %dma_wait3A_223, %dma_wait3A_224] : memref<2x32x5x25x80xi32, #tpu.memory_space<hbm>> -> memref<1x1x1x25x80xi32, #tpu.memory_space<hbm>>
    %dma_wait3A_226 = tpu.memref_squeeze %dma_wait3A_225 : memref<1x1x1x25x80xi32, #tpu.memory_space<hbm>> -> memref<25x80xi32, #tpu.memory_space<hbm>>
    %dma_wait3A_227 = arith.constant 0 : i32
    %dma_wait3A_228 = arith.constant 0 : i32
    %dma_wait3A_229 = tpu.memref_slice %arg2[%dma_wait3A_221, %add3A, %dma_wait3A_222, %dma_wait3A_227, %dma_wait3A_228] : memref<2x32x5x25x80xi32, #tpu.memory_space<hbm>> -> memref<1x1x1x25x80xi32, #tpu.memory_space<hbm>>
    %dma_wait3A_230 = tpu.memref_squeeze %dma_wait3A_229 : memref<1x1x1x25x80xi32, #tpu.memory_space<hbm>> -> memref<25x80xi32, #tpu.memory_space<hbm>>
    tpu.wait_dma2 semaphore(%arg16 : memref<!tpu.dma_semaphore, #tpu.memory_space<semaphore_mem>>) src(%dma_wait3A_230 : memref<25x80xi32, #tpu.memory_space<hbm>>) dst(%arg9 : memref<25x80xi32, #tpu.memory_space<vmem>>)
    %dma_wait3A_231 = arith.constant 24 : i32
    %dma_wait3A_232 = arith.constant 0 : i32
    %dma_wait3A_233 = tpu.memref_slice %arg6[%dma_wait3A_231, %dma_wait3A_232] : memref<25x80xi32, #tpu.memory_space<vmem>> -> memref<1x80xi32, #tpu.memory_space<vmem>>
    %dma_wait3A_234 = tpu.memref_squeeze %dma_wait3A_233 : memref<1x80xi32, #tpu.memory_space<vmem>> -> memref<80xi32, #tpu.memory_space<vmem>>
    %dma_wait3A_235 = arith.constant 0 : i32
    %dma_wait3A_236 = arith.constant 0 : i32
    %dma_wait3A_237 = tpu.memref_slice %arg3[%dma_wait3A_235, %dma_wait3A_236] : memref<10000x128xf32, #tpu.memory_space<hbm>> -> memref<10000x128xf32, #tpu.memory_space<hbm>>
    tpu.wait_indirect_dma semaphore(%arg12 : memref<!tpu.dma_semaphore, #tpu.memory_space<semaphore_mem>>) src(%dma_wait3A_237 : memref<10000x128xf32, #tpu.memory_space<hbm>>) dst(%arg10 : memref<80x128xf32, #tpu.memory_space<vmem>>)
    %dma_wait3A_238 = arith.constant 23 : i32
    %dma_wait3A_239 = arith.constant 0 : i32
    %dma_wait3A_240 = tpu.memref_slice %arg8[%dma_wait3A_238, %dma_wait3A_239] : memref<25x80xi32, #tpu.memory_space<vmem>> -> memref<1x80xi32, #tpu.memory_space<vmem>>
    %dma_wait3A_241 = tpu.memref_squeeze %dma_wait3A_240 : memref<1x80xi32, #tpu.memory_space<vmem>> -> memref<80xi32, #tpu.memory_space<vmem>>
    %dma_wait3A_242 = arith.constant 0 : i32
    %dma_wait3A_243 = arith.constant 0 : i32
    %dma_wait3A_244 = tpu.memref_slice %arg5[%dma_wait3A_242, %dma_wait3A_243] : memref<10240x128xf32, #tpu.memory_space<vmem_shared>> -> memref<10240x128xf32, #tpu.memory_space<vmem_shared>>
    tpu.wait_indirect_dma semaphore(%arg15 : memref<!tpu.dma_semaphore, #tpu.memory_space<semaphore_mem>>) src(%arg11 : memref<80x128xf32, #tpu.memory_space<vmem>>) dst(%dma_wait3A_244 : memref<10240x128xf32, #tpu.memory_space<vmem_shared>>)
    %dma_start3A_245 = arith.constant 0 : i32
    %dma_start3A_246 = arith.constant 0 : i32
    %dma_start3A_247 = tpu.memref_slice %arg7[%dma_start3A_245, %dma_start3A_246] : memref<25x80xi32, #tpu.memory_space<vmem>> -> memref<1x80xi32, #tpu.memory_space<vmem>>
    %dma_start3A_248 = tpu.memref_squeeze %dma_start3A_247 : memref<1x80xi32, #tpu.memory_space<vmem>> -> memref<80xi32, #tpu.memory_space<vmem>>
    %dma_start3A_249 = arith.constant 0 : i32
    %dma_start3A_250 = arith.constant 0 : i32
    %dma_start3A_251 = tpu.memref_slice %arg3[%dma_start3A_249, %dma_start3A_250] : memref<10000x128xf32, #tpu.memory_space<hbm>> -> memref<10000x128xf32, #tpu.memory_space<hbm>>
    tpu.enqueue_indirect_dma source(%dma_start3A_251 : memref<10000x128xf32, #tpu.memory_space<hbm>>) target(%arg11 : memref<80x128xf32, #tpu.memory_space<vmem>>) offsets(%dma_start3A_248 : memref<80xi32, #tpu.memory_space<vmem>>) semaphore(%arg13 : memref<!tpu.dma_semaphore, #tpu.memory_space<semaphore_mem>>)
    %dma_start3A_252 = arith.constant 24 : i32
    %dma_start3A_253 = arith.constant 0 : i32
    %dma_start3A_254 = tpu.memref_slice %arg8[%dma_start3A_252, %dma_start3A_253] : memref<25x80xi32, #tpu.memory_space<vmem>> -> memref<1x80xi32, #tpu.memory_space<vmem>>
    %dma_start3A_255 = tpu.memref_squeeze %dma_start3A_254 : memref<1x80xi32, #tpu.memory_space<vmem>> -> memref<80xi32, #tpu.memory_space<vmem>>
    %dma_start3A_256 = arith.constant 0 : i32
    %dma_start3A_257 = arith.constant 0 : i32
    %dma_start3A_258 = tpu.memref_slice %arg5[%dma_start3A_256, %dma_start3A_257] : memref<10240x128xf32, #tpu.memory_space<vmem_shared>> -> memref<10240x128xf32, #tpu.memory_space<vmem_shared>>
    tpu.enqueue_indirect_dma source(%arg10 : memref<80x128xf32, #tpu.memory_space<vmem>>) target(%dma_start3A_258 : memref<10240x128xf32, #tpu.memory_space<vmem_shared>>) offsets(%dma_start3A_255 : memref<80xi32, #tpu.memory_space<vmem>>) semaphore(%arg14 : memref<!tpu.dma_semaphore, #tpu.memory_space<semaphore_mem>>) {add = true}
    %dma_wait3A_259 = arith.constant 24 : i32
    %dma_wait3A_260 = arith.constant 0 : i32
    %dma_wait3A_261 = tpu.memref_slice %arg8[%dma_wait3A_259, %dma_wait3A_260] : memref<25x80xi32, #tpu.memory_space<vmem>> -> memref<1x80xi32, #tpu.memory_space<vmem>>
    %dma_wait3A_262 = tpu.memref_squeeze %dma_wait3A_261 : memref<1x80xi32, #tpu.memory_space<vmem>> -> memref<80xi32, #tpu.memory_space<vmem>>
    %dma_wait3A_263 = arith.constant 0 : i32
    %dma_wait3A_264 = arith.constant 0 : i32
    %dma_wait3A_265 = tpu.memref_slice %arg5[%dma_wait3A_263, %dma_wait3A_264] : memref<10240x128xf32, #tpu.memory_space<vmem_shared>> -> memref<10240x128xf32, #tpu.memory_space<vmem_shared>>
    tpu.wait_indirect_dma semaphore(%arg14 : memref<!tpu.dma_semaphore, #tpu.memory_space<semaphore_mem>>) src(%arg10 : memref<80x128xf32, #tpu.memory_space<vmem>>) dst(%dma_wait3A_265 : memref<10240x128xf32, #tpu.memory_space<vmem_shared>>)
    %dma_start3A_266 = arith.constant 0 : i32
    %dma_start3A_267 = arith.constant 2 : i32
    %dma_start3A_268 = arith.constant 0 : i32
    %dma_start3A_269 = arith.constant 0 : i32
    %dma_start3A_270 = tpu.memref_slice %arg2[%dma_start3A_266, %add3A, %dma_start3A_267, %dma_start3A_268, %dma_start3A_269] : memref<2x32x5x25x80xi32, #tpu.memory_space<hbm>> -> memref<1x1x1x25x80xi32, #tpu.memory_space<hbm>>
    %dma_start3A_271 = tpu.memref_squeeze %dma_start3A_270 : memref<1x1x1x25x80xi32, #tpu.memory_space<hbm>> -> memref<25x80xi32, #tpu.memory_space<hbm>>
    %dma_start3A_272 = arith.constant 0 : i32
    %dma_start3A_273 = arith.constant 0 : i32
    %dma_start3A_274 = tpu.memref_slice %arg2[%dma_start3A_266, %add3A, %dma_start3A_267, %dma_start3A_272, %dma_start3A_273] : memref<2x32x5x25x80xi32, #tpu.memory_space<hbm>> -> memref<1x1x1x25x80xi32, #tpu.memory_space<hbm>>
    %dma_start3A_275 = tpu.memref_squeeze %dma_start3A_274 : memref<1x1x1x25x80xi32, #tpu.memory_space<hbm>> -> memref<25x80xi32, #tpu.memory_space<hbm>>
    tpu.enqueue_dma source(%dma_start3A_275 : memref<25x80xi32, #tpu.memory_space<hbm>>) target(%arg6 : memref<25x80xi32, #tpu.memory_space<vmem>>) target_semaphore(%arg16 : memref<!tpu.dma_semaphore, #tpu.memory_space<semaphore_mem>>)
    %dma_start3A_276 = arith.constant 1 : i32
    %dma_start3A_277 = arith.constant 2 : i32
    %dma_start3A_278 = arith.constant 0 : i32
    %dma_start3A_279 = arith.constant 0 : i32
    %dma_start3A_280 = tpu.memref_slice %arg2[%dma_start3A_276, %add3A, %dma_start3A_277, %dma_start3A_278, %dma_start3A_279] : memref<2x32x5x25x80xi32, #tpu.memory_space<hbm>> -> memref<1x1x1x25x80xi32, #tpu.memory_space<hbm>>
    %dma_start3A_281 = tpu.memref_squeeze %dma_start3A_280 : memref<1x1x1x25x80xi32, #tpu.memory_space<hbm>> -> memref<25x80xi32, #tpu.memory_space<hbm>>
    %dma_start3A_282 = arith.constant 0 : i32
    %dma_start3A_283 = arith.constant 0 : i32
    %dma_start3A_284 = tpu.memref_slice %arg2[%dma_start3A_276, %add3A, %dma_start3A_277, %dma_start3A_282, %dma_start3A_283] : memref<2x32x5x25x80xi32, #tpu.memory_space<hbm>> -> memref<1x1x1x25x80xi32, #tpu.memory_space<hbm>>
    %dma_start3A_285 = tpu.memref_squeeze %dma_start3A_284 : memref<1x1x1x25x80xi32, #tpu.memory_space<hbm>> -> memref<25x80xi32, #tpu.memory_space<hbm>>
    tpu.enqueue_dma source(%dma_start3A_285 : memref<25x80xi32, #tpu.memory_space<hbm>>) target(%arg8 : memref<25x80xi32, #tpu.memory_space<vmem>>) target_semaphore(%arg16 : memref<!tpu.dma_semaphore, #tpu.memory_space<semaphore_mem>>)
    %dma_wait3A_286 = arith.constant 0 : i32
    %dma_wait3A_287 = arith.constant 0 : i32
    %dma_wait3A_288 = tpu.memref_slice %arg7[%dma_wait3A_286, %dma_wait3A_287] : memref<25x80xi32, #tpu.memory_space<vmem>> -> memref<1x80xi32, #tpu.memory_space<vmem>>
    %dma_wait3A_289 = tpu.memref_squeeze %dma_wait3A_288 : memref<1x80xi32, #tpu.memory_space<vmem>> -> memref<80xi32, #tpu.memory_space<vmem>>
    %dma_wait3A_290 = arith.constant 0 : i32
    %dma_wait3A_291 = arith.constant 0 : i32
    %dma_wait3A_292 = tpu.memref_slice %arg3[%dma_wait3A_290, %dma_wait3A_291] : memref<10000x128xf32, #tpu.memory_space<hbm>> -> memref<10000x128xf32, #tpu.memory_space<hbm>>
    tpu.wait_indirect_dma semaphore(%arg13 : memref<!tpu.dma_semaphore, #tpu.memory_space<semaphore_mem>>) src(%dma_wait3A_292 : memref<10000x128xf32, #tpu.memory_space<hbm>>) dst(%arg11 : memref<80x128xf32, #tpu.memory_space<vmem>>)
    %dma_start3A_293 = arith.constant 1 : i32
    %dma_start3A_294 = arith.constant 0 : i32
    %dma_start3A_295 = tpu.memref_slice %arg7[%dma_start3A_293, %dma_start3A_294] : memref<25x80xi32, #tpu.memory_space<vmem>> -> memref<1x80xi32, #tpu.memory_space<vmem>>
    %dma_start3A_296 = tpu.memref_squeeze %dma_start3A_295 : memref<1x80xi32, #tpu.memory_space<vmem>> -> memref<80xi32, #tpu.memory_space<vmem>>
    %dma_start3A_297 = arith.constant 0 : i32
    %dma_start3A_298 = arith.constant 0 : i32
    %dma_start3A_299 = tpu.memref_slice %arg3[%dma_start3A_297, %dma_start3A_298] : memref<10000x128xf32, #tpu.memory_space<hbm>> -> memref<10000x128xf32, #tpu.memory_space<hbm>>
    tpu.enqueue_indirect_dma source(%dma_start3A_299 : memref<10000x128xf32, #tpu.memory_space<hbm>>) target(%arg10 : memref<80x128xf32, #tpu.memory_space<vmem>>) offsets(%dma_start3A_296 : memref<80xi32, #tpu.memory_space<vmem>>) semaphore(%arg12 : memref<!tpu.dma_semaphore, #tpu.memory_space<semaphore_mem>>)
    %dma_start3A_300 = arith.constant 0 : i32
    %dma_start3A_301 = arith.constant 0 : i32
    %dma_start3A_302 = tpu.memref_slice %arg9[%dma_start3A_300, %dma_start3A_301] : memref<25x80xi32, #tpu.memory_space<vmem>> -> memref<1x80xi32, #tpu.memory_space<vmem>>
    %dma_start3A_303 = tpu.memref_squeeze %dma_start3A_302 : memref<1x80xi32, #tpu.memory_space<vmem>> -> memref<80xi32, #tpu.memory_space<vmem>>
    %dma_start3A_304 = arith.constant 0 : i32
    %dma_start3A_305 = arith.constant 0 : i32
    %dma_start3A_306 = tpu.memref_slice %arg5[%dma_start3A_304, %dma_start3A_305] : memref<10240x128xf32, #tpu.memory_space<vmem_shared>> -> memref<10240x128xf32, #tpu.memory_space<vmem_shared>>
    tpu.enqueue_indirect_dma source(%arg11 : memref<80x128xf32, #tpu.memory_space<vmem>>) target(%dma_start3A_306 : memref<10240x128xf32, #tpu.memory_space<vmem_shared>>) offsets(%dma_start3A_303 : memref<80xi32, #tpu.memory_space<vmem>>) semaphore(%arg15 : memref<!tpu.dma_semaphore, #tpu.memory_space<semaphore_mem>>) {add = true}
    %dma_wait3A_307 = arith.constant 1 : i32
    %dma_wait3A_308 = arith.constant 0 : i32
    %dma_wait3A_309 = tpu.memref_slice %arg7[%dma_wait3A_307, %dma_wait3A_308] : memref<25x80xi32, #tpu.memory_space<vmem>> -> memref<1x80xi32, #tpu.memory_space<vmem>>
    %dma_wait3A_310 = tpu.memref_squeeze %dma_wait3A_309 : memref<1x80xi32, #tpu.memory_space<vmem>> -> memref<80xi32, #tpu.memory_space<vmem>>
    %dma_wait3A_311 = arith.constant 0 : i32
    %dma_wait3A_312 = arith.constant 0 : i32
    %dma_wait3A_313 = tpu.memref_slice %arg3[%dma_wait3A_311, %dma_wait3A_312] : memref<10000x128xf32, #tpu.memory_space<hbm>> -> memref<10000x128xf32, #tpu.memory_space<hbm>>
    tpu.wait_indirect_dma semaphore(%arg12 : memref<!tpu.dma_semaphore, #tpu.memory_space<semaphore_mem>>) src(%dma_wait3A_313 : memref<10000x128xf32, #tpu.memory_space<hbm>>) dst(%arg10 : memref<80x128xf32, #tpu.memory_space<vmem>>)
    %dma_wait3A_314 = arith.constant 0 : i32
    %dma_wait3A_315 = arith.constant 0 : i32
    %dma_wait3A_316 = tpu.memref_slice %arg9[%dma_wait3A_314, %dma_wait3A_315] : memref<25x80xi32, #tpu.memory_space<vmem>> -> memref<1x80xi32, #tpu.memory_space<vmem>>
    %dma_wait3A_317 = tpu.memref_squeeze %dma_wait3A_316 : memref<1x80xi32, #tpu.memory_space<vmem>> -> memref<80xi32, #tpu.memory_space<vmem>>
    %dma_wait3A_318 = arith.constant 0 : i32
    %dma_wait3A_319 = arith.constant 0 : i32
    %dma_wait3A_320 = tpu.memref_slice %arg5[%dma_wait3A_318, %dma_wait3A_319] : memref<10240x128xf32, #tpu.memory_space<vmem_shared>> -> memref<10240x128xf32, #tpu.memory_space<vmem_shared>>
    tpu.wait_indirect_dma semaphore(%arg15 : memref<!tpu.dma_semaphore, #tpu.memory_space<semaphore_mem>>) src(%arg11 : memref<80x128xf32, #tpu.memory_space<vmem>>) dst(%dma_wait3A_320 : memref<10240x128xf32, #tpu.memory_space<vmem_shared>>)
    %dma_start3A_321 = arith.constant 2 : i32
    %dma_start3A_322 = arith.constant 0 : i32
    %dma_start3A_323 = tpu.memref_slice %arg7[%dma_start3A_321, %dma_start3A_322] : memref<25x80xi32, #tpu.memory_space<vmem>> -> memref<1x80xi32, #tpu.memory_space<vmem>>
    %dma_start3A_324 = tpu.memref_squeeze %dma_start3A_323 : memref<1x80xi32, #tpu.memory_space<vmem>> -> memref<80xi32, #tpu.memory_space<vmem>>
    %dma_start3A_325 = arith.constant 0 : i32
    %dma_start3A_326 = arith.constant 0 : i32
    %dma_start3A_327 = tpu.memref_slice %arg3[%dma_start3A_325, %dma_start3A_326] : memref<10000x128xf32, #tpu.memory_space<hbm>> -> memref<10000x128xf32, #tpu.memory_space<hbm>>
    tpu.enqueue_indirect_dma source(%dma_start3A_327 : memref<10000x128xf32, #tpu.memory_space<hbm>>) target(%arg11 : memref<80x128xf32, #tpu.memory_space<vmem>>) offsets(%dma_start3A_324 : memref<80xi32, #tpu.memory_space<vmem>>) semaphore(%arg13 : memref<!tpu.dma_semaphore, #tpu.memory_space<semaphore_mem>>)
    %dma_start3A_328 = arith.constant 1 : i32
    %dma_start3A_329 = arith.constant 0 : i32
    %dma_start3A_330 = tpu.memref_slice %arg9[%dma_start3A_328, %dma_start3A_329] : memref<25x80xi32, #tpu.memory_space<vmem>> -> memref<1x80xi32, #tpu.memory_space<vmem>>
    %dma_start3A_331 = tpu.memref_squeeze %dma_start3A_330 : memref<1x80xi32, #tpu.memory_space<vmem>> -> memref<80xi32, #tpu.memory_space<vmem>>
    %dma_start3A_332 = arith.constant 0 : i32
    %dma_start3A_333 = arith.constant 0 : i32
    %dma_start3A_334 = tpu.memref_slice %arg5[%dma_start3A_332, %dma_start3A_333] : memref<10240x128xf32, #tpu.memory_space<vmem_shared>> -> memref<10240x128xf32, #tpu.memory_space<vmem_shared>>
    tpu.enqueue_indirect_dma source(%arg10 : memref<80x128xf32, #tpu.memory_space<vmem>>) target(%dma_start3A_334 : memref<10240x128xf32, #tpu.memory_space<vmem_shared>>) offsets(%dma_start3A_331 : memref<80xi32, #tpu.memory_space<vmem>>) semaphore(%arg14 : memref<!tpu.dma_semaphore, #tpu.memory_space<semaphore_mem>>) {add = true}
    %scan3A_335 = arith.constant 0 : i32
    %scan3A_336 = arith.constant 1 : i32
    %scan3A_337 = arith.constant 11 : i32
    %scan3A_338 = arith.addi %scan3A_336, %scan3A_337 : i32
    %scan3A_339 = arith.constant 1 : i32
    scf.for %scan3A_740 = %scan3A_336 to %scan3A_338 step %scan3A_339  : i32 {
      %mul3A_741 = arith.constant 2 : i32
      %mul3A_742 = arith.muli %mul3A_741, %scan3A_740 : i32
      %add3A_743 = arith.constant 1 : i32
      %add3A_744 = arith.addi %mul3A_742, %add3A_743 : i32
      %sub3A = arith.constant 1 : i32
      %sub3A_745 = arith.subi %mul3A_742, %sub3A : i32
      %dma_wait3A_746 = arith.constant 0 : i32
      %dma_wait3A_747 = tpu.memref_slice %arg7[%mul3A_742, %dma_wait3A_746] : memref<25x80xi32, #tpu.memory_space<vmem>> -> memref<1x80xi32, #tpu.memory_space<vmem>>
      %dma_wait3A_748 = tpu.memref_squeeze %dma_wait3A_747 : memref<1x80xi32, #tpu.memory_space<vmem>> -> memref<80xi32, #tpu.memory_space<vmem>>
      %dma_wait3A_749 = arith.constant 0 : i32
      %dma_wait3A_750 = arith.constant 0 : i32
      %dma_wait3A_751 = tpu.memref_slice %arg3[%dma_wait3A_749, %dma_wait3A_750] : memref<10000x128xf32, #tpu.memory_space<hbm>> -> memref<10000x128xf32, #tpu.memory_space<hbm>>
      tpu.wait_indirect_dma semaphore(%arg13 : memref<!tpu.dma_semaphore, #tpu.memory_space<semaphore_mem>>) src(%dma_wait3A_751 : memref<10000x128xf32, #tpu.memory_space<hbm>>) dst(%arg11 : memref<80x128xf32, #tpu.memory_space<vmem>>)
      %dma_wait3A_752 = arith.constant 0 : i32
      %dma_wait3A_753 = tpu.memref_slice %arg9[%sub3A_745, %dma_wait3A_752] : memref<25x80xi32, #tpu.memory_space<vmem>> -> memref<1x80xi32, #tpu.memory_space<vmem>>
      %dma_wait3A_754 = tpu.memref_squeeze %dma_wait3A_753 : memref<1x80xi32, #tpu.memory_space<vmem>> -> memref<80xi32, #tpu.memory_space<vmem>>
      %dma_wait3A_755 = arith.constant 0 : i32
      %dma_wait3A_756 = arith.constant 0 : i32
      %dma_wait3A_757 = tpu.memref_slice %arg5[%dma_wait3A_755, %dma_wait3A_756] : memref<10240x128xf32, #tpu.memory_space<vmem_shared>> -> memref<10240x128xf32, #tpu.memory_space<vmem_shared>>
      tpu.wait_indirect_dma semaphore(%arg14 : memref<!tpu.dma_semaphore, #tpu.memory_space<semaphore_mem>>) src(%arg10 : memref<80x128xf32, #tpu.memory_space<vmem>>) dst(%dma_wait3A_757 : memref<10240x128xf32, #tpu.memory_space<vmem_shared>>)
      %dma_start3A_758 = arith.constant 0 : i32
      %dma_start3A_759 = tpu.memref_slice %arg7[%add3A_744, %dma_start3A_758] : memref<25x80xi32, #tpu.memory_space<vmem>> -> memref<1x80xi32, #tpu.memory_space<vmem>>
      %dma_start3A_760 = tpu.memref_squeeze %dma_start3A_759 : memref<1x80xi32, #tpu.memory_space<vmem>> -> memref<80xi32, #tpu.memory_space<vmem>>
      %dma_start3A_761 = arith.constant 0 : i32
      %dma_start3A_762 = arith.constant 0 : i32
      %dma_start3A_763 = tpu.memref_slice %arg3[%dma_start3A_761, %dma_start3A_762] : memref<10000x128xf32, #tpu.memory_space<hbm>> -> memref<10000x128xf32, #tpu.memory_space<hbm>>
      tpu.enqueue_indirect_dma source(%dma_start3A_763 : memref<10000x128xf32, #tpu.memory_space<hbm>>) target(%arg10 : memref<80x128xf32, #tpu.memory_space<vmem>>) offsets(%dma_start3A_760 : memref<80xi32, #tpu.memory_space<vmem>>) semaphore(%arg12 : memref<!tpu.dma_semaphore, #tpu.memory_space<semaphore_mem>>)
      %dma_start3A_764 = arith.constant 0 : i32
      %dma_start3A_765 = tpu.memref_slice %arg9[%mul3A_742, %dma_start3A_764] : memref<25x80xi32, #tpu.memory_space<vmem>> -> memref<1x80xi32, #tpu.memory_space<vmem>>
      %dma_start3A_766 = tpu.memref_squeeze %dma_start3A_765 : memref<1x80xi32, #tpu.memory_space<vmem>> -> memref<80xi32, #tpu.memory_space<vmem>>
      %dma_start3A_767 = arith.constant 0 : i32
      %dma_start3A_768 = arith.constant 0 : i32
      %dma_start3A_769 = tpu.memref_slice %arg5[%dma_start3A_767, %dma_start3A_768] : memref<10240x128xf32, #tpu.memory_space<vmem_shared>> -> memref<10240x128xf32, #tpu.memory_space<vmem_shared>>
      tpu.enqueue_indirect_dma source(%arg11 : memref<80x128xf32, #tpu.memory_space<vmem>>) target(%dma_start3A_769 : memref<10240x128xf32, #tpu.memory_space<vmem_shared>>) offsets(%dma_start3A_766 : memref<80xi32, #tpu.memory_space<vmem>>) semaphore(%arg15 : memref<!tpu.dma_semaphore, #tpu.memory_space<semaphore_mem>>) {add = true}
      %add3A_770 = arith.constant 1 : i32
      %add3A_771 = arith.addi %mul3A_742, %add3A_770 : i32
      %add3A_772 = arith.constant 2 : i32
      %add3A_773 = arith.addi %mul3A_742, %add3A_772 : i32
      %dma_wait3A_774 = arith.constant 0 : i32
      %dma_wait3A_775 = tpu.memref_slice %arg7[%add3A_771, %dma_wait3A_774] : memref<25x80xi32, #tpu.memory_space<vmem>> -> memref<1x80xi32, #tpu.memory_space<vmem>>
      %dma_wait3A_776 = tpu.memref_squeeze %dma_wait3A_775 : memref<1x80xi32, #tpu.memory_space<vmem>> -> memref<80xi32, #tpu.memory_space<vmem>>
      %dma_wait3A_777 = arith.constant 0 : i32
      %dma_wait3A_778 = arith.constant 0 : i32
      %dma_wait3A_779 = tpu.memref_slice %arg3[%dma_wait3A_777, %dma_wait3A_778] : memref<10000x128xf32, #tpu.memory_space<hbm>> -> memref<10000x128xf32, #tpu.memory_space<hbm>>
      tpu.wait_indirect_dma semaphore(%arg12 : memref<!tpu.dma_semaphore, #tpu.memory_space<semaphore_mem>>) src(%dma_wait3A_779 : memref<10000x128xf32, #tpu.memory_space<hbm>>) dst(%arg10 : memref<80x128xf32, #tpu.memory_space<vmem>>)
      %dma_wait3A_780 = arith.constant 0 : i32
      %dma_wait3A_781 = tpu.memref_slice %arg9[%mul3A_742, %dma_wait3A_780] : memref<25x80xi32, #tpu.memory_space<vmem>> -> memref<1x80xi32, #tpu.memory_space<vmem>>
      %dma_wait3A_782 = tpu.memref_squeeze %dma_wait3A_781 : memref<1x80xi32, #tpu.memory_space<vmem>> -> memref<80xi32, #tpu.memory_space<vmem>>
      %dma_wait3A_783 = arith.constant 0 : i32
      %dma_wait3A_784 = arith.constant 0 : i32
      %dma_wait3A_785 = tpu.memref_slice %arg5[%dma_wait3A_783, %dma_wait3A_784] : memref<10240x128xf32, #tpu.memory_space<vmem_shared>> -> memref<10240x128xf32, #tpu.memory_space<vmem_shared>>
      tpu.wait_indirect_dma semaphore(%arg15 : memref<!tpu.dma_semaphore, #tpu.memory_space<semaphore_mem>>) src(%arg11 : memref<80x128xf32, #tpu.memory_space<vmem>>) dst(%dma_wait3A_785 : memref<10240x128xf32, #tpu.memory_space<vmem_shared>>)
      %dma_start3A_786 = arith.constant 0 : i32
      %dma_start3A_787 = tpu.memref_slice %arg7[%add3A_773, %dma_start3A_786] : memref<25x80xi32, #tpu.memory_space<vmem>> -> memref<1x80xi32, #tpu.memory_space<vmem>>
      %dma_start3A_788 = tpu.memref_squeeze %dma_start3A_787 : memref<1x80xi32, #tpu.memory_space<vmem>> -> memref<80xi32, #tpu.memory_space<vmem>>
      %dma_start3A_789 = arith.constant 0 : i32
      %dma_start3A_790 = arith.constant 0 : i32
      %dma_start3A_791 = tpu.memref_slice %arg3[%dma_start3A_789, %dma_start3A_790] : memref<10000x128xf32, #tpu.memory_space<hbm>> -> memref<10000x128xf32, #tpu.memory_space<hbm>>
      tpu.enqueue_indirect_dma source(%dma_start3A_791 : memref<10000x128xf32, #tpu.memory_space<hbm>>) target(%arg11 : memref<80x128xf32, #tpu.memory_space<vmem>>) offsets(%dma_start3A_788 : memref<80xi32, #tpu.memory_space<vmem>>) semaphore(%arg13 : memref<!tpu.dma_semaphore, #tpu.memory_space<semaphore_mem>>)
      %dma_start3A_792 = arith.constant 0 : i32
      %dma_start3A_793 = tpu.memref_slice %arg9[%add3A_771, %dma_start3A_792] : memref<25x80xi32, #tpu.memory_space<vmem>> -> memref<1x80xi32, #tpu.memory_space<vmem>>
      %dma_start3A_794 = tpu.memref_squeeze %dma_start3A_793 : memref<1x80xi32, #tpu.memory_space<vmem>> -> memref<80xi32, #tpu.memory_space<vmem>>
      %dma_start3A_795 = arith.constant 0 : i32
      %dma_start3A_796 = arith.constant 0 : i32
      %dma_start3A_797 = tpu.memref_slice %arg5[%dma_start3A_795, %dma_start3A_796] : memref<10240x128xf32, #tpu.memory_space<vmem_shared>> -> memref<10240x128xf32, #tpu.memory_space<vmem_shared>>
      tpu.enqueue_indirect_dma source(%arg10 : memref<80x128xf32, #tpu.memory_space<vmem>>) target(%dma_start3A_797 : memref<10240x128xf32, #tpu.memory_space<vmem_shared>>) offsets(%dma_start3A_794 : memref<80xi32, #tpu.memory_space<vmem>>) semaphore(%arg14 : memref<!tpu.dma_semaphore, #tpu.memory_space<semaphore_mem>>) {add = true}
    }
    %scan3A_340 = arith.constant 11 : i32
    %dma_wait3A_341 = arith.constant 0 : i32
    %dma_wait3A_342 = arith.constant 2 : i32
    %dma_wait3A_343 = arith.constant 0 : i32
    %dma_wait3A_344 = arith.constant 0 : i32
    %dma_wait3A_345 = tpu.memref_slice %arg2[%dma_wait3A_341, %add3A, %dma_wait3A_342, %dma_wait3A_343, %dma_wait3A_344] : memref<2x32x5x25x80xi32, #tpu.memory_space<hbm>> -> memref<1x1x1x25x80xi32, #tpu.memory_space<hbm>>
    %dma_wait3A_346 = tpu.memref_squeeze %dma_wait3A_345 : memref<1x1x1x25x80xi32, #tpu.memory_space<hbm>> -> memref<25x80xi32, #tpu.memory_space<hbm>>
    %dma_wait3A_347 = arith.constant 0 : i32
    %dma_wait3A_348 = arith.constant 0 : i32
    %dma_wait3A_349 = tpu.memref_slice %arg2[%dma_wait3A_341, %add3A, %dma_wait3A_342, %dma_wait3A_347, %dma_wait3A_348] : memref<2x32x5x25x80xi32, #tpu.memory_space<hbm>> -> memref<1x1x1x25x80xi32, #tpu.memory_space<hbm>>
    %dma_wait3A_350 = tpu.memref_squeeze %dma_wait3A_349 : memref<1x1x1x25x80xi32, #tpu.memory_space<hbm>> -> memref<25x80xi32, #tpu.memory_space<hbm>>
    tpu.wait_dma2 semaphore(%arg16 : memref<!tpu.dma_semaphore, #tpu.memory_space<semaphore_mem>>) src(%dma_wait3A_350 : memref<25x80xi32, #tpu.memory_space<hbm>>) dst(%arg6 : memref<25x80xi32, #tpu.memory_space<vmem>>)
    %dma_wait3A_351 = arith.constant 1 : i32
    %dma_wait3A_352 = arith.constant 2 : i32
    %dma_wait3A_353 = arith.constant 0 : i32
    %dma_wait3A_354 = arith.constant 0 : i32
    %dma_wait3A_355 = tpu.memref_slice %arg2[%dma_wait3A_351, %add3A, %dma_wait3A_352, %dma_wait3A_353, %dma_wait3A_354] : memref<2x32x5x25x80xi32, #tpu.memory_space<hbm>> -> memref<1x1x1x25x80xi32, #tpu.memory_space<hbm>>
    %dma_wait3A_356 = tpu.memref_squeeze %dma_wait3A_355 : memref<1x1x1x25x80xi32, #tpu.memory_space<hbm>> -> memref<25x80xi32, #tpu.memory_space<hbm>>
    %dma_wait3A_357 = arith.constant 0 : i32
    %dma_wait3A_358 = arith.constant 0 : i32
    %dma_wait3A_359 = tpu.memref_slice %arg2[%dma_wait3A_351, %add3A, %dma_wait3A_352, %dma_wait3A_357, %dma_wait3A_358] : memref<2x32x5x25x80xi32, #tpu.memory_space<hbm>> -> memref<1x1x1x25x80xi32, #tpu.memory_space<hbm>>
    %dma_wait3A_360 = tpu.memref_squeeze %dma_wait3A_359 : memref<1x1x1x25x80xi32, #tpu.memory_space<hbm>> -> memref<25x80xi32, #tpu.memory_space<hbm>>
    tpu.wait_dma2 semaphore(%arg16 : memref<!tpu.dma_semaphore, #tpu.memory_space<semaphore_mem>>) src(%dma_wait3A_360 : memref<25x80xi32, #tpu.memory_space<hbm>>) dst(%arg8 : memref<25x80xi32, #tpu.memory_space<vmem>>)
    %dma_wait3A_361 = arith.constant 24 : i32
    %dma_wait3A_362 = arith.constant 0 : i32
    %dma_wait3A_363 = tpu.memref_slice %arg7[%dma_wait3A_361, %dma_wait3A_362] : memref<25x80xi32, #tpu.memory_space<vmem>> -> memref<1x80xi32, #tpu.memory_space<vmem>>
    %dma_wait3A_364 = tpu.memref_squeeze %dma_wait3A_363 : memref<1x80xi32, #tpu.memory_space<vmem>> -> memref<80xi32, #tpu.memory_space<vmem>>
    %dma_wait3A_365 = arith.constant 0 : i32
    %dma_wait3A_366 = arith.constant 0 : i32
    %dma_wait3A_367 = tpu.memref_slice %arg3[%dma_wait3A_365, %dma_wait3A_366] : memref<10000x128xf32, #tpu.memory_space<hbm>> -> memref<10000x128xf32, #tpu.memory_space<hbm>>
    tpu.wait_indirect_dma semaphore(%arg13 : memref<!tpu.dma_semaphore, #tpu.memory_space<semaphore_mem>>) src(%dma_wait3A_367 : memref<10000x128xf32, #tpu.memory_space<hbm>>) dst(%arg11 : memref<80x128xf32, #tpu.memory_space<vmem>>)
    %dma_wait3A_368 = arith.constant 23 : i32
    %dma_wait3A_369 = arith.constant 0 : i32
    %dma_wait3A_370 = tpu.memref_slice %arg9[%dma_wait3A_368, %dma_wait3A_369] : memref<25x80xi32, #tpu.memory_space<vmem>> -> memref<1x80xi32, #tpu.memory_space<vmem>>
    %dma_wait3A_371 = tpu.memref_squeeze %dma_wait3A_370 : memref<1x80xi32, #tpu.memory_space<vmem>> -> memref<80xi32, #tpu.memory_space<vmem>>
    %dma_wait3A_372 = arith.constant 0 : i32
    %dma_wait3A_373 = arith.constant 0 : i32
    %dma_wait3A_374 = tpu.memref_slice %arg5[%dma_wait3A_372, %dma_wait3A_373] : memref<10240x128xf32, #tpu.memory_space<vmem_shared>> -> memref<10240x128xf32, #tpu.memory_space<vmem_shared>>
    tpu.wait_indirect_dma semaphore(%arg14 : memref<!tpu.dma_semaphore, #tpu.memory_space<semaphore_mem>>) src(%arg10 : memref<80x128xf32, #tpu.memory_space<vmem>>) dst(%dma_wait3A_374 : memref<10240x128xf32, #tpu.memory_space<vmem_shared>>)
    %dma_start3A_375 = arith.constant 0 : i32
    %dma_start3A_376 = arith.constant 0 : i32
    %dma_start3A_377 = tpu.memref_slice %arg6[%dma_start3A_375, %dma_start3A_376] : memref<25x80xi32, #tpu.memory_space<vmem>> -> memref<1x80xi32, #tpu.memory_space<vmem>>
    %dma_start3A_378 = tpu.memref_squeeze %dma_start3A_377 : memref<1x80xi32, #tpu.memory_space<vmem>> -> memref<80xi32, #tpu.memory_space<vmem>>
    %dma_start3A_379 = arith.constant 0 : i32
    %dma_start3A_380 = arith.constant 0 : i32
    %dma_start3A_381 = tpu.memref_slice %arg3[%dma_start3A_379, %dma_start3A_380] : memref<10000x128xf32, #tpu.memory_space<hbm>> -> memref<10000x128xf32, #tpu.memory_space<hbm>>
    tpu.enqueue_indirect_dma source(%dma_start3A_381 : memref<10000x128xf32, #tpu.memory_space<hbm>>) target(%arg10 : memref<80x128xf32, #tpu.memory_space<vmem>>) offsets(%dma_start3A_378 : memref<80xi32, #tpu.memory_space<vmem>>) semaphore(%arg12 : memref<!tpu.dma_semaphore, #tpu.memory_space<semaphore_mem>>)
    %dma_start3A_382 = arith.constant 24 : i32
    %dma_start3A_383 = arith.constant 0 : i32
    %dma_start3A_384 = tpu.memref_slice %arg9[%dma_start3A_382, %dma_start3A_383] : memref<25x80xi32, #tpu.memory_space<vmem>> -> memref<1x80xi32, #tpu.memory_space<vmem>>
    %dma_start3A_385 = tpu.memref_squeeze %dma_start3A_384 : memref<1x80xi32, #tpu.memory_space<vmem>> -> memref<80xi32, #tpu.memory_space<vmem>>
    %dma_start3A_386 = arith.constant 0 : i32
    %dma_start3A_387 = arith.constant 0 : i32
    %dma_start3A_388 = tpu.memref_slice %arg5[%dma_start3A_386, %dma_start3A_387] : memref<10240x128xf32, #tpu.memory_space<vmem_shared>> -> memref<10240x128xf32, #tpu.memory_space<vmem_shared>>
    tpu.enqueue_indirect_dma source(%arg11 : memref<80x128xf32, #tpu.memory_space<vmem>>) target(%dma_start3A_388 : memref<10240x128xf32, #tpu.memory_space<vmem_shared>>) offsets(%dma_start3A_385 : memref<80xi32, #tpu.memory_space<vmem>>) semaphore(%arg15 : memref<!tpu.dma_semaphore, #tpu.memory_space<semaphore_mem>>) {add = true}
    %dma_wait3A_389 = arith.constant 24 : i32
    %dma_wait3A_390 = arith.constant 0 : i32
    %dma_wait3A_391 = tpu.memref_slice %arg9[%dma_wait3A_389, %dma_wait3A_390] : memref<25x80xi32, #tpu.memory_space<vmem>> -> memref<1x80xi32, #tpu.memory_space<vmem>>
    %dma_wait3A_392 = tpu.memref_squeeze %dma_wait3A_391 : memref<1x80xi32, #tpu.memory_space<vmem>> -> memref<80xi32, #tpu.memory_space<vmem>>
    %dma_wait3A_393 = arith.constant 0 : i32
    %dma_wait3A_394 = arith.constant 0 : i32
    %dma_wait3A_395 = tpu.memref_slice %arg5[%dma_wait3A_393, %dma_wait3A_394] : memref<10240x128xf32, #tpu.memory_space<vmem_shared>> -> memref<10240x128xf32, #tpu.memory_space<vmem_shared>>
    tpu.wait_indirect_dma semaphore(%arg15 : memref<!tpu.dma_semaphore, #tpu.memory_space<semaphore_mem>>) src(%arg11 : memref<80x128xf32, #tpu.memory_space<vmem>>) dst(%dma_wait3A_395 : memref<10240x128xf32, #tpu.memory_space<vmem_shared>>)
    %dma_start3A_396 = arith.constant 0 : i32
    %dma_start3A_397 = arith.constant 3 : i32
    %dma_start3A_398 = arith.constant 0 : i32
    %dma_start3A_399 = arith.constant 0 : i32
    %dma_start3A_400 = tpu.memref_slice %arg2[%dma_start3A_396, %add3A, %dma_start3A_397, %dma_start3A_398, %dma_start3A_399] : memref<2x32x5x25x80xi32, #tpu.memory_space<hbm>> -> memref<1x1x1x25x80xi32, #tpu.memory_space<hbm>>
    %dma_start3A_401 = tpu.memref_squeeze %dma_start3A_400 : memref<1x1x1x25x80xi32, #tpu.memory_space<hbm>> -> memref<25x80xi32, #tpu.memory_space<hbm>>
    %dma_start3A_402 = arith.constant 0 : i32
    %dma_start3A_403 = arith.constant 0 : i32
    %dma_start3A_404 = tpu.memref_slice %arg2[%dma_start3A_396, %add3A, %dma_start3A_397, %dma_start3A_402, %dma_start3A_403] : memref<2x32x5x25x80xi32, #tpu.memory_space<hbm>> -> memref<1x1x1x25x80xi32, #tpu.memory_space<hbm>>
    %dma_start3A_405 = tpu.memref_squeeze %dma_start3A_404 : memref<1x1x1x25x80xi32, #tpu.memory_space<hbm>> -> memref<25x80xi32, #tpu.memory_space<hbm>>
    tpu.enqueue_dma source(%dma_start3A_405 : memref<25x80xi32, #tpu.memory_space<hbm>>) target(%arg7 : memref<25x80xi32, #tpu.memory_space<vmem>>) target_semaphore(%arg16 : memref<!tpu.dma_semaphore, #tpu.memory_space<semaphore_mem>>)
    %dma_start3A_406 = arith.constant 1 : i32
    %dma_start3A_407 = arith.constant 3 : i32
    %dma_start3A_408 = arith.constant 0 : i32
    %dma_start3A_409 = arith.constant 0 : i32
    %dma_start3A_410 = tpu.memref_slice %arg2[%dma_start3A_406, %add3A, %dma_start3A_407, %dma_start3A_408, %dma_start3A_409] : memref<2x32x5x25x80xi32, #tpu.memory_space<hbm>> -> memref<1x1x1x25x80xi32, #tpu.memory_space<hbm>>
    %dma_start3A_411 = tpu.memref_squeeze %dma_start3A_410 : memref<1x1x1x25x80xi32, #tpu.memory_space<hbm>> -> memref<25x80xi32, #tpu.memory_space<hbm>>
    %dma_start3A_412 = arith.constant 0 : i32
    %dma_start3A_413 = arith.constant 0 : i32
    %dma_start3A_414 = tpu.memref_slice %arg2[%dma_start3A_406, %add3A, %dma_start3A_407, %dma_start3A_412, %dma_start3A_413] : memref<2x32x5x25x80xi32, #tpu.memory_space<hbm>> -> memref<1x1x1x25x80xi32, #tpu.memory_space<hbm>>
    %dma_start3A_415 = tpu.memref_squeeze %dma_start3A_414 : memref<1x1x1x25x80xi32, #tpu.memory_space<hbm>> -> memref<25x80xi32, #tpu.memory_space<hbm>>
    tpu.enqueue_dma source(%dma_start3A_415 : memref<25x80xi32, #tpu.memory_space<hbm>>) target(%arg9 : memref<25x80xi32, #tpu.memory_space<vmem>>) target_semaphore(%arg16 : memref<!tpu.dma_semaphore, #tpu.memory_space<semaphore_mem>>)
    %dma_wait3A_416 = arith.constant 0 : i32
    %dma_wait3A_417 = arith.constant 0 : i32
    %dma_wait3A_418 = tpu.memref_slice %arg6[%dma_wait3A_416, %dma_wait3A_417] : memref<25x80xi32, #tpu.memory_space<vmem>> -> memref<1x80xi32, #tpu.memory_space<vmem>>
    %dma_wait3A_419 = tpu.memref_squeeze %dma_wait3A_418 : memref<1x80xi32, #tpu.memory_space<vmem>> -> memref<80xi32, #tpu.memory_space<vmem>>
    %dma_wait3A_420 = arith.constant 0 : i32
    %dma_wait3A_421 = arith.constant 0 : i32
    %dma_wait3A_422 = tpu.memref_slice %arg3[%dma_wait3A_420, %dma_wait3A_421] : memref<10000x128xf32, #tpu.memory_space<hbm>> -> memref<10000x128xf32, #tpu.memory_space<hbm>>
    tpu.wait_indirect_dma semaphore(%arg12 : memref<!tpu.dma_semaphore, #tpu.memory_space<semaphore_mem>>) src(%dma_wait3A_422 : memref<10000x128xf32, #tpu.memory_space<hbm>>) dst(%arg10 : memref<80x128xf32, #tpu.memory_space<vmem>>)
    %dma_start3A_423 = arith.constant 1 : i32
    %dma_start3A_424 = arith.constant 0 : i32
    %dma_start3A_425 = tpu.memref_slice %arg6[%dma_start3A_423, %dma_start3A_424] : memref<25x80xi32, #tpu.memory_space<vmem>> -> memref<1x80xi32, #tpu.memory_space<vmem>>
    %dma_start3A_426 = tpu.memref_squeeze %dma_start3A_425 : memref<1x80xi32, #tpu.memory_space<vmem>> -> memref<80xi32, #tpu.memory_space<vmem>>
    %dma_start3A_427 = arith.constant 0 : i32
    %dma_start3A_428 = arith.constant 0 : i32
    %dma_start3A_429 = tpu.memref_slice %arg3[%dma_start3A_427, %dma_start3A_428] : memref<10000x128xf32, #tpu.memory_space<hbm>> -> memref<10000x128xf32, #tpu.memory_space<hbm>>
    tpu.enqueue_indirect_dma source(%dma_start3A_429 : memref<10000x128xf32, #tpu.memory_space<hbm>>) target(%arg11 : memref<80x128xf32, #tpu.memory_space<vmem>>) offsets(%dma_start3A_426 : memref<80xi32, #tpu.memory_space<vmem>>) semaphore(%arg13 : memref<!tpu.dma_semaphore, #tpu.memory_space<semaphore_mem>>)
    %dma_start3A_430 = arith.constant 0 : i32
    %dma_start3A_431 = arith.constant 0 : i32
    %dma_start3A_432 = tpu.memref_slice %arg8[%dma_start3A_430, %dma_start3A_431] : memref<25x80xi32, #tpu.memory_space<vmem>> -> memref<1x80xi32, #tpu.memory_space<vmem>>
    %dma_start3A_433 = tpu.memref_squeeze %dma_start3A_432 : memref<1x80xi32, #tpu.memory_space<vmem>> -> memref<80xi32, #tpu.memory_space<vmem>>
    %dma_start3A_434 = arith.constant 0 : i32
    %dma_start3A_435 = arith.constant 0 : i32
    %dma_start3A_436 = tpu.memref_slice %arg5[%dma_start3A_434, %dma_start3A_435] : memref<10240x128xf32, #tpu.memory_space<vmem_shared>> -> memref<10240x128xf32, #tpu.memory_space<vmem_shared>>
    tpu.enqueue_indirect_dma source(%arg10 : memref<80x128xf32, #tpu.memory_space<vmem>>) target(%dma_start3A_436 : memref<10240x128xf32, #tpu.memory_space<vmem_shared>>) offsets(%dma_start3A_433 : memref<80xi32, #tpu.memory_space<vmem>>) semaphore(%arg14 : memref<!tpu.dma_semaphore, #tpu.memory_space<semaphore_mem>>) {add = true}
    %dma_wait3A_437 = arith.constant 1 : i32
    %dma_wait3A_438 = arith.constant 0 : i32
    %dma_wait3A_439 = tpu.memref_slice %arg6[%dma_wait3A_437, %dma_wait3A_438] : memref<25x80xi32, #tpu.memory_space<vmem>> -> memref<1x80xi32, #tpu.memory_space<vmem>>
    %dma_wait3A_440 = tpu.memref_squeeze %dma_wait3A_439 : memref<1x80xi32, #tpu.memory_space<vmem>> -> memref<80xi32, #tpu.memory_space<vmem>>
    %dma_wait3A_441 = arith.constant 0 : i32
    %dma_wait3A_442 = arith.constant 0 : i32
    %dma_wait3A_443 = tpu.memref_slice %arg3[%dma_wait3A_441, %dma_wait3A_442] : memref<10000x128xf32, #tpu.memory_space<hbm>> -> memref<10000x128xf32, #tpu.memory_space<hbm>>
    tpu.wait_indirect_dma semaphore(%arg13 : memref<!tpu.dma_semaphore, #tpu.memory_space<semaphore_mem>>) src(%dma_wait3A_443 : memref<10000x128xf32, #tpu.memory_space<hbm>>) dst(%arg11 : memref<80x128xf32, #tpu.memory_space<vmem>>)
    %dma_wait3A_444 = arith.constant 0 : i32
    %dma_wait3A_445 = arith.constant 0 : i32
    %dma_wait3A_446 = tpu.memref_slice %arg8[%dma_wait3A_444, %dma_wait3A_445] : memref<25x80xi32, #tpu.memory_space<vmem>> -> memref<1x80xi32, #tpu.memory_space<vmem>>
    %dma_wait3A_447 = tpu.memref_squeeze %dma_wait3A_446 : memref<1x80xi32, #tpu.memory_space<vmem>> -> memref<80xi32, #tpu.memory_space<vmem>>
    %dma_wait3A_448 = arith.constant 0 : i32
    %dma_wait3A_449 = arith.constant 0 : i32
    %dma_wait3A_450 = tpu.memref_slice %arg5[%dma_wait3A_448, %dma_wait3A_449] : memref<10240x128xf32, #tpu.memory_space<vmem_shared>> -> memref<10240x128xf32, #tpu.memory_space<vmem_shared>>
    tpu.wait_indirect_dma semaphore(%arg14 : memref<!tpu.dma_semaphore, #tpu.memory_space<semaphore_mem>>) src(%arg10 : memref<80x128xf32, #tpu.memory_space<vmem>>) dst(%dma_wait3A_450 : memref<10240x128xf32, #tpu.memory_space<vmem_shared>>)
    %dma_start3A_451 = arith.constant 2 : i32
    %dma_start3A_452 = arith.constant 0 : i32
    %dma_start3A_453 = tpu.memref_slice %arg6[%dma_start3A_451, %dma_start3A_452] : memref<25x80xi32, #tpu.memory_space<vmem>> -> memref<1x80xi32, #tpu.memory_space<vmem>>
    %dma_start3A_454 = tpu.memref_squeeze %dma_start3A_453 : memref<1x80xi32, #tpu.memory_space<vmem>> -> memref<80xi32, #tpu.memory_space<vmem>>
    %dma_start3A_455 = arith.constant 0 : i32
    %dma_start3A_456 = arith.constant 0 : i32
    %dma_start3A_457 = tpu.memref_slice %arg3[%dma_start3A_455, %dma_start3A_456] : memref<10000x128xf32, #tpu.memory_space<hbm>> -> memref<10000x128xf32, #tpu.memory_space<hbm>>
    tpu.enqueue_indirect_dma source(%dma_start3A_457 : memref<10000x128xf32, #tpu.memory_space<hbm>>) target(%arg10 : memref<80x128xf32, #tpu.memory_space<vmem>>) offsets(%dma_start3A_454 : memref<80xi32, #tpu.memory_space<vmem>>) semaphore(%arg12 : memref<!tpu.dma_semaphore, #tpu.memory_space<semaphore_mem>>)
    %dma_start3A_458 = arith.constant 1 : i32
    %dma_start3A_459 = arith.constant 0 : i32
    %dma_start3A_460 = tpu.memref_slice %arg8[%dma_start3A_458, %dma_start3A_459] : memref<25x80xi32, #tpu.memory_space<vmem>> -> memref<1x80xi32, #tpu.memory_space<vmem>>
    %dma_start3A_461 = tpu.memref_squeeze %dma_start3A_460 : memref<1x80xi32, #tpu.memory_space<vmem>> -> memref<80xi32, #tpu.memory_space<vmem>>
    %dma_start3A_462 = arith.constant 0 : i32
    %dma_start3A_463 = arith.constant 0 : i32
    %dma_start3A_464 = tpu.memref_slice %arg5[%dma_start3A_462, %dma_start3A_463] : memref<10240x128xf32, #tpu.memory_space<vmem_shared>> -> memref<10240x128xf32, #tpu.memory_space<vmem_shared>>
    tpu.enqueue_indirect_dma source(%arg11 : memref<80x128xf32, #tpu.memory_space<vmem>>) target(%dma_start3A_464 : memref<10240x128xf32, #tpu.memory_space<vmem_shared>>) offsets(%dma_start3A_461 : memref<80xi32, #tpu.memory_space<vmem>>) semaphore(%arg15 : memref<!tpu.dma_semaphore, #tpu.memory_space<semaphore_mem>>) {add = true}
    %scan3A_465 = arith.constant 0 : i32
    %scan3A_466 = arith.constant 1 : i32
    %scan3A_467 = arith.constant 11 : i32
    %scan3A_468 = arith.addi %scan3A_466, %scan3A_467 : i32
    %scan3A_469 = arith.constant 1 : i32
    scf.for %scan3A_740 = %scan3A_466 to %scan3A_468 step %scan3A_469  : i32 {
      %mul3A_741 = arith.constant 2 : i32
      %mul3A_742 = arith.muli %mul3A_741, %scan3A_740 : i32
      %add3A_743 = arith.constant 1 : i32
      %add3A_744 = arith.addi %mul3A_742, %add3A_743 : i32
      %sub3A = arith.constant 1 : i32
      %sub3A_745 = arith.subi %mul3A_742, %sub3A : i32
      %dma_wait3A_746 = arith.constant 0 : i32
      %dma_wait3A_747 = tpu.memref_slice %arg6[%mul3A_742, %dma_wait3A_746] : memref<25x80xi32, #tpu.memory_space<vmem>> -> memref<1x80xi32, #tpu.memory_space<vmem>>
      %dma_wait3A_748 = tpu.memref_squeeze %dma_wait3A_747 : memref<1x80xi32, #tpu.memory_space<vmem>> -> memref<80xi32, #tpu.memory_space<vmem>>
      %dma_wait3A_749 = arith.constant 0 : i32
      %dma_wait3A_750 = arith.constant 0 : i32
      %dma_wait3A_751 = tpu.memref_slice %arg3[%dma_wait3A_749, %dma_wait3A_750] : memref<10000x128xf32, #tpu.memory_space<hbm>> -> memref<10000x128xf32, #tpu.memory_space<hbm>>
      tpu.wait_indirect_dma semaphore(%arg12 : memref<!tpu.dma_semaphore, #tpu.memory_space<semaphore_mem>>) src(%dma_wait3A_751 : memref<10000x128xf32, #tpu.memory_space<hbm>>) dst(%arg10 : memref<80x128xf32, #tpu.memory_space<vmem>>)
      %dma_wait3A_752 = arith.constant 0 : i32
      %dma_wait3A_753 = tpu.memref_slice %arg8[%sub3A_745, %dma_wait3A_752] : memref<25x80xi32, #tpu.memory_space<vmem>> -> memref<1x80xi32, #tpu.memory_space<vmem>>
      %dma_wait3A_754 = tpu.memref_squeeze %dma_wait3A_753 : memref<1x80xi32, #tpu.memory_space<vmem>> -> memref<80xi32, #tpu.memory_space<vmem>>
      %dma_wait3A_755 = arith.constant 0 : i32
      %dma_wait3A_756 = arith.constant 0 : i32
      %dma_wait3A_757 = tpu.memref_slice %arg5[%dma_wait3A_755, %dma_wait3A_756] : memref<10240x128xf32, #tpu.memory_space<vmem_shared>> -> memref<10240x128xf32, #tpu.memory_space<vmem_shared>>
      tpu.wait_indirect_dma semaphore(%arg15 : memref<!tpu.dma_semaphore, #tpu.memory_space<semaphore_mem>>) src(%arg11 : memref<80x128xf32, #tpu.memory_space<vmem>>) dst(%dma_wait3A_757 : memref<10240x128xf32, #tpu.memory_space<vmem_shared>>)
      %dma_start3A_758 = arith.constant 0 : i32
      %dma_start3A_759 = tpu.memref_slice %arg6[%add3A_744, %dma_start3A_758] : memref<25x80xi32, #tpu.memory_space<vmem>> -> memref<1x80xi32, #tpu.memory_space<vmem>>
      %dma_start3A_760 = tpu.memref_squeeze %dma_start3A_759 : memref<1x80xi32, #tpu.memory_space<vmem>> -> memref<80xi32, #tpu.memory_space<vmem>>
      %dma_start3A_761 = arith.constant 0 : i32
      %dma_start3A_762 = arith.constant 0 : i32
      %dma_start3A_763 = tpu.memref_slice %arg3[%dma_start3A_761, %dma_start3A_762] : memref<10000x128xf32, #tpu.memory_space<hbm>> -> memref<10000x128xf32, #tpu.memory_space<hbm>>
      tpu.enqueue_indirect_dma source(%dma_start3A_763 : memref<10000x128xf32, #tpu.memory_space<hbm>>) target(%arg11 : memref<80x128xf32, #tpu.memory_space<vmem>>) offsets(%dma_start3A_760 : memref<80xi32, #tpu.memory_space<vmem>>) semaphore(%arg13 : memref<!tpu.dma_semaphore, #tpu.memory_space<semaphore_mem>>)
      %dma_start3A_764 = arith.constant 0 : i32
      %dma_start3A_765 = tpu.memref_slice %arg8[%mul3A_742, %dma_start3A_764] : memref<25x80xi32, #tpu.memory_space<vmem>> -> memref<1x80xi32, #tpu.memory_space<vmem>>
      %dma_start3A_766 = tpu.memref_squeeze %dma_start3A_765 : memref<1x80xi32, #tpu.memory_space<vmem>> -> memref<80xi32, #tpu.memory_space<vmem>>
      %dma_start3A_767 = arith.constant 0 : i32
      %dma_start3A_768 = arith.constant 0 : i32
      %dma_start3A_769 = tpu.memref_slice %arg5[%dma_start3A_767, %dma_start3A_768] : memref<10240x128xf32, #tpu.memory_space<vmem_shared>> -> memref<10240x128xf32, #tpu.memory_space<vmem_shared>>
      tpu.enqueue_indirect_dma source(%arg10 : memref<80x128xf32, #tpu.memory_space<vmem>>) target(%dma_start3A_769 : memref<10240x128xf32, #tpu.memory_space<vmem_shared>>) offsets(%dma_start3A_766 : memref<80xi32, #tpu.memory_space<vmem>>) semaphore(%arg14 : memref<!tpu.dma_semaphore, #tpu.memory_space<semaphore_mem>>) {add = true}
      %add3A_770 = arith.constant 1 : i32
      %add3A_771 = arith.addi %mul3A_742, %add3A_770 : i32
      %add3A_772 = arith.constant 2 : i32
      %add3A_773 = arith.addi %mul3A_742, %add3A_772 : i32
      %dma_wait3A_774 = arith.constant 0 : i32
      %dma_wait3A_775 = tpu.memref_slice %arg6[%add3A_771, %dma_wait3A_774] : memref<25x80xi32, #tpu.memory_space<vmem>> -> memref<1x80xi32, #tpu.memory_space<vmem>>
      %dma_wait3A_776 = tpu.memref_squeeze %dma_wait3A_775 : memref<1x80xi32, #tpu.memory_space<vmem>> -> memref<80xi32, #tpu.memory_space<vmem>>
      %dma_wait3A_777 = arith.constant 0 : i32
      %dma_wait3A_778 = arith.constant 0 : i32
      %dma_wait3A_779 = tpu.memref_slice %arg3[%dma_wait3A_777, %dma_wait3A_778] : memref<10000x128xf32, #tpu.memory_space<hbm>> -> memref<10000x128xf32, #tpu.memory_space<hbm>>
      tpu.wait_indirect_dma semaphore(%arg13 : memref<!tpu.dma_semaphore, #tpu.memory_space<semaphore_mem>>) src(%dma_wait3A_779 : memref<10000x128xf32, #tpu.memory_space<hbm>>) dst(%arg11 : memref<80x128xf32, #tpu.memory_space<vmem>>)
      %dma_wait3A_780 = arith.constant 0 : i32
      %dma_wait3A_781 = tpu.memref_slice %arg8[%mul3A_742, %dma_wait3A_780] : memref<25x80xi32, #tpu.memory_space<vmem>> -> memref<1x80xi32, #tpu.memory_space<vmem>>
      %dma_wait3A_782 = tpu.memref_squeeze %dma_wait3A_781 : memref<1x80xi32, #tpu.memory_space<vmem>> -> memref<80xi32, #tpu.memory_space<vmem>>
      %dma_wait3A_783 = arith.constant 0 : i32
      %dma_wait3A_784 = arith.constant 0 : i32
      %dma_wait3A_785 = tpu.memref_slice %arg5[%dma_wait3A_783, %dma_wait3A_784] : memref<10240x128xf32, #tpu.memory_space<vmem_shared>> -> memref<10240x128xf32, #tpu.memory_space<vmem_shared>>
      tpu.wait_indirect_dma semaphore(%arg14 : memref<!tpu.dma_semaphore, #tpu.memory_space<semaphore_mem>>) src(%arg10 : memref<80x128xf32, #tpu.memory_space<vmem>>) dst(%dma_wait3A_785 : memref<10240x128xf32, #tpu.memory_space<vmem_shared>>)
      %dma_start3A_786 = arith.constant 0 : i32
      %dma_start3A_787 = tpu.memref_slice %arg6[%add3A_773, %dma_start3A_786] : memref<25x80xi32, #tpu.memory_space<vmem>> -> memref<1x80xi32, #tpu.memory_space<vmem>>
      %dma_start3A_788 = tpu.memref_squeeze %dma_start3A_787 : memref<1x80xi32, #tpu.memory_space<vmem>> -> memref<80xi32, #tpu.memory_space<vmem>>
      %dma_start3A_789 = arith.constant 0 : i32
      %dma_start3A_790 = arith.constant 0 : i32
      %dma_start3A_791 = tpu.memref_slice %arg3[%dma_start3A_789, %dma_start3A_790] : memref<10000x128xf32, #tpu.memory_space<hbm>> -> memref<10000x128xf32, #tpu.memory_space<hbm>>
      tpu.enqueue_indirect_dma source(%dma_start3A_791 : memref<10000x128xf32, #tpu.memory_space<hbm>>) target(%arg10 : memref<80x128xf32, #tpu.memory_space<vmem>>) offsets(%dma_start3A_788 : memref<80xi32, #tpu.memory_space<vmem>>) semaphore(%arg12 : memref<!tpu.dma_semaphore, #tpu.memory_space<semaphore_mem>>)
      %dma_start3A_792 = arith.constant 0 : i32
      %dma_start3A_793 = tpu.memref_slice %arg8[%add3A_771, %dma_start3A_792] : memref<25x80xi32, #tpu.memory_space<vmem>> -> memref<1x80xi32, #tpu.memory_space<vmem>>
      %dma_start3A_794 = tpu.memref_squeeze %dma_start3A_793 : memref<1x80xi32, #tpu.memory_space<vmem>> -> memref<80xi32, #tpu.memory_space<vmem>>
      %dma_start3A_795 = arith.constant 0 : i32
      %dma_start3A_796 = arith.constant 0 : i32
      %dma_start3A_797 = tpu.memref_slice %arg5[%dma_start3A_795, %dma_start3A_796] : memref<10240x128xf32, #tpu.memory_space<vmem_shared>> -> memref<10240x128xf32, #tpu.memory_space<vmem_shared>>
      tpu.enqueue_indirect_dma source(%arg11 : memref<80x128xf32, #tpu.memory_space<vmem>>) target(%dma_start3A_797 : memref<10240x128xf32, #tpu.memory_space<vmem_shared>>) offsets(%dma_start3A_794 : memref<80xi32, #tpu.memory_space<vmem>>) semaphore(%arg15 : memref<!tpu.dma_semaphore, #tpu.memory_space<semaphore_mem>>) {add = true}
    }
    %scan3A_470 = arith.constant 11 : i32
    %dma_wait3A_471 = arith.constant 0 : i32
    %dma_wait3A_472 = arith.constant 3 : i32
    %dma_wait3A_473 = arith.constant 0 : i32
    %dma_wait3A_474 = arith.constant 0 : i32
    %dma_wait3A_475 = tpu.memref_slice %arg2[%dma_wait3A_471, %add3A, %dma_wait3A_472, %dma_wait3A_473, %dma_wait3A_474] : memref<2x32x5x25x80xi32, #tpu.memory_space<hbm>> -> memref<1x1x1x25x80xi32, #tpu.memory_space<hbm>>
    %dma_wait3A_476 = tpu.memref_squeeze %dma_wait3A_475 : memref<1x1x1x25x80xi32, #tpu.memory_space<hbm>> -> memref<25x80xi32, #tpu.memory_space<hbm>>
    %dma_wait3A_477 = arith.constant 0 : i32
    %dma_wait3A_478 = arith.constant 0 : i32
    %dma_wait3A_479 = tpu.memref_slice %arg2[%dma_wait3A_471, %add3A, %dma_wait3A_472, %dma_wait3A_477, %dma_wait3A_478] : memref<2x32x5x25x80xi32, #tpu.memory_space<hbm>> -> memref<1x1x1x25x80xi32, #tpu.memory_space<hbm>>
    %dma_wait3A_480 = tpu.memref_squeeze %dma_wait3A_479 : memref<1x1x1x25x80xi32, #tpu.memory_space<hbm>> -> memref<25x80xi32, #tpu.memory_space<hbm>>
    tpu.wait_dma2 semaphore(%arg16 : memref<!tpu.dma_semaphore, #tpu.memory_space<semaphore_mem>>) src(%dma_wait3A_480 : memref<25x80xi32, #tpu.memory_space<hbm>>) dst(%arg7 : memref<25x80xi32, #tpu.memory_space<vmem>>)
    %dma_wait3A_481 = arith.constant 1 : i32
    %dma_wait3A_482 = arith.constant 3 : i32
    %dma_wait3A_483 = arith.constant 0 : i32
    %dma_wait3A_484 = arith.constant 0 : i32
    %dma_wait3A_485 = tpu.memref_slice %arg2[%dma_wait3A_481, %add3A, %dma_wait3A_482, %dma_wait3A_483, %dma_wait3A_484] : memref<2x32x5x25x80xi32, #tpu.memory_space<hbm>> -> memref<1x1x1x25x80xi32, #tpu.memory_space<hbm>>
    %dma_wait3A_486 = tpu.memref_squeeze %dma_wait3A_485 : memref<1x1x1x25x80xi32, #tpu.memory_space<hbm>> -> memref<25x80xi32, #tpu.memory_space<hbm>>
    %dma_wait3A_487 = arith.constant 0 : i32
    %dma_wait3A_488 = arith.constant 0 : i32
    %dma_wait3A_489 = tpu.memref_slice %arg2[%dma_wait3A_481, %add3A, %dma_wait3A_482, %dma_wait3A_487, %dma_wait3A_488] : memref<2x32x5x25x80xi32, #tpu.memory_space<hbm>> -> memref<1x1x1x25x80xi32, #tpu.memory_space<hbm>>
    %dma_wait3A_490 = tpu.memref_squeeze %dma_wait3A_489 : memref<1x1x1x25x80xi32, #tpu.memory_space<hbm>> -> memref<25x80xi32, #tpu.memory_space<hbm>>
    tpu.wait_dma2 semaphore(%arg16 : memref<!tpu.dma_semaphore, #tpu.memory_space<semaphore_mem>>) src(%dma_wait3A_490 : memref<25x80xi32, #tpu.memory_space<hbm>>) dst(%arg9 : memref<25x80xi32, #tpu.memory_space<vmem>>)
    %dma_wait3A_491 = arith.constant 24 : i32
    %dma_wait3A_492 = arith.constant 0 : i32
    %dma_wait3A_493 = tpu.memref_slice %arg6[%dma_wait3A_491, %dma_wait3A_492] : memref<25x80xi32, #tpu.memory_space<vmem>> -> memref<1x80xi32, #tpu.memory_space<vmem>>
    %dma_wait3A_494 = tpu.memref_squeeze %dma_wait3A_493 : memref<1x80xi32, #tpu.memory_space<vmem>> -> memref<80xi32, #tpu.memory_space<vmem>>
    %dma_wait3A_495 = arith.constant 0 : i32
    %dma_wait3A_496 = arith.constant 0 : i32
    %dma_wait3A_497 = tpu.memref_slice %arg3[%dma_wait3A_495, %dma_wait3A_496] : memref<10000x128xf32, #tpu.memory_space<hbm>> -> memref<10000x128xf32, #tpu.memory_space<hbm>>
    tpu.wait_indirect_dma semaphore(%arg12 : memref<!tpu.dma_semaphore, #tpu.memory_space<semaphore_mem>>) src(%dma_wait3A_497 : memref<10000x128xf32, #tpu.memory_space<hbm>>) dst(%arg10 : memref<80x128xf32, #tpu.memory_space<vmem>>)
    %dma_wait3A_498 = arith.constant 23 : i32
    %dma_wait3A_499 = arith.constant 0 : i32
    %dma_wait3A_500 = tpu.memref_slice %arg8[%dma_wait3A_498, %dma_wait3A_499] : memref<25x80xi32, #tpu.memory_space<vmem>> -> memref<1x80xi32, #tpu.memory_space<vmem>>
    %dma_wait3A_501 = tpu.memref_squeeze %dma_wait3A_500 : memref<1x80xi32, #tpu.memory_space<vmem>> -> memref<80xi32, #tpu.memory_space<vmem>>
    %dma_wait3A_502 = arith.constant 0 : i32
    %dma_wait3A_503 = arith.constant 0 : i32
    %dma_wait3A_504 = tpu.memref_slice %arg5[%dma_wait3A_502, %dma_wait3A_503] : memref<10240x128xf32, #tpu.memory_space<vmem_shared>> -> memref<10240x128xf32, #tpu.memory_space<vmem_shared>>
    tpu.wait_indirect_dma semaphore(%arg15 : memref<!tpu.dma_semaphore, #tpu.memory_space<semaphore_mem>>) src(%arg11 : memref<80x128xf32, #tpu.memory_space<vmem>>) dst(%dma_wait3A_504 : memref<10240x128xf32, #tpu.memory_space<vmem_shared>>)
    %dma_start3A_505 = arith.constant 0 : i32
    %dma_start3A_506 = arith.constant 0 : i32
    %dma_start3A_507 = tpu.memref_slice %arg7[%dma_start3A_505, %dma_start3A_506] : memref<25x80xi32, #tpu.memory_space<vmem>> -> memref<1x80xi32, #tpu.memory_space<vmem>>
    %dma_start3A_508 = tpu.memref_squeeze %dma_start3A_507 : memref<1x80xi32, #tpu.memory_space<vmem>> -> memref<80xi32, #tpu.memory_space<vmem>>
    %dma_start3A_509 = arith.constant 0 : i32
    %dma_start3A_510 = arith.constant 0 : i32
    %dma_start3A_511 = tpu.memref_slice %arg3[%dma_start3A_509, %dma_start3A_510] : memref<10000x128xf32, #tpu.memory_space<hbm>> -> memref<10000x128xf32, #tpu.memory_space<hbm>>
    tpu.enqueue_indirect_dma source(%dma_start3A_511 : memref<10000x128xf32, #tpu.memory_space<hbm>>) target(%arg11 : memref<80x128xf32, #tpu.memory_space<vmem>>) offsets(%dma_start3A_508 : memref<80xi32, #tpu.memory_space<vmem>>) semaphore(%arg13 : memref<!tpu.dma_semaphore, #tpu.memory_space<semaphore_mem>>)
    %dma_start3A_512 = arith.constant 24 : i32
    %dma_start3A_513 = arith.constant 0 : i32
    %dma_start3A_514 = tpu.memref_slice %arg8[%dma_start3A_512, %dma_start3A_513] : memref<25x80xi32, #tpu.memory_space<vmem>> -> memref<1x80xi32, #tpu.memory_space<vmem>>
    %dma_start3A_515 = tpu.memref_squeeze %dma_start3A_514 : memref<1x80xi32, #tpu.memory_space<vmem>> -> memref<80xi32, #tpu.memory_space<vmem>>
    %dma_start3A_516 = arith.constant 0 : i32
    %dma_start3A_517 = arith.constant 0 : i32
    %dma_start3A_518 = tpu.memref_slice %arg5[%dma_start3A_516, %dma_start3A_517] : memref<10240x128xf32, #tpu.memory_space<vmem_shared>> -> memref<10240x128xf32, #tpu.memory_space<vmem_shared>>
    tpu.enqueue_indirect_dma source(%arg10 : memref<80x128xf32, #tpu.memory_space<vmem>>) target(%dma_start3A_518 : memref<10240x128xf32, #tpu.memory_space<vmem_shared>>) offsets(%dma_start3A_515 : memref<80xi32, #tpu.memory_space<vmem>>) semaphore(%arg14 : memref<!tpu.dma_semaphore, #tpu.memory_space<semaphore_mem>>) {add = true}
    %dma_wait3A_519 = arith.constant 24 : i32
    %dma_wait3A_520 = arith.constant 0 : i32
    %dma_wait3A_521 = tpu.memref_slice %arg8[%dma_wait3A_519, %dma_wait3A_520] : memref<25x80xi32, #tpu.memory_space<vmem>> -> memref<1x80xi32, #tpu.memory_space<vmem>>
    %dma_wait3A_522 = tpu.memref_squeeze %dma_wait3A_521 : memref<1x80xi32, #tpu.memory_space<vmem>> -> memref<80xi32, #tpu.memory_space<vmem>>
    %dma_wait3A_523 = arith.constant 0 : i32
    %dma_wait3A_524 = arith.constant 0 : i32
    %dma_wait3A_525 = tpu.memref_slice %arg5[%dma_wait3A_523, %dma_wait3A_524] : memref<10240x128xf32, #tpu.memory_space<vmem_shared>> -> memref<10240x128xf32, #tpu.memory_space<vmem_shared>>
    tpu.wait_indirect_dma semaphore(%arg14 : memref<!tpu.dma_semaphore, #tpu.memory_space<semaphore_mem>>) src(%arg10 : memref<80x128xf32, #tpu.memory_space<vmem>>) dst(%dma_wait3A_525 : memref<10240x128xf32, #tpu.memory_space<vmem_shared>>)
    %dma_start3A_526 = arith.constant 0 : i32
    %dma_start3A_527 = arith.constant 4 : i32
    %dma_start3A_528 = arith.constant 0 : i32
    %dma_start3A_529 = arith.constant 0 : i32
    %dma_start3A_530 = tpu.memref_slice %arg2[%dma_start3A_526, %add3A, %dma_start3A_527, %dma_start3A_528, %dma_start3A_529] : memref<2x32x5x25x80xi32, #tpu.memory_space<hbm>> -> memref<1x1x1x25x80xi32, #tpu.memory_space<hbm>>
    %dma_start3A_531 = tpu.memref_squeeze %dma_start3A_530 : memref<1x1x1x25x80xi32, #tpu.memory_space<hbm>> -> memref<25x80xi32, #tpu.memory_space<hbm>>
    %dma_start3A_532 = arith.constant 0 : i32
    %dma_start3A_533 = arith.constant 0 : i32
    %dma_start3A_534 = tpu.memref_slice %arg2[%dma_start3A_526, %add3A, %dma_start3A_527, %dma_start3A_532, %dma_start3A_533] : memref<2x32x5x25x80xi32, #tpu.memory_space<hbm>> -> memref<1x1x1x25x80xi32, #tpu.memory_space<hbm>>
    %dma_start3A_535 = tpu.memref_squeeze %dma_start3A_534 : memref<1x1x1x25x80xi32, #tpu.memory_space<hbm>> -> memref<25x80xi32, #tpu.memory_space<hbm>>
    tpu.enqueue_dma source(%dma_start3A_535 : memref<25x80xi32, #tpu.memory_space<hbm>>) target(%arg6 : memref<25x80xi32, #tpu.memory_space<vmem>>) target_semaphore(%arg16 : memref<!tpu.dma_semaphore, #tpu.memory_space<semaphore_mem>>)
    %dma_start3A_536 = arith.constant 1 : i32
    %dma_start3A_537 = arith.constant 4 : i32
    %dma_start3A_538 = arith.constant 0 : i32
    %dma_start3A_539 = arith.constant 0 : i32
    %dma_start3A_540 = tpu.memref_slice %arg2[%dma_start3A_536, %add3A, %dma_start3A_537, %dma_start3A_538, %dma_start3A_539] : memref<2x32x5x25x80xi32, #tpu.memory_space<hbm>> -> memref<1x1x1x25x80xi32, #tpu.memory_space<hbm>>
    %dma_start3A_541 = tpu.memref_squeeze %dma_start3A_540 : memref<1x1x1x25x80xi32, #tpu.memory_space<hbm>> -> memref<25x80xi32, #tpu.memory_space<hbm>>
    %dma_start3A_542 = arith.constant 0 : i32
    %dma_start3A_543 = arith.constant 0 : i32
    %dma_start3A_544 = tpu.memref_slice %arg2[%dma_start3A_536, %add3A, %dma_start3A_537, %dma_start3A_542, %dma_start3A_543] : memref<2x32x5x25x80xi32, #tpu.memory_space<hbm>> -> memref<1x1x1x25x80xi32, #tpu.memory_space<hbm>>
    %dma_start3A_545 = tpu.memref_squeeze %dma_start3A_544 : memref<1x1x1x25x80xi32, #tpu.memory_space<hbm>> -> memref<25x80xi32, #tpu.memory_space<hbm>>
    tpu.enqueue_dma source(%dma_start3A_545 : memref<25x80xi32, #tpu.memory_space<hbm>>) target(%arg8 : memref<25x80xi32, #tpu.memory_space<vmem>>) target_semaphore(%arg16 : memref<!tpu.dma_semaphore, #tpu.memory_space<semaphore_mem>>)
    %dma_wait3A_546 = arith.constant 0 : i32
    %dma_wait3A_547 = arith.constant 0 : i32
    %dma_wait3A_548 = tpu.memref_slice %arg7[%dma_wait3A_546, %dma_wait3A_547] : memref<25x80xi32, #tpu.memory_space<vmem>> -> memref<1x80xi32, #tpu.memory_space<vmem>>
    %dma_wait3A_549 = tpu.memref_squeeze %dma_wait3A_548 : memref<1x80xi32, #tpu.memory_space<vmem>> -> memref<80xi32, #tpu.memory_space<vmem>>
    %dma_wait3A_550 = arith.constant 0 : i32
    %dma_wait3A_551 = arith.constant 0 : i32
    %dma_wait3A_552 = tpu.memref_slice %arg3[%dma_wait3A_550, %dma_wait3A_551] : memref<10000x128xf32, #tpu.memory_space<hbm>> -> memref<10000x128xf32, #tpu.memory_space<hbm>>
    tpu.wait_indirect_dma semaphore(%arg13 : memref<!tpu.dma_semaphore, #tpu.memory_space<semaphore_mem>>) src(%dma_wait3A_552 : memref<10000x128xf32, #tpu.memory_space<hbm>>) dst(%arg11 : memref<80x128xf32, #tpu.memory_space<vmem>>)
    %dma_start3A_553 = arith.constant 1 : i32
    %dma_start3A_554 = arith.constant 0 : i32
    %dma_start3A_555 = tpu.memref_slice %arg7[%dma_start3A_553, %dma_start3A_554] : memref<25x80xi32, #tpu.memory_space<vmem>> -> memref<1x80xi32, #tpu.memory_space<vmem>>
    %dma_start3A_556 = tpu.memref_squeeze %dma_start3A_555 : memref<1x80xi32, #tpu.memory_space<vmem>> -> memref<80xi32, #tpu.memory_space<vmem>>
    %dma_start3A_557 = arith.constant 0 : i32
    %dma_start3A_558 = arith.constant 0 : i32
    %dma_start3A_559 = tpu.memref_slice %arg3[%dma_start3A_557, %dma_start3A_558] : memref<10000x128xf32, #tpu.memory_space<hbm>> -> memref<10000x128xf32, #tpu.memory_space<hbm>>
    tpu.enqueue_indirect_dma source(%dma_start3A_559 : memref<10000x128xf32, #tpu.memory_space<hbm>>) target(%arg10 : memref<80x128xf32, #tpu.memory_space<vmem>>) offsets(%dma_start3A_556 : memref<80xi32, #tpu.memory_space<vmem>>) semaphore(%arg12 : memref<!tpu.dma_semaphore, #tpu.memory_space<semaphore_mem>>)
    %dma_start3A_560 = arith.constant 0 : i32
    %dma_start3A_561 = arith.constant 0 : i32
    %dma_start3A_562 = tpu.memref_slice %arg9[%dma_start3A_560, %dma_start3A_561] : memref<25x80xi32, #tpu.memory_space<vmem>> -> memref<1x80xi32, #tpu.memory_space<vmem>>
    %dma_start3A_563 = tpu.memref_squeeze %dma_start3A_562 : memref<1x80xi32, #tpu.memory_space<vmem>> -> memref<80xi32, #tpu.memory_space<vmem>>
    %dma_start3A_564 = arith.constant 0 : i32
    %dma_start3A_565 = arith.constant 0 : i32
    %dma_start3A_566 = tpu.memref_slice %arg5[%dma_start3A_564, %dma_start3A_565] : memref<10240x128xf32, #tpu.memory_space<vmem_shared>> -> memref<10240x128xf32, #tpu.memory_space<vmem_shared>>
    tpu.enqueue_indirect_dma source(%arg11 : memref<80x128xf32, #tpu.memory_space<vmem>>) target(%dma_start3A_566 : memref<10240x128xf32, #tpu.memory_space<vmem_shared>>) offsets(%dma_start3A_563 : memref<80xi32, #tpu.memory_space<vmem>>) semaphore(%arg15 : memref<!tpu.dma_semaphore, #tpu.memory_space<semaphore_mem>>) {add = true}
    %dma_wait3A_567 = arith.constant 1 : i32
    %dma_wait3A_568 = arith.constant 0 : i32
    %dma_wait3A_569 = tpu.memref_slice %arg7[%dma_wait3A_567, %dma_wait3A_568] : memref<25x80xi32, #tpu.memory_space<vmem>> -> memref<1x80xi32, #tpu.memory_space<vmem>>
    %dma_wait3A_570 = tpu.memref_squeeze %dma_wait3A_569 : memref<1x80xi32, #tpu.memory_space<vmem>> -> memref<80xi32, #tpu.memory_space<vmem>>
    %dma_wait3A_571 = arith.constant 0 : i32
    %dma_wait3A_572 = arith.constant 0 : i32
    %dma_wait3A_573 = tpu.memref_slice %arg3[%dma_wait3A_571, %dma_wait3A_572] : memref<10000x128xf32, #tpu.memory_space<hbm>> -> memref<10000x128xf32, #tpu.memory_space<hbm>>
    tpu.wait_indirect_dma semaphore(%arg12 : memref<!tpu.dma_semaphore, #tpu.memory_space<semaphore_mem>>) src(%dma_wait3A_573 : memref<10000x128xf32, #tpu.memory_space<hbm>>) dst(%arg10 : memref<80x128xf32, #tpu.memory_space<vmem>>)
    %dma_wait3A_574 = arith.constant 0 : i32
    %dma_wait3A_575 = arith.constant 0 : i32
    %dma_wait3A_576 = tpu.memref_slice %arg9[%dma_wait3A_574, %dma_wait3A_575] : memref<25x80xi32, #tpu.memory_space<vmem>> -> memref<1x80xi32, #tpu.memory_space<vmem>>
    %dma_wait3A_577 = tpu.memref_squeeze %dma_wait3A_576 : memref<1x80xi32, #tpu.memory_space<vmem>> -> memref<80xi32, #tpu.memory_space<vmem>>
    %dma_wait3A_578 = arith.constant 0 : i32
    %dma_wait3A_579 = arith.constant 0 : i32
    %dma_wait3A_580 = tpu.memref_slice %arg5[%dma_wait3A_578, %dma_wait3A_579] : memref<10240x128xf32, #tpu.memory_space<vmem_shared>> -> memref<10240x128xf32, #tpu.memory_space<vmem_shared>>
    tpu.wait_indirect_dma semaphore(%arg15 : memref<!tpu.dma_semaphore, #tpu.memory_space<semaphore_mem>>) src(%arg11 : memref<80x128xf32, #tpu.memory_space<vmem>>) dst(%dma_wait3A_580 : memref<10240x128xf32, #tpu.memory_space<vmem_shared>>)
    %dma_start3A_581 = arith.constant 2 : i32
    %dma_start3A_582 = arith.constant 0 : i32
    %dma_start3A_583 = tpu.memref_slice %arg7[%dma_start3A_581, %dma_start3A_582] : memref<25x80xi32, #tpu.memory_space<vmem>> -> memref<1x80xi32, #tpu.memory_space<vmem>>
    %dma_start3A_584 = tpu.memref_squeeze %dma_start3A_583 : memref<1x80xi32, #tpu.memory_space<vmem>> -> memref<80xi32, #tpu.memory_space<vmem>>
    %dma_start3A_585 = arith.constant 0 : i32
    %dma_start3A_586 = arith.constant 0 : i32
    %dma_start3A_587 = tpu.memref_slice %arg3[%dma_start3A_585, %dma_start3A_586] : memref<10000x128xf32, #tpu.memory_space<hbm>> -> memref<10000x128xf32, #tpu.memory_space<hbm>>
    tpu.enqueue_indirect_dma source(%dma_start3A_587 : memref<10000x128xf32, #tpu.memory_space<hbm>>) target(%arg11 : memref<80x128xf32, #tpu.memory_space<vmem>>) offsets(%dma_start3A_584 : memref<80xi32, #tpu.memory_space<vmem>>) semaphore(%arg13 : memref<!tpu.dma_semaphore, #tpu.memory_space<semaphore_mem>>)
    %dma_start3A_588 = arith.constant 1 : i32
    %dma_start3A_589 = arith.constant 0 : i32
    %dma_start3A_590 = tpu.memref_slice %arg9[%dma_start3A_588, %dma_start3A_589] : memref<25x80xi32, #tpu.memory_space<vmem>> -> memref<1x80xi32, #tpu.memory_space<vmem>>
    %dma_start3A_591 = tpu.memref_squeeze %dma_start3A_590 : memref<1x80xi32, #tpu.memory_space<vmem>> -> memref<80xi32, #tpu.memory_space<vmem>>
    %dma_start3A_592 = arith.constant 0 : i32
    %dma_start3A_593 = arith.constant 0 : i32
    %dma_start3A_594 = tpu.memref_slice %arg5[%dma_start3A_592, %dma_start3A_593] : memref<10240x128xf32, #tpu.memory_space<vmem_shared>> -> memref<10240x128xf32, #tpu.memory_space<vmem_shared>>
    tpu.enqueue_indirect_dma source(%arg10 : memref<80x128xf32, #tpu.memory_space<vmem>>) target(%dma_start3A_594 : memref<10240x128xf32, #tpu.memory_space<vmem_shared>>) offsets(%dma_start3A_591 : memref<80xi32, #tpu.memory_space<vmem>>) semaphore(%arg14 : memref<!tpu.dma_semaphore, #tpu.memory_space<semaphore_mem>>) {add = true}
    %scan3A_595 = arith.constant 0 : i32
    %scan3A_596 = arith.constant 1 : i32
    %scan3A_597 = arith.constant 11 : i32
    %scan3A_598 = arith.addi %scan3A_596, %scan3A_597 : i32
    %scan3A_599 = arith.constant 1 : i32
    scf.for %scan3A_740 = %scan3A_596 to %scan3A_598 step %scan3A_599  : i32 {
      %mul3A_741 = arith.constant 2 : i32
      %mul3A_742 = arith.muli %mul3A_741, %scan3A_740 : i32
      %add3A_743 = arith.constant 1 : i32
      %add3A_744 = arith.addi %mul3A_742, %add3A_743 : i32
      %sub3A = arith.constant 1 : i32
      %sub3A_745 = arith.subi %mul3A_742, %sub3A : i32
      %dma_wait3A_746 = arith.constant 0 : i32
      %dma_wait3A_747 = tpu.memref_slice %arg7[%mul3A_742, %dma_wait3A_746] : memref<25x80xi32, #tpu.memory_space<vmem>> -> memref<1x80xi32, #tpu.memory_space<vmem>>
      %dma_wait3A_748 = tpu.memref_squeeze %dma_wait3A_747 : memref<1x80xi32, #tpu.memory_space<vmem>> -> memref<80xi32, #tpu.memory_space<vmem>>
      %dma_wait3A_749 = arith.constant 0 : i32
      %dma_wait3A_750 = arith.constant 0 : i32
      %dma_wait3A_751 = tpu.memref_slice %arg3[%dma_wait3A_749, %dma_wait3A_750] : memref<10000x128xf32, #tpu.memory_space<hbm>> -> memref<10000x128xf32, #tpu.memory_space<hbm>>
      tpu.wait_indirect_dma semaphore(%arg13 : memref<!tpu.dma_semaphore, #tpu.memory_space<semaphore_mem>>) src(%dma_wait3A_751 : memref<10000x128xf32, #tpu.memory_space<hbm>>) dst(%arg11 : memref<80x128xf32, #tpu.memory_space<vmem>>)
      %dma_wait3A_752 = arith.constant 0 : i32
      %dma_wait3A_753 = tpu.memref_slice %arg9[%sub3A_745, %dma_wait3A_752] : memref<25x80xi32, #tpu.memory_space<vmem>> -> memref<1x80xi32, #tpu.memory_space<vmem>>
      %dma_wait3A_754 = tpu.memref_squeeze %dma_wait3A_753 : memref<1x80xi32, #tpu.memory_space<vmem>> -> memref<80xi32, #tpu.memory_space<vmem>>
      %dma_wait3A_755 = arith.constant 0 : i32
      %dma_wait3A_756 = arith.constant 0 : i32
      %dma_wait3A_757 = tpu.memref_slice %arg5[%dma_wait3A_755, %dma_wait3A_756] : memref<10240x128xf32, #tpu.memory_space<vmem_shared>> -> memref<10240x128xf32, #tpu.memory_space<vmem_shared>>
      tpu.wait_indirect_dma semaphore(%arg14 : memref<!tpu.dma_semaphore, #tpu.memory_space<semaphore_mem>>) src(%arg10 : memref<80x128xf32, #tpu.memory_space<vmem>>) dst(%dma_wait3A_757 : memref<10240x128xf32, #tpu.memory_space<vmem_shared>>)
      %dma_start3A_758 = arith.constant 0 : i32
      %dma_start3A_759 = tpu.memref_slice %arg7[%add3A_744, %dma_start3A_758] : memref<25x80xi32, #tpu.memory_space<vmem>> -> memref<1x80xi32, #tpu.memory_space<vmem>>
      %dma_start3A_760 = tpu.memref_squeeze %dma_start3A_759 : memref<1x80xi32, #tpu.memory_space<vmem>> -> memref<80xi32, #tpu.memory_space<vmem>>
      %dma_start3A_761 = arith.constant 0 : i32
      %dma_start3A_762 = arith.constant 0 : i32
      %dma_start3A_763 = tpu.memref_slice %arg3[%dma_start3A_761, %dma_start3A_762] : memref<10000x128xf32, #tpu.memory_space<hbm>> -> memref<10000x128xf32, #tpu.memory_space<hbm>>
      tpu.enqueue_indirect_dma source(%dma_start3A_763 : memref<10000x128xf32, #tpu.memory_space<hbm>>) target(%arg10 : memref<80x128xf32, #tpu.memory_space<vmem>>) offsets(%dma_start3A_760 : memref<80xi32, #tpu.memory_space<vmem>>) semaphore(%arg12 : memref<!tpu.dma_semaphore, #tpu.memory_space<semaphore_mem>>)
      %dma_start3A_764 = arith.constant 0 : i32
      %dma_start3A_765 = tpu.memref_slice %arg9[%mul3A_742, %dma_start3A_764] : memref<25x80xi32, #tpu.memory_space<vmem>> -> memref<1x80xi32, #tpu.memory_space<vmem>>
      %dma_start3A_766 = tpu.memref_squeeze %dma_start3A_765 : memref<1x80xi32, #tpu.memory_space<vmem>> -> memref<80xi32, #tpu.memory_space<vmem>>
      %dma_start3A_767 = arith.constant 0 : i32
      %dma_start3A_768 = arith.constant 0 : i32
      %dma_start3A_769 = tpu.memref_slice %arg5[%dma_start3A_767, %dma_start3A_768] : memref<10240x128xf32, #tpu.memory_space<vmem_shared>> -> memref<10240x128xf32, #tpu.memory_space<vmem_shared>>
      tpu.enqueue_indirect_dma source(%arg11 : memref<80x128xf32, #tpu.memory_space<vmem>>) target(%dma_start3A_769 : memref<10240x128xf32, #tpu.memory_space<vmem_shared>>) offsets(%dma_start3A_766 : memref<80xi32, #tpu.memory_space<vmem>>) semaphore(%arg15 : memref<!tpu.dma_semaphore, #tpu.memory_space<semaphore_mem>>) {add = true}
      %add3A_770 = arith.constant 1 : i32
      %add3A_771 = arith.addi %mul3A_742, %add3A_770 : i32
      %add3A_772 = arith.constant 2 : i32
      %add3A_773 = arith.addi %mul3A_742, %add3A_772 : i32
      %dma_wait3A_774 = arith.constant 0 : i32
      %dma_wait3A_775 = tpu.memref_slice %arg7[%add3A_771, %dma_wait3A_774] : memref<25x80xi32, #tpu.memory_space<vmem>> -> memref<1x80xi32, #tpu.memory_space<vmem>>
      %dma_wait3A_776 = tpu.memref_squeeze %dma_wait3A_775 : memref<1x80xi32, #tpu.memory_space<vmem>> -> memref<80xi32, #tpu.memory_space<vmem>>
      %dma_wait3A_777 = arith.constant 0 : i32
      %dma_wait3A_778 = arith.constant 0 : i32
      %dma_wait3A_779 = tpu.memref_slice %arg3[%dma_wait3A_777, %dma_wait3A_778] : memref<10000x128xf32, #tpu.memory_space<hbm>> -> memref<10000x128xf32, #tpu.memory_space<hbm>>
      tpu.wait_indirect_dma semaphore(%arg12 : memref<!tpu.dma_semaphore, #tpu.memory_space<semaphore_mem>>) src(%dma_wait3A_779 : memref<10000x128xf32, #tpu.memory_space<hbm>>) dst(%arg10 : memref<80x128xf32, #tpu.memory_space<vmem>>)
      %dma_wait3A_780 = arith.constant 0 : i32
      %dma_wait3A_781 = tpu.memref_slice %arg9[%mul3A_742, %dma_wait3A_780] : memref<25x80xi32, #tpu.memory_space<vmem>> -> memref<1x80xi32, #tpu.memory_space<vmem>>
      %dma_wait3A_782 = tpu.memref_squeeze %dma_wait3A_781 : memref<1x80xi32, #tpu.memory_space<vmem>> -> memref<80xi32, #tpu.memory_space<vmem>>
      %dma_wait3A_783 = arith.constant 0 : i32
      %dma_wait3A_784 = arith.constant 0 : i32
      %dma_wait3A_785 = tpu.memref_slice %arg5[%dma_wait3A_783, %dma_wait3A_784] : memref<10240x128xf32, #tpu.memory_space<vmem_shared>> -> memref<10240x128xf32, #tpu.memory_space<vmem_shared>>
      tpu.wait_indirect_dma semaphore(%arg15 : memref<!tpu.dma_semaphore, #tpu.memory_space<semaphore_mem>>) src(%arg11 : memref<80x128xf32, #tpu.memory_space<vmem>>) dst(%dma_wait3A_785 : memref<10240x128xf32, #tpu.memory_space<vmem_shared>>)
      %dma_start3A_786 = arith.constant 0 : i32
      %dma_start3A_787 = tpu.memref_slice %arg7[%add3A_773, %dma_start3A_786] : memref<25x80xi32, #tpu.memory_space<vmem>> -> memref<1x80xi32, #tpu.memory_space<vmem>>
      %dma_start3A_788 = tpu.memref_squeeze %dma_start3A_787 : memref<1x80xi32, #tpu.memory_space<vmem>> -> memref<80xi32, #tpu.memory_space<vmem>>
      %dma_start3A_789 = arith.constant 0 : i32
      %dma_start3A_790 = arith.constant 0 : i32
      %dma_start3A_791 = tpu.memref_slice %arg3[%dma_start3A_789, %dma_start3A_790] : memref<10000x128xf32, #tpu.memory_space<hbm>> -> memref<10000x128xf32, #tpu.memory_space<hbm>>
      tpu.enqueue_indirect_dma source(%dma_start3A_791 : memref<10000x128xf32, #tpu.memory_space<hbm>>) target(%arg11 : memref<80x128xf32, #tpu.memory_space<vmem>>) offsets(%dma_start3A_788 : memref<80xi32, #tpu.memory_space<vmem>>) semaphore(%arg13 : memref<!tpu.dma_semaphore, #tpu.memory_space<semaphore_mem>>)
      %dma_start3A_792 = arith.constant 0 : i32
      %dma_start3A_793 = tpu.memref_slice %arg9[%add3A_771, %dma_start3A_792] : memref<25x80xi32, #tpu.memory_space<vmem>> -> memref<1x80xi32, #tpu.memory_space<vmem>>
      %dma_start3A_794 = tpu.memref_squeeze %dma_start3A_793 : memref<1x80xi32, #tpu.memory_space<vmem>> -> memref<80xi32, #tpu.memory_space<vmem>>
      %dma_start3A_795 = arith.constant 0 : i32
      %dma_start3A_796 = arith.constant 0 : i32
      %dma_start3A_797 = tpu.memref_slice %arg5[%dma_start3A_795, %dma_start3A_796] : memref<10240x128xf32, #tpu.memory_space<vmem_shared>> -> memref<10240x128xf32, #tpu.memory_space<vmem_shared>>
      tpu.enqueue_indirect_dma source(%arg10 : memref<80x128xf32, #tpu.memory_space<vmem>>) target(%dma_start3A_797 : memref<10240x128xf32, #tpu.memory_space<vmem_shared>>) offsets(%dma_start3A_794 : memref<80xi32, #tpu.memory_space<vmem>>) semaphore(%arg14 : memref<!tpu.dma_semaphore, #tpu.memory_space<semaphore_mem>>) {add = true}
    }
    %scan3A_600 = arith.constant 11 : i32
    %dma_wait3A_601 = arith.constant 0 : i32
    %dma_wait3A_602 = arith.constant 4 : i32
    %dma_wait3A_603 = arith.constant 0 : i32
    %dma_wait3A_604 = arith.constant 0 : i32
    %dma_wait3A_605 = tpu.memref_slice %arg2[%dma_wait3A_601, %add3A, %dma_wait3A_602, %dma_wait3A_603, %dma_wait3A_604] : memref<2x32x5x25x80xi32, #tpu.memory_space<hbm>> -> memref<1x1x1x25x80xi32, #tpu.memory_space<hbm>>
    %dma_wait3A_606 = tpu.memref_squeeze %dma_wait3A_605 : memref<1x1x1x25x80xi32, #tpu.memory_space<hbm>> -> memref<25x80xi32, #tpu.memory_space<hbm>>
    %dma_wait3A_607 = arith.constant 0 : i32
    %dma_wait3A_608 = arith.constant 0 : i32
    %dma_wait3A_609 = tpu.memref_slice %arg2[%dma_wait3A_601, %add3A, %dma_wait3A_602, %dma_wait3A_607, %dma_wait3A_608] : memref<2x32x5x25x80xi32, #tpu.memory_space<hbm>> -> memref<1x1x1x25x80xi32, #tpu.memory_space<hbm>>
    %dma_wait3A_610 = tpu.memref_squeeze %dma_wait3A_609 : memref<1x1x1x25x80xi32, #tpu.memory_space<hbm>> -> memref<25x80xi32, #tpu.memory_space<hbm>>
    tpu.wait_dma2 semaphore(%arg16 : memref<!tpu.dma_semaphore, #tpu.memory_space<semaphore_mem>>) src(%dma_wait3A_610 : memref<25x80xi32, #tpu.memory_space<hbm>>) dst(%arg6 : memref<25x80xi32, #tpu.memory_space<vmem>>)
    %dma_wait3A_611 = arith.constant 1 : i32
    %dma_wait3A_612 = arith.constant 4 : i32
    %dma_wait3A_613 = arith.constant 0 : i32
    %dma_wait3A_614 = arith.constant 0 : i32
    %dma_wait3A_615 = tpu.memref_slice %arg2[%dma_wait3A_611, %add3A, %dma_wait3A_612, %dma_wait3A_613, %dma_wait3A_614] : memref<2x32x5x25x80xi32, #tpu.memory_space<hbm>> -> memref<1x1x1x25x80xi32, #tpu.memory_space<hbm>>
    %dma_wait3A_616 = tpu.memref_squeeze %dma_wait3A_615 : memref<1x1x1x25x80xi32, #tpu.memory_space<hbm>> -> memref<25x80xi32, #tpu.memory_space<hbm>>
    %dma_wait3A_617 = arith.constant 0 : i32
    %dma_wait3A_618 = arith.constant 0 : i32
    %dma_wait3A_619 = tpu.memref_slice %arg2[%dma_wait3A_611, %add3A, %dma_wait3A_612, %dma_wait3A_617, %dma_wait3A_618] : memref<2x32x5x25x80xi32, #tpu.memory_space<hbm>> -> memref<1x1x1x25x80xi32, #tpu.memory_space<hbm>>
    %dma_wait3A_620 = tpu.memref_squeeze %dma_wait3A_619 : memref<1x1x1x25x80xi32, #tpu.memory_space<hbm>> -> memref<25x80xi32, #tpu.memory_space<hbm>>
    tpu.wait_dma2 semaphore(%arg16 : memref<!tpu.dma_semaphore, #tpu.memory_space<semaphore_mem>>) src(%dma_wait3A_620 : memref<25x80xi32, #tpu.memory_space<hbm>>) dst(%arg8 : memref<25x80xi32, #tpu.memory_space<vmem>>)
    %dma_wait3A_621 = arith.constant 24 : i32
    %dma_wait3A_622 = arith.constant 0 : i32
    %dma_wait3A_623 = tpu.memref_slice %arg7[%dma_wait3A_621, %dma_wait3A_622] : memref<25x80xi32, #tpu.memory_space<vmem>> -> memref<1x80xi32, #tpu.memory_space<vmem>>
    %dma_wait3A_624 = tpu.memref_squeeze %dma_wait3A_623 : memref<1x80xi32, #tpu.memory_space<vmem>> -> memref<80xi32, #tpu.memory_space<vmem>>
    %dma_wait3A_625 = arith.constant 0 : i32
    %dma_wait3A_626 = arith.constant 0 : i32
    %dma_wait3A_627 = tpu.memref_slice %arg3[%dma_wait3A_625, %dma_wait3A_626] : memref<10000x128xf32, #tpu.memory_space<hbm>> -> memref<10000x128xf32, #tpu.memory_space<hbm>>
    tpu.wait_indirect_dma semaphore(%arg13 : memref<!tpu.dma_semaphore, #tpu.memory_space<semaphore_mem>>) src(%dma_wait3A_627 : memref<10000x128xf32, #tpu.memory_space<hbm>>) dst(%arg11 : memref<80x128xf32, #tpu.memory_space<vmem>>)
    %dma_wait3A_628 = arith.constant 23 : i32
    %dma_wait3A_629 = arith.constant 0 : i32
    %dma_wait3A_630 = tpu.memref_slice %arg9[%dma_wait3A_628, %dma_wait3A_629] : memref<25x80xi32, #tpu.memory_space<vmem>> -> memref<1x80xi32, #tpu.memory_space<vmem>>
    %dma_wait3A_631 = tpu.memref_squeeze %dma_wait3A_630 : memref<1x80xi32, #tpu.memory_space<vmem>> -> memref<80xi32, #tpu.memory_space<vmem>>
    %dma_wait3A_632 = arith.constant 0 : i32
    %dma_wait3A_633 = arith.constant 0 : i32
    %dma_wait3A_634 = tpu.memref_slice %arg5[%dma_wait3A_632, %dma_wait3A_633] : memref<10240x128xf32, #tpu.memory_space<vmem_shared>> -> memref<10240x128xf32, #tpu.memory_space<vmem_shared>>
    tpu.wait_indirect_dma semaphore(%arg14 : memref<!tpu.dma_semaphore, #tpu.memory_space<semaphore_mem>>) src(%arg10 : memref<80x128xf32, #tpu.memory_space<vmem>>) dst(%dma_wait3A_634 : memref<10240x128xf32, #tpu.memory_space<vmem_shared>>)
    %dma_start3A_635 = arith.constant 0 : i32
    %dma_start3A_636 = arith.constant 0 : i32
    %dma_start3A_637 = tpu.memref_slice %arg6[%dma_start3A_635, %dma_start3A_636] : memref<25x80xi32, #tpu.memory_space<vmem>> -> memref<1x80xi32, #tpu.memory_space<vmem>>
    %dma_start3A_638 = tpu.memref_squeeze %dma_start3A_637 : memref<1x80xi32, #tpu.memory_space<vmem>> -> memref<80xi32, #tpu.memory_space<vmem>>
    %dma_start3A_639 = arith.constant 0 : i32
    %dma_start3A_640 = arith.constant 0 : i32
    %dma_start3A_641 = tpu.memref_slice %arg3[%dma_start3A_639, %dma_start3A_640] : memref<10000x128xf32, #tpu.memory_space<hbm>> -> memref<10000x128xf32, #tpu.memory_space<hbm>>
    tpu.enqueue_indirect_dma source(%dma_start3A_641 : memref<10000x128xf32, #tpu.memory_space<hbm>>) target(%arg10 : memref<80x128xf32, #tpu.memory_space<vmem>>) offsets(%dma_start3A_638 : memref<80xi32, #tpu.memory_space<vmem>>) semaphore(%arg12 : memref<!tpu.dma_semaphore, #tpu.memory_space<semaphore_mem>>)
    %dma_start3A_642 = arith.constant 24 : i32
    %dma_start3A_643 = arith.constant 0 : i32
    %dma_start3A_644 = tpu.memref_slice %arg9[%dma_start3A_642, %dma_start3A_643] : memref<25x80xi32, #tpu.memory_space<vmem>> -> memref<1x80xi32, #tpu.memory_space<vmem>>
    %dma_start3A_645 = tpu.memref_squeeze %dma_start3A_644 : memref<1x80xi32, #tpu.memory_space<vmem>> -> memref<80xi32, #tpu.memory_space<vmem>>
    %dma_start3A_646 = arith.constant 0 : i32
    %dma_start3A_647 = arith.constant 0 : i32
    %dma_start3A_648 = tpu.memref_slice %arg5[%dma_start3A_646, %dma_start3A_647] : memref<10240x128xf32, #tpu.memory_space<vmem_shared>> -> memref<10240x128xf32, #tpu.memory_space<vmem_shared>>
    tpu.enqueue_indirect_dma source(%arg11 : memref<80x128xf32, #tpu.memory_space<vmem>>) target(%dma_start3A_648 : memref<10240x128xf32, #tpu.memory_space<vmem_shared>>) offsets(%dma_start3A_645 : memref<80xi32, #tpu.memory_space<vmem>>) semaphore(%arg15 : memref<!tpu.dma_semaphore, #tpu.memory_space<semaphore_mem>>) {add = true}
    %dma_wait3A_649 = arith.constant 24 : i32
    %dma_wait3A_650 = arith.constant 0 : i32
    %dma_wait3A_651 = tpu.memref_slice %arg9[%dma_wait3A_649, %dma_wait3A_650] : memref<25x80xi32, #tpu.memory_space<vmem>> -> memref<1x80xi32, #tpu.memory_space<vmem>>
    %dma_wait3A_652 = tpu.memref_squeeze %dma_wait3A_651 : memref<1x80xi32, #tpu.memory_space<vmem>> -> memref<80xi32, #tpu.memory_space<vmem>>
    %dma_wait3A_653 = arith.constant 0 : i32
    %dma_wait3A_654 = arith.constant 0 : i32
    %dma_wait3A_655 = tpu.memref_slice %arg5[%dma_wait3A_653, %dma_wait3A_654] : memref<10240x128xf32, #tpu.memory_space<vmem_shared>> -> memref<10240x128xf32, #tpu.memory_space<vmem_shared>>
    tpu.wait_indirect_dma semaphore(%arg15 : memref<!tpu.dma_semaphore, #tpu.memory_space<semaphore_mem>>) src(%arg11 : memref<80x128xf32, #tpu.memory_space<vmem>>) dst(%dma_wait3A_655 : memref<10240x128xf32, #tpu.memory_space<vmem_shared>>)
    %dma_wait3A_656 = arith.constant 0 : i32
    %dma_wait3A_657 = arith.constant 0 : i32
    %dma_wait3A_658 = tpu.memref_slice %arg6[%dma_wait3A_656, %dma_wait3A_657] : memref<25x80xi32, #tpu.memory_space<vmem>> -> memref<1x80xi32, #tpu.memory_space<vmem>>
    %dma_wait3A_659 = tpu.memref_squeeze %dma_wait3A_658 : memref<1x80xi32, #tpu.memory_space<vmem>> -> memref<80xi32, #tpu.memory_space<vmem>>
    %dma_wait3A_660 = arith.constant 0 : i32
    %dma_wait3A_661 = arith.constant 0 : i32
    %dma_wait3A_662 = tpu.memref_slice %arg3[%dma_wait3A_660, %dma_wait3A_661] : memref<10000x128xf32, #tpu.memory_space<hbm>> -> memref<10000x128xf32, #tpu.memory_space<hbm>>
    tpu.wait_indirect_dma semaphore(%arg12 : memref<!tpu.dma_semaphore, #tpu.memory_space<semaphore_mem>>) src(%dma_wait3A_662 : memref<10000x128xf32, #tpu.memory_space<hbm>>) dst(%arg10 : memref<80x128xf32, #tpu.memory_space<vmem>>)
    %dma_start3A_663 = arith.constant 1 : i32
    %dma_start3A_664 = arith.constant 0 : i32
    %dma_start3A_665 = tpu.memref_slice %arg6[%dma_start3A_663, %dma_start3A_664] : memref<25x80xi32, #tpu.memory_space<vmem>> -> memref<1x80xi32, #tpu.memory_space<vmem>>
    %dma_start3A_666 = tpu.memref_squeeze %dma_start3A_665 : memref<1x80xi32, #tpu.memory_space<vmem>> -> memref<80xi32, #tpu.memory_space<vmem>>
    %dma_start3A_667 = arith.constant 0 : i32
    %dma_start3A_668 = arith.constant 0 : i32
    %dma_start3A_669 = tpu.memref_slice %arg3[%dma_start3A_667, %dma_start3A_668] : memref<10000x128xf32, #tpu.memory_space<hbm>> -> memref<10000x128xf32, #tpu.memory_space<hbm>>
    tpu.enqueue_indirect_dma source(%dma_start3A_669 : memref<10000x128xf32, #tpu.memory_space<hbm>>) target(%arg11 : memref<80x128xf32, #tpu.memory_space<vmem>>) offsets(%dma_start3A_666 : memref<80xi32, #tpu.memory_space<vmem>>) semaphore(%arg13 : memref<!tpu.dma_semaphore, #tpu.memory_space<semaphore_mem>>)
    %dma_start3A_670 = arith.constant 0 : i32
    %dma_start3A_671 = arith.constant 0 : i32
    %dma_start3A_672 = tpu.memref_slice %arg8[%dma_start3A_670, %dma_start3A_671] : memref<25x80xi32, #tpu.memory_space<vmem>> -> memref<1x80xi32, #tpu.memory_space<vmem>>
    %dma_start3A_673 = tpu.memref_squeeze %dma_start3A_672 : memref<1x80xi32, #tpu.memory_space<vmem>> -> memref<80xi32, #tpu.memory_space<vmem>>
    %dma_start3A_674 = arith.constant 0 : i32
    %dma_start3A_675 = arith.constant 0 : i32
    %dma_start3A_676 = tpu.memref_slice %arg5[%dma_start3A_674, %dma_start3A_675] : memref<10240x128xf32, #tpu.memory_space<vmem_shared>> -> memref<10240x128xf32, #tpu.memory_space<vmem_shared>>
    tpu.enqueue_indirect_dma source(%arg10 : memref<80x128xf32, #tpu.memory_space<vmem>>) target(%dma_start3A_676 : memref<10240x128xf32, #tpu.memory_space<vmem_shared>>) offsets(%dma_start3A_673 : memref<80xi32, #tpu.memory_space<vmem>>) semaphore(%arg14 : memref<!tpu.dma_semaphore, #tpu.memory_space<semaphore_mem>>) {add = true}
    %dma_wait3A_677 = arith.constant 1 : i32
    %dma_wait3A_678 = arith.constant 0 : i32
    %dma_wait3A_679 = tpu.memref_slice %arg6[%dma_wait3A_677, %dma_wait3A_678] : memref<25x80xi32, #tpu.memory_space<vmem>> -> memref<1x80xi32, #tpu.memory_space<vmem>>
    %dma_wait3A_680 = tpu.memref_squeeze %dma_wait3A_679 : memref<1x80xi32, #tpu.memory_space<vmem>> -> memref<80xi32, #tpu.memory_space<vmem>>
    %dma_wait3A_681 = arith.constant 0 : i32
    %dma_wait3A_682 = arith.constant 0 : i32
    %dma_wait3A_683 = tpu.memref_slice %arg3[%dma_wait3A_681, %dma_wait3A_682] : memref<10000x128xf32, #tpu.memory_space<hbm>> -> memref<10000x128xf32, #tpu.memory_space<hbm>>
    tpu.wait_indirect_dma semaphore(%arg13 : memref<!tpu.dma_semaphore, #tpu.memory_space<semaphore_mem>>) src(%dma_wait3A_683 : memref<10000x128xf32, #tpu.memory_space<hbm>>) dst(%arg11 : memref<80x128xf32, #tpu.memory_space<vmem>>)
    %dma_wait3A_684 = arith.constant 0 : i32
    %dma_wait3A_685 = arith.constant 0 : i32
    %dma_wait3A_686 = tpu.memref_slice %arg8[%dma_wait3A_684, %dma_wait3A_685] : memref<25x80xi32, #tpu.memory_space<vmem>> -> memref<1x80xi32, #tpu.memory_space<vmem>>
    %dma_wait3A_687 = tpu.memref_squeeze %dma_wait3A_686 : memref<1x80xi32, #tpu.memory_space<vmem>> -> memref<80xi32, #tpu.memory_space<vmem>>
    %dma_wait3A_688 = arith.constant 0 : i32
    %dma_wait3A_689 = arith.constant 0 : i32
    %dma_wait3A_690 = tpu.memref_slice %arg5[%dma_wait3A_688, %dma_wait3A_689] : memref<10240x128xf32, #tpu.memory_space<vmem_shared>> -> memref<10240x128xf32, #tpu.memory_space<vmem_shared>>
    tpu.wait_indirect_dma semaphore(%arg14 : memref<!tpu.dma_semaphore, #tpu.memory_space<semaphore_mem>>) src(%arg10 : memref<80x128xf32, #tpu.memory_space<vmem>>) dst(%dma_wait3A_690 : memref<10240x128xf32, #tpu.memory_space<vmem_shared>>)
    %dma_start3A_691 = arith.constant 2 : i32
    %dma_start3A_692 = arith.constant 0 : i32
    %dma_start3A_693 = tpu.memref_slice %arg6[%dma_start3A_691, %dma_start3A_692] : memref<25x80xi32, #tpu.memory_space<vmem>> -> memref<1x80xi32, #tpu.memory_space<vmem>>
    %dma_start3A_694 = tpu.memref_squeeze %dma_start3A_693 : memref<1x80xi32, #tpu.memory_space<vmem>> -> memref<80xi32, #tpu.memory_space<vmem>>
    %dma_start3A_695 = arith.constant 0 : i32
    %dma_start3A_696 = arith.constant 0 : i32
    %dma_start3A_697 = tpu.memref_slice %arg3[%dma_start3A_695, %dma_start3A_696] : memref<10000x128xf32, #tpu.memory_space<hbm>> -> memref<10000x128xf32, #tpu.memory_space<hbm>>
    tpu.enqueue_indirect_dma source(%dma_start3A_697 : memref<10000x128xf32, #tpu.memory_space<hbm>>) target(%arg10 : memref<80x128xf32, #tpu.memory_space<vmem>>) offsets(%dma_start3A_694 : memref<80xi32, #tpu.memory_space<vmem>>) semaphore(%arg12 : memref<!tpu.dma_semaphore, #tpu.memory_space<semaphore_mem>>)
    %dma_start3A_698 = arith.constant 1 : i32
    %dma_start3A_699 = arith.constant 0 : i32
    %dma_start3A_700 = tpu.memref_slice %arg8[%dma_start3A_698, %dma_start3A_699] : memref<25x80xi32, #tpu.memory_space<vmem>> -> memref<1x80xi32, #tpu.memory_space<vmem>>
    %dma_start3A_701 = tpu.memref_squeeze %dma_start3A_700 : memref<1x80xi32, #tpu.memory_space<vmem>> -> memref<80xi32, #tpu.memory_space<vmem>>
    %dma_start3A_702 = arith.constant 0 : i32
    %dma_start3A_703 = arith.constant 0 : i32
    %dma_start3A_704 = tpu.memref_slice %arg5[%dma_start3A_702, %dma_start3A_703] : memref<10240x128xf32, #tpu.memory_space<vmem_shared>> -> memref<10240x128xf32, #tpu.memory_space<vmem_shared>>
    tpu.enqueue_indirect_dma source(%arg11 : memref<80x128xf32, #tpu.memory_space<vmem>>) target(%dma_start3A_704 : memref<10240x128xf32, #tpu.memory_space<vmem_shared>>) offsets(%dma_start3A_701 : memref<80xi32, #tpu.memory_space<vmem>>) semaphore(%arg15 : memref<!tpu.dma_semaphore, #tpu.memory_space<semaphore_mem>>) {add = true}
    %scan3A_705 = arith.constant 0 : i32
    %scan3A_706 = arith.constant 1 : i32
    %scan3A_707 = arith.constant 11 : i32
    %scan3A_708 = arith.addi %scan3A_706, %scan3A_707 : i32
    %scan3A_709 = arith.constant 1 : i32
    scf.for %scan3A_740 = %scan3A_706 to %scan3A_708 step %scan3A_709  : i32 {
      %mul3A_741 = arith.constant 2 : i32
      %mul3A_742 = arith.muli %mul3A_741, %scan3A_740 : i32
      %add3A_743 = arith.constant 1 : i32
      %add3A_744 = arith.addi %mul3A_742, %add3A_743 : i32
      %sub3A = arith.constant 1 : i32
      %sub3A_745 = arith.subi %mul3A_742, %sub3A : i32
      %dma_wait3A_746 = arith.constant 0 : i32
      %dma_wait3A_747 = tpu.memref_slice %arg6[%mul3A_742, %dma_wait3A_746] : memref<25x80xi32, #tpu.memory_space<vmem>> -> memref<1x80xi32, #tpu.memory_space<vmem>>
      %dma_wait3A_748 = tpu.memref_squeeze %dma_wait3A_747 : memref<1x80xi32, #tpu.memory_space<vmem>> -> memref<80xi32, #tpu.memory_space<vmem>>
      %dma_wait3A_749 = arith.constant 0 : i32
      %dma_wait3A_750 = arith.constant 0 : i32
      %dma_wait3A_751 = tpu.memref_slice %arg3[%dma_wait3A_749, %dma_wait3A_750] : memref<10000x128xf32, #tpu.memory_space<hbm>> -> memref<10000x128xf32, #tpu.memory_space<hbm>>
      tpu.wait_indirect_dma semaphore(%arg12 : memref<!tpu.dma_semaphore, #tpu.memory_space<semaphore_mem>>) src(%dma_wait3A_751 : memref<10000x128xf32, #tpu.memory_space<hbm>>) dst(%arg10 : memref<80x128xf32, #tpu.memory_space<vmem>>)
      %dma_wait3A_752 = arith.constant 0 : i32
      %dma_wait3A_753 = tpu.memref_slice %arg8[%sub3A_745, %dma_wait3A_752] : memref<25x80xi32, #tpu.memory_space<vmem>> -> memref<1x80xi32, #tpu.memory_space<vmem>>
      %dma_wait3A_754 = tpu.memref_squeeze %dma_wait3A_753 : memref<1x80xi32, #tpu.memory_space<vmem>> -> memref<80xi32, #tpu.memory_space<vmem>>
      %dma_wait3A_755 = arith.constant 0 : i32
      %dma_wait3A_756 = arith.constant 0 : i32
      %dma_wait3A_757 = tpu.memref_slice %arg5[%dma_wait3A_755, %dma_wait3A_756] : memref<10240x128xf32, #tpu.memory_space<vmem_shared>> -> memref<10240x128xf32, #tpu.memory_space<vmem_shared>>
      tpu.wait_indirect_dma semaphore(%arg15 : memref<!tpu.dma_semaphore, #tpu.memory_space<semaphore_mem>>) src(%arg11 : memref<80x128xf32, #tpu.memory_space<vmem>>) dst(%dma_wait3A_757 : memref<10240x128xf32, #tpu.memory_space<vmem_shared>>)
      %dma_start3A_758 = arith.constant 0 : i32
      %dma_start3A_759 = tpu.memref_slice %arg6[%add3A_744, %dma_start3A_758] : memref<25x80xi32, #tpu.memory_space<vmem>> -> memref<1x80xi32, #tpu.memory_space<vmem>>
      %dma_start3A_760 = tpu.memref_squeeze %dma_start3A_759 : memref<1x80xi32, #tpu.memory_space<vmem>> -> memref<80xi32, #tpu.memory_space<vmem>>
      %dma_start3A_761 = arith.constant 0 : i32
      %dma_start3A_762 = arith.constant 0 : i32
      %dma_start3A_763 = tpu.memref_slice %arg3[%dma_start3A_761, %dma_start3A_762] : memref<10000x128xf32, #tpu.memory_space<hbm>> -> memref<10000x128xf32, #tpu.memory_space<hbm>>
      tpu.enqueue_indirect_dma source(%dma_start3A_763 : memref<10000x128xf32, #tpu.memory_space<hbm>>) target(%arg11 : memref<80x128xf32, #tpu.memory_space<vmem>>) offsets(%dma_start3A_760 : memref<80xi32, #tpu.memory_space<vmem>>) semaphore(%arg13 : memref<!tpu.dma_semaphore, #tpu.memory_space<semaphore_mem>>)
      %dma_start3A_764 = arith.constant 0 : i32
      %dma_start3A_765 = tpu.memref_slice %arg8[%mul3A_742, %dma_start3A_764] : memref<25x80xi32, #tpu.memory_space<vmem>> -> memref<1x80xi32, #tpu.memory_space<vmem>>
      %dma_start3A_766 = tpu.memref_squeeze %dma_start3A_765 : memref<1x80xi32, #tpu.memory_space<vmem>> -> memref<80xi32, #tpu.memory_space<vmem>>
      %dma_start3A_767 = arith.constant 0 : i32
      %dma_start3A_768 = arith.constant 0 : i32
      %dma_start3A_769 = tpu.memref_slice %arg5[%dma_start3A_767, %dma_start3A_768] : memref<10240x128xf32, #tpu.memory_space<vmem_shared>> -> memref<10240x128xf32, #tpu.memory_space<vmem_shared>>
      tpu.enqueue_indirect_dma source(%arg10 : memref<80x128xf32, #tpu.memory_space<vmem>>) target(%dma_start3A_769 : memref<10240x128xf32, #tpu.memory_space<vmem_shared>>) offsets(%dma_start3A_766 : memref<80xi32, #tpu.memory_space<vmem>>) semaphore(%arg14 : memref<!tpu.dma_semaphore, #tpu.memory_space<semaphore_mem>>) {add = true}
      %add3A_770 = arith.constant 1 : i32
      %add3A_771 = arith.addi %mul3A_742, %add3A_770 : i32
      %add3A_772 = arith.constant 2 : i32
      %add3A_773 = arith.addi %mul3A_742, %add3A_772 : i32
      %dma_wait3A_774 = arith.constant 0 : i32
      %dma_wait3A_775 = tpu.memref_slice %arg6[%add3A_771, %dma_wait3A_774] : memref<25x80xi32, #tpu.memory_space<vmem>> -> memref<1x80xi32, #tpu.memory_space<vmem>>
      %dma_wait3A_776 = tpu.memref_squeeze %dma_wait3A_775 : memref<1x80xi32, #tpu.memory_space<vmem>> -> memref<80xi32, #tpu.memory_space<vmem>>
      %dma_wait3A_777 = arith.constant 0 : i32
      %dma_wait3A_778 = arith.constant 0 : i32
      %dma_wait3A_779 = tpu.memref_slice %arg3[%dma_wait3A_777, %dma_wait3A_778] : memref<10000x128xf32, #tpu.memory_space<hbm>> -> memref<10000x128xf32, #tpu.memory_space<hbm>>
      tpu.wait_indirect_dma semaphore(%arg13 : memref<!tpu.dma_semaphore, #tpu.memory_space<semaphore_mem>>) src(%dma_wait3A_779 : memref<10000x128xf32, #tpu.memory_space<hbm>>) dst(%arg11 : memref<80x128xf32, #tpu.memory_space<vmem>>)
      %dma_wait3A_780 = arith.constant 0 : i32
      %dma_wait3A_781 = tpu.memref_slice %arg8[%mul3A_742, %dma_wait3A_780] : memref<25x80xi32, #tpu.memory_space<vmem>> -> memref<1x80xi32, #tpu.memory_space<vmem>>
      %dma_wait3A_782 = tpu.memref_squeeze %dma_wait3A_781 : memref<1x80xi32, #tpu.memory_space<vmem>> -> memref<80xi32, #tpu.memory_space<vmem>>
      %dma_wait3A_783 = arith.constant 0 : i32
      %dma_wait3A_784 = arith.constant 0 : i32
      %dma_wait3A_785 = tpu.memref_slice %arg5[%dma_wait3A_783, %dma_wait3A_784] : memref<10240x128xf32, #tpu.memory_space<vmem_shared>> -> memref<10240x128xf32, #tpu.memory_space<vmem_shared>>
      tpu.wait_indirect_dma semaphore(%arg14 : memref<!tpu.dma_semaphore, #tpu.memory_space<semaphore_mem>>) src(%arg10 : memref<80x128xf32, #tpu.memory_space<vmem>>) dst(%dma_wait3A_785 : memref<10240x128xf32, #tpu.memory_space<vmem_shared>>)
      %dma_start3A_786 = arith.constant 0 : i32
      %dma_start3A_787 = tpu.memref_slice %arg6[%add3A_773, %dma_start3A_786] : memref<25x80xi32, #tpu.memory_space<vmem>> -> memref<1x80xi32, #tpu.memory_space<vmem>>
      %dma_start3A_788 = tpu.memref_squeeze %dma_start3A_787 : memref<1x80xi32, #tpu.memory_space<vmem>> -> memref<80xi32, #tpu.memory_space<vmem>>
      %dma_start3A_789 = arith.constant 0 : i32
      %dma_start3A_790 = arith.constant 0 : i32
      %dma_start3A_791 = tpu.memref_slice %arg3[%dma_start3A_789, %dma_start3A_790] : memref<10000x128xf32, #tpu.memory_space<hbm>> -> memref<10000x128xf32, #tpu.memory_space<hbm>>
      tpu.enqueue_indirect_dma source(%dma_start3A_791 : memref<10000x128xf32, #tpu.memory_space<hbm>>) target(%arg10 : memref<80x128xf32, #tpu.memory_space<vmem>>) offsets(%dma_start3A_788 : memref<80xi32, #tpu.memory_space<vmem>>) semaphore(%arg12 : memref<!tpu.dma_semaphore, #tpu.memory_space<semaphore_mem>>)
      %dma_start3A_792 = arith.constant 0 : i32
      %dma_start3A_793 = tpu.memref_slice %arg8[%add3A_771, %dma_start3A_792] : memref<25x80xi32, #tpu.memory_space<vmem>> -> memref<1x80xi32, #tpu.memory_space<vmem>>
      %dma_start3A_794 = tpu.memref_squeeze %dma_start3A_793 : memref<1x80xi32, #tpu.memory_space<vmem>> -> memref<80xi32, #tpu.memory_space<vmem>>
      %dma_start3A_795 = arith.constant 0 : i32
      %dma_start3A_796 = arith.constant 0 : i32
      %dma_start3A_797 = tpu.memref_slice %arg5[%dma_start3A_795, %dma_start3A_796] : memref<10240x128xf32, #tpu.memory_space<vmem_shared>> -> memref<10240x128xf32, #tpu.memory_space<vmem_shared>>
      tpu.enqueue_indirect_dma source(%arg11 : memref<80x128xf32, #tpu.memory_space<vmem>>) target(%dma_start3A_797 : memref<10240x128xf32, #tpu.memory_space<vmem_shared>>) offsets(%dma_start3A_794 : memref<80xi32, #tpu.memory_space<vmem>>) semaphore(%arg15 : memref<!tpu.dma_semaphore, #tpu.memory_space<semaphore_mem>>) {add = true}
    }
    %scan3A_710 = arith.constant 11 : i32
    %dma_wait3A_711 = arith.constant 24 : i32
    %dma_wait3A_712 = arith.constant 0 : i32
    %dma_wait3A_713 = tpu.memref_slice %arg6[%dma_wait3A_711, %dma_wait3A_712] : memref<25x80xi32, #tpu.memory_space<vmem>> -> memref<1x80xi32, #tpu.memory_space<vmem>>
    %dma_wait3A_714 = tpu.memref_squeeze %dma_wait3A_713 : memref<1x80xi32, #tpu.memory_space<vmem>> -> memref<80xi32, #tpu.memory_space<vmem>>
    %dma_wait3A_715 = arith.constant 0 : i32
    %dma_wait3A_716 = arith.constant 0 : i32
    %dma_wait3A_717 = tpu.memref_slice %arg3[%dma_wait3A_715, %dma_wait3A_716] : memref<10000x128xf32, #tpu.memory_space<hbm>> -> memref<10000x128xf32, #tpu.memory_space<hbm>>
    tpu.wait_indirect_dma semaphore(%arg12 : memref<!tpu.dma_semaphore, #tpu.memory_space<semaphore_mem>>) src(%dma_wait3A_717 : memref<10000x128xf32, #tpu.memory_space<hbm>>) dst(%arg10 : memref<80x128xf32, #tpu.memory_space<vmem>>)
    %dma_wait3A_718 = arith.constant 23 : i32
    %dma_wait3A_719 = arith.constant 0 : i32
    %dma_wait3A_720 = tpu.memref_slice %arg8[%dma_wait3A_718, %dma_wait3A_719] : memref<25x80xi32, #tpu.memory_space<vmem>> -> memref<1x80xi32, #tpu.memory_space<vmem>>
    %dma_wait3A_721 = tpu.memref_squeeze %dma_wait3A_720 : memref<1x80xi32, #tpu.memory_space<vmem>> -> memref<80xi32, #tpu.memory_space<vmem>>
    %dma_wait3A_722 = arith.constant 0 : i32
    %dma_wait3A_723 = arith.constant 0 : i32
    %dma_wait3A_724 = tpu.memref_slice %arg5[%dma_wait3A_722, %dma_wait3A_723] : memref<10240x128xf32, #tpu.memory_space<vmem_shared>> -> memref<10240x128xf32, #tpu.memory_space<vmem_shared>>
    tpu.wait_indirect_dma semaphore(%arg15 : memref<!tpu.dma_semaphore, #tpu.memory_space<semaphore_mem>>) src(%arg11 : memref<80x128xf32, #tpu.memory_space<vmem>>) dst(%dma_wait3A_724 : memref<10240x128xf32, #tpu.memory_space<vmem_shared>>)
    %dma_start3A_725 = arith.constant 24 : i32
    %dma_start3A_726 = arith.constant 0 : i32
    %dma_start3A_727 = tpu.memref_slice %arg8[%dma_start3A_725, %dma_start3A_726] : memref<25x80xi32, #tpu.memory_space<vmem>> -> memref<1x80xi32, #tpu.memory_space<vmem>>
    %dma_start3A_728 = tpu.memref_squeeze %dma_start3A_727 : memref<1x80xi32, #tpu.memory_space<vmem>> -> memref<80xi32, #tpu.memory_space<vmem>>
    %dma_start3A_729 = arith.constant 0 : i32
    %dma_start3A_730 = arith.constant 0 : i32
    %dma_start3A_731 = tpu.memref_slice %arg5[%dma_start3A_729, %dma_start3A_730] : memref<10240x128xf32, #tpu.memory_space<vmem_shared>> -> memref<10240x128xf32, #tpu.memory_space<vmem_shared>>
    tpu.enqueue_indirect_dma source(%arg10 : memref<80x128xf32, #tpu.memory_space<vmem>>) target(%dma_start3A_731 : memref<10240x128xf32, #tpu.memory_space<vmem_shared>>) offsets(%dma_start3A_728 : memref<80xi32, #tpu.memory_space<vmem>>) semaphore(%arg14 : memref<!tpu.dma_semaphore, #tpu.memory_space<semaphore_mem>>) {add = true}
    %dma_wait3A_732 = arith.constant 24 : i32
    %dma_wait3A_733 = arith.constant 0 : i32
    %dma_wait3A_734 = tpu.memref_slice %arg8[%dma_wait3A_732, %dma_wait3A_733] : memref<25x80xi32, #tpu.memory_space<vmem>> -> memref<1x80xi32, #tpu.memory_space<vmem>>
    %dma_wait3A_735 = tpu.memref_squeeze %dma_wait3A_734 : memref<1x80xi32, #tpu.memory_space<vmem>> -> memref<80xi32, #tpu.memory_space<vmem>>
    %dma_wait3A_736 = arith.constant 0 : i32
    %dma_wait3A_737 = arith.constant 0 : i32
    %dma_wait3A_738 = tpu.memref_slice %arg5[%dma_wait3A_736, %dma_wait3A_737] : memref<10240x128xf32, #tpu.memory_space<vmem_shared>> -> memref<10240x128xf32, #tpu.memory_space<vmem_shared>>
    tpu.wait_indirect_dma semaphore(%arg14 : memref<!tpu.dma_semaphore, #tpu.memory_space<semaphore_mem>>) src(%arg10 : memref<80x128xf32, #tpu.memory_space<vmem>>) dst(%dma_wait3A_738 : memref<10240x128xf32, #tpu.memory_space<vmem_shared>>)
    %barrier3A_739 = arith.constant 0 : index
    tpu.barrier barrier_id(%barrier3A_739)
    "tpu.region"() ({
      %run_scoped3A = tpu.sem_alloc : memref<!tpu.dma_semaphore, #tpu.memory_space<semaphore_mem>>
      %dma_start3A_740 = arith.constant 0 : i32
      %dma_start3A_741 = tpu.memref_slice %arg4[%arg0, %mul3A_27, %dma_start3A_740] : memref<2x10240x128xf32, #tpu.memory_space<hbm>> -> memref<1x640x128xf32, #tpu.memory_space<hbm>>
      %dma_start3A_742 = tpu.memref_squeeze %dma_start3A_741 : memref<1x640x128xf32, #tpu.memory_space<hbm>> -> memref<640x128xf32, #tpu.memory_space<hbm>>
      %dma_start3A_743 = arith.constant 0 : i32
      %dma_start3A_744 = tpu.memref_slice %arg5[%mul3A_27, %dma_start3A_743] : memref<10240x128xf32, #tpu.memory_space<vmem_shared>> -> memref<640x128xf32, #tpu.memory_space<vmem_shared>>
      tpu.enqueue_dma source(%dma_start3A_744 : memref<640x128xf32, #tpu.memory_space<vmem_shared>>) target(%dma_start3A_742 : memref<640x128xf32, #tpu.memory_space<hbm>>) target_semaphore(%run_scoped3A : memref<!tpu.dma_semaphore, #tpu.memory_space<semaphore_mem>>)
      %dma_wait3A_745 = arith.constant 0 : i32
      %dma_wait3A_746 = tpu.memref_slice %arg4[%arg0, %mul3A_27, %dma_wait3A_745] : memref<2x10240x128xf32, #tpu.memory_space<hbm>> -> memref<1x640x128xf32, #tpu.memory_space<hbm>>
      %dma_wait3A_747 = tpu.memref_squeeze %dma_wait3A_746 : memref<1x640x128xf32, #tpu.memory_space<hbm>> -> memref<640x128xf32, #tpu.memory_space<hbm>>
      %dma_wait3A_748 = arith.constant 0 : i32
      %dma_wait3A_749 = tpu.memref_slice %arg5[%mul3A_27, %dma_wait3A_748] : memref<10240x128xf32, #tpu.memory_space<vmem_shared>> -> memref<640x128xf32, #tpu.memory_space<vmem_shared>>
      tpu.wait_dma2 semaphore(%run_scoped3A : memref<!tpu.dma_semaphore, #tpu.memory_space<semaphore_mem>>) src(%dma_wait3A_749 : memref<640x128xf32, #tpu.memory_space<vmem_shared>>) dst(%dma_wait3A_747 : memref<640x128xf32, #tpu.memory_space<hbm>>)
      tpu.yield
    }) : () -> ()
    return
  }
}

module attributes {stable_mosaic.version = 14 : i64} {
  func.func @_dense_xr_body(%arg0: i32, %arg1: memref<2000x128xf32, #tpu.memory_space<vmem>>, %arg2: memref<128x128xf32, #tpu.memory_space<vmem>>, %arg3: memref<1x128xf32, #tpu.memory_space<vmem>>, %arg4: memref<2000x128xf32, #tpu.memory_space<vmem>>) attributes {dimension_semantics = [#tpu.dimension_semantics<arbitrary>], iteration_bounds = array<i64: 5>, scalar_prefetch = 0 : i64, scratch_operands = 0 : i64, tpu.core_type = #tpu.core_type<tc>, window_params = [{transform_indices = @transform_0, window_bounds = array<i64: 2000, 128>}, {pipeline_mode = #tpu.pipeline_mode<synchronous>, transform_indices = @transform_1, window_bounds = array<i64: 128, 128>}, {pipeline_mode = #tpu.pipeline_mode<synchronous>, transform_indices = @transform_2, window_bounds = array<i64: 1, 128>}, {transform_indices = @transform_3, window_bounds = array<i64: 2000, 128>}]} {
    %get3A = arith.constant 0 : index
    %get3A_0 = arith.constant 0 : index
    %get3A_1 = vector.load %arg1[%get3A, %get3A_0] : memref<2000x128xf32, #tpu.memory_space<vmem>>, vector<2000x128xf32>
    %get3A_2 = arith.constant 0 : index
    %get3A_3 = arith.constant 0 : index
    %get3A_4 = vector.load %arg2[%get3A_2, %get3A_3] : memref<128x128xf32, #tpu.memory_space<vmem>>, vector<128x128xf32>
    %dot_general3A = arith.constant dense<0.000000e+00> : vector<2000x128xf32>
    %dot_general3A_5 = tpu.matmul %get3A_1, %get3A_4, %dot_general3A {dimension_numbers = #tpu.dot_dimension_numbers<[1], [1], [0], [0], [0, 0, 1, 0], [], []>, transpose_lhs_hint = false} : vector<2000x128xf32>, vector<128x128xf32>, vector<2000x128xf32> -> vector<2000x128xf32>
    %get3A_6 = arith.constant 0 : index
    %get3A_7 = arith.constant 0 : index
    %get3A_8 = vector.load %arg3[%get3A_6, %get3A_7] : memref<1x128xf32, #tpu.memory_space<vmem>>, vector<1x128xf32>
    %add3A = vector.broadcast %get3A_8 : vector<1x128xf32> to vector<2000x128xf32>
    %add3A_9 = arith.addf %dot_general3A_5, %add3A : vector<2000x128xf32>
    %swap3A = arith.constant 0 : index
    %swap3A_10 = arith.constant 0 : index
    %swap3A_11 = vector.load %arg4[%swap3A, %swap3A_10] : memref<2000x128xf32, #tpu.memory_space<vmem>>, vector<2000x128xf32>
    tpu.vector_store %arg4[%swap3A, %swap3A_10], %add3A_9 {strides = array<i32>} : memref<2000x128xf32, #tpu.memory_space<vmem>>, vector<2000x128xf32>,
    return
  }
  func.func @transform_0(%arg0: i32) -> (i32, i32) {
    %c0_i32 = arith.constant 0 : i32
    %c0_i32_0 = arith.constant 0 : i32
    return %arg0, %c0_i32 : i32, i32
  }
  func.func @transform_1(%arg0: i32) -> (i32, i32) {
    %c0_i32 = arith.constant 0 : i32
    %c0_i32_0 = arith.constant 0 : i32
    %c0_i32_1 = arith.constant 0 : i32
    return %c0_i32, %c0_i32_0 : i32, i32
  }
  func.func @transform_2(%arg0: i32) -> (i32, i32) {
    %c0_i32 = arith.constant 0 : i32
    %c0_i32_0 = arith.constant 0 : i32
    %c0_i32_1 = arith.constant 0 : i32
    return %c0_i32, %c0_i32_0 : i32, i32
  }
  func.func @transform_3(%arg0: i32) -> (i32, i32) {
    %c0_i32 = arith.constant 0 : i32
    %c0_i32_0 = arith.constant 0 : i32
    return %arg0, %c0_i32 : i32, i32
  }
}

module attributes {stable_mosaic.version = 14 : i64} {
  func.func @_dense0_body(%arg0: i32, %arg1: memref<2x2000x128xf32, #tpu.memory_space<vmem>>, %arg2: memref<2000x32xf32, #tpu.memory_space<vmem>>, %arg3: memref<2000x128xf32, #tpu.memory_space<vmem>>, %arg4: memref<128x128xf32, #tpu.memory_space<vmem>>, %arg5: memref<2000x128xf32, #tpu.memory_space<vmem>>) attributes {dimension_semantics = [#tpu.dimension_semantics<arbitrary>], iteration_bounds = array<i64: 5>, scalar_prefetch = 0 : i64, scratch_operands = 0 : i64, tpu.core_type = #tpu.core_type<tc>, window_params = [{transform_indices = @transform_0, window_bounds = array<i64: 2, 2000, 128>}, {transform_indices = @transform_1, window_bounds = array<i64: 2000, 32>}, {transform_indices = @transform_2, window_bounds = array<i64: 2000, 128>}, {pipeline_mode = #tpu.pipeline_mode<synchronous>, transform_indices = @transform_3, window_bounds = array<i64: 128, 128>}, {transform_indices = @transform_4, window_bounds = array<i64: 2000, 128>}]} {
    %get3A = arith.constant 0 : index
    %get3A_0 = arith.constant 0 : index
    %get3A_1 = arith.constant 0 : index
    %get3A_2 = vector.load %arg1[%get3A, %get3A_0, %get3A_1] : memref<2x2000x128xf32, #tpu.memory_space<vmem>>, vector<1x2000x128xf32>
    %get3A_3 = vector.shape_cast %get3A_2 : vector<1x2000x128xf32> to vector<2000x128xf32>
    %get3A_4 = arith.constant 1 : index
    %get3A_5 = arith.constant 0 : index
    %get3A_6 = arith.constant 0 : index
    %get3A_7 = vector.load %arg1[%get3A_4, %get3A_5, %get3A_6] : memref<2x2000x128xf32, #tpu.memory_space<vmem>>, vector<1x2000x128xf32>
    %get3A_8 = vector.shape_cast %get3A_7 : vector<1x2000x128xf32> to vector<2000x128xf32>
    %add3A = arith.addf %get3A_3, %get3A_8 : vector<2000x128xf32>
    %get3A_9 = arith.constant 0 : index
    %get3A_10 = arith.constant 0 : index
    %get3A_11 = vector.load %arg2[%get3A_9, %get3A_10] : memref<2000x32xf32, #tpu.memory_space<vmem>>, vector<2000x32xf32>
    %reduce_sum3A = arith.constant dense<0.000000e+00> : vector<2000xf32>
    %reduce_sum3A_12 = vector.multi_reduction <add>, %get3A_11, %reduce_sum3A [1] : vector<2000x32xf32> to vector<2000xf32>
    %max3A = arith.constant 1.000000e+00 : f32
    %max3A_13 = vector.broadcast %max3A : f32 to vector<2000xf32>
    %max3A_14 = arith.maximumf %reduce_sum3A_12, %max3A_13 : vector<2000xf32>
    %broadcast_in_dim3A = vector.shape_cast %max3A_14 : vector<2000xf32> to vector<2000x1xf32>
    %div3A = vector.broadcast %broadcast_in_dim3A : vector<2000x1xf32> to vector<2000x128xf32>
    %div3A_15 = arith.divf %add3A, %div3A : vector<2000x128xf32>
    %get3A_16 = arith.constant 0 : index
    %get3A_17 = arith.constant 0 : index
    %get3A_18 = vector.load %arg4[%get3A_16, %get3A_17] : memref<128x128xf32, #tpu.memory_space<vmem>>, vector<128x128xf32>
    %dot_general3A = arith.constant dense<0.000000e+00> : vector<2000x128xf32>
    %dot_general3A_19 = tpu.matmul %div3A_15, %get3A_18, %dot_general3A {dimension_numbers = #tpu.dot_dimension_numbers<[1], [1], [0], [0], [0, 0, 1, 0], [], []>, transpose_lhs_hint = false} : vector<2000x128xf32>, vector<128x128xf32>, vector<2000x128xf32> -> vector<2000x128xf32>
    %get3A_20 = arith.constant 0 : index
    %get3A_21 = arith.constant 0 : index
    %get3A_22 = vector.load %arg3[%get3A_20, %get3A_21] : memref<2000x128xf32, #tpu.memory_space<vmem>>, vector<2000x128xf32>
    %add3A_23 = arith.addf %dot_general3A_19, %get3A_22 : vector<2000x128xf32>
    %max3A_24 = arith.constant 0.000000e+00 : f32
    %max3A_25 = vector.broadcast %max3A_24 : f32 to vector<2000x128xf32>
    %max3A_26 = arith.maximumf %add3A_23, %max3A_25 : vector<2000x128xf32>
    %swap3A = arith.constant 0 : index
    %swap3A_27 = arith.constant 0 : index
    %swap3A_28 = vector.load %arg5[%swap3A, %swap3A_27] : memref<2000x128xf32, #tpu.memory_space<vmem>>, vector<2000x128xf32>
    tpu.vector_store %arg5[%swap3A, %swap3A_27], %max3A_26 {strides = array<i32>} : memref<2000x128xf32, #tpu.memory_space<vmem>>, vector<2000x128xf32>,
    return
  }
  func.func @transform_0(%arg0: i32) -> (i32, i32, i32) {
    %c0_i32 = arith.constant 0 : i32
    %c0_i32_0 = arith.constant 0 : i32
    %c0_i32_1 = arith.constant 0 : i32
    return %c0_i32, %arg0, %c0_i32_0 : i32, i32, i32
  }
  func.func @transform_1(%arg0: i32) -> (i32, i32) {
    %c0_i32 = arith.constant 0 : i32
    %c0_i32_0 = arith.constant 0 : i32
    return %arg0, %c0_i32 : i32, i32
  }
  func.func @transform_2(%arg0: i32) -> (i32, i32) {
    %c0_i32 = arith.constant 0 : i32
    %c0_i32_0 = arith.constant 0 : i32
    return %arg0, %c0_i32 : i32, i32
  }
  func.func @transform_3(%arg0: i32) -> (i32, i32) {
    %c0_i32 = arith.constant 0 : i32
    %c0_i32_0 = arith.constant 0 : i32
    %c0_i32_1 = arith.constant 0 : i32
    return %c0_i32, %c0_i32_0 : i32, i32
  }
  func.func @transform_4(%arg0: i32) -> (i32, i32) {
    %c0_i32 = arith.constant 0 : i32
    %c0_i32_0 = arith.constant 0 : i32
    return %arg0, %c0_i32 : i32, i32
  }
}

module attributes {stable_mosaic.version = 14 : i64} {
  func.func @_dense1_body(%arg0: i32, %arg1: memref<2x2000x128xf32, #tpu.memory_space<vmem>>, %arg2: memref<2000x32xf32, #tpu.memory_space<vmem>>, %arg3: memref<2000x128xf32, #tpu.memory_space<vmem>>, %arg4: memref<128x128xf32, #tpu.memory_space<vmem>>, %arg5: memref<128x128xf32, #tpu.memory_space<vmem>>, %arg6: memref<1x128xf32, #tpu.memory_space<vmem>>, %arg7: memref<128x128xf32, #tpu.memory_space<vmem>>, %arg8: memref<1x128xf32, #tpu.memory_space<vmem>>, %arg9: memref<2000x128xf32, #tpu.memory_space<vmem>>) attributes {dimension_semantics = [#tpu.dimension_semantics<arbitrary>], iteration_bounds = array<i64: 5>, scalar_prefetch = 0 : i64, scratch_operands = 0 : i64, tpu.core_type = #tpu.core_type<tc>, window_params = [{transform_indices = @transform_0, window_bounds = array<i64: 2, 2000, 128>}, {transform_indices = @transform_1, window_bounds = array<i64: 2000, 32>}, {transform_indices = @transform_2, window_bounds = array<i64: 2000, 128>}, {pipeline_mode = #tpu.pipeline_mode<synchronous>, transform_indices = @transform_3, window_bounds = array<i64: 128, 128>}, {pipeline_mode = #tpu.pipeline_mode<synchronous>, transform_indices = @transform_4, window_bounds = array<i64: 128, 128>}, {pipeline_mode = #tpu.pipeline_mode<synchronous>, transform_indices = @transform_5, window_bounds = array<i64: 1, 128>}, {pipeline_mode = #tpu.pipeline_mode<synchronous>, transform_indices = @transform_6, window_bounds = array<i64: 128, 128>}, {pipeline_mode = #tpu.pipeline_mode<synchronous>, transform_indices = @transform_7, window_bounds = array<i64: 1, 128>}, {transform_indices = @transform_8, window_bounds = array<i64: 2000, 128>}]} {
    %get3A = arith.constant 0 : index
    %get3A_0 = arith.constant 0 : index
    %get3A_1 = arith.constant 0 : index
    %get3A_2 = vector.load %arg1[%get3A, %get3A_0, %get3A_1] : memref<2x2000x128xf32, #tpu.memory_space<vmem>>, vector<1x2000x128xf32>
    %get3A_3 = vector.shape_cast %get3A_2 : vector<1x2000x128xf32> to vector<2000x128xf32>
    %get3A_4 = arith.constant 1 : index
    %get3A_5 = arith.constant 0 : index
    %get3A_6 = arith.constant 0 : index
    %get3A_7 = vector.load %arg1[%get3A_4, %get3A_5, %get3A_6] : memref<2x2000x128xf32, #tpu.memory_space<vmem>>, vector<1x2000x128xf32>
    %get3A_8 = vector.shape_cast %get3A_7 : vector<1x2000x128xf32> to vector<2000x128xf32>
    %add3A = arith.addf %get3A_3, %get3A_8 : vector<2000x128xf32>
    %get3A_9 = arith.constant 0 : index
    %get3A_10 = arith.constant 0 : index
    %get3A_11 = vector.load %arg2[%get3A_9, %get3A_10] : memref<2000x32xf32, #tpu.memory_space<vmem>>, vector<2000x32xf32>
    %reduce_sum3A = arith.constant dense<0.000000e+00> : vector<2000xf32>
    %reduce_sum3A_12 = vector.multi_reduction <add>, %get3A_11, %reduce_sum3A [1] : vector<2000x32xf32> to vector<2000xf32>
    %max3A = arith.constant 1.000000e+00 : f32
    %max3A_13 = vector.broadcast %max3A : f32 to vector<2000xf32>
    %max3A_14 = arith.maximumf %reduce_sum3A_12, %max3A_13 : vector<2000xf32>
    %broadcast_in_dim3A = vector.shape_cast %max3A_14 : vector<2000xf32> to vector<2000x1xf32>
    %div3A = vector.broadcast %broadcast_in_dim3A : vector<2000x1xf32> to vector<2000x128xf32>
    %div3A_15 = arith.divf %add3A, %div3A : vector<2000x128xf32>
    %get3A_16 = arith.constant 0 : index
    %get3A_17 = arith.constant 0 : index
    %get3A_18 = vector.load %arg4[%get3A_16, %get3A_17] : memref<128x128xf32, #tpu.memory_space<vmem>>, vector<128x128xf32>
    %dot_general3A = arith.constant dense<0.000000e+00> : vector<2000x128xf32>
    %dot_general3A_19 = tpu.matmul %div3A_15, %get3A_18, %dot_general3A {dimension_numbers = #tpu.dot_dimension_numbers<[1], [1], [0], [0], [0, 0, 1, 0], [], []>, transpose_lhs_hint = false} : vector<2000x128xf32>, vector<128x128xf32>, vector<2000x128xf32> -> vector<2000x128xf32>
    %get3A_20 = arith.constant 0 : index
    %get3A_21 = arith.constant 0 : index
    %get3A_22 = vector.load %arg3[%get3A_20, %get3A_21] : memref<2000x128xf32, #tpu.memory_space<vmem>>, vector<2000x128xf32>
    %add3A_23 = arith.addf %dot_general3A_19, %get3A_22 : vector<2000x128xf32>
    %max3A_24 = arith.constant 0.000000e+00 : f32
    %max3A_25 = vector.broadcast %max3A_24 : f32 to vector<2000x128xf32>
    %max3A_26 = arith.maximumf %add3A_23, %max3A_25 : vector<2000x128xf32>
    %get3A_27 = arith.constant 0 : index
    %get3A_28 = arith.constant 0 : index
    %get3A_29 = vector.load %arg5[%get3A_27, %get3A_28] : memref<128x128xf32, #tpu.memory_space<vmem>>, vector<128x128xf32>
    %dot_general3A_30 = arith.constant dense<0.000000e+00> : vector<2000x128xf32>
    %dot_general3A_31 = tpu.matmul %max3A_26, %get3A_29, %dot_general3A_30 {dimension_numbers = #tpu.dot_dimension_numbers<[1], [1], [0], [0], [0, 0, 1, 0], [], []>, transpose_lhs_hint = false} : vector<2000x128xf32>, vector<128x128xf32>, vector<2000x128xf32> -> vector<2000x128xf32>
    %get3A_32 = arith.constant 0 : index
    %get3A_33 = arith.constant 0 : index
    %get3A_34 = vector.load %arg6[%get3A_32, %get3A_33] : memref<1x128xf32, #tpu.memory_space<vmem>>, vector<1x128xf32>
    %add3A_35 = vector.broadcast %get3A_34 : vector<1x128xf32> to vector<2000x128xf32>
    %add3A_36 = arith.addf %dot_general3A_31, %add3A_35 : vector<2000x128xf32>
    %get3A_37 = arith.constant 0 : index
    %get3A_38 = arith.constant 0 : index
    %get3A_39 = vector.load %arg7[%get3A_37, %get3A_38] : memref<128x128xf32, #tpu.memory_space<vmem>>, vector<128x128xf32>
    %dot_general3A_40 = arith.constant dense<0.000000e+00> : vector<2000x128xf32>
    %dot_general3A_41 = tpu.matmul %add3A_36, %get3A_39, %dot_general3A_40 {dimension_numbers = #tpu.dot_dimension_numbers<[1], [1], [0], [0], [0, 0, 1, 0], [], []>, transpose_lhs_hint = false} : vector<2000x128xf32>, vector<128x128xf32>, vector<2000x128xf32> -> vector<2000x128xf32>
    %get3A_42 = arith.constant 0 : index
    %get3A_43 = arith.constant 0 : index
    %get3A_44 = vector.load %arg8[%get3A_42, %get3A_43] : memref<1x128xf32, #tpu.memory_space<vmem>>, vector<1x128xf32>
    %add3A_45 = vector.broadcast %get3A_44 : vector<1x128xf32> to vector<2000x128xf32>
    %add3A_46 = arith.addf %dot_general3A_41, %add3A_45 : vector<2000x128xf32>
    %swap3A = arith.constant 0 : index
    %swap3A_47 = arith.constant 0 : index
    %swap3A_48 = vector.load %arg9[%swap3A, %swap3A_47] : memref<2000x128xf32, #tpu.memory_space<vmem>>, vector<2000x128xf32>
    tpu.vector_store %arg9[%swap3A, %swap3A_47], %add3A_46 {strides = array<i32>} : memref<2000x128xf32, #tpu.memory_space<vmem>>, vector<2000x128xf32>,
    return
  }
  func.func @transform_0(%arg0: i32) -> (i32, i32, i32) {
    %c0_i32 = arith.constant 0 : i32
    %c0_i32_0 = arith.constant 0 : i32
    %c0_i32_1 = arith.constant 0 : i32
    return %c0_i32, %arg0, %c0_i32_0 : i32, i32, i32
  }
  func.func @transform_1(%arg0: i32) -> (i32, i32) {
    %c0_i32 = arith.constant 0 : i32
    %c0_i32_0 = arith.constant 0 : i32
    return %arg0, %c0_i32 : i32, i32
  }
  func.func @transform_2(%arg0: i32) -> (i32, i32) {
    %c0_i32 = arith.constant 0 : i32
    %c0_i32_0 = arith.constant 0 : i32
    return %arg0, %c0_i32 : i32, i32
  }
  func.func @transform_3(%arg0: i32) -> (i32, i32) {
    %c0_i32 = arith.constant 0 : i32
    %c0_i32_0 = arith.constant 0 : i32
    %c0_i32_1 = arith.constant 0 : i32
    return %c0_i32, %c0_i32_0 : i32, i32
  }
  func.func @transform_4(%arg0: i32) -> (i32, i32) {
    %c0_i32 = arith.constant 0 : i32
    %c0_i32_0 = arith.constant 0 : i32
    %c0_i32_1 = arith.constant 0 : i32
    return %c0_i32, %c0_i32_0 : i32, i32
  }
  func.func @transform_5(%arg0: i32) -> (i32, i32) {
    %c0_i32 = arith.constant 0 : i32
    %c0_i32_0 = arith.constant 0 : i32
    %c0_i32_1 = arith.constant 0 : i32
    return %c0_i32, %c0_i32_0 : i32, i32
  }
  func.func @transform_6(%arg0: i32) -> (i32, i32) {
    %c0_i32 = arith.constant 0 : i32
    %c0_i32_0 = arith.constant 0 : i32
    %c0_i32_1 = arith.constant 0 : i32
    return %c0_i32, %c0_i32_0 : i32, i32
  }
  func.func @transform_7(%arg0: i32) -> (i32, i32) {
    %c0_i32 = arith.constant 0 : i32
    %c0_i32_0 = arith.constant 0 : i32
    %c0_i32_1 = arith.constant 0 : i32
    return %c0_i32, %c0_i32_0 : i32, i32
  }
  func.func @transform_8(%arg0: i32) -> (i32, i32) {
    %c0_i32 = arith.constant 0 : i32
    %c0_i32_0 = arith.constant 0 : i32
    return %arg0, %c0_i32 : i32, i32
  }
}

</mosaic_0001>

<sc_bundles>
// kernel: kernel.11.cloned.1.call-start
scs
__scs_entry_jumppad:
0x0: {  	(pc) =	sbr.rel $0x88, $3  }
0x1: {  	(tag) =	ssettag $0x0;
	lr =	simm.s32 $0x1  }
0x2: {  	[smem:$0x3F95] =	sst lr;
	_ =	strace $0xD0000000  }
0x3: {  	_ = 	snop  }
0x4: {  	_ = 	snop  }
0x5: {  	_ = 	snop  }
0x6: {  	_ = 	snop  }
0x7: {  	_ = 	snop  }
__scs_overlays_trampoline_lowered:
0x8: {  	[smem:$0x3FA4] =	sst s0  }
0x9: {  	[smem:$0x3FA5] =	sst s1  }
0xa: {  	[smem:$0x3FA6] =	sst s2  }
0xb: {  	[smem:$0x3FA7] =	sst s3  }
0xc: {  	[smem:$0x3FA8] =	sst s4  }
0xd: {  	[smem:$0x3FA9] =	sst s5  }
0xe: {  	[smem:$0x3FAA] =	sst s6  }
0xf: {  	[smem:$0x3FAB] =	sst s7  }
0x10: {  	[smem:$0x3FAC] =	sst s8  }
0x11: {  	[smem:$0x3FAD] =	sst s9;
	s0 =	simm.s32 @!p0 $0x0  }
0x12: {  	s1 =	sld [smem:$0x3F93];
	s0 =	simm.s32 @p0 $0x1  }
0x13: {  	[smem:$0x3FAE] =	sst s0;
	s0 =	simm.s32 @!p1 $0x0  }
0x14: {  	s2 =	sld [smem:$0x3F92];
	s0 =	simm.s32 @p1 $0x1  }
0x15: {  	[smem:$0x3FAF] =	sst s0;
	s0 =	simm.s32 @!p2 $0x0  }
0x16: {  	s3 =	sld [smem:$0x3FDB];
	s0 =	simm.s32 @p2 $0x1  }
0x17: {  	s4 =	simm.s32 $0x1BF5;
	[smem:$0x3FB1] =	sst s0  }
0x18: {  	s0 =	sld [smem:$0x3F94];
	_ =	swait.ge [sflag:s4], $0x0  }
0x19: {  	s7 =	sld [smem:$0x3F95]  }
0x1a: {  	s8 =	sadd.s32 $0xFFFFE003, lr  }
0x1b: {  	s9 =	sadd.s32 $0xFFFFFEF7, lr;
	s5 =	simm.s32 $0xFFFFFFFF;
	p2 =	slt.u32 s8, $0xFFFFF086  }
0x1c: {  	p1 =	slt.u32 s9, $0xF7A;
	s5 =	simm.s32 @!p2 $0x0  }
0x1d: {  	s5 =	simm.s32 @p1 $0x1;
	p0 =	seq.s32 s7, s2  }
0x1e: {  	s7 =	smul.u32 @!p0 $0xF7A, s2;
	p2 =	seq.s32 @!p0 s5, $0x0  }
0x1f: {  	s9 =	smul.u32 $0xF7A, s1;
	s8 =	simm.s32 @!p0 $0x1BF5;
	p2 =	por !p2, p0  }
0x20: {  	[sflag:s8] =	ssyncset.s32 @!p0 $0xFFFFF086;
	s6 =	sadd.s32 @!p0 s3, s7;
	s7 =	simm.s32 @!p0 $0x108  }
0x21: {  	s3 =	sadd.s32 s3, s9;
	s6 =	sadd.s32 @!p0 $0x88, s6;
	s7 =	simm.s32 @p2 $0x1082  }
0x22: {  	[simem:s7], [sflag:s8] =	dma.local @!p0 [hbm:s6], $0xF7A  }
0x23: {  	s9 =	sor.u32 $0xD0000000, s2;
	s6 =	simm.s32 $0x108;
	_ =	swait.ge @!p0 [sflag:s8], $0x0  }
0x24: {  	s3 =	sadd.s32 $0x88, s3;
	s6 =	simm.s32 @!p1 $0x1082;
	[sflag:s4] =	ssyncset.s32 $0xFFFFF086  }
0x25: {  	[simem:s6], [sflag:s4] =	dma.local [hbm:s3], $0xF7A  }
0x26: {  	[smem:$0x3F95] =	sst s1;
	(tag) =	ssettag s2;
	_ =	strace s9  }
0x27: {  	s1 =	sld [smem:$0x3FA5]  }
0x28: {  	s2 =	sld [smem:$0x3FA6]  }
0x29: {  	s4 =	sld [smem:$0x3FA8]  }
0x2a: {  	p0 =	seq.s32 s5, $0x0;
	s5 =	sld [smem:$0x3FA9]  }
0x2b: {  	s6 =	sld [smem:$0x3FAA]  }
0x2c: {  	s7 =	sld [smem:$0x3FAB]  }
0x2d: {  	s3 =	simm.s32 $0x108;
	s8 =	sld [smem:$0x3FAC]  }
0x2e: {  	s3 =	simm.s32 @!p0 $0x1082;
	s9 =	sld [smem:$0x3FAD]  }
0x2f: {  	lr =	sadd.s32 s0, s3;
	s0 =	sld [smem:$0x3FA4]  }
0x30: {  	s3 =	sld [smem:$0x3FA7]  }
0x31: {  	[smem:$0x3FB0] =	sst s10  }
0x32: {  	s10 =	sld [smem:$0x3FAE];
	_ =	sdelay $0x3  }
0x33: {  	p0 =	seq.s32 s10, $0x1;
	s10 =	sld [smem:$0x3FB0];
	_ =	sdelay $0x3  }
0x34: {  	[smem:$0x3FB0] =	sst s10  }
0x35: {  	s10 =	sld [smem:$0x3FAF];
	_ =	sdelay $0x3  }
0x36: {  	p1 =	seq.s32 s10, $0x1;
	s10 =	sld [smem:$0x3FB0];
	_ =	sdelay $0x3  }
0x37: {  	[smem:$0x3FB0] =	sst s10  }
0x38: {  	s10 =	sld [smem:$0x3FB1]  }
0x39: {  	_ = 	snop;
	(pc) =	sbr.ind lr, $3  }
0x3a: {  	_ = 	snop  }
0x3b: {  	_ = 	snop  }
0x3c: {  	p2 =	seq.s32 s10, $0x1;
	s10 =	sld [smem:$0x3FB0]  }
0x3d: {  	_ =	shalt  }
0x3e: {  	_ =	shalt  }
0x3f: {  	_ =	shalt  }
0x40: {  	_ =	shalt  }
0x41: {  	_ =	shalt  }
0x42: {  	_ =	shalt  }
0x43: {  	_ =	shalt  }
0x44: {  	_ =	shalt  }
0x45: {  	_ =	shalt  }
0x46: {  	_ =	shalt  }
0x47: {  	_ =	shalt  }
0x48: {  	_ =	shalt  }
0x49: {  	_ =	shalt  }
0x4a: {  	_ =	shalt  }
0x4b: {  	_ =	shalt  }
0x4c: {  	_ =	shalt  }
0x4d: {  	_ =	shalt  }
0x4e: {  	_ =	shalt  }
0x4f: {  	_ =	shalt  }
0x50: {  	_ =	shalt  }
0x51: {  	_ =	shalt  }
0x52: {  	_ =	shalt  }
0x53: {  	_ =	shalt  }
0x54: {  	_ =	shalt  }
0x55: {  	_ =	shalt  }
0x56: {  	_ =	shalt  }
0x57: {  	_ =	shalt  }
0x58: {  	_ =	shalt  }
0x59: {  	_ =	shalt  }
0x5a: {  	_ =	shalt  }
0x5b: {  	_ =	shalt  }
0x5c: {  	_ =	shalt  }
0x5d: {  	_ =	shalt  }
0x5e: {  	_ =	shalt  }
0x5f: {  	_ =	shalt  }
0x60: {  	_ =	shalt  }
0x61: {  	_ =	shalt  }
0x62: {  	_ =	shalt  }
0x63: {  	_ =	shalt  }
0x64: {  	_ =	shalt  }
0x65: {  	_ =	shalt  }
0x66: {  	_ =	shalt  }
0x67: {  	_ =	shalt  }
0x68: {  	_ =	shalt  }
0x69: {  	_ =	shalt  }
0x6a: {  	_ =	shalt  }
0x6b: {  	_ =	shalt  }
0x6c: {  	_ =	shalt  }
0x6d: {  	_ =	shalt  }
0x6e: {  	_ =	shalt  }
0x6f: {  	_ =	shalt  }
0x70: {  	_ =	shalt  }
0x71: {  	_ =	shalt  }
0x72: {  	_ =	shalt  }
0x73: {  	_ =	shalt  }
0x74: {  	_ =	shalt  }
0x75: {  	_ =	shalt  }
0x76: {  	_ =	shalt  }
0x77: {  	_ =	shalt  }
0x78: {  	_ =	shalt  }
0x79: {  	_ =	shalt  }
0x7a: {  	_ =	shalt  }
0x7b: {  	_ =	shalt  }
0x7c: {  	_ =	shalt  }
0x7d: {  	_ =	shalt  }
0x7e: {  	_ =	shalt  }
0x7f: {  	_ =	shalt  }
0x80: {  	_ =	shalt  }
0x81: {  	_ =	shalt  }
0x82: {  	_ =	shalt  }
0x83: {  	_ =	shalt  }
0x84: {  	_ =	shalt  }
0x85: {  	_ =	shalt  }
0x86: {  	_ =	shalt  }
0x87: {  	_ =	shalt  }
.Lfunc_end0:
.L_simem_size_0:
called_computation.1_lowered:
.L_overlay_start_0:
0x88: {  	s2 =	sld [smem:$0x3FD9]  }
0x89: {  	s3 =	sld [smem:$0x3FFE];
	_ =	sdelay $0x1  }
0x8a: {  	s1 =	srdreg.scid  }
0x8b: {  	s0 =	sand.u32 $0x1, s1  }
0x8c: {  	s17 =	sshll.u32 s0, $0xA;
	s2 =	sadd.s32 s3, s2  }
0x8d: {  	s2 =	sadd.s32 s2, s17  }
0x8e: {  	[smem:$0x3FBC] =	sst s2  }
0x8f: {  	_ = 	snop  }
0x90: {  	s2 =	sld [smem:$0x3FD0];
	(tm) =	ssettm $0x1  }
0x91: {  	s18 =	sld [smem:$0x3FFB];
	_ =	sdelay $0x3  }
0x92: {  	_ =	strace s18  }
0x93: {  	s3 =	sld [smem:$0x3FFC];
	_ =	sdelay $0x3  }
0x94: {  	_ =	strace s3  }
0x95: {  	s3 =	sld [smem:$0x3FFD];
	_ =	sdelay $0x3  }
0x96: {  	_ =	strace s3  }
0x97: {  	_ =	strace $0x8FFFFFFF  }
0x98: {  	s19 =	sld [smem:$0x3FDB];
	_ =	sdelay $0x1  }
0x99: {  	s4 =	simm.s32 $_scs_section_size  }
0x9a: {  	s5 =	simm.s32 $_size__tile_overlayer_lowered;
	s6 =	simm.s32 $_tile_overlayer_lowered  }
0x9b: {  	s22 =	simm.s32 $0x1BFF;
	s21 =	sshll.u32 s6, $0x1;
	s3 =	sadd.s32 s4, s19  }
0x9c: {  	s7 =	simm.s32 $0x0;
	s20 =	sshll.u32 s5, $0x1;
	s5 =	sadd.s32 s21, s3  }
0x9d: {  	[timem:s7], [sflag:s22] =	dma.local [hbm:s5], s20  }
0x9e: {  	_ =	swait.ge [sflag:s22], s20  }
0x9f: {  	s4 =	ssub.s32 $0x0, s20;
	[sflag:s22] =	ssyncset.done $0x0  }
0xa0: {  	[sflag:s22] =	ssyncadd.s32 s4;
	_ =	sdelay $0x1  }
0xa1: {  	s23 =	simm.s32 $0x1B8B  }
0xa2: {  	_ =	swait.ge [sflag:s23], $0x1  }
0xa3: {  	[sflag:s23] =	ssyncset.done $0x0  }
0xa4: {  	s25 =	simm.s32 $0x1B8E;
	s24 =	sld [smem:$0x3FFE];
	[sflag:s23] =	ssyncadd.s32 $0xFFFFFFFF  }
0xa5: {  	s26 =	simm.s32 $execute0_lowered;
	[smem:$0x3FD2] =	sst s25  }
0xa6: {  	s5 =	sshll.u32 s26, $0x1;
	_ =	strace $0x80000049;
	[dreg:$0x1] =	wrdreg $0xFFFFFFFF  }
0xa7: {  	s28 =	simm.s32 $_size_execute0_lowered;
	s3 =	sadd.s32 s3, s5;
	[dreg:$0x0] =	wrdreg $0x0  }
0xa8: {  	s5 =	sshll.u32 s28, $0x1;
	[dreg:$0x2] =	wrdreg s3  }
0xa9: {  	[dreg:$0x3] =	wrdreg s5  }
0xaa: {  	[dreg:$0x4] =	wrdreg $0xC0  }
0xab: {  	_ =	task [dreg:s7], $0x5FFFF  }
0xac: {  	[dreg:$0x1] =	wrdreg $0xFFFFFFFF  }
0xad: {  	[dreg:$0x0] =	wrdreg $0x60  }
0xae: {  	[dreg:$0x2] =	wrdreg s24  }
0xaf: {  	[dreg:$0x3] =	wrdreg s2  }
0xb0: {  	[dreg:$0x4] =	wrdreg $0x0  }
0xb1: {  	[dreg:$0x5] =	wrdreg $0x9  }
0xb2: {  	_ =	task.clear_ibuf [dreg:s7], $0x6FFFF;
	_ =	strace $0x90000049  }
0xb3: {  	s29 =	simm.s32 $0x9;
	_ =	strace $0x8000004B  }
0xb4: {  	_ =	swait.ge [sflag:s29], $0x1  }
0xb5: {  	[sflag:s29] =	ssyncadd.s32 $0xFFFFFFFF  }
0xb6: {  	_ =	strace $0x9000004B  }
0xb7: {  	_ =	sfence  }
0xb8: {  	s30 =	sld [smem:$0x0];
	_ =	sdelay $0x2  }
0xb9: {  	s31 =	sshll.u32 s1, $0xD;
	s1 =	sshrl.u32 s1, $0x2  }
0xba: {  	s3 =	sand.u32 $0x4000, s31;
	s1 =	sadd.s32 s1, s30  }
0xbb: {  	s0 =	sor.u32 s3, s0;
	s1 =	sshll.u32 s1, $0x11  }
0xbc: {  	s0 =	sor.u32 s1, s0  }
0xbd: {  	s0 =	sadd.s32 $0x8F2B, s0  }
0xbe: {  	[sflag:s0] =	ssyncadd.remote.s32 $0x1  }
0xbf: {  	_ =	sfence.sel $0xFFFF  }
0xc0: {  	[dreg:$0x0] =	wrdreg $0xFFFFFFFF;
	(pc) =	sbr.abs _section_cstart, $3  }
0xc1: {  	[dreg:$0x1] =	wrdreg $0xFFFFFFFF  }
0xc2: {  	_ =	task.clear_ibuf [dreg:s7], $0x2FFFF;
	_ =	strace $0x9FFFFFFF  }
0xc3: {  	(tm) =	ssettm $0x7FFFFFFF  }
tec
execute0_lowered:
.L_overlay_start_1:
0x0: {  	(tag) =	ssettag $0x1  }
0x1: {  	s0 =	srdreg.scid;
	s1 =	rddreg [dreg:$0x0]  }
0x2: {  	s8 =	stileid.u32;
	s2 =	rddreg [dreg:$0x1]  }
0x3: {  	s0 =	sand.u32 $0x1, s0;
	s3 =	sshll.u32 s8, $0x1;
	s7 =	smul.u32 $0x14000, s8  }
0x4: {  	s28 =	simm.s32 $0x18000;
	s8 =	smul.u32 $0x50000, s8;
	s4 =	sor.u32 s0, s3  }
0x5: {  	s29 =	simm.s32 $0x1A800;
	s30 =	simm.s32 $0x6;
	s5 =	smul.u32 $0x5000, s4  }
0x6: {  	s31 =	simm.s32 $0x5;
	s3 =	rddreg [dreg:$0x2];
	s6 =	smul.u32 $0x140000, s0  }
0x7: {  	s0 =	ssub.s32 $0x2, s0;
	s4 =	simm.s32 $0x0;
	s5 =	sshrl.u32 s5, $0x3  }
0x8: {  	s8 =	sshrl.u32 s8, $0x2;
	[smem:$0x7FF] =	sst s4;
	s9 =	sadd.s32 s5, s1  }
0x9: {  	s6 =	sadd.s32 s7, s6;
	s7 =	sshrl.u32 s0, $0x1;
	s10 =	sadd.s32 $0x2E00, s9  }
0xa: {  	_ =	strace $0x8000004A;
	s11 =	sadd.s32 $0x16E00, s9;
	[dreg:$0x4] =	wrdreg s10  }
0xb: {  	s0 =	ssub.s32 s0, s7;
	s19 =	sadd.s32 $0x3000, s9;
	[dreg:$0x5] =	wrdreg s11  }
0xc: {  	s7 =	simm.s32 $0x1;
	s20 =	sadd.s32 $0x17000, s9;
	[dreg:$0xd] =	wrdreg s19  }
0xd: {  	s5 =	sshrl.u32 s6, $0x3;
	s21 =	sadd.s32 $0x3200, s9;
	[dreg:$0xe] =	wrdreg s20  }
0xe: {  	s6 =	simm.s32 $0x17000;
	s22 =	sadd.s32 $0x17200, s9;
	[dreg:$0xf] =	wrdreg s21  }
0xf: {  	s1 =	sadd.s32 s5, s1;
	s23 =	sadd.s32 $0x3400, s9;
	[dreg:$0x10] =	wrdreg s22  }
0x10: {  	s5 =	sadd.s32 s8, s3;
	s24 =	sadd.s32 $0x17400, s9;
	[dreg:$0x11] =	wrdreg s23  }
0x11: {  	s25 =	sadd.s32 $0x3600, s9;
	s26 =	sadd.s32 $0x17600, s9;
	[dreg:$0x12] =	wrdreg s24  }
0x12: {  	s8 =	simm.s32 $0x14080;
	s9 =	simm.s32 $0x2;
	[dreg:$0x13] =	wrdreg s25  }
0x13: {  	s12 =	sadd.s32 $0x2800, s5;
	s13 =	sadd.s32 $0x5000, s5;
	[dreg:$0x14] =	wrdreg s26  }
0x14: {  	s14 =	sadd.s32 $0x7800, s5;
	s15 =	sadd.s32 $0xA000, s5;
	[dreg:$0x6] =	wrdreg s12  }
0x15: {  	s16 =	sadd.s32 $0xC800, s5;
	s17 =	sadd.s32 $0xF000, s5;
	[dreg:$0x7] =	wrdreg s13  }
0x16: {  	s18 =	sadd.s32 $0x11800, s5;
	s1 =	sadd.s32 $0x2AE00, s1;
	[dreg:$0x8] =	wrdreg s14  }
0x17: {  	s24 =	smax.u32 s0, $0x1;
	s25 =	simm.s32 $0x14000;
	[dreg:$0x9] =	wrdreg s15  }
0x18: {  	s26 =	simm.s32 $0x16000;
	s0 =	simm.s32 $0x15000;
	[dreg:$0xa] =	wrdreg s16  }
0x19: {  	s10 =	simm.s32 $0x3;
	s11 =	simm.s32 $0x14100;
	[dreg:$0xb] =	wrdreg s17  }
0x1a: {  	s19 =	simm.s32 $0x7;
	s20 =	simm.s32 $0x0;
	[dreg:$0xc] =	wrdreg s18  }
0x1b: {  	[dreg:$0x15] =	wrdreg s1;
	s1 =	simm.s32 $0x50;
	s12 =	simm.s32 $0x16080  }
0x1c: {  	s13 =	simm.s32 $0x4;
	s14 =	simm.s32 $0x16C00;
	s15 =	simm.s32 $0x15080  }
0x1d: {  	v0 =	vimm.f32 $0.0e+00;
	s16 =	simm.s32 $0x15100;
	s17 =	simm.s32 $0x17080;
	s18 =	simm.s32 $0x17C00  }
.LBB2_1:
0x1e: {  	s21 =	rddreg [dreg:$0x4]  }
0x1f: {  	[tilespmem:s25], [sflag:$0x5] =	stream.linear.gather [hbm4b:s21+s4], $0xC80, $0x38;
	[tilespmem:$0x1D000] =	vst v63  }
0x20: {  	s23 =	rddreg [dreg:$0x5];
	s22 =	simm.s32 $0x200;
	s21 =	simm.s32 $0x0  }
0x21: {  	[tilespmem:s26], [sflag:$0x5] =	stream.linear.gather [hbm4b:s23+s4], $0xC80, $0x38;
	[tilespmem:$0x1D000] =	vst v63  }
.LBB2_2:
0x22: {  	p0 =	sne.s32 s22, $0x9E00;
	[tilespmem:s21+$0x1A870] =	vst v0  }
0x23: {  	[tilespmem:s21+$0x18000] =	vst v0  }
0x24: {  	[tilespmem:s21+$0x1A800] =	vst v0  }
0x25: {  	[tilespmem:s21+$0x18010] =	vst v0  }
0x26: {  	[tilespmem:s21+$0x1A810] =	vst v0  }
0x27: {  	[tilespmem:s21+$0x18020] =	vst v0  }
0x28: {  	[tilespmem:s21+$0x1A820] =	vst v0  }
0x29: {  	[tilespmem:s21+$0x18030] =	vst v0  }
0x2a: {  	[tilespmem:s21+$0x1A830] =	vst v0  }
0x2b: {  	[tilespmem:s21+$0x18040] =	vst v0  }
0x2c: {  	[tilespmem:s21+$0x1A840] =	vst v0  }
.Ltmp0:
0x2d: {  	[tilespmem:s21+$0x18050] =	vst v0;
	(pc) =	sbr.rel @p0 .LBB2_2-.Ltmp0, $4  }
0x2e: {  	[tilespmem:s21+$0x1A850] =	vst v0  }
0x2f: {  	[tilespmem:s21+$0x18060] =	vst v0  }
0x30: {  	[tilespmem:s21+$0x1A860] =	vst v0  }
0x31: {  	[tilespmem:s21+$0x18070] =	vst v0;
	s21 =	sshra.s32 s22, $0x2;
	s22 =	sadd.s32 $0x200, s22  }
0x32: {  	[tilespmem:s21+$0x1A870] =	vst v0  }
0x33: {  	[tilespmem:s21+$0x18000] =	vst v0  }
0x34: {  	[tilespmem:s21+$0x1A800] =	vst v0  }
0x35: {  	[tilespmem:s21+$0x18010] =	vst v0  }
0x36: {  	[tilespmem:s21+$0x1A810] =	vst v0  }
0x37: {  	[tilespmem:s21+$0x18020] =	vst v0  }
0x38: {  	[tilespmem:s21+$0x1A820] =	vst v0  }
0x39: {  	[tilespmem:s21+$0x18030] =	vst v0  }
0x3a: {  	[tilespmem:s21+$0x1A830] =	vst v0  }
0x3b: {  	[tilespmem:s21+$0x18040] =	vst v0  }
0x3c: {  	[tilespmem:s21+$0x1A840] =	vst v0  }
0x3d: {  	[tilespmem:s21+$0x18050] =	vst v0  }
0x3e: {  	[tilespmem:s21+$0x1A850] =	vst v0  }
0x3f: {  	[tilespmem:s21+$0x18060] =	vst v0  }
0x40: {  	[tilespmem:s21+$0x1A860] =	vst v0  }
0x41: {  	[tilespmem:s21+$0x18070] =	vst v0  }
0x42: {  	[spmem:s5] =	stream.linear.scatter [tilespmem:s28], [sflag:$0x6], $0x2800, $0x38;
	[tilespmem:$0x1D000] =	vst v63  }
0x43: {  	s22 =	rddreg [dreg:$0x6]  }
0x44: {  	[spmem:s22] =	stream.linear.scatter [tilespmem:s29], [sflag:$0x6], $0x2800, $0x38;
	[tilespmem:$0x1D000] =	vst v63  }
0x45: {  	s23 =	rddreg [dreg:$0x7]  }
0x46: {  	[spmem:s23] =	stream.linear.scatter [tilespmem:s28], [sflag:$0x6], $0x2800, $0x38;
	[tilespmem:$0x1D000] =	vst v63  }
0x47: {  	s22 =	rddreg [dreg:$0x8]  }
0x48: {  	[spmem:s22] =	stream.linear.scatter [tilespmem:s29], [sflag:$0x6], $0x2800, $0x38;
	[tilespmem:$0x1D000] =	vst v63  }
0x49: {  	s23 =	rddreg [dreg:$0x9]  }
0x4a: {  	[spmem:s23] =	stream.linear.scatter [tilespmem:s28], [sflag:$0x6], $0x2800, $0x38;
	[tilespmem:$0x1D000] =	vst v63  }
0x4b: {  	s22 =	rddreg [dreg:$0xa]  }
0x4c: {  	[spmem:s22] =	stream.linear.scatter [tilespmem:s29], [sflag:$0x6], $0x2800, $0x38;
	[tilespmem:$0x1D000] =	vst v63  }
0x4d: {  	s23 =	rddreg [dreg:$0xb]  }
0x4e: {  	[spmem:s23] =	stream.linear.scatter [tilespmem:s28], [sflag:$0x6], $0x2800, $0x38;
	[tilespmem:$0x1D000] =	vst v63  }
0x4f: {  	s22 =	rddreg [dreg:$0xc]  }
0x50: {  	[spmem:s22] =	stream.linear.scatter [tilespmem:s29], [sflag:$0x6], $0x2800, $0x38;
	[tilespmem:$0x1D000] =	vst v63  }
0x51: {  	_ =	swait.ge [sflag:s30], $0x2800  }
0x52: {  	[sflag:s30] =	ssyncset.done $0x0  }
0x53: {  	[sflag:s30] =	ssyncadd.s32 $0xFFFFD800  }
0x54: {  	_ =	swait.ge [sflag:s30], $0x2800  }
0x55: {  	[sflag:s30] =	ssyncset.done $0x0  }
0x56: {  	[sflag:s30] =	ssyncadd.s32 $0xFFFFD800  }
0x57: {  	_ =	swait.ge [sflag:s30], $0x2800  }
0x58: {  	[sflag:s30] =	ssyncset.done $0x0  }
0x59: {  	[sflag:s30] =	ssyncadd.s32 $0xFFFFD800  }
0x5a: {  	_ =	swait.ge [sflag:s30], $0x2800  }
0x5b: {  	[sflag:s30] =	ssyncset.done $0x0  }
0x5c: {  	[sflag:s30] =	ssyncadd.s32 $0xFFFFD800  }
0x5d: {  	_ =	swait.ge [sflag:s30], $0x2800  }
0x5e: {  	[sflag:s30] =	ssyncset.done $0x0  }
0x5f: {  	[sflag:s30] =	ssyncadd.s32 $0xFFFFD800  }
0x60: {  	_ =	swait.ge [sflag:s30], $0x2800  }
0x61: {  	[sflag:s30] =	ssyncset.done $0x0  }
0x62: {  	[sflag:s30] =	ssyncadd.s32 $0xFFFFD800  }
0x63: {  	_ =	swait.ge [sflag:s30], $0x2800  }
0x64: {  	[sflag:s30] =	ssyncset.done $0x0  }
0x65: {  	[sflag:s30] =	ssyncadd.s32 $0xFFFFD800  }
0x66: {  	_ =	swait.ge [sflag:s30], $0x2800  }
0x67: {  	[sflag:s30] =	ssyncset.done $0x0  }
0x68: {  	[sflag:s30] =	ssyncadd.s32 $0xFFFFD800  }
0x69: {  	_ =	swait.ge [sflag:s31], $0xC80  }
0x6a: {  	[sflag:s31] =	ssyncset.done $0x0  }
0x6b: {  	[sflag:s31] =	ssyncadd.s32 $0xFFFFF380  }
0x6c: {  	_ =	swait.ge [sflag:s31], $0xC80  }
0x6d: {  	[sflag:s31] =	ssyncset.done $0x0  }
0x6e: {  	[sflag:s31] =	ssyncadd.s32 $0xFFFFF380  }
0x6f: {  	[tilespmem:s28], [sflag:$0x1] =	stream.indirect.gather [hbm4b:s2+s1], $0x80, s25, s1, $0xb8;
	[tilespmem:$0x1D000] =	vst v63  }
0x70: {  	[bflag:$0x0] =	sbarrier.arrive $0xFFFF  }
0x71: {  	s23 =	rddreg [dreg:$0xd]  }
0x72: {  	[tilespmem:s0], [sflag:$0x5] =	stream.linear.gather [hbm4b:s23+s4], $0xC80, $0x38;
	[tilespmem:$0x1D000] =	vst v63  }
0x73: {  	s22 =	rddreg [dreg:$0xe]  }
0x74: {  	[tilespmem:s6], [sflag:$0x5] =	stream.linear.gather [hbm4b:s22+s4], $0xC80, $0x38;
	[tilespmem:$0x1D000] =	vst v63  }
0x75: {  	_ =	swait.ge [sflag:s7], $0x2800  }
0x76: {  	[sflag:s7] =	ssyncset.done $0x0  }
0x77: {  	[sflag:s7] =	ssyncadd.s32 $0xFFFFD800  }
0x78: {  	[tilespmem:s29], [sflag:$0x2] =	stream.indirect.gather [hbm4b:s2+s1], $0x80, s8, s1, $0xb8;
	[tilespmem:$0x1D000] =	vst v63  }
0x79: {  	_ = 	snop  }
0x7a: {  	[spmem:s3] =	stream.indirect.scatter.add.f32 [tilespmem:s28], [sflag:$0x3], $0x80, s26, s1, $0xb8;
	[tilespmem:$0x1D000] =	vst v63  }
0x7b: {  	_ =	swait.ge [sflag:s9], $0x2800  }
0x7c: {  	[sflag:s9] =	ssyncset.done $0x0  }
0x7d: {  	[sflag:s9] =	ssyncadd.s32 $0xFFFFD800  }
0x7e: {  	_ =	swait.ge [sflag:s10], $0x2800  }
0x7f: {  	[sflag:s10] =	ssyncset.done $0x0  }
0x80: {  	[sflag:s10] =	ssyncadd.s32 $0xFFFFD800  }
0x81: {  	[tilespmem:s28], [sflag:$0x1] =	stream.indirect.gather [hbm4b:s2+s1], $0x80, s11, s1, $0xb8;
	[tilespmem:$0x1D000] =	vst v63  }
0x82: {  	_ = 	snop  }
0x83: {  	[spmem:s3] =	stream.indirect.scatter.add.f32 [tilespmem:s29], [sflag:$0x4], $0x80, s12, s1, $0xb8;
	[tilespmem:$0x1D000] =	vst v63  }
0x84: {  	_ =	swait.ge [sflag:s7], $0x2800  }
0x85: {  	[sflag:s7] =	ssyncset.done $0x0  }
0x86: {  	[sflag:s7] =	ssyncadd.s32 $0xFFFFD800  }
0x87: {  	_ =	swait.ge [sflag:s13], $0x2800  }
0x88: {  	[sflag:s13] =	ssyncset.done $0x0  }
0x89: {  	s23 =	simm.s32 $0x14180;
	[sflag:s13] =	ssyncadd.s32 $0xFFFFD800  }
0x8a: {  	[tilespmem:s29], [sflag:$0x2] =	stream.indirect.gather [hbm4b:s2+s1], $0x80, s23, s1, $0xb8;
	[tilespmem:$0x1D000] =	vst v63  }
0x8b: {  	s22 =	simm.s32 $0x16100  }
0x8c: {  	[spmem:s3] =	stream.indirect.scatter.add.f32 [tilespmem:s28], [sflag:$0x3], $0x80, s22, s1, $0xb8;
	[tilespmem:$0x1D000] =	vst v63  }
0x8d: {  	_ =	swait.ge [sflag:s9], $0x2800  }
0x8e: {  	[sflag:s9] =	ssyncset.done $0x0  }
0x8f: {  	[sflag:s9] =	ssyncadd.s32 $0xFFFFD800  }
0x90: {  	_ =	swait.ge [sflag:s10], $0x2800  }
0x91: {  	s21 =	simm.s32 $0xFFFFD800;
	[sflag:s10] =	ssyncset.done $0x0  }
0x92: {  	s23 =	simm.s32 $0x14200;
	s22 =	simm.s32 $0x16180;
	[sflag:s10] =	ssyncadd.s32 $0xFFFFD800  }
0x93: {  	[tilespmem:s28], [sflag:$0x1] =	stream.indirect.gather [hbm4b:s2+s1], $0x80, s23, s1, $0xb8;
	[tilespmem:$0x1D000] =	vst v63  }
.LBB2_4:
0x94: {  	[spmem:s3] =	stream.indirect.scatter.add.f32 [tilespmem:s29], [sflag:$0x4], $0x80, s22, s1, $0xb8;
	[tilespmem:$0x1D000] =	vst v63  }
0x95: {  	s22 =	smov.u32 s21  }
0x96: {  	p0 =	sne.s32 s21, $0xFFFFFC00;
	s21 =	sadd.s32 $0x400, s21;
	_ =	swait.ge [sflag:s7], $0x2800  }
0x97: {  	[sflag:s7] =	ssyncset.done $0x0  }
0x98: {  	[sflag:s7] =	ssyncadd.s32 $0xFFFFD800  }
0x99: {  	_ =	swait.ge [sflag:s13], $0x2800  }
0x9a: {  	s22 =	sshra.s32 s22, $0x2;
	[sflag:s13] =	ssyncset.done $0x0  }
0x9b: {  	s23 =	sadd.s32 $0x14C80, s22;
	[sflag:s13] =	ssyncadd.s32 $0xFFFFD800  }
0x9c: {  	[tilespmem:s29], [sflag:$0x2] =	stream.indirect.gather [hbm4b:s2+s1], $0x80, s23, s1, $0xb8;
	[tilespmem:$0x1D000] =	vst v63  }
0x9d: {  	s23 =	sadd.s32 $0x16C00, s22  }
0x9e: {  	[spmem:s3] =	stream.indirect.scatter.add.f32 [tilespmem:s28], [sflag:$0x3], $0x80, s23, s1, $0xb8;
	[tilespmem:$0x1D000] =	vst v63  }
0x9f: {  	_ =	swait.ge [sflag:s9], $0x2800  }
0xa0: {  	[sflag:s9] =	ssyncset.done $0x0  }
0xa1: {  	[sflag:s9] =	ssyncadd.s32 $0xFFFFD800  }
.Ltmp1:
0xa2: {  	_ =	swait.ge [sflag:s10], $0x2800;
	(pc) =	sbr.rel @p0 .LBB2_4-.Ltmp1, $4  }
0xa3: {  	[sflag:s10] =	ssyncset.done $0x0  }
0xa4: {  	s23 =	sadd.s32 $0x14D00, s22;
	[sflag:s10] =	ssyncadd.s32 $0xFFFFD800  }
0xa5: {  	[tilespmem:s28], [sflag:$0x1] =	stream.indirect.gather [hbm4b:s2+s1], $0x80, s23, s1, $0xb8;
	[tilespmem:$0x1D000] =	vst v63  }
0xa6: {  	s22 =	sadd.s32 $0x16C80, s22  }
0xa7: {  	[spmem:s3] =	stream.indirect.scatter.add.f32 [tilespmem:s29], [sflag:$0x4], $0x80, s22, s1, $0xb8;
	[tilespmem:$0x1D000] =	vst v63  }
0xa8: {  	_ =	swait.ge [sflag:s31], $0xC80  }
0xa9: {  	[sflag:s31] =	ssyncset.done $0x0  }
0xaa: {  	[sflag:s31] =	ssyncadd.s32 $0xFFFFF380  }
0xab: {  	_ =	swait.ge [sflag:s31], $0xC80  }
0xac: {  	[sflag:s31] =	ssyncset.done $0x0  }
0xad: {  	[sflag:s31] =	ssyncadd.s32 $0xFFFFF380  }
0xae: {  	_ =	swait.ge [sflag:s7], $0x2800  }
0xaf: {  	[sflag:s7] =	ssyncset.done $0x0  }
0xb0: {  	[sflag:s7] =	ssyncadd.s32 $0xFFFFD800  }
0xb1: {  	_ =	swait.ge [sflag:s13], $0x2800  }
0xb2: {  	[sflag:s13] =	ssyncset.done $0x0  }
0xb3: {  	[sflag:s13] =	ssyncadd.s32 $0xFFFFD800  }
0xb4: {  	[tilespmem:s29], [sflag:$0x2] =	stream.indirect.gather [hbm4b:s2+s1], $0x80, s0, s1, $0xb8;
	[tilespmem:$0x1D000] =	vst v63  }
0xb5: {  	_ = 	snop  }
0xb6: {  	[spmem:s3] =	stream.indirect.scatter.add.f32 [tilespmem:s28], [sflag:$0x3], $0x80, s14, s1, $0xb8;
	[tilespmem:$0x1D000] =	vst v63  }
0xb7: {  	_ =	swait.ge [sflag:s10], $0x2800  }
0xb8: {  	[sflag:s10] =	ssyncset.done $0x0  }
0xb9: {  	s21 =	rddreg [dreg:$0xf];
	[sflag:s10] =	ssyncadd.s32 $0xFFFFD800  }
0xba: {  	[tilespmem:s25], [sflag:$0x5] =	stream.linear.gather [hbm4b:s21+s4], $0xC80, $0x38;
	[tilespmem:$0x1D000] =	vst v63  }
0xbb: {  	s22 =	rddreg [dreg:$0x10]  }
0xbc: {  	[tilespmem:s26], [sflag:$0x5] =	stream.linear.gather [hbm4b:s22+s4], $0xC80, $0x38;
	[tilespmem:$0x1D000] =	vst v63  }
0xbd: {  	_ =	swait.ge [sflag:s9], $0x2800  }
0xbe: {  	[sflag:s9] =	ssyncset.done $0x0  }
0xbf: {  	[sflag:s9] =	ssyncadd.s32 $0xFFFFD800  }
0xc0: {  	[tilespmem:s28], [sflag:$0x1] =	stream.indirect.gather [hbm4b:s2+s1], $0x80, s15, s1, $0xb8;
	[tilespmem:$0x1D000] =	vst v63  }
0xc1: {  	_ = 	snop  }
0xc2: {  	[spmem:s3] =	stream.indirect.scatter.add.f32 [tilespmem:s29], [sflag:$0x4], $0x80, s6, s1, $0xb8;
	[tilespmem:$0x1D000] =	vst v63  }
0xc3: {  	_ =	swait.ge [sflag:s7], $0x2800  }
0xc4: {  	[sflag:s7] =	ssyncset.done $0x0  }
0xc5: {  	[sflag:s7] =	ssyncadd.s32 $0xFFFFD800  }
0xc6: {  	_ =	swait.ge [sflag:s13], $0x2800  }
0xc7: {  	[sflag:s13] =	ssyncset.done $0x0  }
0xc8: {  	[sflag:s13] =	ssyncadd.s32 $0xFFFFD800  }
0xc9: {  	[tilespmem:s29], [sflag:$0x2] =	stream.indirect.gather [hbm4b:s2+s1], $0x80, s16, s1, $0xb8;
	[tilespmem:$0x1D000] =	vst v63  }
0xca: {  	_ = 	snop  }
0xcb: {  	[spmem:s3] =	stream.indirect.scatter.add.f32 [tilespmem:s28], [sflag:$0x3], $0x80, s17, s1, $0xb8;
	[tilespmem:$0x1D000] =	vst v63  }
0xcc: {  	_ =	swait.ge [sflag:s9], $0x2800  }
0xcd: {  	[sflag:s9] =	ssyncset.done $0x0  }
0xce: {  	[sflag:s9] =	ssyncadd.s32 $0xFFFFD800  }
0xcf: {  	_ =	swait.ge [sflag:s10], $0x2800  }
0xd0: {  	[sflag:s10] =	ssyncset.done $0x0  }
0xd1: {  	s23 =	simm.s32 $0x15180;
	[sflag:s10] =	ssyncadd.s32 $0xFFFFD800  }
0xd2: {  	[tilespmem:s28], [sflag:$0x1] =	stream.indirect.gather [hbm4b:s2+s1], $0x80, s23, s1, $0xb8;
	[tilespmem:$0x1D000] =	vst v63  }
0xd3: {  	s22 =	simm.s32 $0x17100  }
0xd4: {  	[spmem:s3] =	stream.indirect.scatter.add.f32 [tilespmem:s29], [sflag:$0x4], $0x80, s22, s1, $0xb8;
	[tilespmem:$0x1D000] =	vst v63  }
0xd5: {  	_ =	swait.ge [sflag:s7], $0x2800  }
0xd6: {  	[sflag:s7] =	ssyncset.done $0x0  }
0xd7: {  	[sflag:s7] =	ssyncadd.s32 $0xFFFFD800  }
0xd8: {  	_ =	swait.ge [sflag:s13], $0x2800  }
0xd9: {  	s21 =	simm.s32 $0xFFFFD800;
	[sflag:s13] =	ssyncset.done $0x0  }
0xda: {  	s23 =	simm.s32 $0x15200;
	s22 =	simm.s32 $0x17180;
	[sflag:s13] =	ssyncadd.s32 $0xFFFFD800  }
0xdb: {  	[tilespmem:s29], [sflag:$0x2] =	stream.indirect.gather [hbm4b:s2+s1], $0x80, s23, s1, $0xb8;
	[tilespmem:$0x1D000] =	vst v63  }
.LBB2_6:
0xdc: {  	[spmem:s3] =	stream.indirect.scatter.add.f32 [tilespmem:s28], [sflag:$0x3], $0x80, s22, s1, $0xb8;
	[tilespmem:$0x1D000] =	vst v63  }
0xdd: {  	s22 =	smov.u32 s21  }
0xde: {  	p0 =	sne.s32 s21, $0xFFFFFC00;
	s21 =	sadd.s32 $0x400, s21;
	_ =	swait.ge [sflag:s9], $0x2800  }
0xdf: {  	[sflag:s9] =	ssyncset.done $0x0  }
0xe0: {  	[sflag:s9] =	ssyncadd.s32 $0xFFFFD800  }
0xe1: {  	_ =	swait.ge [sflag:s10], $0x2800  }
0xe2: {  	s22 =	sshra.s32 s22, $0x2;
	[sflag:s10] =	ssyncset.done $0x0  }
0xe3: {  	s23 =	sadd.s32 $0x15C80, s22;
	[sflag:s10] =	ssyncadd.s32 $0xFFFFD800  }
0xe4: {  	[tilespmem:s28], [sflag:$0x1] =	stream.indirect.gather [hbm4b:s2+s1], $0x80, s23, s1, $0xb8;
	[tilespmem:$0x1D000] =	vst v63  }
0xe5: {  	s23 =	sadd.s32 $0x17C00, s22  }
0xe6: {  	[spmem:s3] =	stream.indirect.scatter.add.f32 [tilespmem:s29], [sflag:$0x4], $0x80, s23, s1, $0xb8;
	[tilespmem:$0x1D000] =	vst v63  }
0xe7: {  	_ =	swait.ge [sflag:s7], $0x2800  }
0xe8: {  	[sflag:s7] =	ssyncset.done $0x0  }
0xe9: {  	[sflag:s7] =	ssyncadd.s32 $0xFFFFD800  }
.Ltmp2:
0xea: {  	_ =	swait.ge [sflag:s13], $0x2800;
	(pc) =	sbr.rel @p0 .LBB2_6-.Ltmp2, $4  }
0xeb: {  	[sflag:s13] =	ssyncset.done $0x0  }
0xec: {  	s23 =	sadd.s32 $0x15D00, s22;
	[sflag:s13] =	ssyncadd.s32 $0xFFFFD800  }
0xed: {  	[tilespmem:s29], [sflag:$0x2] =	stream.indirect.gather [hbm4b:s2+s1], $0x80, s23, s1, $0xb8;
	[tilespmem:$0x1D000] =	vst v63  }
0xee: {  	s22 =	sadd.s32 $0x17C80, s22  }
0xef: {  	[spmem:s3] =	stream.indirect.scatter.add.f32 [tilespmem:s28], [sflag:$0x3], $0x80, s22, s1, $0xb8;
	[tilespmem:$0x1D000] =	vst v63  }
0xf0: {  	_ =	swait.ge [sflag:s31], $0xC80  }
0xf1: {  	[sflag:s31] =	ssyncset.done $0x0  }
0xf2: {  	[sflag:s31] =	ssyncadd.s32 $0xFFFFF380  }
0xf3: {  	_ =	swait.ge [sflag:s31], $0xC80  }
0xf4: {  	[sflag:s31] =	ssyncset.done $0x0  }
0xf5: {  	[sflag:s31] =	ssyncadd.s32 $0xFFFFF380  }
0xf6: {  	_ =	swait.ge [sflag:s9], $0x2800  }
0xf7: {  	[sflag:s9] =	ssyncset.done $0x0  }
0xf8: {  	[sflag:s9] =	ssyncadd.s32 $0xFFFFD800  }
0xf9: {  	_ =	swait.ge [sflag:s10], $0x2800  }
0xfa: {  	[sflag:s10] =	ssyncset.done $0x0  }
0xfb: {  	[sflag:s10] =	ssyncadd.s32 $0xFFFFD800  }
0xfc: {  	[tilespmem:s28], [sflag:$0x1] =	stream.indirect.gather [hbm4b:s2+s1], $0x80, s25, s1, $0xb8;
	[tilespmem:$0x1D000] =	vst v63  }
0xfd: {  	_ = 	snop  }
0xfe: {  	[spmem:s3] =	stream.indirect.scatter.add.f32 [tilespmem:s29], [sflag:$0x4], $0x80, s18, s1, $0xb8;
	[tilespmem:$0x1D000] =	vst v63  }
0xff: {  	_ =	swait.ge [sflag:s13], $0x2800  }
0x100: {  	[sflag:s13] =	ssyncset.done $0x0  }
0x101: {  	s21 =	rddreg [dreg:$0x11];
	[sflag:s13] =	ssyncadd.s32 $0xFFFFD800  }
0x102: {  	[tilespmem:s0], [sflag:$0x5] =	stream.linear.gather [hbm4b:s21+s4], $0xC80, $0x38;
	[tilespmem:$0x1D000] =	vst v63  }
0x103: {  	s22 =	rddreg [dreg:$0x12]  }
0x104: {  	[tilespmem:s6], [sflag:$0x5] =	stream.linear.gather [hbm4b:s22+s4], $0xC80, $0x38;
	[tilespmem:$0x1D000] =	vst v63  }
0x105: {  	_ =	swait.ge [sflag:s7], $0x2800  }
0x106: {  	[sflag:s7] =	ssyncset.done $0x0  }
0x107: {  	[sflag:s7] =	ssyncadd.s32 $0xFFFFD800  }
0x108: {  	[tilespmem:s29], [sflag:$0x2] =	stream.indirect.gather [hbm4b:s2+s1], $0x80, s8, s1, $0xb8;
	[tilespmem:$0x1D000] =	vst v63  }
0x109: {  	_ = 	snop  }
0x10a: {  	[spmem:s3] =	stream.indirect.scatter.add.f32 [tilespmem:s28], [sflag:$0x3], $0x80, s26, s1, $0xb8;
	[tilespmem:$0x1D000] =	vst v63  }
0x10b: {  	_ =	swait.ge [sflag:s9], $0x2800  }
0x10c: {  	[sflag:s9] =	ssyncset.done $0x0  }
0x10d: {  	[sflag:s9] =	ssyncadd.s32 $0xFFFFD800  }
0x10e: {  	_ =	swait.ge [sflag:s10], $0x2800  }
0x10f: {  	[sflag:s10] =	ssyncset.done $0x0  }
0x110: {  	[sflag:s10] =	ssyncadd.s32 $0xFFFFD800  }
0x111: {  	[tilespmem:s28], [sflag:$0x1] =	stream.indirect.gather [hbm4b:s2+s1], $0x80, s11, s1, $0xb8;
	[tilespmem:$0x1D000] =	vst v63  }
0x112: {  	_ = 	snop  }
0x113: {  	[spmem:s3] =	stream.indirect.scatter.add.f32 [tilespmem:s29], [sflag:$0x4], $0x80, s12, s1, $0xb8;
	[tilespmem:$0x1D000] =	vst v63  }
0x114: {  	_ =	swait.ge [sflag:s7], $0x2800  }
0x115: {  	[sflag:s7] =	ssyncset.done $0x0  }
0x116: {  	[sflag:s7] =	ssyncadd.s32 $0xFFFFD800  }
0x117: {  	_ =	swait.ge [sflag:s13], $0x2800  }
0x118: {  	[sflag:s13] =	ssyncset.done $0x0  }
0x119: {  	s23 =	simm.s32 $0x14180;
	[sflag:s13] =	ssyncadd.s32 $0xFFFFD800  }
0x11a: {  	[tilespmem:s29], [sflag:$0x2] =	stream.indirect.gather [hbm4b:s2+s1], $0x80, s23, s1, $0xb8;
	[tilespmem:$0x1D000] =	vst v63  }
0x11b: {  	s22 =	simm.s32 $0x16100  }
0x11c: {  	[spmem:s3] =	stream.indirect.scatter.add.f32 [tilespmem:s28], [sflag:$0x3], $0x80, s22, s1, $0xb8;
	[tilespmem:$0x1D000] =	vst v63  }
0x11d: {  	_ =	swait.ge [sflag:s9], $0x2800  }
0x11e: {  	[sflag:s9] =	ssyncset.done $0x0  }
0x11f: {  	[sflag:s9] =	ssyncadd.s32 $0xFFFFD800  }
0x120: {  	_ =	swait.ge [sflag:s10], $0x2800  }
0x121: {  	s21 =	simm.s32 $0xFFFFD800;
	[sflag:s10] =	ssyncset.done $0x0  }
0x122: {  	s23 =	simm.s32 $0x14200;
	s22 =	simm.s32 $0x16180;
	[sflag:s10] =	ssyncadd.s32 $0xFFFFD800  }
0x123: {  	[tilespmem:s28], [sflag:$0x1] =	stream.indirect.gather [hbm4b:s2+s1], $0x80, s23, s1, $0xb8;
	[tilespmem:$0x1D000] =	vst v63  }
.LBB2_8:
0x124: {  	[spmem:s3] =	stream.indirect.scatter.add.f32 [tilespmem:s29], [sflag:$0x4], $0x80, s22, s1, $0xb8;
	[tilespmem:$0x1D000] =	vst v63  }
0x125: {  	s22 =	smov.u32 s21  }
0x126: {  	p0 =	sne.s32 s21, $0xFFFFFC00;
	s21 =	sadd.s32 $0x400, s21;
	_ =	swait.ge [sflag:s7], $0x2800  }
0x127: {  	[sflag:s7] =	ssyncset.done $0x0  }
0x128: {  	[sflag:s7] =	ssyncadd.s32 $0xFFFFD800  }
0x129: {  	_ =	swait.ge [sflag:s13], $0x2800  }
0x12a: {  	s22 =	sshra.s32 s22, $0x2;
	[sflag:s13] =	ssyncset.done $0x0  }
0x12b: {  	s23 =	sadd.s32 $0x14C80, s22;
	[sflag:s13] =	ssyncadd.s32 $0xFFFFD800  }
0x12c: {  	[tilespmem:s29], [sflag:$0x2] =	stream.indirect.gather [hbm4b:s2+s1], $0x80, s23, s1, $0xb8;
	[tilespmem:$0x1D000] =	vst v63  }
0x12d: {  	s23 =	sadd.s32 $0x16C00, s22  }
0x12e: {  	[spmem:s3] =	stream.indirect.scatter.add.f32 [tilespmem:s28], [sflag:$0x3], $0x80, s23, s1, $0xb8;
	[tilespmem:$0x1D000] =	vst v63  }
0x12f: {  	_ =	swait.ge [sflag:s9], $0x2800  }
0x130: {  	[sflag:s9] =	ssyncset.done $0x0  }
0x131: {  	[sflag:s9] =	ssyncadd.s32 $0xFFFFD800  }
.Ltmp3:
0x132: {  	_ =	swait.ge [sflag:s10], $0x2800;
	(pc) =	sbr.rel @p0 .LBB2_8-.Ltmp3, $4  }
0x133: {  	[sflag:s10] =	ssyncset.done $0x0  }
0x134: {  	s23 =	sadd.s32 $0x14D00, s22;
	[sflag:s10] =	ssyncadd.s32 $0xFFFFD800  }
0x135: {  	[tilespmem:s28], [sflag:$0x1] =	stream.indirect.gather [hbm4b:s2+s1], $0x80, s23, s1, $0xb8;
	[tilespmem:$0x1D000] =	vst v63  }
0x136: {  	s22 =	sadd.s32 $0x16C80, s22  }
0x137: {  	[spmem:s3] =	stream.indirect.scatter.add.f32 [tilespmem:s29], [sflag:$0x4], $0x80, s22, s1, $0xb8;
	[tilespmem:$0x1D000] =	vst v63  }
0x138: {  	_ =	swait.ge [sflag:s31], $0xC80  }
0x139: {  	[sflag:s31] =	ssyncset.done $0x0  }
0x13a: {  	[sflag:s31] =	ssyncadd.s32 $0xFFFFF380  }
0x13b: {  	_ =	swait.ge [sflag:s31], $0xC80  }
0x13c: {  	[sflag:s31] =	ssyncset.done $0x0  }
0x13d: {  	[sflag:s31] =	ssyncadd.s32 $0xFFFFF380  }
0x13e: {  	_ =	swait.ge [sflag:s7], $0x2800  }
0x13f: {  	[sflag:s7] =	ssyncset.done $0x0  }
0x140: {  	[sflag:s7] =	ssyncadd.s32 $0xFFFFD800  }
0x141: {  	_ =	swait.ge [sflag:s13], $0x2800  }
0x142: {  	[sflag:s13] =	ssyncset.done $0x0  }
0x143: {  	[sflag:s13] =	ssyncadd.s32 $0xFFFFD800  }
0x144: {  	[tilespmem:s29], [sflag:$0x2] =	stream.indirect.gather [hbm4b:s2+s1], $0x80, s0, s1, $0xb8;
	[tilespmem:$0x1D000] =	vst v63  }
0x145: {  	_ = 	snop  }
0x146: {  	[spmem:s3] =	stream.indirect.scatter.add.f32 [tilespmem:s28], [sflag:$0x3], $0x80, s14, s1, $0xb8;
	[tilespmem:$0x1D000] =	vst v63  }
0x147: {  	_ =	swait.ge [sflag:s10], $0x2800  }
0x148: {  	[sflag:s10] =	ssyncset.done $0x0  }
0x149: {  	s21 =	rddreg [dreg:$0x13];
	[sflag:s10] =	ssyncadd.s32 $0xFFFFD800  }
0x14a: {  	[tilespmem:s25], [sflag:$0x5] =	stream.linear.gather [hbm4b:s21+s4], $0xC80, $0x38;
	[tilespmem:$0x1D000] =	vst v63  }
0x14b: {  	s22 =	rddreg [dreg:$0x14]  }
0x14c: {  	[tilespmem:s26], [sflag:$0x5] =	stream.linear.gather [hbm4b:s22+s4], $0xC80, $0x38;
	[tilespmem:$0x1D000] =	vst v63  }
0x14d: {  	_ =	swait.ge [sflag:s9], $0x2800  }
0x14e: {  	[sflag:s9] =	ssyncset.done $0x0  }
0x14f: {  	[sflag:s9] =	ssyncadd.s32 $0xFFFFD800  }
0x150: {  	[tilespmem:s28], [sflag:$0x1] =	stream.indirect.gather [hbm4b:s2+s1], $0x80, s15, s1, $0xb8;
	[tilespmem:$0x1D000] =	vst v63  }
0x151: {  	_ = 	snop  }
0x152: {  	[spmem:s3] =	stream.indirect.scatter.add.f32 [tilespmem:s29], [sflag:$0x4], $0x80, s6, s1, $0xb8;
	[tilespmem:$0x1D000] =	vst v63  }
0x153: {  	_ =	swait.ge [sflag:s7], $0x2800  }
0x154: {  	[sflag:s7] =	ssyncset.done $0x0  }
0x155: {  	[sflag:s7] =	ssyncadd.s32 $0xFFFFD800  }
0x156: {  	_ =	swait.ge [sflag:s13], $0x2800  }
0x157: {  	[sflag:s13] =	ssyncset.done $0x0  }
0x158: {  	[sflag:s13] =	ssyncadd.s32 $0xFFFFD800  }
0x159: {  	[tilespmem:s29], [sflag:$0x2] =	stream.indirect.gather [hbm4b:s2+s1], $0x80, s16, s1, $0xb8;
	[tilespmem:$0x1D000] =	vst v63  }
0x15a: {  	_ = 	snop  }
0x15b: {  	[spmem:s3] =	stream.indirect.scatter.add.f32 [tilespmem:s28], [sflag:$0x3], $0x80, s17, s1, $0xb8;
	[tilespmem:$0x1D000] =	vst v63  }
0x15c: {  	_ =	swait.ge [sflag:s9], $0x2800  }
0x15d: {  	[sflag:s9] =	ssyncset.done $0x0  }
0x15e: {  	[sflag:s9] =	ssyncadd.s32 $0xFFFFD800  }
0x15f: {  	_ =	swait.ge [sflag:s10], $0x2800  }
0x160: {  	[sflag:s10] =	ssyncset.done $0x0  }
0x161: {  	s23 =	simm.s32 $0x15180;
	[sflag:s10] =	ssyncadd.s32 $0xFFFFD800  }
0x162: {  	[tilespmem:s28], [sflag:$0x1] =	stream.indirect.gather [hbm4b:s2+s1], $0x80, s23, s1, $0xb8;
	[tilespmem:$0x1D000] =	vst v63  }
0x163: {  	s22 =	simm.s32 $0x17100  }
0x164: {  	[spmem:s3] =	stream.indirect.scatter.add.f32 [tilespmem:s29], [sflag:$0x4], $0x80, s22, s1, $0xb8;
	[tilespmem:$0x1D000] =	vst v63  }
0x165: {  	_ =	swait.ge [sflag:s7], $0x2800  }
0x166: {  	[sflag:s7] =	ssyncset.done $0x0  }
0x167: {  	[sflag:s7] =	ssyncadd.s32 $0xFFFFD800  }
0x168: {  	_ =	swait.ge [sflag:s13], $0x2800  }
0x169: {  	s21 =	simm.s32 $0xFFFFD800;
	[sflag:s13] =	ssyncset.done $0x0  }
0x16a: {  	s23 =	simm.s32 $0x15200;
	s22 =	simm.s32 $0x17180;
	[sflag:s13] =	ssyncadd.s32 $0xFFFFD800  }
0x16b: {  	[tilespmem:s29], [sflag:$0x2] =	stream.indirect.gather [hbm4b:s2+s1], $0x80, s23, s1, $0xb8;
	[tilespmem:$0x1D000] =	vst v63  }
.LBB2_10:
0x16c: {  	[spmem:s3] =	stream.indirect.scatter.add.f32 [tilespmem:s28], [sflag:$0x3], $0x80, s22, s1, $0xb8;
	[tilespmem:$0x1D000] =	vst v63  }
0x16d: {  	s22 =	smov.u32 s21  }
0x16e: {  	p0 =	sne.s32 s21, $0xFFFFFC00;
	s21 =	sadd.s32 $0x400, s21;
	_ =	swait.ge [sflag:s9], $0x2800  }
0x16f: {  	[sflag:s9] =	ssyncset.done $0x0  }
0x170: {  	[sflag:s9] =	ssyncadd.s32 $0xFFFFD800  }
0x171: {  	_ =	swait.ge [sflag:s10], $0x2800  }
0x172: {  	s22 =	sshra.s32 s22, $0x2;
	[sflag:s10] =	ssyncset.done $0x0  }
0x173: {  	s23 =	sadd.s32 $0x15C80, s22;
	[sflag:s10] =	ssyncadd.s32 $0xFFFFD800  }
0x174: {  	[tilespmem:s28], [sflag:$0x1] =	stream.indirect.gather [hbm4b:s2+s1], $0x80, s23, s1, $0xb8;
	[tilespmem:$0x1D000] =	vst v63  }
0x175: {  	s23 =	sadd.s32 $0x17C00, s22  }
0x176: {  	[spmem:s3] =	stream.indirect.scatter.add.f32 [tilespmem:s29], [sflag:$0x4], $0x80, s23, s1, $0xb8;
	[tilespmem:$0x1D000] =	vst v63  }
0x177: {  	_ =	swait.ge [sflag:s7], $0x2800  }
0x178: {  	[sflag:s7] =	ssyncset.done $0x0  }
0x179: {  	[sflag:s7] =	ssyncadd.s32 $0xFFFFD800  }
.Ltmp4:
0x17a: {  	_ =	swait.ge [sflag:s13], $0x2800;
	(pc) =	sbr.rel @p0 .LBB2_10-.Ltmp4, $4  }
0x17b: {  	[sflag:s13] =	ssyncset.done $0x0  }
0x17c: {  	s23 =	sadd.s32 $0x15D00, s22;
	[sflag:s13] =	ssyncadd.s32 $0xFFFFD800  }
0x17d: {  	[tilespmem:s29], [sflag:$0x2] =	stream.indirect.gather [hbm4b:s2+s1], $0x80, s23, s1, $0xb8;
	[tilespmem:$0x1D000] =	vst v63  }
0x17e: {  	s22 =	sadd.s32 $0x17C80, s22  }
0x17f: {  	[spmem:s3] =	stream.indirect.scatter.add.f32 [tilespmem:s28], [sflag:$0x3], $0x80, s22, s1, $0xb8;
	[tilespmem:$0x1D000] =	vst v63  }
0x180: {  	_ =	swait.ge [sflag:s31], $0xC80  }
0x181: {  	[sflag:s31] =	ssyncset.done $0x0  }
0x182: {  	[sflag:s31] =	ssyncadd.s32 $0xFFFFF380  }
0x183: {  	_ =	swait.ge [sflag:s31], $0xC80  }
0x184: {  	[sflag:s31] =	ssyncset.done $0x0  }
0x185: {  	[sflag:s31] =	ssyncadd.s32 $0xFFFFF380  }
0x186: {  	_ =	swait.ge [sflag:s9], $0x2800  }
0x187: {  	[sflag:s9] =	ssyncset.done $0x0  }
0x188: {  	[sflag:s9] =	ssyncadd.s32 $0xFFFFD800  }
0x189: {  	_ =	swait.ge [sflag:s10], $0x2800  }
0x18a: {  	[sflag:s10] =	ssyncset.done $0x0  }
0x18b: {  	[sflag:s10] =	ssyncadd.s32 $0xFFFFD800  }
0x18c: {  	[tilespmem:s28], [sflag:$0x1] =	stream.indirect.gather [hbm4b:s2+s1], $0x80, s25, s1, $0xb8;
	[tilespmem:$0x1D000] =	vst v63  }
0x18d: {  	_ = 	snop  }
0x18e: {  	[spmem:s3] =	stream.indirect.scatter.add.f32 [tilespmem:s29], [sflag:$0x4], $0x80, s18, s1, $0xb8;
	[tilespmem:$0x1D000] =	vst v63  }
0x18f: {  	_ =	swait.ge [sflag:s13], $0x2800  }
0x190: {  	[sflag:s13] =	ssyncset.done $0x0  }
0x191: {  	[sflag:s13] =	ssyncadd.s32 $0xFFFFD800  }
0x192: {  	_ =	swait.ge [sflag:s7], $0x2800  }
0x193: {  	[sflag:s7] =	ssyncset.done $0x0  }
0x194: {  	[sflag:s7] =	ssyncadd.s32 $0xFFFFD800  }
0x195: {  	[tilespmem:s29], [sflag:$0x2] =	stream.indirect.gather [hbm4b:s2+s1], $0x80, s8, s1, $0xb8;
	[tilespmem:$0x1D000] =	vst v63  }
0x196: {  	_ = 	snop  }
0x197: {  	[spmem:s3] =	stream.indirect.scatter.add.f32 [tilespmem:s28], [sflag:$0x3], $0x80, s26, s1, $0xb8;
	[tilespmem:$0x1D000] =	vst v63  }
0x198: {  	_ =	swait.ge [sflag:s9], $0x2800  }
0x199: {  	[sflag:s9] =	ssyncset.done $0x0  }
0x19a: {  	[sflag:s9] =	ssyncadd.s32 $0xFFFFD800  }
0x19b: {  	_ =	swait.ge [sflag:s10], $0x2800  }
0x19c: {  	[sflag:s10] =	ssyncset.done $0x0  }
0x19d: {  	[sflag:s10] =	ssyncadd.s32 $0xFFFFD800  }
0x19e: {  	[tilespmem:s28], [sflag:$0x1] =	stream.indirect.gather [hbm4b:s2+s1], $0x80, s11, s1, $0xb8;
	[tilespmem:$0x1D000] =	vst v63  }
0x19f: {  	_ = 	snop  }
0x1a0: {  	[spmem:s3] =	stream.indirect.scatter.add.f32 [tilespmem:s29], [sflag:$0x4], $0x80, s12, s1, $0xb8;
	[tilespmem:$0x1D000] =	vst v63  }
0x1a1: {  	_ =	swait.ge [sflag:s7], $0x2800  }
0x1a2: {  	[sflag:s7] =	ssyncset.done $0x0  }
0x1a3: {  	[sflag:s7] =	ssyncadd.s32 $0xFFFFD800  }
0x1a4: {  	_ =	swait.ge [sflag:s13], $0x2800  }
0x1a5: {  	[sflag:s13] =	ssyncset.done $0x0  }
0x1a6: {  	s21 =	simm.s32 $0x14180;
	[sflag:s13] =	ssyncadd.s32 $0xFFFFD800  }
0x1a7: {  	[tilespmem:s29], [sflag:$0x2] =	stream.indirect.gather [hbm4b:s2+s1], $0x80, s21, s1, $0xb8;
	[tilespmem:$0x1D000] =	vst v63  }
0x1a8: {  	s22 =	simm.s32 $0x16100  }
0x1a9: {  	[spmem:s3] =	stream.indirect.scatter.add.f32 [tilespmem:s28], [sflag:$0x3], $0x80, s22, s1, $0xb8;
	[tilespmem:$0x1D000] =	vst v63  }
0x1aa: {  	_ =	swait.ge [sflag:s9], $0x2800  }
0x1ab: {  	[sflag:s9] =	ssyncset.done $0x0  }
0x1ac: {  	[sflag:s9] =	ssyncadd.s32 $0xFFFFD800  }
0x1ad: {  	_ =	swait.ge [sflag:s10], $0x2800  }
0x1ae: {  	s23 =	simm.s32 $0x14200;
	[sflag:s10] =	ssyncset.done $0x0  }
0x1af: {  	s21 =	simm.s32 $0xFFFFD800;
	s22 =	simm.s32 $0x16180;
	[sflag:s10] =	ssyncadd.s32 $0xFFFFD800  }
0x1b0: {  	[tilespmem:s28], [sflag:$0x1] =	stream.indirect.gather [hbm4b:s2+s1], $0x80, s23, s1, $0xb8;
	[tilespmem:$0x1D000] =	vst v63  }
.LBB2_12:
0x1b1: {  	[spmem:s3] =	stream.indirect.scatter.add.f32 [tilespmem:s29], [sflag:$0x4], $0x80, s22, s1, $0xb8;
	[tilespmem:$0x1D000] =	vst v63  }
0x1b2: {  	s22 =	smov.u32 s21  }
0x1b3: {  	p0 =	sne.s32 s21, $0xFFFFFC00;
	s21 =	sadd.s32 $0x400, s21;
	_ =	swait.ge [sflag:s7], $0x2800  }
0x1b4: {  	[sflag:s7] =	ssyncset.done $0x0  }
0x1b5: {  	[sflag:s7] =	ssyncadd.s32 $0xFFFFD800  }
0x1b6: {  	_ =	swait.ge [sflag:s13], $0x2800  }
0x1b7: {  	s22 =	sshra.s32 s22, $0x2;
	[sflag:s13] =	ssyncset.done $0x0  }
0x1b8: {  	s23 =	sadd.s32 $0x14C80, s22;
	[sflag:s13] =	ssyncadd.s32 $0xFFFFD800  }
0x1b9: {  	[tilespmem:s29], [sflag:$0x2] =	stream.indirect.gather [hbm4b:s2+s1], $0x80, s23, s1, $0xb8;
	[tilespmem:$0x1D000] =	vst v63  }
0x1ba: {  	s23 =	sadd.s32 $0x16C00, s22  }
0x1bb: {  	[spmem:s3] =	stream.indirect.scatter.add.f32 [tilespmem:s28], [sflag:$0x3], $0x80, s23, s1, $0xb8;
	[tilespmem:$0x1D000] =	vst v63  }
0x1bc: {  	_ =	swait.ge [sflag:s9], $0x2800  }
0x1bd: {  	[sflag:s9] =	ssyncset.done $0x0  }
0x1be: {  	[sflag:s9] =	ssyncadd.s32 $0xFFFFD800  }
.Ltmp5:
0x1bf: {  	_ =	swait.ge [sflag:s10], $0x2800;
	(pc) =	sbr.rel @p0 .LBB2_12-.Ltmp5, $4  }
0x1c0: {  	[sflag:s10] =	ssyncset.done $0x0  }
0x1c1: {  	s23 =	sadd.s32 $0x14D00, s22;
	[sflag:s10] =	ssyncadd.s32 $0xFFFFD800  }
0x1c2: {  	[tilespmem:s28], [sflag:$0x1] =	stream.indirect.gather [hbm4b:s2+s1], $0x80, s23, s1, $0xb8;
	[tilespmem:$0x1D000] =	vst v63  }
0x1c3: {  	s22 =	sadd.s32 $0x16C80, s22  }
0x1c4: {  	[spmem:s3] =	stream.indirect.scatter.add.f32 [tilespmem:s29], [sflag:$0x4], $0x80, s22, s1, $0xb8;
	[tilespmem:$0x1D000] =	vst v63  }
0x1c5: {  	_ =	swait.ge [sflag:s7], $0x2800  }
0x1c6: {  	[sflag:s7] =	ssyncset.done $0x0  }
0x1c7: {  	[sflag:s7] =	ssyncadd.s32 $0xFFFFD800  }
0x1c8: {  	_ =	swait.ge [sflag:s13], $0x2800  }
0x1c9: {  	[sflag:s13] =	ssyncset.done $0x0  }
0x1ca: {  	[sflag:s13] =	ssyncadd.s32 $0xFFFFD800  }
0x1cb: {  	[spmem:s3] =	stream.indirect.scatter.add.f32 [tilespmem:s28], [sflag:$0x3], $0x80, s14, s1, $0xb8;
	[tilespmem:$0x1D000] =	vst v63  }
0x1cc: {  	_ =	swait.ge [sflag:s10], $0x2800  }
0x1cd: {  	s21 =	stileid.u32;
	[sflag:s10] =	ssyncset.done $0x0  }
0x1ce: {  	s22 =	sshrl.u32 s5, $0x3;
	s20 =	sadd.s32 $0x1, s20;
	[sflag:s10] =	ssyncadd.s32 $0xFFFFD800  }
0x1cf: {  	s21 =	sshll.u32 s21, $0x6;
	p0 =	sne.s32 s20, s24;
	[bflag:$0x0] =	sbarrier.arrive $0xFFFF  }
.Ltmp6:
0x1d0: {  	s21 =	sor.u32 $0x1C07, s21;
	s23 =	rddreg [dreg:$0x15];
	(pc) =	sbr.rel @p0 .LBB2_1-.Ltmp6, $4  }
0x1d1: {  	[hbm:s23], [sflag:s21] =	dma.local [spmem:s22], $0x2800  }
0x1d2: {  	_ =	swait.ge [sflag:s19], $0x2800  }
0x1d3: {  	[sflag:s19] =	ssyncset.done $0x0  }
0x1d4: {  	[sflag:s19] =	ssyncadd.s32 $0xFFFFD800  }
0x1d5: {  	_ =	sfence.sel $0x180000  }
0x1d6: {  	[bflag:$0x0] =	sbarrier.arrive $0xFFFF  }
0x1d7: {  	_ =	strace $0x9000004A  }
0x1d8: {  	s0 =	stileid.u32;
	[bflag:$0x2] =	sbarrier.arrive $0xFFFF  }
0x1d9: {  	p0 =	sne.s32 s0, $0x0;
	s0 =	rddreg [dreg:$0x3]  }
0x1da: {  	s0 =	sadd.s32 @!p0 $0x100000, s0  }
0x1db: {  	[sflag:s0] =	ssyncadd.tile.s32 @!p0 $0x1;
	_ =	shalt  }
.Lfunc_end2:
_tile_overlayer_lowered:
.L_overlay_start_2:
0x1dc: {  	(tag) =	ssettag $0x2  }
0x1dd: {  	s0 =	rddreg [dreg:$0x0];
	s2 =	stileid.u32  }
0x1de: {  	s1 =	rddreg [dreg:$0x1];
	p0 =	sne.s32 s2, $0x0  }
0x1df: {  	s3 =	rddreg [dreg:$0x2];
	[bflag:$0x3] =	sbarrier.arrive $0xFFFF;
	s2 =	simm.s32 @!p0 $0x1C07  }
0x1e0: {  	[timem:s3], [sflag:s2] =	dma.local @!p0 [hbm:s0], s1  }
0x1e1: {  	s0 =	simm.s32 @!p0 $0x7  }
0x1e2: {  	_ =	swait.ge @!p0 [sflag:s0], s1  }
0x1e3: {  	s1 =	ssub.s32 @!p0 $0x0, s1;
	[sflag:s0] =	ssyncset.done @!p0 $0x0  }
0x1e4: {  	[sflag:s0] =	ssyncadd.s32 @!p0 s1  }
0x1e5: {  	[bflag:$0x3] =	sbarrier.arrive $0xFFFF  }
0x1e6: {  	_ =	shalt  }

// kernel: kernel.8.cloned.1.call-start
scs
__scs_entry_jumppad:
0x0: {  	(pc) =	sbr.rel $0x88, $3  }
0x1: {  	(tag) =	ssettag $0x0;
	lr =	simm.s32 $0x1  }
0x2: {  	[smem:$0x3F95] =	sst lr;
	_ =	strace $0xD0000000  }
0x3: {  	_ = 	snop  }
0x4: {  	_ = 	snop  }
0x5: {  	_ = 	snop  }
0x6: {  	_ = 	snop  }
0x7: {  	_ = 	snop  }
__scs_overlays_trampoline_lowered:
0x8: {  	[smem:$0x3FA4] =	sst s0  }
0x9: {  	[smem:$0x3FA5] =	sst s1  }
0xa: {  	[smem:$0x3FA6] =	sst s2  }
0xb: {  	[smem:$0x3FA7] =	sst s3  }
0xc: {  	[smem:$0x3FA8] =	sst s4  }
0xd: {  	[smem:$0x3FA9] =	sst s5  }
0xe: {  	[smem:$0x3FAA] =	sst s6  }
0xf: {  	[smem:$0x3FAB] =	sst s7  }
0x10: {  	[smem:$0x3FAC] =	sst s8  }
0x11: {  	[smem:$0x3FAD] =	sst s9;
	s0 =	simm.s32 @!p0 $0x0  }
0x12: {  	s1 =	sld [smem:$0x3F93];
	s0 =	simm.s32 @p0 $0x1  }
0x13: {  	[smem:$0x3FAE] =	sst s0;
	s0 =	simm.s32 @!p1 $0x0  }
0x14: {  	s2 =	sld [smem:$0x3F92];
	s0 =	simm.s32 @p1 $0x1  }
0x15: {  	[smem:$0x3FAF] =	sst s0;
	s0 =	simm.s32 @!p2 $0x0  }
0x16: {  	s3 =	sld [smem:$0x3FDB];
	s0 =	simm.s32 @p2 $0x1  }
0x17: {  	s4 =	simm.s32 $0x1BF5;
	[smem:$0x3FB1] =	sst s0  }
0x18: {  	s0 =	sld [smem:$0x3F94];
	_ =	swait.ge [sflag:s4], $0x0  }
0x19: {  	s7 =	sld [smem:$0x3F95]  }
0x1a: {  	s8 =	sadd.s32 $0xFFFFE003, lr  }
0x1b: {  	s9 =	sadd.s32 $0xFFFFFEF7, lr;
	s5 =	simm.s32 $0xFFFFFFFF;
	p2 =	slt.u32 s8, $0xFFFFF086  }
0x1c: {  	p1 =	slt.u32 s9, $0xF7A;
	s5 =	simm.s32 @!p2 $0x0  }
0x1d: {  	s5 =	simm.s32 @p1 $0x1;
	p0 =	seq.s32 s7, s2  }
0x1e: {  	s7 =	smul.u32 @!p0 $0xF7A, s2;
	p2 =	seq.s32 @!p0 s5, $0x0  }
0x1f: {  	s9 =	smul.u32 $0xF7A, s1;
	s8 =	simm.s32 @!p0 $0x1BF5;
	p2 =	por !p2, p0  }
0x20: {  	[sflag:s8] =	ssyncset.s32 @!p0 $0xFFFFF086;
	s6 =	sadd.s32 @!p0 s3, s7;
	s7 =	simm.s32 @!p0 $0x108  }
0x21: {  	s3 =	sadd.s32 s3, s9;
	s6 =	sadd.s32 @!p0 $0x88, s6;
	s7 =	simm.s32 @p2 $0x1082  }
0x22: {  	[simem:s7], [sflag:s8] =	dma.local @!p0 [hbm:s6], $0xF7A  }
0x23: {  	s9 =	sor.u32 $0xD0000000, s2;
	s6 =	simm.s32 $0x108;
	_ =	swait.ge @!p0 [sflag:s8], $0x0  }
0x24: {  	s3 =	sadd.s32 $0x88, s3;
	s6 =	simm.s32 @!p1 $0x1082;
	[sflag:s4] =	ssyncset.s32 $0xFFFFF086  }
0x25: {  	[simem:s6], [sflag:s4] =	dma.local [hbm:s3], $0xF7A  }
0x26: {  	[smem:$0x3F95] =	sst s1;
	(tag) =	ssettag s2;
	_ =	strace s9  }
0x27: {  	s1 =	sld [smem:$0x3FA5]  }
0x28: {  	s2 =	sld [smem:$0x3FA6]  }
0x29: {  	s4 =	sld [smem:$0x3FA8]  }
0x2a: {  	p0 =	seq.s32 s5, $0x0;
	s5 =	sld [smem:$0x3FA9]  }
0x2b: {  	s6 =	sld [smem:$0x3FAA]  }
0x2c: {  	s7 =	sld [smem:$0x3FAB]  }
0x2d: {  	s3 =	simm.s32 $0x108;
	s8 =	sld [smem:$0x3FAC]  }
0x2e: {  	s3 =	simm.s32 @!p0 $0x1082;
	s9 =	sld [smem:$0x3FAD]  }
0x2f: {  	lr =	sadd.s32 s0, s3;
	s0 =	sld [smem:$0x3FA4]  }
0x30: {  	s3 =	sld [smem:$0x3FA7]  }
0x31: {  	[smem:$0x3FB0] =	sst s10  }
0x32: {  	s10 =	sld [smem:$0x3FAE];
	_ =	sdelay $0x3  }
0x33: {  	p0 =	seq.s32 s10, $0x1;
	s10 =	sld [smem:$0x3FB0];
	_ =	sdelay $0x3  }
0x34: {  	[smem:$0x3FB0] =	sst s10  }
0x35: {  	s10 =	sld [smem:$0x3FAF];
	_ =	sdelay $0x3  }
0x36: {  	p1 =	seq.s32 s10, $0x1;
	s10 =	sld [smem:$0x3FB0];
	_ =	sdelay $0x3  }
0x37: {  	[smem:$0x3FB0] =	sst s10  }
0x38: {  	s10 =	sld [smem:$0x3FB1]  }
0x39: {  	_ = 	snop;
	(pc) =	sbr.ind lr, $3  }
0x3a: {  	_ = 	snop  }
0x3b: {  	_ = 	snop  }
0x3c: {  	p2 =	seq.s32 s10, $0x1;
	s10 =	sld [smem:$0x3FB0]  }
0x3d: {  	_ =	shalt  }
0x3e: {  	_ =	shalt  }
0x3f: {  	_ =	shalt  }
0x40: {  	_ =	shalt  }
0x41: {  	_ =	shalt  }
0x42: {  	_ =	shalt  }
0x43: {  	_ =	shalt  }
0x44: {  	_ =	shalt  }
0x45: {  	_ =	shalt  }
0x46: {  	_ =	shalt  }
0x47: {  	_ =	shalt  }
0x48: {  	_ =	shalt  }
0x49: {  	_ =	shalt  }
0x4a: {  	_ =	shalt  }
0x4b: {  	_ =	shalt  }
0x4c: {  	_ =	shalt  }
0x4d: {  	_ =	shalt  }
0x4e: {  	_ =	shalt  }
0x4f: {  	_ =	shalt  }
0x50: {  	_ =	shalt  }
0x51: {  	_ =	shalt  }
0x52: {  	_ =	shalt  }
0x53: {  	_ =	shalt  }
0x54: {  	_ =	shalt  }
0x55: {  	_ =	shalt  }
0x56: {  	_ =	shalt  }
0x57: {  	_ =	shalt  }
0x58: {  	_ =	shalt  }
0x59: {  	_ =	shalt  }
0x5a: {  	_ =	shalt  }
0x5b: {  	_ =	shalt  }
0x5c: {  	_ =	shalt  }
0x5d: {  	_ =	shalt  }
0x5e: {  	_ =	shalt  }
0x5f: {  	_ =	shalt  }
0x60: {  	_ =	shalt  }
0x61: {  	_ =	shalt  }
0x62: {  	_ =	shalt  }
0x63: {  	_ =	shalt  }
0x64: {  	_ =	shalt  }
0x65: {  	_ =	shalt  }
0x66: {  	_ =	shalt  }
0x67: {  	_ =	shalt  }
0x68: {  	_ =	shalt  }
0x69: {  	_ =	shalt  }
0x6a: {  	_ =	shalt  }
0x6b: {  	_ =	shalt  }
0x6c: {  	_ =	shalt  }
0x6d: {  	_ =	shalt  }
0x6e: {  	_ =	shalt  }
0x6f: {  	_ =	shalt  }
0x70: {  	_ =	shalt  }
0x71: {  	_ =	shalt  }
0x72: {  	_ =	shalt  }
0x73: {  	_ =	shalt  }
0x74: {  	_ =	shalt  }
0x75: {  	_ =	shalt  }
0x76: {  	_ =	shalt  }
0x77: {  	_ =	shalt  }
0x78: {  	_ =	shalt  }
0x79: {  	_ =	shalt  }
0x7a: {  	_ =	shalt  }
0x7b: {  	_ =	shalt  }
0x7c: {  	_ =	shalt  }
0x7d: {  	_ =	shalt  }
0x7e: {  	_ =	shalt  }
0x7f: {  	_ =	shalt  }
0x80: {  	_ =	shalt  }
0x81: {  	_ =	shalt  }
0x82: {  	_ =	shalt  }
0x83: {  	_ =	shalt  }
0x84: {  	_ =	shalt  }
0x85: {  	_ =	shalt  }
0x86: {  	_ =	shalt  }
0x87: {  	_ =	shalt  }
.Lfunc_end0:
.L_simem_size_0:
called_computation_lowered:
.L_overlay_start_0:
0x88: {  	s2 =	sld [smem:$0x3FD9]  }
0x89: {  	s3 =	sld [smem:$0x3FFE];
	_ =	sdelay $0x1  }
0x8a: {  	s1 =	srdreg.scid  }
0x8b: {  	s0 =	sand.u32 $0x1, s1  }
0x8c: {  	s17 =	sshll.u32 s0, $0xA;
	s2 =	sadd.s32 s3, s2  }
0x8d: {  	s2 =	sadd.s32 s2, s17  }
0x8e: {  	[smem:$0x3FBC] =	sst s2  }
0x8f: {  	_ = 	snop  }
0x90: {  	s2 =	sld [smem:$0x3FC9]  }
0x91: {  	s18 =	sld [smem:$0x3FD0];
	(tm) =	ssettm $0x1  }
0x92: {  	s4 =	sld [smem:$0x3FFB];
	_ =	sdelay $0x3  }
0x93: {  	_ =	strace s4  }
0x94: {  	s4 =	sld [smem:$0x3FFC];
	_ =	sdelay $0x3  }
0x95: {  	_ =	strace s4  }
0x96: {  	s4 =	sld [smem:$0x3FFD];
	_ =	sdelay $0x3  }
0x97: {  	_ =	strace s4  }
0x98: {  	_ =	strace $0x8FFFFFFF  }
0x99: {  	s19 =	sld [smem:$0x3FDB];
	_ =	sdelay $0x1  }
0x9a: {  	s5 =	simm.s32 $_scs_section_size  }
0x9b: {  	s6 =	simm.s32 $_size__tile_overlayer_lowered;
	s7 =	simm.s32 $_tile_overlayer_lowered  }
0x9c: {  	s22 =	simm.s32 $0x1BFF;
	s21 =	sshll.u32 s7, $0x1;
	s4 =	sadd.s32 s5, s19  }
0x9d: {  	s8 =	simm.s32 $0x0;
	s20 =	sshll.u32 s6, $0x1;
	s6 =	sadd.s32 s21, s4  }
0x9e: {  	[timem:s8], [sflag:s22] =	dma.local [hbm:s6], s20  }
0x9f: {  	_ =	swait.ge [sflag:s22], s20  }
0xa0: {  	s5 =	ssub.s32 $0x0, s20;
	[sflag:s22] =	ssyncset.done $0x0  }
0xa1: {  	[sflag:s22] =	ssyncadd.s32 s5;
	_ =	sdelay $0x1  }
0xa2: {  	s23 =	simm.s32 $0x1B8B  }
0xa3: {  	_ =	swait.ge [sflag:s23], $0x1  }
0xa4: {  	[sflag:s23] =	ssyncset.done $0x0  }
0xa5: {  	s25 =	simm.s32 $0x1B8E;
	s24 =	sld [smem:$0x3FFE];
	[sflag:s23] =	ssyncadd.s32 $0xFFFFFFFF  }
0xa6: {  	s26 =	simm.s32 $execute0_lowered;
	[smem:$0x3FD2] =	sst s25  }
0xa7: {  	s6 =	sshll.u32 s26, $0x1;
	_ =	strace $0x80000046;
	[dreg:$0x1] =	wrdreg $0xFFFFFFFF  }
0xa8: {  	s28 =	simm.s32 $_size_execute0_lowered;
	s4 =	sadd.s32 s4, s6;
	[dreg:$0x0] =	wrdreg $0x0  }
0xa9: {  	s6 =	sshll.u32 s28, $0x1;
	[dreg:$0x2] =	wrdreg s4  }
0xaa: {  	[dreg:$0x3] =	wrdreg s6  }
0xab: {  	[dreg:$0x4] =	wrdreg $0xC0  }
0xac: {  	_ =	task [dreg:s8], $0x5FFFF  }
0xad: {  	[dreg:$0x1] =	wrdreg $0xFFFFFFFF  }
0xae: {  	[dreg:$0x0] =	wrdreg $0x60  }
0xaf: {  	[dreg:$0x2] =	wrdreg s24  }
0xb0: {  	[dreg:$0x3] =	wrdreg s2  }
0xb1: {  	[dreg:$0x4] =	wrdreg s18  }
0xb2: {  	[dreg:$0x5] =	wrdreg $0x0  }
0xb3: {  	[dreg:$0x6] =	wrdreg $0x9  }
0xb4: {  	_ =	task.clear_ibuf [dreg:s8], $0x7FFFF;
	_ =	strace $0x90000046  }
0xb5: {  	s29 =	simm.s32 $0x9;
	_ =	strace $0x80000048  }
0xb6: {  	_ =	swait.ge [sflag:s29], $0x1  }
0xb7: {  	[sflag:s29] =	ssyncadd.s32 $0xFFFFFFFF  }
0xb8: {  	_ =	strace $0x90000048  }
0xb9: {  	_ =	sfence  }
0xba: {  	s30 =	sld [smem:$0x0];
	_ =	sdelay $0x2  }
0xbb: {  	s31 =	sshll.u32 s1, $0xD;
	s1 =	sshrl.u32 s1, $0x2  }
0xbc: {  	s3 =	sand.u32 $0x4000, s31;
	s1 =	sadd.s32 s1, s30  }
0xbd: {  	s0 =	sor.u32 s3, s0;
	s1 =	sshll.u32 s1, $0x11  }
0xbe: {  	s0 =	sor.u32 s1, s0  }
0xbf: {  	s0 =	sadd.s32 $0x8F2B, s0  }
0xc0: {  	[sflag:s0] =	ssyncadd.remote.s32 $0x1  }
0xc1: {  	_ =	sfence.sel $0xFFFF  }
0xc2: {  	[dreg:$0x0] =	wrdreg $0xFFFFFFFF;
	(pc) =	sbr.abs _section_cstart, $3  }
0xc3: {  	[dreg:$0x1] =	wrdreg $0xFFFFFFFF  }
0xc4: {  	_ =	task.clear_ibuf [dreg:s8], $0x2FFFF;
	_ =	strace $0x9FFFFFFF  }
0xc5: {  	(tm) =	ssettm $0x7FFFFFFF  }
tec
execute0_lowered:
.L_overlay_start_1:
0x0: {  	(tag) =	ssettag $0x1  }
0x1: {  	s0 =	rddreg [dreg:$0x0];
	s2 =	srdreg.scid  }
0x2: {  	s10 =	stileid.u32;
	s1 =	rddreg [dreg:$0x1]  }
0x3: {  	s6 =	rddreg [dreg:$0x2];
	s2 =	sand.u32 $0x1, s2;
	s3 =	sshll.u32 s10, $0x1  }
0x4: {  	s4 =	simm.s32 $0x0;
	s28 =	simm.s32 $0x16000;
	s7 =	sor.u32 s2, s3  }
0x5: {  	s29 =	simm.s32 $0x18000;
	s30 =	simm.s32 $0x1A800;
	s5 =	smul.u32 $0x5000, s7  }
0x6: {  	s31 =	simm.s32 $0x6;
	[smem:$0x7FF] =	sst s4;
	s7 =	smul.u32 $0x500, s7  }
0x7: {  	s9 =	smul.u32 $0x14000, s10;
	s3 =	rddreg [dreg:$0x3];
	s5 =	sshrl.u32 s5, $0x3  }
0x8: {  	s8 =	smul.u32 $0x140000, s2;
	s6 =	sadd.s32 s6, s7;
	s11 =	sadd.s32 s5, s0  }
0x9: {  	_ =	strace $0x80000047;
	[dreg:$0x14] =	wrdreg s6;
	s26 =	sadd.s32 $0x2E00, s11  }
0xa: {  	s23 =	sadd.s32 s9, s8;
	s9 =	sadd.s32 $0x16E00, s11;
	[dreg:$0x5] =	wrdreg s26  }
0xb: {  	s10 =	smul.u32 $0x50000, s10;
	s18 =	sadd.s32 $0x3000, s11;
	[dreg:$0x6] =	wrdreg s9  }
0xc: {  	s2 =	ssub.s32 $0x2, s2;
	s19 =	sadd.s32 $0x17000, s11;
	[dreg:$0xe] =	wrdreg s18  }
0xd: {  	s24 =	sshrl.u32 s2, $0x1;
	s20 =	sadd.s32 $0x3200, s11;
	[dreg:$0xf] =	wrdreg s19  }
0xe: {  	s25 =	sshrl.u32 s10, $0x2;
	s21 =	sadd.s32 $0x17200, s11;
	[dreg:$0x10] =	wrdreg s20  }
0xf: {  	s2 =	ssub.s32 s2, s24;
	s22 =	sadd.s32 $0x3400, s11;
	[dreg:$0x11] =	wrdreg s21  }
0x10: {  	s5 =	sshrl.u32 s23, $0x3;
	s23 =	sadd.s32 $0x17400, s11;
	[dreg:$0x12] =	wrdreg s22  }
0x11: {  	s0 =	sadd.s32 s5, s0;
	s24 =	sadd.s32 $0x3600, s11;
	[dreg:$0x13] =	wrdreg s23  }
0x12: {  	s5 =	sadd.s32 s25, s3;
	s25 =	sadd.s32 $0x17600, s11;
	[dreg:$0x15] =	wrdreg s24  }
0x13: {  	s8 =	simm.s32 $0x1;
	s10 =	sadd.s32 $0x2800, s5;
	[dreg:$0x16] =	wrdreg s25  }
0x14: {  	s7 =	simm.s32 $0x17000;
	s12 =	sadd.s32 $0x5000, s5;
	[dreg:$0x7] =	wrdreg s10  }
0x15: {  	s6 =	simm.s32 $0x15000;
	s13 =	sadd.s32 $0x7800, s5;
	[dreg:$0x8] =	wrdreg s12  }
0x16: {  	s11 =	simm.s32 $0x2;
	s14 =	sadd.s32 $0xA000, s5;
	[dreg:$0x9] =	wrdreg s13  }
0x17: {  	s15 =	sadd.s32 $0xC800, s5;
	s16 =	sadd.s32 $0xF000, s5;
	[dreg:$0xa] =	wrdreg s14  }
0x18: {  	s17 =	sadd.s32 $0x11800, s5;
	s0 =	sadd.s32 $0x2AE00, s0;
	[dreg:$0xb] =	wrdreg s15  }
0x19: {  	s26 =	smax.u32 s2, $0x1;
	s2 =	simm.s32 $0x5;
	[dreg:$0xc] =	wrdreg s16  }
0x1a: {  	s9 =	simm.s32 $0x1D000;
	s18 =	simm.s32 $0x15100;
	[dreg:$0xd] =	wrdreg s17  }
0x1b: {  	s19 =	simm.s32 $0x17080;
	s20 =	simm.s32 $0x17C00;
	[dreg:$0x17] =	wrdreg s0  }
0x1c: {  	s21 =	simm.s32 $0x7;
	s22 =	simm.s32 $0x0;
	[dreg:$0x18] =	wrdreg s26  }
0x1d: {  	s26 =	simm.s32 $0x14000;
	s0 =	simm.s32 $0x50;
	s10 =	simm.s32 $0x14080  }
0x1e: {  	s12 =	simm.s32 $0x3;
	s13 =	simm.s32 $0x14100;
	s14 =	simm.s32 $0x16080  }
0x1f: {  	v0 =	vimm.f32 $0.0e+00;
	v1 =	vimm.f32 $1.000000000e+00;
	s15 =	simm.s32 $0x4;
	s16 =	simm.s32 $0x16C00;
	s17 =	simm.s32 $0x15080  }
.LBB2_1:
0x20: {  	s23 =	rddreg [dreg:$0x5]  }
0x21: {  	[tilespmem:s26], [sflag:$0x5] =	stream.linear.gather [hbm4b:s23+s4], $0xC80, $0x38;
	[tilespmem:$0x1F800] =	vst v63  }
0x22: {  	s25 =	rddreg [dreg:$0x6];
	s24 =	simm.s32 $0x200;
	s23 =	simm.s32 $0x0  }
0x23: {  	[tilespmem:s28], [sflag:$0x5] =	stream.linear.gather [hbm4b:s25+s4], $0xC80, $0x38;
	[tilespmem:$0x1F800] =	vst v63  }
.LBB2_2:
0x24: {  	p0 =	sne.s32 s24, $0x9E00;
	[tilespmem:s23+$0x1A870] =	vst v0  }
0x25: {  	[tilespmem:s23+$0x18000] =	vst v0  }
0x26: {  	[tilespmem:s23+$0x1A800] =	vst v0  }
0x27: {  	[tilespmem:s23+$0x18010] =	vst v0  }
0x28: {  	[tilespmem:s23+$0x1A810] =	vst v0  }
0x29: {  	[tilespmem:s23+$0x18020] =	vst v0  }
0x2a: {  	[tilespmem:s23+$0x1A820] =	vst v0  }
0x2b: {  	[tilespmem:s23+$0x18030] =	vst v0  }
0x2c: {  	[tilespmem:s23+$0x1A830] =	vst v0  }
0x2d: {  	[tilespmem:s23+$0x18040] =	vst v0  }
0x2e: {  	[tilespmem:s23+$0x1A840] =	vst v0  }
.Ltmp0:
0x2f: {  	[tilespmem:s23+$0x18050] =	vst v0;
	(pc) =	sbr.rel @p0 .LBB2_2-.Ltmp0, $4  }
0x30: {  	[tilespmem:s23+$0x1A850] =	vst v0  }
0x31: {  	[tilespmem:s23+$0x18060] =	vst v0  }
0x32: {  	[tilespmem:s23+$0x1A860] =	vst v0  }
0x33: {  	[tilespmem:s23+$0x18070] =	vst v0;
	s23 =	sshra.s32 s24, $0x2;
	s24 =	sadd.s32 $0x200, s24  }
0x34: {  	[tilespmem:s23+$0x1A870] =	vst v0  }
0x35: {  	[tilespmem:s23+$0x18000] =	vst v0  }
0x36: {  	[tilespmem:s23+$0x1A800] =	vst v0  }
0x37: {  	[tilespmem:s23+$0x18010] =	vst v0  }
0x38: {  	[tilespmem:s23+$0x1A810] =	vst v0  }
0x39: {  	[tilespmem:s23+$0x18020] =	vst v0  }
0x3a: {  	[tilespmem:s23+$0x1A820] =	vst v0  }
0x3b: {  	[tilespmem:s23+$0x18030] =	vst v0  }
0x3c: {  	[tilespmem:s23+$0x1A830] =	vst v0  }
0x3d: {  	[tilespmem:s23+$0x18040] =	vst v0  }
0x3e: {  	[tilespmem:s23+$0x1A840] =	vst v0  }
0x3f: {  	[tilespmem:s23+$0x18050] =	vst v0  }
0x40: {  	[tilespmem:s23+$0x1A850] =	vst v0  }
0x41: {  	[tilespmem:s23+$0x18060] =	vst v0  }
0x42: {  	[tilespmem:s23+$0x1A860] =	vst v0  }
0x43: {  	[tilespmem:s23+$0x18070] =	vst v0  }
0x44: {  	[spmem:s5] =	stream.linear.scatter [tilespmem:s29], [sflag:$0x6], $0x2800, $0x38;
	[tilespmem:$0x1F800] =	vst v63  }
0x45: {  	s25 =	rddreg [dreg:$0x7]  }
0x46: {  	[spmem:s25] =	stream.linear.scatter [tilespmem:s30], [sflag:$0x6], $0x2800, $0x38;
	[tilespmem:$0x1F800] =	vst v63  }
0x47: {  	s24 =	rddreg [dreg:$0x8]  }
0x48: {  	[spmem:s24] =	stream.linear.scatter [tilespmem:s29], [sflag:$0x6], $0x2800, $0x38;
	[tilespmem:$0x1F800] =	vst v63  }
0x49: {  	s25 =	rddreg [dreg:$0x9]  }
0x4a: {  	[spmem:s25] =	stream.linear.scatter [tilespmem:s30], [sflag:$0x6], $0x2800, $0x38;
	[tilespmem:$0x1F800] =	vst v63  }
0x4b: {  	s24 =	rddreg [dreg:$0xa]  }
0x4c: {  	[spmem:s24] =	stream.linear.scatter [tilespmem:s29], [sflag:$0x6], $0x2800, $0x38;
	[tilespmem:$0x1F800] =	vst v63  }
0x4d: {  	s25 =	rddreg [dreg:$0xb]  }
0x4e: {  	[spmem:s25] =	stream.linear.scatter [tilespmem:s30], [sflag:$0x6], $0x2800, $0x38;
	[tilespmem:$0x1F800] =	vst v63  }
0x4f: {  	s24 =	rddreg [dreg:$0xc]  }
0x50: {  	[spmem:s24] =	stream.linear.scatter [tilespmem:s29], [sflag:$0x6], $0x2800, $0x38;
	[tilespmem:$0x1F800] =	vst v63  }
0x51: {  	s23 =	simm.s32 $0x40;
	s25 =	rddreg [dreg:$0xd];
	s24 =	simm.s32 $0x0  }
0x52: {  	[spmem:s25] =	stream.linear.scatter [tilespmem:s30], [sflag:$0x6], $0x2800, $0x38;
	[tilespmem:$0x1F800] =	vst v63  }
.LBB2_4:
0x53: {  	p0 =	sne.s32 s23, $0x9FC0;
	[tilespmem:s24+$0x1D000] =	vst v0;
	s24 =	smov.u32 s23;
	s23 =	sadd.s32 $0x40, s23  }
.Ltmp1:
0x54: {  	(pc) =	sbr.rel @p0 .LBB2_4-.Ltmp1, $2  }
0x55: {  	_ =	sdelay $0x2  }
0x56: {  	s24 =	sshra.s32 s24, $0x2  }
0x57: {  	[tilespmem:s24+$0x1D000] =	vst v0  }
0x58: {  	_ =	swait.ge [sflag:s31], $0x2800  }
0x59: {  	[sflag:s31] =	ssyncset.done $0x0  }
0x5a: {  	[sflag:s31] =	ssyncadd.s32 $0xFFFFD800  }
0x5b: {  	_ =	swait.ge [sflag:s31], $0x2800  }
0x5c: {  	[sflag:s31] =	ssyncset.done $0x0  }
0x5d: {  	[sflag:s31] =	ssyncadd.s32 $0xFFFFD800  }
0x5e: {  	_ =	swait.ge [sflag:s31], $0x2800  }
0x5f: {  	[sflag:s31] =	ssyncset.done $0x0  }
0x60: {  	[sflag:s31] =	ssyncadd.s32 $0xFFFFD800  }
0x61: {  	_ =	swait.ge [sflag:s31], $0x2800  }
0x62: {  	[sflag:s31] =	ssyncset.done $0x0  }
0x63: {  	[sflag:s31] =	ssyncadd.s32 $0xFFFFD800  }
0x64: {  	_ =	swait.ge [sflag:s31], $0x2800  }
0x65: {  	[sflag:s31] =	ssyncset.done $0x0  }
0x66: {  	[sflag:s31] =	ssyncadd.s32 $0xFFFFD800  }
0x67: {  	_ =	swait.ge [sflag:s31], $0x2800  }
0x68: {  	[sflag:s31] =	ssyncset.done $0x0  }
0x69: {  	[sflag:s31] =	ssyncadd.s32 $0xFFFFD800  }
0x6a: {  	_ =	swait.ge [sflag:s31], $0x2800  }
0x6b: {  	[sflag:s31] =	ssyncset.done $0x0  }
0x6c: {  	[sflag:s31] =	ssyncadd.s32 $0xFFFFD800  }
0x6d: {  	_ =	swait.ge [sflag:s31], $0x2800  }
0x6e: {  	[sflag:s31] =	ssyncset.done $0x0  }
0x6f: {  	[sflag:s31] =	ssyncadd.s32 $0xFFFFD800  }
0x70: {  	_ =	swait.ge [sflag:s2], $0xC80  }
0x71: {  	[sflag:s2] =	ssyncset.done $0x0  }
0x72: {  	[sflag:s2] =	ssyncadd.s32 $0xFFFFF380  }
0x73: {  	_ =	swait.ge [sflag:s2], $0xC80  }
0x74: {  	[sflag:s2] =	ssyncset.done $0x0  }
0x75: {  	[sflag:s2] =	ssyncadd.s32 $0xFFFFF380  }
0x76: {  	[tilespmem:s29], [sflag:$0x1] =	stream.indirect.gather [hbm4b:s1+s0], $0x80, s26, s0, $0xb8;
	[tilespmem:$0x1F800] =	vst v63  }
0x77: {  	[bflag:$0x0] =	sbarrier.arrive $0xFFFF  }
0x78: {  	s23 =	simm.s32 $0x0;
	s25 =	rddreg [dreg:$0xe]  }
0x79: {  	[tilespmem:s6], [sflag:$0x5] =	stream.linear.gather [hbm4b:s25+s23], $0xC80, $0x38;
	[tilespmem:$0x1F800] =	vst v63  }
0x7a: {  	s25 =	rddreg [dreg:$0xf]  }
0x7b: {  	[tilespmem:s7], [sflag:$0x5] =	stream.linear.gather [hbm4b:s25+s23], $0xC80, $0x38;
	[tilespmem:$0x1F800] =	vst v63  }
0x7c: {  	_ =	swait.ge [sflag:s8], $0x2800  }
0x7d: {  	[sflag:s8] =	ssyncset.done $0x0  }
0x7e: {  	[sflag:s8] =	ssyncadd.s32 $0xFFFFD800  }
0x7f: {  	v2 =	vld [tilespmem:$0x16000];
	_ =	sdelay $0x7  }
0x80: {  	[tilespmem:v2+s9+$0x0] =	vst.idx.add.f32.msk $0xffff, v1  }
0x81: {  	v2 =	vld [tilespmem:$0x16010];
	_ =	sdelay $0x7  }
0x82: {  	[tilespmem:v2+s9+$0x0] =	vst.idx.add.f32.msk $0xffff, v1  }
0x83: {  	v2 =	vld [tilespmem:$0x16020];
	_ =	sdelay $0x7  }
0x84: {  	[tilespmem:v2+s9+$0x0] =	vst.idx.add.f32.msk $0xffff, v1  }
0x85: {  	v2 =	vld [tilespmem:$0x16030];
	_ =	sdelay $0x7  }
0x86: {  	[tilespmem:v2+s9+$0x0] =	vst.idx.add.f32.msk $0xffff, v1  }
0x87: {  	v2 =	vld [tilespmem:$0x16040];
	_ =	sdelay $0x7  }
0x88: {  	[tilespmem:v2+s9+$0x0] =	vst.idx.add.f32.msk $0xffff, v1  }
0x89: {  	[tilespmem:s30], [sflag:$0x2] =	stream.indirect.gather [hbm4b:s1+s0], $0x80, s10, s0, $0xb8;
	[tilespmem:$0x1F800] =	vst v63  }
0x8a: {  	_ = 	snop  }
0x8b: {  	[spmem:s3] =	stream.indirect.scatter.add.f32 [tilespmem:s29], [sflag:$0x3], $0x80, s28, s0, $0xb8;
	[tilespmem:$0x1F800] =	vst v63  }
0x8c: {  	_ =	swait.ge [sflag:s11], $0x2800  }
0x8d: {  	[sflag:s11] =	ssyncset.done $0x0  }
0x8e: {  	[sflag:s11] =	ssyncadd.s32 $0xFFFFD800  }
0x8f: {  	v2 =	vld [tilespmem:$0x16080];
	_ =	sdelay $0x7  }
0x90: {  	[tilespmem:v2+s9+$0x0] =	vst.idx.add.f32.msk $0xffff, v1  }
0x91: {  	v2 =	vld [tilespmem:$0x16090];
	_ =	sdelay $0x7  }
0x92: {  	[tilespmem:v2+s9+$0x0] =	vst.idx.add.f32.msk $0xffff, v1  }
0x93: {  	v2 =	vld [tilespmem:$0x160A0];
	_ =	sdelay $0x7  }
0x94: {  	[tilespmem:v2+s9+$0x0] =	vst.idx.add.f32.msk $0xffff, v1  }
0x95: {  	v2 =	vld [tilespmem:$0x160B0];
	_ =	sdelay $0x7  }
0x96: {  	[tilespmem:v2+s9+$0x0] =	vst.idx.add.f32.msk $0xffff, v1  }
0x97: {  	v2 =	vld [tilespmem:$0x160C0];
	_ =	sdelay $0x7  }
0x98: {  	[tilespmem:v2+s9+$0x0] =	vst.idx.add.f32.msk $0xffff, v1  }
0x99: {  	_ =	swait.ge [sflag:s12], $0x2800  }
0x9a: {  	[sflag:s12] =	ssyncset.done $0x0  }
0x9b: {  	[sflag:s12] =	ssyncadd.s32 $0xFFFFD800  }
0x9c: {  	[tilespmem:s29], [sflag:$0x1] =	stream.indirect.gather [hbm4b:s1+s0], $0x80, s13, s0, $0xb8;
	[tilespmem:$0x1F800] =	vst v63  }
0x9d: {  	_ = 	snop  }
0x9e: {  	[spmem:s3] =	stream.indirect.scatter.add.f32 [tilespmem:s30], [sflag:$0x4], $0x80, s14, s0, $0xb8;
	[tilespmem:$0x1F800] =	vst v63  }
.LBB2_6:
0x9f: {  	_ =	swait.ge [sflag:s8], $0x2800  }
0xa0: {  	[sflag:s8] =	ssyncset.done $0x0  }
0xa1: {  	s24 =	sshra.s32 s23, $0x2;
	[sflag:s8] =	ssyncadd.s32 $0xFFFFD800  }
0xa2: {  	v2 =	vld [tilespmem:s24+$0x16100];
	_ =	sdelay $0x7  }
0xa3: {  	[tilespmem:v2+s9+$0x0] =	vst.idx.add.f32.msk $0xffff, v1  }
0xa4: {  	v2 =	vld [tilespmem:s24+$0x16110];
	_ =	sdelay $0x7  }
0xa5: {  	[tilespmem:v2+s9+$0x0] =	vst.idx.add.f32.msk $0xffff, v1  }
0xa6: {  	v2 =	vld [tilespmem:s24+$0x16120];
	_ =	sdelay $0x7  }
0xa7: {  	[tilespmem:v2+s9+$0x0] =	vst.idx.add.f32.msk $0xffff, v1  }
0xa8: {  	v2 =	vld [tilespmem:s24+$0x16130];
	_ =	sdelay $0x7  }
0xa9: {  	[tilespmem:v2+s9+$0x0] =	vst.idx.add.f32.msk $0xffff, v1  }
0xaa: {  	v2 =	vld [tilespmem:s24+$0x16140];
	_ =	sdelay $0x7  }
0xab: {  	[tilespmem:v2+s9+$0x0] =	vst.idx.add.f32.msk $0xffff, v1  }
0xac: {  	_ =	swait.ge [sflag:s15], $0x2800  }
0xad: {  	[sflag:s15] =	ssyncset.done $0x0  }
0xae: {  	s25 =	sadd.s32 $0x14180, s24;
	[sflag:s15] =	ssyncadd.s32 $0xFFFFD800  }
0xaf: {  	[tilespmem:s30], [sflag:$0x2] =	stream.indirect.gather [hbm4b:s1+s0], $0x80, s25, s0, $0xb8;
	[tilespmem:$0x1F800] =	vst v63  }
0xb0: {  	s25 =	sadd.s32 $0x16100, s24  }
0xb1: {  	[spmem:s3] =	stream.indirect.scatter.add.f32 [tilespmem:s29], [sflag:$0x3], $0x80, s25, s0, $0xb8;
	[tilespmem:$0x1F800] =	vst v63  }
0xb2: {  	_ =	swait.ge [sflag:s11], $0x2800  }
0xb3: {  	[sflag:s11] =	ssyncset.done $0x0  }
0xb4: {  	[sflag:s11] =	ssyncadd.s32 $0xFFFFD800  }
0xb5: {  	v2 =	vld [tilespmem:s24+$0x16180];
	_ =	sdelay $0x7  }
0xb6: {  	[tilespmem:v2+s9+$0x0] =	vst.idx.add.f32.msk $0xffff, v1  }
0xb7: {  	v2 =	vld [tilespmem:s24+$0x16190];
	_ =	sdelay $0x7  }
0xb8: {  	[tilespmem:v2+s9+$0x0] =	vst.idx.add.f32.msk $0xffff, v1  }
0xb9: {  	v2 =	vld [tilespmem:s24+$0x161A0];
	_ =	sdelay $0x7  }
0xba: {  	[tilespmem:v2+s9+$0x0] =	vst.idx.add.f32.msk $0xffff, v1  }
0xbb: {  	v2 =	vld [tilespmem:s24+$0x161B0];
	_ =	sdelay $0x7  }
0xbc: {  	[tilespmem:v2+s9+$0x0] =	vst.idx.add.f32.msk $0xffff, v1  }
0xbd: {  	v2 =	vld [tilespmem:s24+$0x161C0];
	_ =	sdelay $0x7  }
0xbe: {  	[tilespmem:v2+s9+$0x0] =	vst.idx.add.f32.msk $0xffff, v1  }
0xbf: {  	p0 =	sne.s32 s23, $0x2800;
	_ =	swait.ge [sflag:s12], $0x2800  }
.Ltmp2:
0xc0: {  	[sflag:s12] =	ssyncset.done $0x0;
	(pc) =	sbr.rel @p0 .LBB2_6-.Ltmp2, $4  }
0xc1: {  	s25 =	sadd.s32 $0x14200, s24;
	[sflag:s12] =	ssyncadd.s32 $0xFFFFD800  }
0xc2: {  	[tilespmem:s29], [sflag:$0x1] =	stream.indirect.gather [hbm4b:s1+s0], $0x80, s25, s0, $0xb8;
	[tilespmem:$0x1F800] =	vst v63  }
0xc3: {  	s23 =	sadd.s32 $0x400, s23;
	s24 =	sadd.s32 $0x16180, s24  }
0xc4: {  	[spmem:s3] =	stream.indirect.scatter.add.f32 [tilespmem:s30], [sflag:$0x4], $0x80, s24, s0, $0xb8;
	[tilespmem:$0x1F800] =	vst v63  }
0xc5: {  	_ =	swait.ge [sflag:s2], $0xC80  }
0xc6: {  	[sflag:s2] =	ssyncset.done $0x0  }
0xc7: {  	[sflag:s2] =	ssyncadd.s32 $0xFFFFF380  }
0xc8: {  	_ =	swait.ge [sflag:s2], $0xC80  }
0xc9: {  	[sflag:s2] =	ssyncset.done $0x0  }
0xca: {  	[sflag:s2] =	ssyncadd.s32 $0xFFFFF380  }
0xcb: {  	_ =	swait.ge [sflag:s8], $0x2800  }
0xcc: {  	[sflag:s8] =	ssyncset.done $0x0  }
0xcd: {  	[sflag:s8] =	ssyncadd.s32 $0xFFFFD800  }
0xce: {  	v2 =	vld [tilespmem:$0x16C00];
	_ =	sdelay $0x7  }
0xcf: {  	[tilespmem:v2+s9+$0x0] =	vst.idx.add.f32.msk $0xffff, v1  }
0xd0: {  	v2 =	vld [tilespmem:$0x16C10];
	_ =	sdelay $0x7  }
0xd1: {  	[tilespmem:v2+s9+$0x0] =	vst.idx.add.f32.msk $0xffff, v1  }
0xd2: {  	v2 =	vld [tilespmem:$0x16C20];
	_ =	sdelay $0x7  }
0xd3: {  	[tilespmem:v2+s9+$0x0] =	vst.idx.add.f32.msk $0xffff, v1  }
0xd4: {  	v2 =	vld [tilespmem:$0x16C30];
	_ =	sdelay $0x7  }
0xd5: {  	[tilespmem:v2+s9+$0x0] =	vst.idx.add.f32.msk $0xffff, v1  }
0xd6: {  	v2 =	vld [tilespmem:$0x16C40];
	_ =	sdelay $0x7  }
0xd7: {  	[tilespmem:v2+s9+$0x0] =	vst.idx.add.f32.msk $0xffff, v1  }
0xd8: {  	_ =	swait.ge [sflag:s15], $0x2800  }
0xd9: {  	[sflag:s15] =	ssyncset.done $0x0  }
0xda: {  	[sflag:s15] =	ssyncadd.s32 $0xFFFFD800  }
0xdb: {  	[tilespmem:s30], [sflag:$0x2] =	stream.indirect.gather [hbm4b:s1+s0], $0x80, s6, s0, $0xb8;
	[tilespmem:$0x1F800] =	vst v63  }
0xdc: {  	_ = 	snop  }
0xdd: {  	[spmem:s3] =	stream.indirect.scatter.add.f32 [tilespmem:s29], [sflag:$0x3], $0x80, s16, s0, $0xb8;
	[tilespmem:$0x1F800] =	vst v63  }
0xde: {  	_ =	swait.ge [sflag:s12], $0x2800  }
0xdf: {  	[sflag:s12] =	ssyncset.done $0x0  }
0xe0: {  	s23 =	simm.s32 $0x0;
	s24 =	rddreg [dreg:$0x10];
	[sflag:s12] =	ssyncadd.s32 $0xFFFFD800  }
0xe1: {  	[tilespmem:s26], [sflag:$0x5] =	stream.linear.gather [hbm4b:s24+s23], $0xC80, $0x38;
	[tilespmem:$0x1F800] =	vst v63  }
0xe2: {  	s25 =	rddreg [dreg:$0x11]  }
0xe3: {  	[tilespmem:s28], [sflag:$0x5] =	stream.linear.gather [hbm4b:s25+s23], $0xC80, $0x38;
	[tilespmem:$0x1F800] =	vst v63  }
0xe4: {  	_ =	swait.ge [sflag:s11], $0x2800  }
0xe5: {  	[sflag:s11] =	ssyncset.done $0x0  }
0xe6: {  	[sflag:s11] =	ssyncadd.s32 $0xFFFFD800  }
0xe7: {  	v2 =	vld [tilespmem:$0x17000];
	_ =	sdelay $0x7  }
0xe8: {  	[tilespmem:v2+s9+$0x0] =	vst.idx.add.f32.msk $0xffff, v1  }
0xe9: {  	v2 =	vld [tilespmem:$0x17010];
	_ =	sdelay $0x7  }
0xea: {  	[tilespmem:v2+s9+$0x0] =	vst.idx.add.f32.msk $0xffff, v1  }
0xeb: {  	v2 =	vld [tilespmem:$0x17020];
	_ =	sdelay $0x7  }
0xec: {  	[tilespmem:v2+s9+$0x0] =	vst.idx.add.f32.msk $0xffff, v1  }
0xed: {  	v2 =	vld [tilespmem:$0x17030];
	_ =	sdelay $0x7  }
0xee: {  	[tilespmem:v2+s9+$0x0] =	vst.idx.add.f32.msk $0xffff, v1  }
0xef: {  	v2 =	vld [tilespmem:$0x17040];
	_ =	sdelay $0x7  }
0xf0: {  	[tilespmem:v2+s9+$0x0] =	vst.idx.add.f32.msk $0xffff, v1  }
0xf1: {  	[tilespmem:s29], [sflag:$0x1] =	stream.indirect.gather [hbm4b:s1+s0], $0x80, s17, s0, $0xb8;
	[tilespmem:$0x1F800] =	vst v63  }
0xf2: {  	_ = 	snop  }
0xf3: {  	[spmem:s3] =	stream.indirect.scatter.add.f32 [tilespmem:s30], [sflag:$0x4], $0x80, s7, s0, $0xb8;
	[tilespmem:$0x1F800] =	vst v63  }
0xf4: {  	_ =	swait.ge [sflag:s8], $0x2800  }
0xf5: {  	[sflag:s8] =	ssyncset.done $0x0  }
0xf6: {  	[sflag:s8] =	ssyncadd.s32 $0xFFFFD800  }
0xf7: {  	v2 =	vld [tilespmem:$0x17080];
	_ =	sdelay $0x7  }
0xf8: {  	[tilespmem:v2+s9+$0x0] =	vst.idx.add.f32.msk $0xffff, v1  }
0xf9: {  	v2 =	vld [tilespmem:$0x17090];
	_ =	sdelay $0x7  }
0xfa: {  	[tilespmem:v2+s9+$0x0] =	vst.idx.add.f32.msk $0xffff, v1  }
0xfb: {  	v2 =	vld [tilespmem:$0x170A0];
	_ =	sdelay $0x7  }
0xfc: {  	[tilespmem:v2+s9+$0x0] =	vst.idx.add.f32.msk $0xffff, v1  }
0xfd: {  	v2 =	vld [tilespmem:$0x170B0];
	_ =	sdelay $0x7  }
0xfe: {  	[tilespmem:v2+s9+$0x0] =	vst.idx.add.f32.msk $0xffff, v1  }
0xff: {  	v2 =	vld [tilespmem:$0x170C0];
	_ =	sdelay $0x7  }
0x100: {  	[tilespmem:v2+s9+$0x0] =	vst.idx.add.f32.msk $0xffff, v1  }
0x101: {  	_ =	swait.ge [sflag:s15], $0x2800  }
0x102: {  	[sflag:s15] =	ssyncset.done $0x0  }
0x103: {  	[sflag:s15] =	ssyncadd.s32 $0xFFFFD800  }
0x104: {  	[tilespmem:s30], [sflag:$0x2] =	stream.indirect.gather [hbm4b:s1+s0], $0x80, s18, s0, $0xb8;
	[tilespmem:$0x1F800] =	vst v63  }
0x105: {  	_ = 	snop  }
0x106: {  	[spmem:s3] =	stream.indirect.scatter.add.f32 [tilespmem:s29], [sflag:$0x3], $0x80, s19, s0, $0xb8;
	[tilespmem:$0x1F800] =	vst v63  }
.LBB2_8:
0x107: {  	_ =	swait.ge [sflag:s11], $0x2800  }
0x108: {  	[sflag:s11] =	ssyncset.done $0x0  }
0x109: {  	s24 =	sshra.s32 s23, $0x2;
	[sflag:s11] =	ssyncadd.s32 $0xFFFFD800  }
0x10a: {  	v2 =	vld [tilespmem:s24+$0x17100];
	_ =	sdelay $0x7  }
0x10b: {  	[tilespmem:v2+s9+$0x0] =	vst.idx.add.f32.msk $0xffff, v1  }
0x10c: {  	v2 =	vld [tilespmem:s24+$0x17110];
	_ =	sdelay $0x7  }
0x10d: {  	[tilespmem:v2+s9+$0x0] =	vst.idx.add.f32.msk $0xffff, v1  }
0x10e: {  	v2 =	vld [tilespmem:s24+$0x17120];
	_ =	sdelay $0x7  }
0x10f: {  	[tilespmem:v2+s9+$0x0] =	vst.idx.add.f32.msk $0xffff, v1  }
0x110: {  	v2 =	vld [tilespmem:s24+$0x17130];
	_ =	sdelay $0x7  }
0x111: {  	[tilespmem:v2+s9+$0x0] =	vst.idx.add.f32.msk $0xffff, v1  }
0x112: {  	v2 =	vld [tilespmem:s24+$0x17140];
	_ =	sdelay $0x7  }
0x113: {  	[tilespmem:v2+s9+$0x0] =	vst.idx.add.f32.msk $0xffff, v1  }
0x114: {  	_ =	swait.ge [sflag:s12], $0x2800  }
0x115: {  	[sflag:s12] =	ssyncset.done $0x0  }
0x116: {  	s25 =	sadd.s32 $0x15180, s24;
	[sflag:s12] =	ssyncadd.s32 $0xFFFFD800  }
0x117: {  	[tilespmem:s29], [sflag:$0x1] =	stream.indirect.gather [hbm4b:s1+s0], $0x80, s25, s0, $0xb8;
	[tilespmem:$0x1F800] =	vst v63  }
0x118: {  	s25 =	sadd.s32 $0x17100, s24  }
0x119: {  	[spmem:s3] =	stream.indirect.scatter.add.f32 [tilespmem:s30], [sflag:$0x4], $0x80, s25, s0, $0xb8;
	[tilespmem:$0x1F800] =	vst v63  }
0x11a: {  	_ =	swait.ge [sflag:s8], $0x2800  }
0x11b: {  	[sflag:s8] =	ssyncset.done $0x0  }
0x11c: {  	[sflag:s8] =	ssyncadd.s32 $0xFFFFD800  }
0x11d: {  	v2 =	vld [tilespmem:s24+$0x17180];
	_ =	sdelay $0x7  }
0x11e: {  	[tilespmem:v2+s9+$0x0] =	vst.idx.add.f32.msk $0xffff, v1  }
0x11f: {  	v2 =	vld [tilespmem:s24+$0x17190];
	_ =	sdelay $0x7  }
0x120: {  	[tilespmem:v2+s9+$0x0] =	vst.idx.add.f32.msk $0xffff, v1  }
0x121: {  	v2 =	vld [tilespmem:s24+$0x171A0];
	_ =	sdelay $0x7  }
0x122: {  	[tilespmem:v2+s9+$0x0] =	vst.idx.add.f32.msk $0xffff, v1  }
0x123: {  	v2 =	vld [tilespmem:s24+$0x171B0];
	_ =	sdelay $0x7  }
0x124: {  	[tilespmem:v2+s9+$0x0] =	vst.idx.add.f32.msk $0xffff, v1  }
0x125: {  	v2 =	vld [tilespmem:s24+$0x171C0];
	_ =	sdelay $0x7  }
0x126: {  	[tilespmem:v2+s9+$0x0] =	vst.idx.add.f32.msk $0xffff, v1  }
0x127: {  	p0 =	sne.s32 s23, $0x2800;
	_ =	swait.ge [sflag:s15], $0x2800  }
.Ltmp3:
0x128: {  	[sflag:s15] =	ssyncset.done $0x0;
	(pc) =	sbr.rel @p0 .LBB2_8-.Ltmp3, $4  }
0x129: {  	s25 =	sadd.s32 $0x15200, s24;
	[sflag:s15] =	ssyncadd.s32 $0xFFFFD800  }
0x12a: {  	[tilespmem:s30], [sflag:$0x2] =	stream.indirect.gather [hbm4b:s1+s0], $0x80, s25, s0, $0xb8;
	[tilespmem:$0x1F800] =	vst v63  }
0x12b: {  	s23 =	sadd.s32 $0x400, s23;
	s24 =	sadd.s32 $0x17180, s24  }
0x12c: {  	[spmem:s3] =	stream.indirect.scatter.add.f32 [tilespmem:s29], [sflag:$0x3], $0x80, s24, s0, $0xb8;
	[tilespmem:$0x1F800] =	vst v63  }
0x12d: {  	_ =	swait.ge [sflag:s2], $0xC80  }
0x12e: {  	[sflag:s2] =	ssyncset.done $0x0  }
0x12f: {  	[sflag:s2] =	ssyncadd.s32 $0xFFFFF380  }
0x130: {  	_ =	swait.ge [sflag:s2], $0xC80  }
0x131: {  	[sflag:s2] =	ssyncset.done $0x0  }
0x132: {  	[sflag:s2] =	ssyncadd.s32 $0xFFFFF380  }
0x133: {  	_ =	swait.ge [sflag:s11], $0x2800  }
0x134: {  	[sflag:s11] =	ssyncset.done $0x0  }
0x135: {  	[sflag:s11] =	ssyncadd.s32 $0xFFFFD800  }
0x136: {  	v2 =	vld [tilespmem:$0x17C00];
	_ =	sdelay $0x7  }
0x137: {  	[tilespmem:v2+s9+$0x0] =	vst.idx.add.f32.msk $0xffff, v1  }
0x138: {  	v2 =	vld [tilespmem:$0x17C10];
	_ =	sdelay $0x7  }
0x139: {  	[tilespmem:v2+s9+$0x0] =	vst.idx.add.f32.msk $0xffff, v1  }
0x13a: {  	v2 =	vld [tilespmem:$0x17C20];
	_ =	sdelay $0x7  }
0x13b: {  	[tilespmem:v2+s9+$0x0] =	vst.idx.add.f32.msk $0xffff, v1  }
0x13c: {  	v2 =	vld [tilespmem:$0x17C30];
	_ =	sdelay $0x7  }
0x13d: {  	[tilespmem:v2+s9+$0x0] =	vst.idx.add.f32.msk $0xffff, v1  }
0x13e: {  	v2 =	vld [tilespmem:$0x17C40];
	_ =	sdelay $0x7  }
0x13f: {  	[tilespmem:v2+s9+$0x0] =	vst.idx.add.f32.msk $0xffff, v1  }
0x140: {  	_ =	swait.ge [sflag:s12], $0x2800  }
0x141: {  	[sflag:s12] =	ssyncset.done $0x0  }
0x142: {  	[sflag:s12] =	ssyncadd.s32 $0xFFFFD800  }
0x143: {  	[tilespmem:s29], [sflag:$0x1] =	stream.indirect.gather [hbm4b:s1+s0], $0x80, s26, s0, $0xb8;
	[tilespmem:$0x1F800] =	vst v63  }
0x144: {  	_ = 	snop  }
0x145: {  	[spmem:s3] =	stream.indirect.scatter.add.f32 [tilespmem:s30], [sflag:$0x4], $0x80, s20, s0, $0xb8;
	[tilespmem:$0x1F800] =	vst v63  }
0x146: {  	_ =	swait.ge [sflag:s15], $0x2800  }
0x147: {  	[sflag:s15] =	ssyncset.done $0x0  }
0x148: {  	s23 =	simm.s32 $0x0;
	s24 =	rddreg [dreg:$0x12];
	[sflag:s15] =	ssyncadd.s32 $0xFFFFD800  }
0x149: {  	[tilespmem:s6], [sflag:$0x5] =	stream.linear.gather [hbm4b:s24+s23], $0xC80, $0x38;
	[tilespmem:$0x1F800] =	vst v63  }
0x14a: {  	s25 =	rddreg [dreg:$0x13]  }
0x14b: {  	[tilespmem:s7], [sflag:$0x5] =	stream.linear.gather [hbm4b:s25+s23], $0xC80, $0x38;
	[tilespmem:$0x1F800] =	vst v63  }
0x14c: {  	_ =	swait.ge [sflag:s8], $0x2800  }
0x14d: {  	[sflag:s8] =	ssyncset.done $0x0  }
0x14e: {  	[sflag:s8] =	ssyncadd.s32 $0xFFFFD800  }
0x14f: {  	v2 =	vld [tilespmem:$0x16000];
	_ =	sdelay $0x7  }
0x150: {  	[tilespmem:v2+s9+$0x0] =	vst.idx.add.f32.msk $0xffff, v1  }
0x151: {  	v2 =	vld [tilespmem:$0x16010];
	_ =	sdelay $0x7  }
0x152: {  	[tilespmem:v2+s9+$0x0] =	vst.idx.add.f32.msk $0xffff, v1  }
0x153: {  	v2 =	vld [tilespmem:$0x16020];
	_ =	sdelay $0x7  }
0x154: {  	[tilespmem:v2+s9+$0x0] =	vst.idx.add.f32.msk $0xffff, v1  }
0x155: {  	v2 =	vld [tilespmem:$0x16030];
	_ =	sdelay $0x7  }
0x156: {  	[tilespmem:v2+s9+$0x0] =	vst.idx.add.f32.msk $0xffff, v1  }
0x157: {  	v2 =	vld [tilespmem:$0x16040];
	_ =	sdelay $0x7  }
0x158: {  	[tilespmem:v2+s9+$0x0] =	vst.idx.add.f32.msk $0xffff, v1  }
0x159: {  	[tilespmem:s30], [sflag:$0x2] =	stream.indirect.gather [hbm4b:s1+s0], $0x80, s10, s0, $0xb8;
	[tilespmem:$0x1F800] =	vst v63  }
0x15a: {  	_ = 	snop  }
0x15b: {  	[spmem:s3] =	stream.indirect.scatter.add.f32 [tilespmem:s29], [sflag:$0x3], $0x80, s28, s0, $0xb8;
	[tilespmem:$0x1F800] =	vst v63  }
0x15c: {  	_ =	swait.ge [sflag:s11], $0x2800  }
0x15d: {  	[sflag:s11] =	ssyncset.done $0x0  }
0x15e: {  	[sflag:s11] =	ssyncadd.s32 $0xFFFFD800  }
0x15f: {  	v2 =	vld [tilespmem:$0x16080];
	_ =	sdelay $0x7  }
0x160: {  	[tilespmem:v2+s9+$0x0] =	vst.idx.add.f32.msk $0xffff, v1  }
0x161: {  	v2 =	vld [tilespmem:$0x16090];
	_ =	sdelay $0x7  }
0x162: {  	[tilespmem:v2+s9+$0x0] =	vst.idx.add.f32.msk $0xffff, v1  }
0x163: {  	v2 =	vld [tilespmem:$0x160A0];
	_ =	sdelay $0x7  }
0x164: {  	[tilespmem:v2+s9+$0x0] =	vst.idx.add.f32.msk $0xffff, v1  }
0x165: {  	v2 =	vld [tilespmem:$0x160B0];
	_ =	sdelay $0x7  }
0x166: {  	[tilespmem:v2+s9+$0x0] =	vst.idx.add.f32.msk $0xffff, v1  }
0x167: {  	v2 =	vld [tilespmem:$0x160C0];
	_ =	sdelay $0x7  }
0x168: {  	[tilespmem:v2+s9+$0x0] =	vst.idx.add.f32.msk $0xffff, v1  }
0x169: {  	_ =	swait.ge [sflag:s12], $0x2800  }
0x16a: {  	[sflag:s12] =	ssyncset.done $0x0  }
0x16b: {  	[sflag:s12] =	ssyncadd.s32 $0xFFFFD800  }
0x16c: {  	[tilespmem:s29], [sflag:$0x1] =	stream.indirect.gather [hbm4b:s1+s0], $0x80, s13, s0, $0xb8;
	[tilespmem:$0x1F800] =	vst v63  }
0x16d: {  	_ = 	snop  }
0x16e: {  	[spmem:s3] =	stream.indirect.scatter.add.f32 [tilespmem:s30], [sflag:$0x4], $0x80, s14, s0, $0xb8;
	[tilespmem:$0x1F800] =	vst v63  }
.LBB2_10:
0x16f: {  	_ =	swait.ge [sflag:s8], $0x2800  }
0x170: {  	[sflag:s8] =	ssyncset.done $0x0  }
0x171: {  	s24 =	sshra.s32 s23, $0x2;
	[sflag:s8] =	ssyncadd.s32 $0xFFFFD800  }
0x172: {  	v2 =	vld [tilespmem:s24+$0x16100];
	_ =	sdelay $0x7  }
0x173: {  	[tilespmem:v2+s9+$0x0] =	vst.idx.add.f32.msk $0xffff, v1  }
0x174: {  	v2 =	vld [tilespmem:s24+$0x16110];
	_ =	sdelay $0x7  }
0x175: {  	[tilespmem:v2+s9+$0x0] =	vst.idx.add.f32.msk $0xffff, v1  }
0x176: {  	v2 =	vld [tilespmem:s24+$0x16120];
	_ =	sdelay $0x7  }
0x177: {  	[tilespmem:v2+s9+$0x0] =	vst.idx.add.f32.msk $0xffff, v1  }
0x178: {  	v2 =	vld [tilespmem:s24+$0x16130];
	_ =	sdelay $0x7  }
0x179: {  	[tilespmem:v2+s9+$0x0] =	vst.idx.add.f32.msk $0xffff, v1  }
0x17a: {  	v2 =	vld [tilespmem:s24+$0x16140];
	_ =	sdelay $0x7  }
0x17b: {  	[tilespmem:v2+s9+$0x0] =	vst.idx.add.f32.msk $0xffff, v1  }
0x17c: {  	_ =	swait.ge [sflag:s15], $0x2800  }
0x17d: {  	[sflag:s15] =	ssyncset.done $0x0  }
0x17e: {  	s25 =	sadd.s32 $0x14180, s24;
	[sflag:s15] =	ssyncadd.s32 $0xFFFFD800  }
0x17f: {  	[tilespmem:s30], [sflag:$0x2] =	stream.indirect.gather [hbm4b:s1+s0], $0x80, s25, s0, $0xb8;
	[tilespmem:$0x1F800] =	vst v63  }
0x180: {  	s25 =	sadd.s32 $0x16100, s24  }
0x181: {  	[spmem:s3] =	stream.indirect.scatter.add.f32 [tilespmem:s29], [sflag:$0x3], $0x80, s25, s0, $0xb8;
	[tilespmem:$0x1F800] =	vst v63  }
0x182: {  	_ =	swait.ge [sflag:s11], $0x2800  }
0x183: {  	[sflag:s11] =	ssyncset.done $0x0  }
0x184: {  	[sflag:s11] =	ssyncadd.s32 $0xFFFFD800  }
0x185: {  	v2 =	vld [tilespmem:s24+$0x16180];
	_ =	sdelay $0x7  }
0x186: {  	[tilespmem:v2+s9+$0x0] =	vst.idx.add.f32.msk $0xffff, v1  }
0x187: {  	v2 =	vld [tilespmem:s24+$0x16190];
	_ =	sdelay $0x7  }
0x188: {  	[tilespmem:v2+s9+$0x0] =	vst.idx.add.f32.msk $0xffff, v1  }
0x189: {  	v2 =	vld [tilespmem:s24+$0x161A0];
	_ =	sdelay $0x7  }
0x18a: {  	[tilespmem:v2+s9+$0x0] =	vst.idx.add.f32.msk $0xffff, v1  }
0x18b: {  	v2 =	vld [tilespmem:s24+$0x161B0];
	_ =	sdelay $0x7  }
0x18c: {  	[tilespmem:v2+s9+$0x0] =	vst.idx.add.f32.msk $0xffff, v1  }
0x18d: {  	v2 =	vld [tilespmem:s24+$0x161C0];
	_ =	sdelay $0x7  }
0x18e: {  	[tilespmem:v2+s9+$0x0] =	vst.idx.add.f32.msk $0xffff, v1  }
0x18f: {  	p0 =	sne.s32 s23, $0x2800;
	_ =	swait.ge [sflag:s12], $0x2800  }
.Ltmp4:
0x190: {  	[sflag:s12] =	ssyncset.done $0x0;
	(pc) =	sbr.rel @p0 .LBB2_10-.Ltmp4, $4  }
0x191: {  	s25 =	sadd.s32 $0x14200, s24;
	[sflag:s12] =	ssyncadd.s32 $0xFFFFD800  }
0x192: {  	[tilespmem:s29], [sflag:$0x1] =	stream.indirect.gather [hbm4b:s1+s0], $0x80, s25, s0, $0xb8;
	[tilespmem:$0x1F800] =	vst v63  }
0x193: {  	s23 =	sadd.s32 $0x400, s23;
	s24 =	sadd.s32 $0x16180, s24  }
0x194: {  	[spmem:s3] =	stream.indirect.scatter.add.f32 [tilespmem:s30], [sflag:$0x4], $0x80, s24, s0, $0xb8;
	[tilespmem:$0x1F800] =	vst v63  }
0x195: {  	_ =	swait.ge [sflag:s2], $0xC80  }
0x196: {  	[sflag:s2] =	ssyncset.done $0x0  }
0x197: {  	[sflag:s2] =	ssyncadd.s32 $0xFFFFF380  }
0x198: {  	_ =	swait.ge [sflag:s2], $0xC80  }
0x199: {  	[sflag:s2] =	ssyncset.done $0x0  }
0x19a: {  	[sflag:s2] =	ssyncadd.s32 $0xFFFFF380  }
0x19b: {  	_ =	swait.ge [sflag:s8], $0x2800  }
0x19c: {  	[sflag:s8] =	ssyncset.done $0x0  }
0x19d: {  	[sflag:s8] =	ssyncadd.s32 $0xFFFFD800  }
0x19e: {  	v2 =	vld [tilespmem:$0x16C00];
	_ =	sdelay $0x7  }
0x19f: {  	[tilespmem:v2+s9+$0x0] =	vst.idx.add.f32.msk $0xffff, v1  }
0x1a0: {  	v2 =	vld [tilespmem:$0x16C10];
	_ =	sdelay $0x7  }
0x1a1: {  	[tilespmem:v2+s9+$0x0] =	vst.idx.add.f32.msk $0xffff, v1  }
0x1a2: {  	v2 =	vld [tilespmem:$0x16C20];
	_ =	sdelay $0x7  }
0x1a3: {  	[tilespmem:v2+s9+$0x0] =	vst.idx.add.f32.msk $0xffff, v1  }
0x1a4: {  	v2 =	vld [tilespmem:$0x16C30];
	_ =	sdelay $0x7  }
0x1a5: {  	[tilespmem:v2+s9+$0x0] =	vst.idx.add.f32.msk $0xffff, v1  }
0x1a6: {  	v2 =	vld [tilespmem:$0x16C40];
	_ =	sdelay $0x7  }
0x1a7: {  	[tilespmem:v2+s9+$0x0] =	vst.idx.add.f32.msk $0xffff, v1  }
0x1a8: {  	_ =	swait.ge [sflag:s15], $0x2800  }
0x1a9: {  	[sflag:s15] =	ssyncset.done $0x0  }
0x1aa: {  	[sflag:s15] =	ssyncadd.s32 $0xFFFFD800  }
0x1ab: {  	[tilespmem:s30], [sflag:$0x2] =	stream.indirect.gather [hbm4b:s1+s0], $0x80, s6, s0, $0xb8;
	[tilespmem:$0x1F800] =	vst v63  }
0x1ac: {  	_ = 	snop  }
0x1ad: {  	[spmem:s3] =	stream.indirect.scatter.add.f32 [tilespmem:s29], [sflag:$0x3], $0x80, s16, s0, $0xb8;
	[tilespmem:$0x1F800] =	vst v63  }
0x1ae: {  	_ =	swait.ge [sflag:s12], $0x2800  }
0x1af: {  	[sflag:s12] =	ssyncset.done $0x0  }
0x1b0: {  	s23 =	simm.s32 $0x0;
	s24 =	rddreg [dreg:$0x15];
	[sflag:s12] =	ssyncadd.s32 $0xFFFFD800  }
0x1b1: {  	[tilespmem:s26], [sflag:$0x5] =	stream.linear.gather [hbm4b:s24+s23], $0xC80, $0x38;
	[tilespmem:$0x1F800] =	vst v63  }
0x1b2: {  	s25 =	rddreg [dreg:$0x16]  }
0x1b3: {  	[tilespmem:s28], [sflag:$0x5] =	stream.linear.gather [hbm4b:s25+s23], $0xC80, $0x38;
	[tilespmem:$0x1F800] =	vst v63  }
0x1b4: {  	_ =	swait.ge [sflag:s11], $0x2800  }
0x1b5: {  	[sflag:s11] =	ssyncset.done $0x0  }
0x1b6: {  	[sflag:s11] =	ssyncadd.s32 $0xFFFFD800  }
0x1b7: {  	v2 =	vld [tilespmem:$0x17000];
	_ =	sdelay $0x7  }
0x1b8: {  	[tilespmem:v2+s9+$0x0] =	vst.idx.add.f32.msk $0xffff, v1  }
0x1b9: {  	v2 =	vld [tilespmem:$0x17010];
	_ =	sdelay $0x7  }
0x1ba: {  	[tilespmem:v2+s9+$0x0] =	vst.idx.add.f32.msk $0xffff, v1  }
0x1bb: {  	v2 =	vld [tilespmem:$0x17020];
	_ =	sdelay $0x7  }
0x1bc: {  	[tilespmem:v2+s9+$0x0] =	vst.idx.add.f32.msk $0xffff, v1  }
0x1bd: {  	v2 =	vld [tilespmem:$0x17030];
	_ =	sdelay $0x7  }
0x1be: {  	[tilespmem:v2+s9+$0x0] =	vst.idx.add.f32.msk $0xffff, v1  }
0x1bf: {  	v2 =	vld [tilespmem:$0x17040];
	_ =	sdelay $0x7  }
0x1c0: {  	[tilespmem:v2+s9+$0x0] =	vst.idx.add.f32.msk $0xffff, v1  }
0x1c1: {  	[tilespmem:s29], [sflag:$0x1] =	stream.indirect.gather [hbm4b:s1+s0], $0x80, s17, s0, $0xb8;
	[tilespmem:$0x1F800] =	vst v63  }
0x1c2: {  	_ = 	snop  }
0x1c3: {  	[spmem:s3] =	stream.indirect.scatter.add.f32 [tilespmem:s30], [sflag:$0x4], $0x80, s7, s0, $0xb8;
	[tilespmem:$0x1F800] =	vst v63  }
0x1c4: {  	_ =	swait.ge [sflag:s8], $0x2800  }
0x1c5: {  	[sflag:s8] =	ssyncset.done $0x0  }
0x1c6: {  	[sflag:s8] =	ssyncadd.s32 $0xFFFFD800  }
0x1c7: {  	v2 =	vld [tilespmem:$0x17080];
	_ =	sdelay $0x7  }
0x1c8: {  	[tilespmem:v2+s9+$0x0] =	vst.idx.add.f32.msk $0xffff, v1  }
0x1c9: {  	v2 =	vld [tilespmem:$0x17090];
	_ =	sdelay $0x7  }
0x1ca: {  	[tilespmem:v2+s9+$0x0] =	vst.idx.add.f32.msk $0xffff, v1  }
0x1cb: {  	v2 =	vld [tilespmem:$0x170A0];
	_ =	sdelay $0x7  }
0x1cc: {  	[tilespmem:v2+s9+$0x0] =	vst.idx.add.f32.msk $0xffff, v1  }
0x1cd: {  	v2 =	vld [tilespmem:$0x170B0];
	_ =	sdelay $0x7  }
0x1ce: {  	[tilespmem:v2+s9+$0x0] =	vst.idx.add.f32.msk $0xffff, v1  }
0x1cf: {  	v2 =	vld [tilespmem:$0x170C0];
	_ =	sdelay $0x7  }
0x1d0: {  	[tilespmem:v2+s9+$0x0] =	vst.idx.add.f32.msk $0xffff, v1  }
0x1d1: {  	_ =	swait.ge [sflag:s15], $0x2800  }
0x1d2: {  	[sflag:s15] =	ssyncset.done $0x0  }
0x1d3: {  	[sflag:s15] =	ssyncadd.s32 $0xFFFFD800  }
0x1d4: {  	[tilespmem:s30], [sflag:$0x2] =	stream.indirect.gather [hbm4b:s1+s0], $0x80, s18, s0, $0xb8;
	[tilespmem:$0x1F800] =	vst v63  }
0x1d5: {  	_ = 	snop  }
0x1d6: {  	[spmem:s3] =	stream.indirect.scatter.add.f32 [tilespmem:s29], [sflag:$0x3], $0x80, s19, s0, $0xb8;
	[tilespmem:$0x1F800] =	vst v63  }
.LBB2_12:
0x1d7: {  	_ =	swait.ge [sflag:s11], $0x2800  }
0x1d8: {  	[sflag:s11] =	ssyncset.done $0x0  }
0x1d9: {  	s24 =	sshra.s32 s23, $0x2;
	[sflag:s11] =	ssyncadd.s32 $0xFFFFD800  }
0x1da: {  	v2 =	vld [tilespmem:s24+$0x17100];
	_ =	sdelay $0x7  }
0x1db: {  	[tilespmem:v2+s9+$0x0] =	vst.idx.add.f32.msk $0xffff, v1  }
0x1dc: {  	v2 =	vld [tilespmem:s24+$0x17110];
	_ =	sdelay $0x7  }
0x1dd: {  	[tilespmem:v2+s9+$0x0] =	vst.idx.add.f32.msk $0xffff, v1  }
0x1de: {  	v2 =	vld [tilespmem:s24+$0x17120];
	_ =	sdelay $0x7  }
0x1df: {  	[tilespmem:v2+s9+$0x0] =	vst.idx.add.f32.msk $0xffff, v1  }
0x1e0: {  	v2 =	vld [tilespmem:s24+$0x17130];
	_ =	sdelay $0x7  }
0x1e1: {  	[tilespmem:v2+s9+$0x0] =	vst.idx.add.f32.msk $0xffff, v1  }
0x1e2: {  	v2 =	vld [tilespmem:s24+$0x17140];
	_ =	sdelay $0x7  }
0x1e3: {  	[tilespmem:v2+s9+$0x0] =	vst.idx.add.f32.msk $0xffff, v1  }
0x1e4: {  	_ =	swait.ge [sflag:s12], $0x2800  }
0x1e5: {  	[sflag:s12] =	ssyncset.done $0x0  }
0x1e6: {  	s25 =	sadd.s32 $0x15180, s24;
	[sflag:s12] =	ssyncadd.s32 $0xFFFFD800  }
0x1e7: {  	[tilespmem:s29], [sflag:$0x1] =	stream.indirect.gather [hbm4b:s1+s0], $0x80, s25, s0, $0xb8;
	[tilespmem:$0x1F800] =	vst v63  }
0x1e8: {  	s25 =	sadd.s32 $0x17100, s24  }
0x1e9: {  	[spmem:s3] =	stream.indirect.scatter.add.f32 [tilespmem:s30], [sflag:$0x4], $0x80, s25, s0, $0xb8;
	[tilespmem:$0x1F800] =	vst v63  }
0x1ea: {  	_ =	swait.ge [sflag:s8], $0x2800  }
0x1eb: {  	[sflag:s8] =	ssyncset.done $0x0  }
0x1ec: {  	[sflag:s8] =	ssyncadd.s32 $0xFFFFD800  }
0x1ed: {  	v2 =	vld [tilespmem:s24+$0x17180];
	_ =	sdelay $0x7  }
0x1ee: {  	[tilespmem:v2+s9+$0x0] =	vst.idx.add.f32.msk $0xffff, v1  }
0x1ef: {  	v2 =	vld [tilespmem:s24+$0x17190];
	_ =	sdelay $0x7  }
0x1f0: {  	[tilespmem:v2+s9+$0x0] =	vst.idx.add.f32.msk $0xffff, v1  }
0x1f1: {  	v2 =	vld [tilespmem:s24+$0x171A0];
	_ =	sdelay $0x7  }
0x1f2: {  	[tilespmem:v2+s9+$0x0] =	vst.idx.add.f32.msk $0xffff, v1  }
0x1f3: {  	v2 =	vld [tilespmem:s24+$0x171B0];
	_ =	sdelay $0x7  }
0x1f4: {  	[tilespmem:v2+s9+$0x0] =	vst.idx.add.f32.msk $0xffff, v1  }
0x1f5: {  	v2 =	vld [tilespmem:s24+$0x171C0];
	_ =	sdelay $0x7  }
0x1f6: {  	[tilespmem:v2+s9+$0x0] =	vst.idx.add.f32.msk $0xffff, v1  }
0x1f7: {  	p0 =	sne.s32 s23, $0x2800;
	_ =	swait.ge [sflag:s15], $0x2800  }
.Ltmp5:
0x1f8: {  	[sflag:s15] =	ssyncset.done $0x0;
	(pc) =	sbr.rel @p0 .LBB2_12-.Ltmp5, $4  }
0x1f9: {  	s25 =	sadd.s32 $0x15200, s24;
	[sflag:s15] =	ssyncadd.s32 $0xFFFFD800  }
0x1fa: {  	[tilespmem:s30], [sflag:$0x2] =	stream.indirect.gather [hbm4b:s1+s0], $0x80, s25, s0, $0xb8;
	[tilespmem:$0x1F800] =	vst v63  }
0x1fb: {  	s23 =	sadd.s32 $0x400, s23;
	s24 =	sadd.s32 $0x17180, s24  }
0x1fc: {  	[spmem:s3] =	stream.indirect.scatter.add.f32 [tilespmem:s29], [sflag:$0x3], $0x80, s24, s0, $0xb8;
	[tilespmem:$0x1F800] =	vst v63  }
0x1fd: {  	_ =	swait.ge [sflag:s2], $0xC80  }
0x1fe: {  	[sflag:s2] =	ssyncset.done $0x0  }
0x1ff: {  	[sflag:s2] =	ssyncadd.s32 $0xFFFFF380  }
0x200: {  	_ =	swait.ge [sflag:s2], $0xC80  }
0x201: {  	[sflag:s2] =	ssyncset.done $0x0  }
0x202: {  	[sflag:s2] =	ssyncadd.s32 $0xFFFFF380  }
0x203: {  	_ =	swait.ge [sflag:s11], $0x2800  }
0x204: {  	[sflag:s11] =	ssyncset.done $0x0  }
0x205: {  	[sflag:s11] =	ssyncadd.s32 $0xFFFFD800  }
0x206: {  	v2 =	vld [tilespmem:$0x17C00];
	_ =	sdelay $0x7  }
0x207: {  	[tilespmem:v2+s9+$0x0] =	vst.idx.add.f32.msk $0xffff, v1  }
0x208: {  	v2 =	vld [tilespmem:$0x17C10];
	_ =	sdelay $0x7  }
0x209: {  	[tilespmem:v2+s9+$0x0] =	vst.idx.add.f32.msk $0xffff, v1  }
0x20a: {  	v2 =	vld [tilespmem:$0x17C20];
	_ =	sdelay $0x7  }
0x20b: {  	[tilespmem:v2+s9+$0x0] =	vst.idx.add.f32.msk $0xffff, v1  }
0x20c: {  	v2 =	vld [tilespmem:$0x17C30];
	_ =	sdelay $0x7  }
0x20d: {  	[tilespmem:v2+s9+$0x0] =	vst.idx.add.f32.msk $0xffff, v1  }
0x20e: {  	v2 =	vld [tilespmem:$0x17C40];
	_ =	sdelay $0x7  }
0x20f: {  	[tilespmem:v2+s9+$0x0] =	vst.idx.add.f32.msk $0xffff, v1  }
0x210: {  	_ =	swait.ge [sflag:s12], $0x2800  }
0x211: {  	[sflag:s12] =	ssyncset.done $0x0  }
0x212: {  	[sflag:s12] =	ssyncadd.s32 $0xFFFFD800  }
0x213: {  	[tilespmem:s29], [sflag:$0x1] =	stream.indirect.gather [hbm4b:s1+s0], $0x80, s26, s0, $0xb8;
	[tilespmem:$0x1F800] =	vst v63  }
0x214: {  	_ = 	snop  }
0x215: {  	[spmem:s3] =	stream.indirect.scatter.add.f32 [tilespmem:s30], [sflag:$0x4], $0x80, s20, s0, $0xb8;
	[tilespmem:$0x1F800] =	vst v63  }
0x216: {  	_ =	swait.ge [sflag:s15], $0x2800  }
0x217: {  	[sflag:s15] =	ssyncset.done $0x0  }
0x218: {  	[sflag:s15] =	ssyncadd.s32 $0xFFFFD800  }
0x219: {  	_ =	swait.ge [sflag:s8], $0x2800  }
0x21a: {  	[sflag:s8] =	ssyncset.done $0x0  }
0x21b: {  	[sflag:s8] =	ssyncadd.s32 $0xFFFFD800  }
0x21c: {  	v2 =	vld [tilespmem:$0x16000];
	_ =	sdelay $0x7  }
0x21d: {  	[tilespmem:v2+s9+$0x0] =	vst.idx.add.f32.msk $0xffff, v1  }
0x21e: {  	v2 =	vld [tilespmem:$0x16010];
	_ =	sdelay $0x7  }
0x21f: {  	[tilespmem:v2+s9+$0x0] =	vst.idx.add.f32.msk $0xffff, v1  }
0x220: {  	v2 =	vld [tilespmem:$0x16020];
	_ =	sdelay $0x7  }
0x221: {  	[tilespmem:v2+s9+$0x0] =	vst.idx.add.f32.msk $0xffff, v1  }
0x222: {  	v2 =	vld [tilespmem:$0x16030];
	_ =	sdelay $0x7  }
0x223: {  	[tilespmem:v2+s9+$0x0] =	vst.idx.add.f32.msk $0xffff, v1  }
0x224: {  	v2 =	vld [tilespmem:$0x16040];
	_ =	sdelay $0x7  }
0x225: {  	[tilespmem:v2+s9+$0x0] =	vst.idx.add.f32.msk $0xffff, v1  }
0x226: {  	[tilespmem:s30], [sflag:$0x2] =	stream.indirect.gather [hbm4b:s1+s0], $0x80, s10, s0, $0xb8;
	[tilespmem:$0x1F800] =	vst v63  }
0x227: {  	_ = 	snop  }
0x228: {  	[spmem:s3] =	stream.indirect.scatter.add.f32 [tilespmem:s29], [sflag:$0x3], $0x80, s28, s0, $0xb8;
	[tilespmem:$0x1F800] =	vst v63  }
0x229: {  	_ =	swait.ge [sflag:s11], $0x2800  }
0x22a: {  	[sflag:s11] =	ssyncset.done $0x0  }
0x22b: {  	[sflag:s11] =	ssyncadd.s32 $0xFFFFD800  }
0x22c: {  	v2 =	vld [tilespmem:$0x16080];
	_ =	sdelay $0x7  }
0x22d: {  	[tilespmem:v2+s9+$0x0] =	vst.idx.add.f32.msk $0xffff, v1  }
0x22e: {  	v2 =	vld [tilespmem:$0x16090];
	_ =	sdelay $0x7  }
0x22f: {  	[tilespmem:v2+s9+$0x0] =	vst.idx.add.f32.msk $0xffff, v1  }
0x230: {  	v2 =	vld [tilespmem:$0x160A0];
	_ =	sdelay $0x7  }
0x231: {  	[tilespmem:v2+s9+$0x0] =	vst.idx.add.f32.msk $0xffff, v1  }
0x232: {  	v2 =	vld [tilespmem:$0x160B0];
	_ =	sdelay $0x7  }
0x233: {  	[tilespmem:v2+s9+$0x0] =	vst.idx.add.f32.msk $0xffff, v1  }
0x234: {  	v2 =	vld [tilespmem:$0x160C0];
	_ =	sdelay $0x7  }
0x235: {  	[tilespmem:v2+s9+$0x0] =	vst.idx.add.f32.msk $0xffff, v1  }
0x236: {  	_ =	swait.ge [sflag:s12], $0x2800  }
0x237: {  	[sflag:s12] =	ssyncset.done $0x0  }
0x238: {  	[sflag:s12] =	ssyncadd.s32 $0xFFFFD800  }
0x239: {  	[tilespmem:s29], [sflag:$0x1] =	stream.indirect.gather [hbm4b:s1+s0], $0x80, s13, s0, $0xb8;
	[tilespmem:$0x1F800] =	vst v63  }
0x23a: {  	s23 =	simm.s32 $0x0  }
0x23b: {  	[spmem:s3] =	stream.indirect.scatter.add.f32 [tilespmem:s30], [sflag:$0x4], $0x80, s14, s0, $0xb8;
	[tilespmem:$0x1F800] =	vst v63  }
.LBB2_14:
0x23c: {  	_ =	swait.ge [sflag:s8], $0x2800  }
0x23d: {  	[sflag:s8] =	ssyncset.done $0x0  }
0x23e: {  	s24 =	sshra.s32 s23, $0x2;
	[sflag:s8] =	ssyncadd.s32 $0xFFFFD800  }
0x23f: {  	v2 =	vld [tilespmem:s24+$0x16100];
	_ =	sdelay $0x7  }
0x240: {  	[tilespmem:v2+s9+$0x0] =	vst.idx.add.f32.msk $0xffff, v1  }
0x241: {  	v2 =	vld [tilespmem:s24+$0x16110];
	_ =	sdelay $0x7  }
0x242: {  	[tilespmem:v2+s9+$0x0] =	vst.idx.add.f32.msk $0xffff, v1  }
0x243: {  	v2 =	vld [tilespmem:s24+$0x16120];
	_ =	sdelay $0x7  }
0x244: {  	[tilespmem:v2+s9+$0x0] =	vst.idx.add.f32.msk $0xffff, v1  }
0x245: {  	v2 =	vld [tilespmem:s24+$0x16130];
	_ =	sdelay $0x7  }
0x246: {  	[tilespmem:v2+s9+$0x0] =	vst.idx.add.f32.msk $0xffff, v1  }
0x247: {  	v2 =	vld [tilespmem:s24+$0x16140];
	_ =	sdelay $0x7  }
0x248: {  	[tilespmem:v2+s9+$0x0] =	vst.idx.add.f32.msk $0xffff, v1  }
0x249: {  	_ =	swait.ge [sflag:s15], $0x2800  }
0x24a: {  	[sflag:s15] =	ssyncset.done $0x0  }
0x24b: {  	s25 =	sadd.s32 $0x14180, s24;
	[sflag:s15] =	ssyncadd.s32 $0xFFFFD800  }
0x24c: {  	[tilespmem:s30], [sflag:$0x2] =	stream.indirect.gather [hbm4b:s1+s0], $0x80, s25, s0, $0xb8;
	[tilespmem:$0x1F800] =	vst v63  }
0x24d: {  	s25 =	sadd.s32 $0x16100, s24  }
0x24e: {  	[spmem:s3] =	stream.indirect.scatter.add.f32 [tilespmem:s29], [sflag:$0x3], $0x80, s25, s0, $0xb8;
	[tilespmem:$0x1F800] =	vst v63  }
0x24f: {  	_ =	swait.ge [sflag:s11], $0x2800  }
0x250: {  	[sflag:s11] =	ssyncset.done $0x0  }
0x251: {  	[sflag:s11] =	ssyncadd.s32 $0xFFFFD800  }
0x252: {  	v2 =	vld [tilespmem:s24+$0x16180];
	_ =	sdelay $0x7  }
0x253: {  	[tilespmem:v2+s9+$0x0] =	vst.idx.add.f32.msk $0xffff, v1  }
0x254: {  	v2 =	vld [tilespmem:s24+$0x16190];
	_ =	sdelay $0x7  }
0x255: {  	[tilespmem:v2+s9+$0x0] =	vst.idx.add.f32.msk $0xffff, v1  }
0x256: {  	v2 =	vld [tilespmem:s24+$0x161A0];
	_ =	sdelay $0x7  }
0x257: {  	[tilespmem:v2+s9+$0x0] =	vst.idx.add.f32.msk $0xffff, v1  }
0x258: {  	v2 =	vld [tilespmem:s24+$0x161B0];
	_ =	sdelay $0x7  }
0x259: {  	[tilespmem:v2+s9+$0x0] =	vst.idx.add.f32.msk $0xffff, v1  }
0x25a: {  	v2 =	vld [tilespmem:s24+$0x161C0];
	_ =	sdelay $0x7  }
0x25b: {  	[tilespmem:v2+s9+$0x0] =	vst.idx.add.f32.msk $0xffff, v1  }
0x25c: {  	p0 =	sne.s32 s23, $0x2800;
	_ =	swait.ge [sflag:s12], $0x2800  }
.Ltmp6:
0x25d: {  	[sflag:s12] =	ssyncset.done $0x0;
	(pc) =	sbr.rel @p0 .LBB2_14-.Ltmp6, $4  }
0x25e: {  	s25 =	sadd.s32 $0x14200, s24;
	[sflag:s12] =	ssyncadd.s32 $0xFFFFD800  }
0x25f: {  	[tilespmem:s29], [sflag:$0x1] =	stream.indirect.gather [hbm4b:s1+s0], $0x80, s25, s0, $0xb8;
	[tilespmem:$0x1F800] =	vst v63  }
0x260: {  	s23 =	sadd.s32 $0x400, s23;
	s24 =	sadd.s32 $0x16180, s24  }
0x261: {  	[spmem:s3] =	stream.indirect.scatter.add.f32 [tilespmem:s30], [sflag:$0x4], $0x80, s24, s0, $0xb8;
	[tilespmem:$0x1F800] =	vst v63  }
0x262: {  	_ =	swait.ge [sflag:s8], $0x2800  }
0x263: {  	[sflag:s8] =	ssyncset.done $0x0  }
0x264: {  	[sflag:s8] =	ssyncadd.s32 $0xFFFFD800  }
0x265: {  	v2 =	vld [tilespmem:$0x16C00];
	_ =	sdelay $0x7  }
0x266: {  	[tilespmem:v2+s9+$0x0] =	vst.idx.add.f32.msk $0xffff, v1  }
0x267: {  	v2 =	vld [tilespmem:$0x16C10];
	_ =	sdelay $0x7  }
0x268: {  	[tilespmem:v2+s9+$0x0] =	vst.idx.add.f32.msk $0xffff, v1  }
0x269: {  	v2 =	vld [tilespmem:$0x16C20];
	_ =	sdelay $0x7  }
0x26a: {  	[tilespmem:v2+s9+$0x0] =	vst.idx.add.f32.msk $0xffff, v1  }
0x26b: {  	v2 =	vld [tilespmem:$0x16C30];
	_ =	sdelay $0x7  }
0x26c: {  	[tilespmem:v2+s9+$0x0] =	vst.idx.add.f32.msk $0xffff, v1  }
0x26d: {  	v2 =	vld [tilespmem:$0x16C40];
	_ =	sdelay $0x7  }
0x26e: {  	[tilespmem:v2+s9+$0x0] =	vst.idx.add.f32.msk $0xffff, v1  }
0x26f: {  	_ =	swait.ge [sflag:s15], $0x2800  }
0x270: {  	[sflag:s15] =	ssyncset.done $0x0  }
0x271: {  	[sflag:s15] =	ssyncadd.s32 $0xFFFFD800  }
0x272: {  	[spmem:s3] =	stream.indirect.scatter.add.f32 [tilespmem:s29], [sflag:$0x3], $0x80, s16, s0, $0xb8;
	[tilespmem:$0x1F800] =	vst v63  }
0x273: {  	_ =	swait.ge [sflag:s12], $0x2800  }
0x274: {  	[sflag:s12] =	ssyncset.done $0x0  }
0x275: {  	s23 =	stileid.u32;
	[sflag:s12] =	ssyncadd.s32 $0xFFFFD800  }
0x276: {  	s23 =	sshll.u32 s23, $0x6;
	[bflag:$0x0] =	sbarrier.arrive $0xFFFF  }
0x277: {  	s24 =	sshrl.u32 s5, $0x3;
	s23 =	sor.u32 $0x1C07, s23;
	s25 =	rddreg [dreg:$0x17]  }
0x278: {  	[hbm:s25], [sflag:s23] =	dma.local [spmem:s24], $0x2800  }
0x279: {  	_ =	swait.ge [sflag:s21], $0x2800  }
0x27a: {  	[sflag:s21] =	ssyncset.done $0x0  }
0x27b: {  	s24 =	rddreg [dreg:$0x14];
	[sflag:s21] =	ssyncadd.s32 $0xFFFFD800  }
0x27c: {  	[hbm4b:s24+s4] =	stream.linear.scatter [tilespmem:s9], [sflag:$0x7], $0x2800, $0x38;
	[tilespmem:$0x1F800] =	vst v63  }
0x27d: {  	_ =	swait.ge [sflag:s21], $0x2800  }
0x27e: {  	s22 =	sadd.s32 $0x1, s22;
	s25 =	rddreg [dreg:$0x18]  }
0x27f: {  	p0 =	sne.s32 s22, s25  }
.Ltmp7:
0x280: {  	_ = 	snop;
	(pc) =	sbr.rel @p0 .LBB2_1-.Ltmp7, $3  }
0x281: {  	_ =	sdelay $0x1  }
0x282: {  	[sflag:s21] =	ssyncset.done $0x0  }
0x283: {  	[sflag:s21] =	ssyncadd.s32 $0xFFFFD800  }
0x284: {  	_ =	sfence.sel $0x180000  }
0x285: {  	[bflag:$0x0] =	sbarrier.arrive $0xFFFF  }
0x286: {  	_ =	strace $0x90000047  }
0x287: {  	s0 =	stileid.u32;
	[bflag:$0x2] =	sbarrier.arrive $0xFFFF  }
0x288: {  	p0 =	sne.s32 s0, $0x0;
	s0 =	rddreg [dreg:$0x4]  }
0x289: {  	s0 =	sadd.s32 @!p0 $0x100000, s0  }
0x28a: {  	[sflag:s0] =	ssyncadd.tile.s32 @!p0 $0x1;
	_ =	shalt  }
.Lfunc_end2:
_tile_overlayer_lowered:
.L_overlay_start_2:
0x28b: {  	(tag) =	ssettag $0x2  }
0x28c: {  	s0 =	rddreg [dreg:$0x0];
	s2 =	stileid.u32  }
0x28d: {  	s1 =	rddreg [dreg:$0x1];
	p0 =	sne.s32 s2, $0x0  }
0x28e: {  	s3 =	rddreg [dreg:$0x2];
	[bflag:$0x3] =	sbarrier.arrive $0xFFFF;
	s2 =	simm.s32 @!p0 $0x1C07  }
0x28f: {  	[timem:s3], [sflag:s2] =	dma.local @!p0 [hbm:s0], s1  }
0x290: {  	s0 =	simm.s32 @!p0 $0x7  }
0x291: {  	_ =	swait.ge @!p0 [sflag:s0], s1  }
0x292: {  	s1 =	ssub.s32 @!p0 $0x0, s1;
	[sflag:s0] =	ssyncset.done @!p0 $0x0  }
0x293: {  	[sflag:s0] =	ssyncadd.s32 @!p0 s1  }
0x294: {  	[bflag:$0x3] =	sbarrier.arrive $0xFFFF  }
0x295: {  	_ =	shalt  }

</sc_bundles>
